<compile_context>
chip_gen: v7x
topology: tpu7x:2x2x1
jax: 0.10.2.dev20260603
libtpu: 0.0.44.dev20260713+nightly
codegen_flags: <defaults>
</compile_context>

<pallas_src>
import functools

import jax
import jax.numpy as jnp
import numpy as np
from jax import lax
from jax.experimental import pallas as pl
from jax.experimental.pallas import tpu as pltpu
from jax.experimental.pallas import tpu_sc as plsc

_N = 64
_TRI = _N * (_N + 1) // 2
_H = 16
_B = 1024
_NCOLS = _H * _TRI
_NJ = _NCOLS // 128
_NBB = _B // 128
_NBLK = _NJ * _NBB
_PER_W = _NBLK // 32
_MAXP = 16
_DSTRIDE = 24
_TROWS = 272

_r_, _c_ = np.triu_indices(_N)
_OFFS = np.concatenate([[0], np.cumsum(np.arange(_N, 0, -1))])
_cols = np.arange(_NCOLS)
_h = _cols // _TRI
_k = _cols % _TRI
_rm = np.searchsorted(_OFFS, _k, side="right") - 1
_cm = _k - _OFFS[_rm] + _rm
_FLAT = _h * (_N * _N) + _rm * _N + _cm

_DESC = np.zeros((_TROWS, _DSTRIDE), np.int32)
_CMAP = np.zeros((_TROWS, 128), np.int32)
for _j in range(_NJ):
    _f = _FLAT[_j * 128 : (_j + 1) * 128]
    _runs = []
    _s = _p = int(_f[0])
    for _v in _f[1:]:
        _v = int(_v)
        if _v != _p + 1:
            _runs.append((_s, _p))
            _s = _v
        _p = _v
    _runs.append((_s, _p))
    _pieces = []
    for _a, _b2 in _runs:
        _ca = _a - (_a % 8)
        while _ca <= _b2:
            _pieces.append(min(_ca, _N * _N * _H - 16))
            _ca += 16
    assert len(_pieces) <= _MAXP
    _DESC[_j, 0] = len(_pieces)
    _DESC[_j, 1 : 1 + len(_pieces)] = _pieces
    for _q, _fl in enumerate(_f):
        for _pi, _ps in enumerate(_pieces):
            if _ps <= _fl < _ps + 16:
                _CMAP[_j, _q] = _pi * 16 + (int(_fl) - _ps)
                break
        else:
            raise AssertionError("uncovered column")
_DESC = _DESC.reshape(-1)
_CMAP = _CMAP.reshape(-1)

_mesh = plsc.VectorSubcoreMesh(core_axis_name="c", subcore_axis_name="s")


@functools.partial(
    pl.kernel,
    out_type=jax.ShapeDtypeStruct((_B, _NCOLS), jnp.float32),
    mesh=_mesh,
    scratch_types=[
        pltpu.VMEM((10 * _DSTRIDE,), jnp.int32),
        pltpu.VMEM((10 * 128,), jnp.int32),
        pltpu.VMEM((_MAXP * 16, 128), jnp.float32),
        pltpu.VMEM((_MAXP * 16, 128), jnp.float32),
        pltpu.VMEM((128, 128), jnp.float32),
        pltpu.VMEM((128, 128), jnp.float32),
        pltpu.SemaphoreType.DMA,
        pltpu.SemaphoreType.DMA,
    ],
    compiler_params=pltpu.CompilerParams(needs_layout_passes=False),
)
def _triu_fused(
    x2d, desc_hbm, cmap_hbm, out_hbm,
    desc_v, cmap_v, slab0, slab1, outst0, outst1, insem, outsem,
):
    w = lax.axis_index("s") * 2 + lax.axis_index("c")
    bid0 = w * _PER_W
    j0 = bid0 // _NBB
    pltpu.sync_copy(
        desc_hbm.at[pl.ds(pl.multiple_of(j0 * _DSTRIDE, 8), 10 * _DSTRIDE)],
        desc_v,
    )
    pltpu.sync_copy(
        cmap_hbm.at[pl.ds(pl.multiple_of(j0 * 128, 128), 10 * 128)], cmap_v
    )

    def issue(bid, slab):
        j = bid // _NBB
        b0 = (bid % _NBB) * 128
        dbase = (j - j0) * _DSTRIDE
        d0 = desc_v[pl.ds(dbase, 16)]
        d1 = desc_v[pl.ds(dbase + 16, 16)]
        nr = d0[0]
        frs = [d0[1 + p] for p in range(15)] + [d1[0]]
        for p in range(_MAXP):
            @pl.when(p < nr)
            def _():
                pltpu.async_copy(
                    x2d.at[
                        pl.ds(pl.multiple_of(frs[p], 8), 16),
                        pl.ds(pl.multiple_of(b0, 128), 128),
                    ],
                    slab.at[pl.ds(p * 16, 16), :],
                    insem,
                )

    def drain_in(bid):
        nr = desc_v[pl.ds((bid // _NBB - j0) * _DSTRIDE, 16)][0]

        def wbody(p, c):
            pltpu.make_async_copy(
                x2d.at[pl.ds(0, 16), pl.ds(0, 128)],
                slab0.at[pl.ds(0, 16), :],
                insem,
            ).wait()
            return c

        lax.fori_loop(0, nr, wbody, 0)

    def compute(bid, slab, outst):
        j = bid // _NBB
        b0 = (bid % _NBB) * 128
        cmb = (j - j0) * 128
        iota = lax.broadcasted_iota(jnp.int32, (16,), 0)

        def tbody(tile):
            tb = (tile // 8) * 16
            tc = (tile % 8) * 16
            cmv = cmap_v[pl.ds(cmb + tc, 16)]
            civ = iota + tc
            tbv = jnp.full((16,), tb, jnp.int32)
            rotv = iota
            for d in range(16):
                bv = tbv + rotv
                g = plsc.load_gather(slab, [cmv, bv])
                plsc.store_scatter(outst, [bv, civ], g)
                rotv = (rotv + 1) & 15

        plsc.parallel_loop(0, 64, 1, unroll=2)(tbody)
        pltpu.async_copy(
            outst,
            out_hbm.at[
                pl.ds(pl.multiple_of(b0, 128), 128),
                pl.ds(pl.multiple_of(j * 128, 128), 128),
            ],
            outsem,
        )

    def drain_out():
        pltpu.make_async_copy(
            outst0, out_hbm.at[pl.ds(0, 128), pl.ds(0, 128)], outsem
        ).wait()

    issue(bid0, slab0)
    issue(bid0 + 1, slab1)

    def outer(t, carry):
        q0 = bid0 + 2 * t
        drain_in(q0)

        @pl.when(t > 0)
        def _():
            drain_out()

        compute(q0, slab0, outst0)

        @pl.when(2 * t + 2 < _PER_W)
        def _():
            issue(q0 + 2, slab0)

        drain_in(q0 + 1)

        @pl.when(t > 0)
        def _():
            drain_out()

        compute(q0 + 1, slab1, outst1)

        @pl.when(2 * t + 3 < _PER_W)
        def _():
            issue(q0 + 3, slab1)

        return carry

    lax.fori_loop(0, (_PER_W - 1) // 2, outer, 0)

    q = bid0 + _PER_W - 1
    drain_in(q)
    drain_out()
    compute(q, slab0, outst0)
    drain_out()
    drain_out()


def kernel(input):
    xt = jnp.transpose(input, (1, 2, 3, 0)).reshape(_H * _N * _N, _B)
    return _triu_fused(xt, jnp.asarray(_DESC), jnp.asarray(_CMAP))

# --- scband reference (transcript-rebuilt; emitter-appended) ---
"""Pipeline reference for scband-spdvectorize-79697413144762 (READ-ONLY COPY).

The authoritative reference and input builder live on the scoring server;
editing this copy changes nothing except your own understanding.
"""

import jax, jax.numpy as jnp
import numpy as np


def setup_inputs(seed: int = 0) -> dict:
    key = jax.random.key(seed)
    x = jax.random.normal(key, (1024, 16, 64, 64), dtype=jnp.float32)
    return {"input": x}


def reference(input) -> jnp.ndarray:
    n = input.shape[-1]
    row_idx, col_idx = np.triu_indices(n)
    # gather upper-triangular entries: [..., n, n] -> [..., n*(n+1)/2]
    output = input[..., row_idx, col_idx]
    # vectorize_all=True: flatten from dim 1
    output = output.reshape(output.shape[0], -1)
    return output

if __name__ == "__main__":
    import jax
    _d = setup_inputs()
    print(jax.jit(kernel)(*tuple(_d.values())))

</pallas_src>

<mosaic_0001>
#map = affine_map<(d0, d1) -> (0, 0)>
#map1 = affine_map<(d0, d1) -> (0)>
module attributes {stable_mosaic.version = 14 : i64} {
  func.func @_triu_fused(%arg0: i32, %arg1: i32, %arg2: memref<65536x1024xf32, #tpu.memory_space<hbm>>, %arg3: memref<6528xi32, #tpu.memory_space<hbm>>, %arg4: memref<34816xi32, #tpu.memory_space<hbm>>, %arg5: memref<1024x33280xf32, #tpu.memory_space<hbm>>, %arg6: memref<240xi32, #tpu.memory_space<vmem>>, %arg7: memref<1280xi32, #tpu.memory_space<vmem>>, %arg8: memref<256x128xf32, #tpu.memory_space<vmem>>, %arg9: memref<256x128xf32, #tpu.memory_space<vmem>>, %arg10: memref<128x128xf32, #tpu.memory_space<vmem>>, %arg11: memref<128x128xf32, #tpu.memory_space<vmem>>, %arg12: memref<!tpu.dma_semaphore, #tpu.memory_space<semaphore_mem>>, %arg13: memref<!tpu.dma_semaphore, #tpu.memory_space<semaphore_mem>>) attributes {dimension_semantics = [#tpu.dimension_semantics<core_parallel>, #tpu.dimension_semantics<subcore_parallel>], iteration_bounds = array<i64: 2, 16>, scalar_prefetch = 0 : i64, scratch_operands = 8 : i64, tpu.core_type = #tpu.core_type<sc_vector_subcore>, window_params = [{transform_indices = #map}, {transform_indices = #map1}, {transform_indices = #map1}, {transform_indices = #map}]} {
    %mul3A = arith.constant 2 : i32
    %mul3A_0 = arith.muli %arg1, %mul3A : i32
    %add3A = arith.addi %mul3A_0, %arg0 : i32
    %mul3A_1 = arith.constant 65 : i32
    %mul3A_2 = arith.muli %add3A, %mul3A_1 : i32
    %jit3A = arith.constant 8 : i32
    %div3A = arith.divsi %mul3A_2, %jit3A : i32
    %sign3A = arith.constant 0 : i32
    %sign3A_3 = arith.cmpi sgt, %mul3A_2, %sign3A : i32
    %sign3A_4 = arith.extui %sign3A_3 : i1 to i32
    %sign3A_5 = arith.constant 0 : i32
    %sign3A_6 = arith.cmpi slt, %mul3A_2, %sign3A_5 : i32
    %sign3A_7 = arith.extui %sign3A_6 : i1 to i32
    %sign3A_8 = arith.subi %sign3A_4, %sign3A_7 : i32
    %sign3A_9 = arith.constant 0 : i32
    %sign3A_10 = arith.cmpi sgt, %jit3A, %sign3A_9 : i32
    %sign3A_11 = arith.extui %sign3A_10 : i1 to i32
    %sign3A_12 = arith.constant 0 : i32
    %sign3A_13 = arith.cmpi slt, %jit3A, %sign3A_12 : i32
    %sign3A_14 = arith.extui %sign3A_13 : i1 to i32
    %sign3A_15 = arith.subi %sign3A_11, %sign3A_14 : i32
    %ne3A = arith.cmpi ne, %sign3A_8, %sign3A_15 : i32
    %rem3A = arith.remsi %mul3A_2, %jit3A : i32
    %ne3A_16 = arith.constant 0 : i32
    %ne3A_17 = arith.cmpi ne, %rem3A, %ne3A_16 : i32
    %and3A = arith.andi %ne3A, %ne3A_17 : i1
    %sub3A = arith.constant 1 : i32
    %sub3A_18 = arith.subi %div3A, %sub3A : i32
    %select_n3A = arith.select %and3A, %sub3A_18, %div3A : i32
    %mul3A_19 = arith.constant 24 : i32
    %mul3A_20 = arith.muli %select_n3A, %mul3A_19 : i32
    %multiple_of3A = tpu.assume_multiple %mul3A_20, 8 : i32
    "tpu.region"() ({
      %run_scoped3A = tpu.sem_alloc : memref<!tpu.dma_semaphore, #tpu.memory_space<semaphore_mem>>
      %dma_start3A_466 = tpu.memref_slice %arg3[%multiple_of3A] : memref<6528xi32, #tpu.memory_space<hbm>> -> memref<240xi32, #tpu.memory_space<hbm>>
      %dma_start3A_467 = tpu.memref_slice %arg3[%multiple_of3A] : memref<6528xi32, #tpu.memory_space<hbm>> -> memref<240xi32, #tpu.memory_space<hbm>>
      tpu.enqueue_dma source(%dma_start3A_467 : memref<240xi32, #tpu.memory_space<hbm>>) target(%arg6 : memref<240xi32, #tpu.memory_space<vmem>>) target_semaphore(%run_scoped3A : memref<!tpu.dma_semaphore, #tpu.memory_space<semaphore_mem>>)
      %dma_wait3A_468 = tpu.memref_slice %arg3[%multiple_of3A] : memref<6528xi32, #tpu.memory_space<hbm>> -> memref<240xi32, #tpu.memory_space<hbm>>
      %dma_wait3A_469 = tpu.memref_slice %arg3[%multiple_of3A] : memref<6528xi32, #tpu.memory_space<hbm>> -> memref<240xi32, #tpu.memory_space<hbm>>
      tpu.wait_dma2 semaphore(%run_scoped3A : memref<!tpu.dma_semaphore, #tpu.memory_space<semaphore_mem>>) src(%dma_wait3A_469 : memref<240xi32, #tpu.memory_space<hbm>>) dst(%arg6 : memref<240xi32, #tpu.memory_space<vmem>>)
      tpu.yield
    }) : () -> ()
    %mul3A_21 = arith.constant 128 : i32
    %mul3A_22 = arith.muli %select_n3A, %mul3A_21 : i32
    %multiple_of3A_23 = tpu.assume_multiple %mul3A_22, 128 : i32
    "tpu.region"() ({
      %run_scoped3A = tpu.sem_alloc : memref<!tpu.dma_semaphore, #tpu.memory_space<semaphore_mem>>
      %dma_start3A_466 = tpu.memref_slice %arg4[%multiple_of3A_23] : memref<34816xi32, #tpu.memory_space<hbm>> -> memref<1280xi32, #tpu.memory_space<hbm>>
      %dma_start3A_467 = tpu.memref_slice %arg4[%multiple_of3A_23] : memref<34816xi32, #tpu.memory_space<hbm>> -> memref<1280xi32, #tpu.memory_space<hbm>>
      tpu.enqueue_dma source(%dma_start3A_467 : memref<1280xi32, #tpu.memory_space<hbm>>) target(%arg7 : memref<1280xi32, #tpu.memory_space<vmem>>) target_semaphore(%run_scoped3A : memref<!tpu.dma_semaphore, #tpu.memory_space<semaphore_mem>>)
      %dma_wait3A_468 = tpu.memref_slice %arg4[%multiple_of3A_23] : memref<34816xi32, #tpu.memory_space<hbm>> -> memref<1280xi32, #tpu.memory_space<hbm>>
      %dma_wait3A_469 = tpu.memref_slice %arg4[%multiple_of3A_23] : memref<34816xi32, #tpu.memory_space<hbm>> -> memref<1280xi32, #tpu.memory_space<hbm>>
      tpu.wait_dma2 semaphore(%run_scoped3A : memref<!tpu.dma_semaphore, #tpu.memory_space<semaphore_mem>>) src(%dma_wait3A_469 : memref<1280xi32, #tpu.memory_space<hbm>>) dst(%arg7 : memref<1280xi32, #tpu.memory_space<vmem>>)
      tpu.yield
    }) : () -> ()
    %jit3A_24 = arith.constant 8 : i32
    %div3A_25 = arith.divsi %mul3A_2, %jit3A_24 : i32
    %sign3A_26 = arith.constant 0 : i32
    %sign3A_27 = arith.cmpi sgt, %mul3A_2, %sign3A_26 : i32
    %sign3A_28 = arith.extui %sign3A_27 : i1 to i32
    %sign3A_29 = arith.constant 0 : i32
    %sign3A_30 = arith.cmpi slt, %mul3A_2, %sign3A_29 : i32
    %sign3A_31 = arith.extui %sign3A_30 : i1 to i32
    %sign3A_32 = arith.subi %sign3A_28, %sign3A_31 : i32
    %sign3A_33 = arith.constant 0 : i32
    %sign3A_34 = arith.cmpi sgt, %jit3A_24, %sign3A_33 : i32
    %sign3A_35 = arith.extui %sign3A_34 : i1 to i32
    %sign3A_36 = arith.constant 0 : i32
    %sign3A_37 = arith.cmpi slt, %jit3A_24, %sign3A_36 : i32
    %sign3A_38 = arith.extui %sign3A_37 : i1 to i32
    %sign3A_39 = arith.subi %sign3A_35, %sign3A_38 : i32
    %ne3A_40 = arith.cmpi ne, %sign3A_32, %sign3A_39 : i32
    %rem3A_41 = arith.remsi %mul3A_2, %jit3A_24 : i32
    %ne3A_42 = arith.constant 0 : i32
    %ne3A_43 = arith.cmpi ne, %rem3A_41, %ne3A_42 : i32
    %and3A_44 = arith.andi %ne3A_40, %ne3A_43 : i1
    %sub3A_45 = arith.constant 1 : i32
    %sub3A_46 = arith.subi %div3A_25, %sub3A_45 : i32
    %select_n3A_47 = arith.select %and3A_44, %sub3A_46, %div3A_25 : i32
    %jit3A_48 = arith.constant 8 : i32
    %eq3A = arith.constant 0 : i32
    %eq3A_49 = arith.cmpi eq, %jit3A_48, %eq3A : i32
    %jit3A_50 = arith.constant 1 : i32
    %select_n3A_51 = arith.select %eq3A_49, %jit3A_50, %jit3A_48 : i32
    %rem3A_52 = arith.remsi %mul3A_2, %select_n3A_51 : i32
    %ne3A_53 = arith.constant 0 : i32
    %ne3A_54 = arith.cmpi ne, %rem3A_52, %ne3A_53 : i32
    %lt3A = arith.constant 0 : i32
    %lt3A_55 = arith.cmpi slt, %rem3A_52, %lt3A : i32
    %lt3A_56 = arith.constant 0 : i32
    %lt3A_57 = arith.cmpi slt, %select_n3A_51, %lt3A_56 : i32
    %ne3A_58 = arith.xori %lt3A_55, %lt3A_57 : i1
    %and3A_59 = arith.andi %ne3A_58, %ne3A_54 : i1
    %add3A_60 = arith.addi %rem3A_52, %select_n3A_51 : i32
    %select_n3A_61 = arith.select %and3A_59, %add3A_60, %rem3A_52 : i32
    %mul3A_62 = arith.constant 128 : i32
    %mul3A_63 = arith.muli %select_n3A_61, %mul3A_62 : i32
    %sub3A_64 = arith.subi %select_n3A_47, %select_n3A : i32
    %mul3A_65 = arith.constant 24 : i32
    %mul3A_66 = arith.muli %sub3A_64, %mul3A_65 : i32
    %get3A = arith.index_cast %mul3A_66 : i32 to index
    %get3A_67 = tpu.vector_load %arg6[%get3A] {strides = array<i32>} : memref<240xi32, #tpu.memory_space<vmem>>, vector<16xi32>,
    %add3A_68 = arith.constant 16 : i32
    %add3A_69 = arith.addi %mul3A_66, %add3A_68 : i32
    %get3A_70 = arith.index_cast %add3A_69 : i32 to index
    %get3A_71 = tpu.vector_load %arg6[%get3A_70] {strides = array<i32>} : memref<240xi32, #tpu.memory_space<vmem>>, vector<16xi32>,
    %slice3A = vector.extract_strided_slice %get3A_67 {offsets = [0], sizes = [1], strides = [1]} : vector<16xi32> to vector<1xi32>
    %squeeze3A = vector.extract %slice3A[0] : i32 from vector<1xi32>
    %slice3A_72 = vector.extract_strided_slice %get3A_67 {offsets = [1], sizes = [1], strides = [1]} : vector<16xi32> to vector<1xi32>
    %squeeze3A_73 = vector.extract %slice3A_72[0] : i32 from vector<1xi32>
    %slice3A_74 = vector.extract_strided_slice %get3A_67 {offsets = [2], sizes = [1], strides = [1]} : vector<16xi32> to vector<1xi32>
    %squeeze3A_75 = vector.extract %slice3A_74[0] : i32 from vector<1xi32>
    %slice3A_76 = vector.extract_strided_slice %get3A_67 {offsets = [3], sizes = [1], strides = [1]} : vector<16xi32> to vector<1xi32>
    %squeeze3A_77 = vector.extract %slice3A_76[0] : i32 from vector<1xi32>
    %slice3A_78 = vector.extract_strided_slice %get3A_67 {offsets = [4], sizes = [1], strides = [1]} : vector<16xi32> to vector<1xi32>
    %squeeze3A_79 = vector.extract %slice3A_78[0] : i32 from vector<1xi32>
    %slice3A_80 = vector.extract_strided_slice %get3A_67 {offsets = [5], sizes = [1], strides = [1]} : vector<16xi32> to vector<1xi32>
    %squeeze3A_81 = vector.extract %slice3A_80[0] : i32 from vector<1xi32>
    %slice3A_82 = vector.extract_strided_slice %get3A_67 {offsets = [6], sizes = [1], strides = [1]} : vector<16xi32> to vector<1xi32>
    %squeeze3A_83 = vector.extract %slice3A_82[0] : i32 from vector<1xi32>
    %slice3A_84 = vector.extract_strided_slice %get3A_67 {offsets = [7], sizes = [1], strides = [1]} : vector<16xi32> to vector<1xi32>
    %squeeze3A_85 = vector.extract %slice3A_84[0] : i32 from vector<1xi32>
    %slice3A_86 = vector.extract_strided_slice %get3A_67 {offsets = [8], sizes = [1], strides = [1]} : vector<16xi32> to vector<1xi32>
    %squeeze3A_87 = vector.extract %slice3A_86[0] : i32 from vector<1xi32>
    %slice3A_88 = vector.extract_strided_slice %get3A_67 {offsets = [9], sizes = [1], strides = [1]} : vector<16xi32> to vector<1xi32>
    %squeeze3A_89 = vector.extract %slice3A_88[0] : i32 from vector<1xi32>
    %slice3A_90 = vector.extract_strided_slice %get3A_67 {offsets = [10], sizes = [1], strides = [1]} : vector<16xi32> to vector<1xi32>
    %squeeze3A_91 = vector.extract %slice3A_90[0] : i32 from vector<1xi32>
    %slice3A_92 = vector.extract_strided_slice %get3A_67 {offsets = [11], sizes = [1], strides = [1]} : vector<16xi32> to vector<1xi32>
    %squeeze3A_93 = vector.extract %slice3A_92[0] : i32 from vector<1xi32>
    %slice3A_94 = vector.extract_strided_slice %get3A_67 {offsets = [12], sizes = [1], strides = [1]} : vector<16xi32> to vector<1xi32>
    %squeeze3A_95 = vector.extract %slice3A_94[0] : i32 from vector<1xi32>
    %slice3A_96 = vector.extract_strided_slice %get3A_67 {offsets = [13], sizes = [1], strides = [1]} : vector<16xi32> to vector<1xi32>
    %squeeze3A_97 = vector.extract %slice3A_96[0] : i32 from vector<1xi32>
    %slice3A_98 = vector.extract_strided_slice %get3A_67 {offsets = [14], sizes = [1], strides = [1]} : vector<16xi32> to vector<1xi32>
    %squeeze3A_99 = vector.extract %slice3A_98[0] : i32 from vector<1xi32>
    %slice3A_100 = vector.extract_strided_slice %get3A_67 {offsets = [15], sizes = [1], strides = [1]} : vector<16xi32> to vector<1xi32>
    %squeeze3A_101 = vector.extract %slice3A_100[0] : i32 from vector<1xi32>
    %slice3A_102 = vector.extract_strided_slice %get3A_71 {offsets = [0], sizes = [1], strides = [1]} : vector<16xi32> to vector<1xi32>
    %squeeze3A_103 = vector.extract %slice3A_102[0] : i32 from vector<1xi32>
    %gt3A = arith.constant 0 : i32
    %gt3A_104 = arith.cmpi sgt, %squeeze3A, %gt3A : i32
    %convert_element_type3A = arith.extui %gt3A_104 : i1 to i32
    %cond3A = arith.constant 0 : i32
    %cond3A_105 = arith.cmpi ne, %convert_element_type3A, %cond3A : i32
    scf.if %cond3A_105 {
      %multiple_of3A_466 = tpu.assume_multiple %squeeze3A_73, 8 : i32
      %multiple_of3A_467 = tpu.assume_multiple %mul3A_63, 128 : i32
      %dma_start3A_468 = arith.constant 0 : i32
      %dma_start3A_469 = arith.constant 0 : i32
      %dma_start3A_470 = tpu.memref_slice %arg8[%dma_start3A_468, %dma_start3A_469] : memref<256x128xf32, #tpu.memory_space<vmem>> -> memref<16x128xf32, #tpu.memory_space<vmem>>
      %dma_start3A_471 = tpu.memref_slice %arg2[%multiple_of3A_466, %multiple_of3A_467] : memref<65536x1024xf32, #tpu.memory_space<hbm>> -> memref<16x128xf32, #tpu.memory_space<hbm>>
      %dma_start3A_472 = arith.constant 0 : i32
      %dma_start3A_473 = arith.constant 0 : i32
      %dma_start3A_474 = tpu.memref_slice %arg8[%dma_start3A_472, %dma_start3A_473] : memref<256x128xf32, #tpu.memory_space<vmem>> -> memref<16x128xf32, #tpu.memory_space<vmem>>
      %dma_start3A_475 = tpu.memref_slice %arg2[%multiple_of3A_466, %multiple_of3A_467] : memref<65536x1024xf32, #tpu.memory_space<hbm>> -> memref<16x128xf32, #tpu.memory_space<hbm>>
      tpu.enqueue_dma source(%dma_start3A_475 : memref<16x128xf32, #tpu.memory_space<hbm>>) target(%dma_start3A_474 : memref<16x128xf32, #tpu.memory_space<vmem>>) target_semaphore(%arg12 : memref<!tpu.dma_semaphore, #tpu.memory_space<semaphore_mem>>)
    } else {
    }
    %gt3A_106 = arith.constant 1 : i32
    %gt3A_107 = arith.cmpi sgt, %squeeze3A, %gt3A_106 : i32
    %convert_element_type3A_108 = arith.extui %gt3A_107 : i1 to i32
    %cond3A_109 = arith.constant 0 : i32
    %cond3A_110 = arith.cmpi ne, %convert_element_type3A_108, %cond3A_109 : i32
    scf.if %cond3A_110 {
      %multiple_of3A_466 = tpu.assume_multiple %squeeze3A_75, 8 : i32
      %multiple_of3A_467 = tpu.assume_multiple %mul3A_63, 128 : i32
      %dma_start3A_468 = arith.constant 16 : i32
      %dma_start3A_469 = arith.constant 0 : i32
      %dma_start3A_470 = tpu.memref_slice %arg8[%dma_start3A_468, %dma_start3A_469] : memref<256x128xf32, #tpu.memory_space<vmem>> -> memref<16x128xf32, #tpu.memory_space<vmem>>
      %dma_start3A_471 = tpu.memref_slice %arg2[%multiple_of3A_466, %multiple_of3A_467] : memref<65536x1024xf32, #tpu.memory_space<hbm>> -> memref<16x128xf32, #tpu.memory_space<hbm>>
      %dma_start3A_472 = arith.constant 16 : i32
      %dma_start3A_473 = arith.constant 0 : i32
      %dma_start3A_474 = tpu.memref_slice %arg8[%dma_start3A_472, %dma_start3A_473] : memref<256x128xf32, #tpu.memory_space<vmem>> -> memref<16x128xf32, #tpu.memory_space<vmem>>
      %dma_start3A_475 = tpu.memref_slice %arg2[%multiple_of3A_466, %multiple_of3A_467] : memref<65536x1024xf32, #tpu.memory_space<hbm>> -> memref<16x128xf32, #tpu.memory_space<hbm>>
      tpu.enqueue_dma source(%dma_start3A_475 : memref<16x128xf32, #tpu.memory_space<hbm>>) target(%dma_start3A_474 : memref<16x128xf32, #tpu.memory_space<vmem>>) target_semaphore(%arg12 : memref<!tpu.dma_semaphore, #tpu.memory_space<semaphore_mem>>)
    } else {
    }
    %gt3A_111 = arith.constant 2 : i32
    %gt3A_112 = arith.cmpi sgt, %squeeze3A, %gt3A_111 : i32
    %convert_element_type3A_113 = arith.extui %gt3A_112 : i1 to i32
    %cond3A_114 = arith.constant 0 : i32
    %cond3A_115 = arith.cmpi ne, %convert_element_type3A_113, %cond3A_114 : i32
    scf.if %cond3A_115 {
      %multiple_of3A_466 = tpu.assume_multiple %squeeze3A_77, 8 : i32
      %multiple_of3A_467 = tpu.assume_multiple %mul3A_63, 128 : i32
      %dma_start3A_468 = arith.constant 32 : i32
      %dma_start3A_469 = arith.constant 0 : i32
      %dma_start3A_470 = tpu.memref_slice %arg8[%dma_start3A_468, %dma_start3A_469] : memref<256x128xf32, #tpu.memory_space<vmem>> -> memref<16x128xf32, #tpu.memory_space<vmem>>
      %dma_start3A_471 = tpu.memref_slice %arg2[%multiple_of3A_466, %multiple_of3A_467] : memref<65536x1024xf32, #tpu.memory_space<hbm>> -> memref<16x128xf32, #tpu.memory_space<hbm>>
      %dma_start3A_472 = arith.constant 32 : i32
      %dma_start3A_473 = arith.constant 0 : i32
      %dma_start3A_474 = tpu.memref_slice %arg8[%dma_start3A_472, %dma_start3A_473] : memref<256x128xf32, #tpu.memory_space<vmem>> -> memref<16x128xf32, #tpu.memory_space<vmem>>
      %dma_start3A_475 = tpu.memref_slice %arg2[%multiple_of3A_466, %multiple_of3A_467] : memref<65536x1024xf32, #tpu.memory_space<hbm>> -> memref<16x128xf32, #tpu.memory_space<hbm>>
      tpu.enqueue_dma source(%dma_start3A_475 : memref<16x128xf32, #tpu.memory_space<hbm>>) target(%dma_start3A_474 : memref<16x128xf32, #tpu.memory_space<vmem>>) target_semaphore(%arg12 : memref<!tpu.dma_semaphore, #tpu.memory_space<semaphore_mem>>)
    } else {
    }
    %gt3A_116 = arith.constant 3 : i32
    %gt3A_117 = arith.cmpi sgt, %squeeze3A, %gt3A_116 : i32
    %convert_element_type3A_118 = arith.extui %gt3A_117 : i1 to i32
    %cond3A_119 = arith.constant 0 : i32
    %cond3A_120 = arith.cmpi ne, %convert_element_type3A_118, %cond3A_119 : i32
    scf.if %cond3A_120 {
      %multiple_of3A_466 = tpu.assume_multiple %squeeze3A_79, 8 : i32
      %multiple_of3A_467 = tpu.assume_multiple %mul3A_63, 128 : i32
      %dma_start3A_468 = arith.constant 48 : i32
      %dma_start3A_469 = arith.constant 0 : i32
      %dma_start3A_470 = tpu.memref_slice %arg8[%dma_start3A_468, %dma_start3A_469] : memref<256x128xf32, #tpu.memory_space<vmem>> -> memref<16x128xf32, #tpu.memory_space<vmem>>
      %dma_start3A_471 = tpu.memref_slice %arg2[%multiple_of3A_466, %multiple_of3A_467] : memref<65536x1024xf32, #tpu.memory_space<hbm>> -> memref<16x128xf32, #tpu.memory_space<hbm>>
      %dma_start3A_472 = arith.constant 48 : i32
      %dma_start3A_473 = arith.constant 0 : i32
      %dma_start3A_474 = tpu.memref_slice %arg8[%dma_start3A_472, %dma_start3A_473] : memref<256x128xf32, #tpu.memory_space<vmem>> -> memref<16x128xf32, #tpu.memory_space<vmem>>
      %dma_start3A_475 = tpu.memref_slice %arg2[%multiple_of3A_466, %multiple_of3A_467] : memref<65536x1024xf32, #tpu.memory_space<hbm>> -> memref<16x128xf32, #tpu.memory_space<hbm>>
      tpu.enqueue_dma source(%dma_start3A_475 : memref<16x128xf32, #tpu.memory_space<hbm>>) target(%dma_start3A_474 : memref<16x128xf32, #tpu.memory_space<vmem>>) target_semaphore(%arg12 : memref<!tpu.dma_semaphore, #tpu.memory_space<semaphore_mem>>)
    } else {
    }
    %gt3A_121 = arith.constant 4 : i32
    %gt3A_122 = arith.cmpi sgt, %squeeze3A, %gt3A_121 : i32
    %convert_element_type3A_123 = arith.extui %gt3A_122 : i1 to i32
    %cond3A_124 = arith.constant 0 : i32
    %cond3A_125 = arith.cmpi ne, %convert_element_type3A_123, %cond3A_124 : i32
    scf.if %cond3A_125 {
      %multiple_of3A_466 = tpu.assume_multiple %squeeze3A_81, 8 : i32
      %multiple_of3A_467 = tpu.assume_multiple %mul3A_63, 128 : i32
      %dma_start3A_468 = arith.constant 64 : i32
      %dma_start3A_469 = arith.constant 0 : i32
      %dma_start3A_470 = tpu.memref_slice %arg8[%dma_start3A_468, %dma_start3A_469] : memref<256x128xf32, #tpu.memory_space<vmem>> -> memref<16x128xf32, #tpu.memory_space<vmem>>
      %dma_start3A_471 = tpu.memref_slice %arg2[%multiple_of3A_466, %multiple_of3A_467] : memref<65536x1024xf32, #tpu.memory_space<hbm>> -> memref<16x128xf32, #tpu.memory_space<hbm>>
      %dma_start3A_472 = arith.constant 64 : i32
      %dma_start3A_473 = arith.constant 0 : i32
      %dma_start3A_474 = tpu.memref_slice %arg8[%dma_start3A_472, %dma_start3A_473] : memref<256x128xf32, #tpu.memory_space<vmem>> -> memref<16x128xf32, #tpu.memory_space<vmem>>
      %dma_start3A_475 = tpu.memref_slice %arg2[%multiple_of3A_466, %multiple_of3A_467] : memref<65536x1024xf32, #tpu.memory_space<hbm>> -> memref<16x128xf32, #tpu.memory_space<hbm>>
      tpu.enqueue_dma source(%dma_start3A_475 : memref<16x128xf32, #tpu.memory_space<hbm>>) target(%dma_start3A_474 : memref<16x128xf32, #tpu.memory_space<vmem>>) target_semaphore(%arg12 : memref<!tpu.dma_semaphore, #tpu.memory_space<semaphore_mem>>)
    } else {
    }
    %gt3A_126 = arith.constant 5 : i32
    %gt3A_127 = arith.cmpi sgt, %squeeze3A, %gt3A_126 : i32
    %convert_element_type3A_128 = arith.extui %gt3A_127 : i1 to i32
    %cond3A_129 = arith.constant 0 : i32
    %cond3A_130 = arith.cmpi ne, %convert_element_type3A_128, %cond3A_129 : i32
    scf.if %cond3A_130 {
      %multiple_of3A_466 = tpu.assume_multiple %squeeze3A_83, 8 : i32
      %multiple_of3A_467 = tpu.assume_multiple %mul3A_63, 128 : i32
      %dma_start3A_468 = arith.constant 80 : i32
      %dma_start3A_469 = arith.constant 0 : i32
      %dma_start3A_470 = tpu.memref_slice %arg8[%dma_start3A_468, %dma_start3A_469] : memref<256x128xf32, #tpu.memory_space<vmem>> -> memref<16x128xf32, #tpu.memory_space<vmem>>
      %dma_start3A_471 = tpu.memref_slice %arg2[%multiple_of3A_466, %multiple_of3A_467] : memref<65536x1024xf32, #tpu.memory_space<hbm>> -> memref<16x128xf32, #tpu.memory_space<hbm>>
      %dma_start3A_472 = arith.constant 80 : i32
      %dma_start3A_473 = arith.constant 0 : i32
      %dma_start3A_474 = tpu.memref_slice %arg8[%dma_start3A_472, %dma_start3A_473] : memref<256x128xf32, #tpu.memory_space<vmem>> -> memref<16x128xf32, #tpu.memory_space<vmem>>
      %dma_start3A_475 = tpu.memref_slice %arg2[%multiple_of3A_466, %multiple_of3A_467] : memref<65536x1024xf32, #tpu.memory_space<hbm>> -> memref<16x128xf32, #tpu.memory_space<hbm>>
      tpu.enqueue_dma source(%dma_start3A_475 : memref<16x128xf32, #tpu.memory_space<hbm>>) target(%dma_start3A_474 : memref<16x128xf32, #tpu.memory_space<vmem>>) target_semaphore(%arg12 : memref<!tpu.dma_semaphore, #tpu.memory_space<semaphore_mem>>)
    } else {
    }
    %gt3A_131 = arith.constant 6 : i32
    %gt3A_132 = arith.cmpi sgt, %squeeze3A, %gt3A_131 : i32
    %convert_element_type3A_133 = arith.extui %gt3A_132 : i1 to i32
    %cond3A_134 = arith.constant 0 : i32
    %cond3A_135 = arith.cmpi ne, %convert_element_type3A_133, %cond3A_134 : i32
    scf.if %cond3A_135 {
      %multiple_of3A_466 = tpu.assume_multiple %squeeze3A_85, 8 : i32
      %multiple_of3A_467 = tpu.assume_multiple %mul3A_63, 128 : i32
      %dma_start3A_468 = arith.constant 96 : i32
      %dma_start3A_469 = arith.constant 0 : i32
      %dma_start3A_470 = tpu.memref_slice %arg8[%dma_start3A_468, %dma_start3A_469] : memref<256x128xf32, #tpu.memory_space<vmem>> -> memref<16x128xf32, #tpu.memory_space<vmem>>
      %dma_start3A_471 = tpu.memref_slice %arg2[%multiple_of3A_466, %multiple_of3A_467] : memref<65536x1024xf32, #tpu.memory_space<hbm>> -> memref<16x128xf32, #tpu.memory_space<hbm>>
      %dma_start3A_472 = arith.constant 96 : i32
      %dma_start3A_473 = arith.constant 0 : i32
      %dma_start3A_474 = tpu.memref_slice %arg8[%dma_start3A_472, %dma_start3A_473] : memref<256x128xf32, #tpu.memory_space<vmem>> -> memref<16x128xf32, #tpu.memory_space<vmem>>
      %dma_start3A_475 = tpu.memref_slice %arg2[%multiple_of3A_466, %multiple_of3A_467] : memref<65536x1024xf32, #tpu.memory_space<hbm>> -> memref<16x128xf32, #tpu.memory_space<hbm>>
      tpu.enqueue_dma source(%dma_start3A_475 : memref<16x128xf32, #tpu.memory_space<hbm>>) target(%dma_start3A_474 : memref<16x128xf32, #tpu.memory_space<vmem>>) target_semaphore(%arg12 : memref<!tpu.dma_semaphore, #tpu.memory_space<semaphore_mem>>)
    } else {
    }
    %gt3A_136 = arith.constant 7 : i32
    %gt3A_137 = arith.cmpi sgt, %squeeze3A, %gt3A_136 : i32
    %convert_element_type3A_138 = arith.extui %gt3A_137 : i1 to i32
    %cond3A_139 = arith.constant 0 : i32
    %cond3A_140 = arith.cmpi ne, %convert_element_type3A_138, %cond3A_139 : i32
    scf.if %cond3A_140 {
      %multiple_of3A_466 = tpu.assume_multiple %squeeze3A_87, 8 : i32
      %multiple_of3A_467 = tpu.assume_multiple %mul3A_63, 128 : i32
      %dma_start3A_468 = arith.constant 112 : i32
      %dma_start3A_469 = arith.constant 0 : i32
      %dma_start3A_470 = tpu.memref_slice %arg8[%dma_start3A_468, %dma_start3A_469] : memref<256x128xf32, #tpu.memory_space<vmem>> -> memref<16x128xf32, #tpu.memory_space<vmem>>
      %dma_start3A_471 = tpu.memref_slice %arg2[%multiple_of3A_466, %multiple_of3A_467] : memref<65536x1024xf32, #tpu.memory_space<hbm>> -> memref<16x128xf32, #tpu.memory_space<hbm>>
      %dma_start3A_472 = arith.constant 112 : i32
      %dma_start3A_473 = arith.constant 0 : i32
      %dma_start3A_474 = tpu.memref_slice %arg8[%dma_start3A_472, %dma_start3A_473] : memref<256x128xf32, #tpu.memory_space<vmem>> -> memref<16x128xf32, #tpu.memory_space<vmem>>
      %dma_start3A_475 = tpu.memref_slice %arg2[%multiple_of3A_466, %multiple_of3A_467] : memref<65536x1024xf32, #tpu.memory_space<hbm>> -> memref<16x128xf32, #tpu.memory_space<hbm>>
      tpu.enqueue_dma source(%dma_start3A_475 : memref<16x128xf32, #tpu.memory_space<hbm>>) target(%dma_start3A_474 : memref<16x128xf32, #tpu.memory_space<vmem>>) target_semaphore(%arg12 : memref<!tpu.dma_semaphore, #tpu.memory_space<semaphore_mem>>)
    } else {
    }
    %gt3A_141 = arith.constant 8 : i32
    %gt3A_142 = arith.cmpi sgt, %squeeze3A, %gt3A_141 : i32
    %convert_element_type3A_143 = arith.extui %gt3A_142 : i1 to i32
    %cond3A_144 = arith.constant 0 : i32
    %cond3A_145 = arith.cmpi ne, %convert_element_type3A_143, %cond3A_144 : i32
    scf.if %cond3A_145 {
      %multiple_of3A_466 = tpu.assume_multiple %squeeze3A_89, 8 : i32
      %multiple_of3A_467 = tpu.assume_multiple %mul3A_63, 128 : i32
      %dma_start3A_468 = arith.constant 128 : i32
      %dma_start3A_469 = arith.constant 0 : i32
      %dma_start3A_470 = tpu.memref_slice %arg8[%dma_start3A_468, %dma_start3A_469] : memref<256x128xf32, #tpu.memory_space<vmem>> -> memref<16x128xf32, #tpu.memory_space<vmem>>
      %dma_start3A_471 = tpu.memref_slice %arg2[%multiple_of3A_466, %multiple_of3A_467] : memref<65536x1024xf32, #tpu.memory_space<hbm>> -> memref<16x128xf32, #tpu.memory_space<hbm>>
      %dma_start3A_472 = arith.constant 128 : i32
      %dma_start3A_473 = arith.constant 0 : i32
      %dma_start3A_474 = tpu.memref_slice %arg8[%dma_start3A_472, %dma_start3A_473] : memref<256x128xf32, #tpu.memory_space<vmem>> -> memref<16x128xf32, #tpu.memory_space<vmem>>
      %dma_start3A_475 = tpu.memref_slice %arg2[%multiple_of3A_466, %multiple_of3A_467] : memref<65536x1024xf32, #tpu.memory_space<hbm>> -> memref<16x128xf32, #tpu.memory_space<hbm>>
      tpu.enqueue_dma source(%dma_start3A_475 : memref<16x128xf32, #tpu.memory_space<hbm>>) target(%dma_start3A_474 : memref<16x128xf32, #tpu.memory_space<vmem>>) target_semaphore(%arg12 : memref<!tpu.dma_semaphore, #tpu.memory_space<semaphore_mem>>)
    } else {
    }
    %gt3A_146 = arith.constant 9 : i32
    %gt3A_147 = arith.cmpi sgt, %squeeze3A, %gt3A_146 : i32
    %convert_element_type3A_148 = arith.extui %gt3A_147 : i1 to i32
    %cond3A_149 = arith.constant 0 : i32
    %cond3A_150 = arith.cmpi ne, %convert_element_type3A_148, %cond3A_149 : i32
    scf.if %cond3A_150 {
      %multiple_of3A_466 = tpu.assume_multiple %squeeze3A_91, 8 : i32
      %multiple_of3A_467 = tpu.assume_multiple %mul3A_63, 128 : i32
      %dma_start3A_468 = arith.constant 144 : i32
      %dma_start3A_469 = arith.constant 0 : i32
      %dma_start3A_470 = tpu.memref_slice %arg8[%dma_start3A_468, %dma_start3A_469] : memref<256x128xf32, #tpu.memory_space<vmem>> -> memref<16x128xf32, #tpu.memory_space<vmem>>
      %dma_start3A_471 = tpu.memref_slice %arg2[%multiple_of3A_466, %multiple_of3A_467] : memref<65536x1024xf32, #tpu.memory_space<hbm>> -> memref<16x128xf32, #tpu.memory_space<hbm>>
      %dma_start3A_472 = arith.constant 144 : i32
      %dma_start3A_473 = arith.constant 0 : i32
      %dma_start3A_474 = tpu.memref_slice %arg8[%dma_start3A_472, %dma_start3A_473] : memref<256x128xf32, #tpu.memory_space<vmem>> -> memref<16x128xf32, #tpu.memory_space<vmem>>
      %dma_start3A_475 = tpu.memref_slice %arg2[%multiple_of3A_466, %multiple_of3A_467] : memref<65536x1024xf32, #tpu.memory_space<hbm>> -> memref<16x128xf32, #tpu.memory_space<hbm>>
      tpu.enqueue_dma source(%dma_start3A_475 : memref<16x128xf32, #tpu.memory_space<hbm>>) target(%dma_start3A_474 : memref<16x128xf32, #tpu.memory_space<vmem>>) target_semaphore(%arg12 : memref<!tpu.dma_semaphore, #tpu.memory_space<semaphore_mem>>)
    } else {
    }
    %gt3A_151 = arith.constant 10 : i32
    %gt3A_152 = arith.cmpi sgt, %squeeze3A, %gt3A_151 : i32
    %convert_element_type3A_153 = arith.extui %gt3A_152 : i1 to i32
    %cond3A_154 = arith.constant 0 : i32
    %cond3A_155 = arith.cmpi ne, %convert_element_type3A_153, %cond3A_154 : i32
    scf.if %cond3A_155 {
      %multiple_of3A_466 = tpu.assume_multiple %squeeze3A_93, 8 : i32
      %multiple_of3A_467 = tpu.assume_multiple %mul3A_63, 128 : i32
      %dma_start3A_468 = arith.constant 160 : i32
      %dma_start3A_469 = arith.constant 0 : i32
      %dma_start3A_470 = tpu.memref_slice %arg8[%dma_start3A_468, %dma_start3A_469] : memref<256x128xf32, #tpu.memory_space<vmem>> -> memref<16x128xf32, #tpu.memory_space<vmem>>
      %dma_start3A_471 = tpu.memref_slice %arg2[%multiple_of3A_466, %multiple_of3A_467] : memref<65536x1024xf32, #tpu.memory_space<hbm>> -> memref<16x128xf32, #tpu.memory_space<hbm>>
      %dma_start3A_472 = arith.constant 160 : i32
      %dma_start3A_473 = arith.constant 0 : i32
      %dma_start3A_474 = tpu.memref_slice %arg8[%dma_start3A_472, %dma_start3A_473] : memref<256x128xf32, #tpu.memory_space<vmem>> -> memref<16x128xf32, #tpu.memory_space<vmem>>
      %dma_start3A_475 = tpu.memref_slice %arg2[%multiple_of3A_466, %multiple_of3A_467] : memref<65536x1024xf32, #tpu.memory_space<hbm>> -> memref<16x128xf32, #tpu.memory_space<hbm>>
      tpu.enqueue_dma source(%dma_start3A_475 : memref<16x128xf32, #tpu.memory_space<hbm>>) target(%dma_start3A_474 : memref<16x128xf32, #tpu.memory_space<vmem>>) target_semaphore(%arg12 : memref<!tpu.dma_semaphore, #tpu.memory_space<semaphore_mem>>)
    } else {
    }
    %gt3A_156 = arith.constant 11 : i32
    %gt3A_157 = arith.cmpi sgt, %squeeze3A, %gt3A_156 : i32
    %convert_element_type3A_158 = arith.extui %gt3A_157 : i1 to i32
    %cond3A_159 = arith.constant 0 : i32
    %cond3A_160 = arith.cmpi ne, %convert_element_type3A_158, %cond3A_159 : i32
    scf.if %cond3A_160 {
      %multiple_of3A_466 = tpu.assume_multiple %squeeze3A_95, 8 : i32
      %multiple_of3A_467 = tpu.assume_multiple %mul3A_63, 128 : i32
      %dma_start3A_468 = arith.constant 176 : i32
      %dma_start3A_469 = arith.constant 0 : i32
      %dma_start3A_470 = tpu.memref_slice %arg8[%dma_start3A_468, %dma_start3A_469] : memref<256x128xf32, #tpu.memory_space<vmem>> -> memref<16x128xf32, #tpu.memory_space<vmem>>
      %dma_start3A_471 = tpu.memref_slice %arg2[%multiple_of3A_466, %multiple_of3A_467] : memref<65536x1024xf32, #tpu.memory_space<hbm>> -> memref<16x128xf32, #tpu.memory_space<hbm>>
      %dma_start3A_472 = arith.constant 176 : i32
      %dma_start3A_473 = arith.constant 0 : i32
      %dma_start3A_474 = tpu.memref_slice %arg8[%dma_start3A_472, %dma_start3A_473] : memref<256x128xf32, #tpu.memory_space<vmem>> -> memref<16x128xf32, #tpu.memory_space<vmem>>
      %dma_start3A_475 = tpu.memref_slice %arg2[%multiple_of3A_466, %multiple_of3A_467] : memref<65536x1024xf32, #tpu.memory_space<hbm>> -> memref<16x128xf32, #tpu.memory_space<hbm>>
      tpu.enqueue_dma source(%dma_start3A_475 : memref<16x128xf32, #tpu.memory_space<hbm>>) target(%dma_start3A_474 : memref<16x128xf32, #tpu.memory_space<vmem>>) target_semaphore(%arg12 : memref<!tpu.dma_semaphore, #tpu.memory_space<semaphore_mem>>)
    } else {
    }
    %gt3A_161 = arith.constant 12 : i32
    %gt3A_162 = arith.cmpi sgt, %squeeze3A, %gt3A_161 : i32
    %convert_element_type3A_163 = arith.extui %gt3A_162 : i1 to i32
    %cond3A_164 = arith.constant 0 : i32
    %cond3A_165 = arith.cmpi ne, %convert_element_type3A_163, %cond3A_164 : i32
    scf.if %cond3A_165 {
      %multiple_of3A_466 = tpu.assume_multiple %squeeze3A_97, 8 : i32
      %multiple_of3A_467 = tpu.assume_multiple %mul3A_63, 128 : i32
      %dma_start3A_468 = arith.constant 192 : i32
      %dma_start3A_469 = arith.constant 0 : i32
      %dma_start3A_470 = tpu.memref_slice %arg8[%dma_start3A_468, %dma_start3A_469] : memref<256x128xf32, #tpu.memory_space<vmem>> -> memref<16x128xf32, #tpu.memory_space<vmem>>
      %dma_start3A_471 = tpu.memref_slice %arg2[%multiple_of3A_466, %multiple_of3A_467] : memref<65536x1024xf32, #tpu.memory_space<hbm>> -> memref<16x128xf32, #tpu.memory_space<hbm>>
      %dma_start3A_472 = arith.constant 192 : i32
      %dma_start3A_473 = arith.constant 0 : i32
      %dma_start3A_474 = tpu.memref_slice %arg8[%dma_start3A_472, %dma_start3A_473] : memref<256x128xf32, #tpu.memory_space<vmem>> -> memref<16x128xf32, #tpu.memory_space<vmem>>
      %dma_start3A_475 = tpu.memref_slice %arg2[%multiple_of3A_466, %multiple_of3A_467] : memref<65536x1024xf32, #tpu.memory_space<hbm>> -> memref<16x128xf32, #tpu.memory_space<hbm>>
      tpu.enqueue_dma source(%dma_start3A_475 : memref<16x128xf32, #tpu.memory_space<hbm>>) target(%dma_start3A_474 : memref<16x128xf32, #tpu.memory_space<vmem>>) target_semaphore(%arg12 : memref<!tpu.dma_semaphore, #tpu.memory_space<semaphore_mem>>)
    } else {
    }
    %gt3A_166 = arith.constant 13 : i32
    %gt3A_167 = arith.cmpi sgt, %squeeze3A, %gt3A_166 : i32
    %convert_element_type3A_168 = arith.extui %gt3A_167 : i1 to i32
    %cond3A_169 = arith.constant 0 : i32
    %cond3A_170 = arith.cmpi ne, %convert_element_type3A_168, %cond3A_169 : i32
    scf.if %cond3A_170 {
      %multiple_of3A_466 = tpu.assume_multiple %squeeze3A_99, 8 : i32
      %multiple_of3A_467 = tpu.assume_multiple %mul3A_63, 128 : i32
      %dma_start3A_468 = arith.constant 208 : i32
      %dma_start3A_469 = arith.constant 0 : i32
      %dma_start3A_470 = tpu.memref_slice %arg8[%dma_start3A_468, %dma_start3A_469] : memref<256x128xf32, #tpu.memory_space<vmem>> -> memref<16x128xf32, #tpu.memory_space<vmem>>
      %dma_start3A_471 = tpu.memref_slice %arg2[%multiple_of3A_466, %multiple_of3A_467] : memref<65536x1024xf32, #tpu.memory_space<hbm>> -> memref<16x128xf32, #tpu.memory_space<hbm>>
      %dma_start3A_472 = arith.constant 208 : i32
      %dma_start3A_473 = arith.constant 0 : i32
      %dma_start3A_474 = tpu.memref_slice %arg8[%dma_start3A_472, %dma_start3A_473] : memref<256x128xf32, #tpu.memory_space<vmem>> -> memref<16x128xf32, #tpu.memory_space<vmem>>
      %dma_start3A_475 = tpu.memref_slice %arg2[%multiple_of3A_466, %multiple_of3A_467] : memref<65536x1024xf32, #tpu.memory_space<hbm>> -> memref<16x128xf32, #tpu.memory_space<hbm>>
      tpu.enqueue_dma source(%dma_start3A_475 : memref<16x128xf32, #tpu.memory_space<hbm>>) target(%dma_start3A_474 : memref<16x128xf32, #tpu.memory_space<vmem>>) target_semaphore(%arg12 : memref<!tpu.dma_semaphore, #tpu.memory_space<semaphore_mem>>)
    } else {
    }
    %gt3A_171 = arith.constant 14 : i32
    %gt3A_172 = arith.cmpi sgt, %squeeze3A, %gt3A_171 : i32
    %convert_element_type3A_173 = arith.extui %gt3A_172 : i1 to i32
    %cond3A_174 = arith.constant 0 : i32
    %cond3A_175 = arith.cmpi ne, %convert_element_type3A_173, %cond3A_174 : i32
    scf.if %cond3A_175 {
      %multiple_of3A_466 = tpu.assume_multiple %squeeze3A_101, 8 : i32
      %multiple_of3A_467 = tpu.assume_multiple %mul3A_63, 128 : i32
      %dma_start3A_468 = arith.constant 224 : i32
      %dma_start3A_469 = arith.constant 0 : i32
      %dma_start3A_470 = tpu.memref_slice %arg8[%dma_start3A_468, %dma_start3A_469] : memref<256x128xf32, #tpu.memory_space<vmem>> -> memref<16x128xf32, #tpu.memory_space<vmem>>
      %dma_start3A_471 = tpu.memref_slice %arg2[%multiple_of3A_466, %multiple_of3A_467] : memref<65536x1024xf32, #tpu.memory_space<hbm>> -> memref<16x128xf32, #tpu.memory_space<hbm>>
      %dma_start3A_472 = arith.constant 224 : i32
      %dma_start3A_473 = arith.constant 0 : i32
      %dma_start3A_474 = tpu.memref_slice %arg8[%dma_start3A_472, %dma_start3A_473] : memref<256x128xf32, #tpu.memory_space<vmem>> -> memref<16x128xf32, #tpu.memory_space<vmem>>
      %dma_start3A_475 = tpu.memref_slice %arg2[%multiple_of3A_466, %multiple_of3A_467] : memref<65536x1024xf32, #tpu.memory_space<hbm>> -> memref<16x128xf32, #tpu.memory_space<hbm>>
      tpu.enqueue_dma source(%dma_start3A_475 : memref<16x128xf32, #tpu.memory_space<hbm>>) target(%dma_start3A_474 : memref<16x128xf32, #tpu.memory_space<vmem>>) target_semaphore(%arg12 : memref<!tpu.dma_semaphore, #tpu.memory_space<semaphore_mem>>)
    } else {
    }
    %gt3A_176 = arith.constant 15 : i32
    %gt3A_177 = arith.cmpi sgt, %squeeze3A, %gt3A_176 : i32
    %convert_element_type3A_178 = arith.extui %gt3A_177 : i1 to i32
    %cond3A_179 = arith.constant 0 : i32
    %cond3A_180 = arith.cmpi ne, %convert_element_type3A_178, %cond3A_179 : i32
    scf.if %cond3A_180 {
      %multiple_of3A_466 = tpu.assume_multiple %squeeze3A_103, 8 : i32
      %multiple_of3A_467 = tpu.assume_multiple %mul3A_63, 128 : i32
      %dma_start3A_468 = arith.constant 240 : i32
      %dma_start3A_469 = arith.constant 0 : i32
      %dma_start3A_470 = tpu.memref_slice %arg8[%dma_start3A_468, %dma_start3A_469] : memref<256x128xf32, #tpu.memory_space<vmem>> -> memref<16x128xf32, #tpu.memory_space<vmem>>
      %dma_start3A_471 = tpu.memref_slice %arg2[%multiple_of3A_466, %multiple_of3A_467] : memref<65536x1024xf32, #tpu.memory_space<hbm>> -> memref<16x128xf32, #tpu.memory_space<hbm>>
      %dma_start3A_472 = arith.constant 240 : i32
      %dma_start3A_473 = arith.constant 0 : i32
      %dma_start3A_474 = tpu.memref_slice %arg8[%dma_start3A_472, %dma_start3A_473] : memref<256x128xf32, #tpu.memory_space<vmem>> -> memref<16x128xf32, #tpu.memory_space<vmem>>
      %dma_start3A_475 = tpu.memref_slice %arg2[%multiple_of3A_466, %multiple_of3A_467] : memref<65536x1024xf32, #tpu.memory_space<hbm>> -> memref<16x128xf32, #tpu.memory_space<hbm>>
      tpu.enqueue_dma source(%dma_start3A_475 : memref<16x128xf32, #tpu.memory_space<hbm>>) target(%dma_start3A_474 : memref<16x128xf32, #tpu.memory_space<vmem>>) target_semaphore(%arg12 : memref<!tpu.dma_semaphore, #tpu.memory_space<semaphore_mem>>)
    } else {
    }
    %add3A_181 = arith.constant 1 : i32
    %add3A_182 = arith.addi %mul3A_2, %add3A_181 : i32
    %jit3A_183 = arith.constant 8 : i32
    %div3A_184 = arith.divsi %add3A_182, %jit3A_183 : i32
    %sign3A_185 = arith.constant 0 : i32
    %sign3A_186 = arith.cmpi sgt, %add3A_182, %sign3A_185 : i32
    %sign3A_187 = arith.extui %sign3A_186 : i1 to i32
    %sign3A_188 = arith.constant 0 : i32
    %sign3A_189 = arith.cmpi slt, %add3A_182, %sign3A_188 : i32
    %sign3A_190 = arith.extui %sign3A_189 : i1 to i32
    %sign3A_191 = arith.subi %sign3A_187, %sign3A_190 : i32
    %sign3A_192 = arith.constant 0 : i32
    %sign3A_193 = arith.cmpi sgt, %jit3A_183, %sign3A_192 : i32
    %sign3A_194 = arith.extui %sign3A_193 : i1 to i32
    %sign3A_195 = arith.constant 0 : i32
    %sign3A_196 = arith.cmpi slt, %jit3A_183, %sign3A_195 : i32
    %sign3A_197 = arith.extui %sign3A_196 : i1 to i32
    %sign3A_198 = arith.subi %sign3A_194, %sign3A_197 : i32
    %ne3A_199 = arith.cmpi ne, %sign3A_191, %sign3A_198 : i32
    %rem3A_200 = arith.remsi %add3A_182, %jit3A_183 : i32
    %ne3A_201 = arith.constant 0 : i32
    %ne3A_202 = arith.cmpi ne, %rem3A_200, %ne3A_201 : i32
    %and3A_203 = arith.andi %ne3A_199, %ne3A_202 : i1
    %sub3A_204 = arith.constant 1 : i32
    %sub3A_205 = arith.subi %div3A_184, %sub3A_204 : i32
    %select_n3A_206 = arith.select %and3A_203, %sub3A_205, %div3A_184 : i32
    %jit3A_207 = arith.constant 8 : i32
    %eq3A_208 = arith.constant 0 : i32
    %eq3A_209 = arith.cmpi eq, %jit3A_207, %eq3A_208 : i32
    %jit3A_210 = arith.constant 1 : i32
    %select_n3A_211 = arith.select %eq3A_209, %jit3A_210, %jit3A_207 : i32
    %rem3A_212 = arith.remsi %add3A_182, %select_n3A_211 : i32
    %ne3A_213 = arith.constant 0 : i32
    %ne3A_214 = arith.cmpi ne, %rem3A_212, %ne3A_213 : i32
    %lt3A_215 = arith.constant 0 : i32
    %lt3A_216 = arith.cmpi slt, %rem3A_212, %lt3A_215 : i32
    %lt3A_217 = arith.constant 0 : i32
    %lt3A_218 = arith.cmpi slt, %select_n3A_211, %lt3A_217 : i32
    %ne3A_219 = arith.xori %lt3A_216, %lt3A_218 : i1
    %and3A_220 = arith.andi %ne3A_219, %ne3A_214 : i1
    %add3A_221 = arith.addi %rem3A_212, %select_n3A_211 : i32
    %select_n3A_222 = arith.select %and3A_220, %add3A_221, %rem3A_212 : i32
    %mul3A_223 = arith.constant 128 : i32
    %mul3A_224 = arith.muli %select_n3A_222, %mul3A_223 : i32
    %sub3A_225 = arith.subi %select_n3A_206, %select_n3A : i32
    %mul3A_226 = arith.constant 24 : i32
    %mul3A_227 = arith.muli %sub3A_225, %mul3A_226 : i32
    %get3A_228 = arith.index_cast %mul3A_227 : i32 to index
    %get3A_229 = tpu.vector_load %arg6[%get3A_228] {strides = array<i32>} : memref<240xi32, #tpu.memory_space<vmem>>, vector<16xi32>,
    %add3A_230 = arith.constant 16 : i32
    %add3A_231 = arith.addi %mul3A_227, %add3A_230 : i32
    %get3A_232 = arith.index_cast %add3A_231 : i32 to index
    %get3A_233 = tpu.vector_load %arg6[%get3A_232] {strides = array<i32>} : memref<240xi32, #tpu.memory_space<vmem>>, vector<16xi32>,
    %slice3A_234 = vector.extract_strided_slice %get3A_229 {offsets = [0], sizes = [1], strides = [1]} : vector<16xi32> to vector<1xi32>
    %squeeze3A_235 = vector.extract %slice3A_234[0] : i32 from vector<1xi32>
    %slice3A_236 = vector.extract_strided_slice %get3A_229 {offsets = [1], sizes = [1], strides = [1]} : vector<16xi32> to vector<1xi32>
    %squeeze3A_237 = vector.extract %slice3A_236[0] : i32 from vector<1xi32>
    %slice3A_238 = vector.extract_strided_slice %get3A_229 {offsets = [2], sizes = [1], strides = [1]} : vector<16xi32> to vector<1xi32>
    %squeeze3A_239 = vector.extract %slice3A_238[0] : i32 from vector<1xi32>
    %slice3A_240 = vector.extract_strided_slice %get3A_229 {offsets = [3], sizes = [1], strides = [1]} : vector<16xi32> to vector<1xi32>
    %squeeze3A_241 = vector.extract %slice3A_240[0] : i32 from vector<1xi32>
    %slice3A_242 = vector.extract_strided_slice %get3A_229 {offsets = [4], sizes = [1], strides = [1]} : vector<16xi32> to vector<1xi32>
    %squeeze3A_243 = vector.extract %slice3A_242[0] : i32 from vector<1xi32>
    %slice3A_244 = vector.extract_strided_slice %get3A_229 {offsets = [5], sizes = [1], strides = [1]} : vector<16xi32> to vector<1xi32>
    %squeeze3A_245 = vector.extract %slice3A_244[0] : i32 from vector<1xi32>
    %slice3A_246 = vector.extract_strided_slice %get3A_229 {offsets = [6], sizes = [1], strides = [1]} : vector<16xi32> to vector<1xi32>
    %squeeze3A_247 = vector.extract %slice3A_246[0] : i32 from vector<1xi32>
    %slice3A_248 = vector.extract_strided_slice %get3A_229 {offsets = [7], sizes = [1], strides = [1]} : vector<16xi32> to vector<1xi32>
    %squeeze3A_249 = vector.extract %slice3A_248[0] : i32 from vector<1xi32>
    %slice3A_250 = vector.extract_strided_slice %get3A_229 {offsets = [8], sizes = [1], strides = [1]} : vector<16xi32> to vector<1xi32>
    %squeeze3A_251 = vector.extract %slice3A_250[0] : i32 from vector<1xi32>
    %slice3A_252 = vector.extract_strided_slice %get3A_229 {offsets = [9], sizes = [1], strides = [1]} : vector<16xi32> to vector<1xi32>
    %squeeze3A_253 = vector.extract %slice3A_252[0] : i32 from vector<1xi32>
    %slice3A_254 = vector.extract_strided_slice %get3A_229 {offsets = [10], sizes = [1], strides = [1]} : vector<16xi32> to vector<1xi32>
    %squeeze3A_255 = vector.extract %slice3A_254[0] : i32 from vector<1xi32>
    %slice3A_256 = vector.extract_strided_slice %get3A_229 {offsets = [11], sizes = [1], strides = [1]} : vector<16xi32> to vector<1xi32>
    %squeeze3A_257 = vector.extract %slice3A_256[0] : i32 from vector<1xi32>
    %slice3A_258 = vector.extract_strided_slice %get3A_229 {offsets = [12], sizes = [1], strides = [1]} : vector<16xi32> to vector<1xi32>
    %squeeze3A_259 = vector.extract %slice3A_258[0] : i32 from vector<1xi32>
    %slice3A_260 = vector.extract_strided_slice %get3A_229 {offsets = [13], sizes = [1], strides = [1]} : vector<16xi32> to vector<1xi32>
    %squeeze3A_261 = vector.extract %slice3A_260[0] : i32 from vector<1xi32>
    %slice3A_262 = vector.extract_strided_slice %get3A_229 {offsets = [14], sizes = [1], strides = [1]} : vector<16xi32> to vector<1xi32>
    %squeeze3A_263 = vector.extract %slice3A_262[0] : i32 from vector<1xi32>
    %slice3A_264 = vector.extract_strided_slice %get3A_229 {offsets = [15], sizes = [1], strides = [1]} : vector<16xi32> to vector<1xi32>
    %squeeze3A_265 = vector.extract %slice3A_264[0] : i32 from vector<1xi32>
    %slice3A_266 = vector.extract_strided_slice %get3A_233 {offsets = [0], sizes = [1], strides = [1]} : vector<16xi32> to vector<1xi32>
    %squeeze3A_267 = vector.extract %slice3A_266[0] : i32 from vector<1xi32>
    %gt3A_268 = arith.constant 0 : i32
    %gt3A_269 = arith.cmpi sgt, %squeeze3A_235, %gt3A_268 : i32
    %convert_element_type3A_270 = arith.extui %gt3A_269 : i1 to i32
    %cond3A_271 = arith.constant 0 : i32
    %cond3A_272 = arith.cmpi ne, %convert_element_type3A_270, %cond3A_271 : i32
    scf.if %cond3A_272 {
      %multiple_of3A_466 = tpu.assume_multiple %squeeze3A_237, 8 : i32
      %multiple_of3A_467 = tpu.assume_multiple %mul3A_224, 128 : i32
      %dma_start3A_468 = arith.constant 0 : i32
      %dma_start3A_469 = arith.constant 0 : i32
      %dma_start3A_470 = tpu.memref_slice %arg9[%dma_start3A_468, %dma_start3A_469] : memref<256x128xf32, #tpu.memory_space<vmem>> -> memref<16x128xf32, #tpu.memory_space<vmem>>
      %dma_start3A_471 = tpu.memref_slice %arg2[%multiple_of3A_466, %multiple_of3A_467] : memref<65536x1024xf32, #tpu.memory_space<hbm>> -> memref<16x128xf32, #tpu.memory_space<hbm>>
      %dma_start3A_472 = arith.constant 0 : i32
      %dma_start3A_473 = arith.constant 0 : i32
      %dma_start3A_474 = tpu.memref_slice %arg9[%dma_start3A_472, %dma_start3A_473] : memref<256x128xf32, #tpu.memory_space<vmem>> -> memref<16x128xf32, #tpu.memory_space<vmem>>
      %dma_start3A_475 = tpu.memref_slice %arg2[%multiple_of3A_466, %multiple_of3A_467] : memref<65536x1024xf32, #tpu.memory_space<hbm>> -> memref<16x128xf32, #tpu.memory_space<hbm>>
      tpu.enqueue_dma source(%dma_start3A_475 : memref<16x128xf32, #tpu.memory_space<hbm>>) target(%dma_start3A_474 : memref<16x128xf32, #tpu.memory_space<vmem>>) target_semaphore(%arg12 : memref<!tpu.dma_semaphore, #tpu.memory_space<semaphore_mem>>)
    } else {
    }
    %gt3A_273 = arith.constant 1 : i32
    %gt3A_274 = arith.cmpi sgt, %squeeze3A_235, %gt3A_273 : i32
    %convert_element_type3A_275 = arith.extui %gt3A_274 : i1 to i32
    %cond3A_276 = arith.constant 0 : i32
    %cond3A_277 = arith.cmpi ne, %convert_element_type3A_275, %cond3A_276 : i32
    scf.if %cond3A_277 {
      %multiple_of3A_466 = tpu.assume_multiple %squeeze3A_239, 8 : i32
      %multiple_of3A_467 = tpu.assume_multiple %mul3A_224, 128 : i32
      %dma_start3A_468 = arith.constant 16 : i32
      %dma_start3A_469 = arith.constant 0 : i32
      %dma_start3A_470 = tpu.memref_slice %arg9[%dma_start3A_468, %dma_start3A_469] : memref<256x128xf32, #tpu.memory_space<vmem>> -> memref<16x128xf32, #tpu.memory_space<vmem>>
      %dma_start3A_471 = tpu.memref_slice %arg2[%multiple_of3A_466, %multiple_of3A_467] : memref<65536x1024xf32, #tpu.memory_space<hbm>> -> memref<16x128xf32, #tpu.memory_space<hbm>>
      %dma_start3A_472 = arith.constant 16 : i32
      %dma_start3A_473 = arith.constant 0 : i32
      %dma_start3A_474 = tpu.memref_slice %arg9[%dma_start3A_472, %dma_start3A_473] : memref<256x128xf32, #tpu.memory_space<vmem>> -> memref<16x128xf32, #tpu.memory_space<vmem>>
      %dma_start3A_475 = tpu.memref_slice %arg2[%multiple_of3A_466, %multiple_of3A_467] : memref<65536x1024xf32, #tpu.memory_space<hbm>> -> memref<16x128xf32, #tpu.memory_space<hbm>>
      tpu.enqueue_dma source(%dma_start3A_475 : memref<16x128xf32, #tpu.memory_space<hbm>>) target(%dma_start3A_474 : memref<16x128xf32, #tpu.memory_space<vmem>>) target_semaphore(%arg12 : memref<!tpu.dma_semaphore, #tpu.memory_space<semaphore_mem>>)
    } else {
    }
    %gt3A_278 = arith.constant 2 : i32
    %gt3A_279 = arith.cmpi sgt, %squeeze3A_235, %gt3A_278 : i32
    %convert_element_type3A_280 = arith.extui %gt3A_279 : i1 to i32
    %cond3A_281 = arith.constant 0 : i32
    %cond3A_282 = arith.cmpi ne, %convert_element_type3A_280, %cond3A_281 : i32
    scf.if %cond3A_282 {
      %multiple_of3A_466 = tpu.assume_multiple %squeeze3A_241, 8 : i32
      %multiple_of3A_467 = tpu.assume_multiple %mul3A_224, 128 : i32
      %dma_start3A_468 = arith.constant 32 : i32
      %dma_start3A_469 = arith.constant 0 : i32
      %dma_start3A_470 = tpu.memref_slice %arg9[%dma_start3A_468, %dma_start3A_469] : memref<256x128xf32, #tpu.memory_space<vmem>> -> memref<16x128xf32, #tpu.memory_space<vmem>>
      %dma_start3A_471 = tpu.memref_slice %arg2[%multiple_of3A_466, %multiple_of3A_467] : memref<65536x1024xf32, #tpu.memory_space<hbm>> -> memref<16x128xf32, #tpu.memory_space<hbm>>
      %dma_start3A_472 = arith.constant 32 : i32
      %dma_start3A_473 = arith.constant 0 : i32
      %dma_start3A_474 = tpu.memref_slice %arg9[%dma_start3A_472, %dma_start3A_473] : memref<256x128xf32, #tpu.memory_space<vmem>> -> memref<16x128xf32, #tpu.memory_space<vmem>>
      %dma_start3A_475 = tpu.memref_slice %arg2[%multiple_of3A_466, %multiple_of3A_467] : memref<65536x1024xf32, #tpu.memory_space<hbm>> -> memref<16x128xf32, #tpu.memory_space<hbm>>
      tpu.enqueue_dma source(%dma_start3A_475 : memref<16x128xf32, #tpu.memory_space<hbm>>) target(%dma_start3A_474 : memref<16x128xf32, #tpu.memory_space<vmem>>) target_semaphore(%arg12 : memref<!tpu.dma_semaphore, #tpu.memory_space<semaphore_mem>>)
    } else {
    }
    %gt3A_283 = arith.constant 3 : i32
    %gt3A_284 = arith.cmpi sgt, %squeeze3A_235, %gt3A_283 : i32
    %convert_element_type3A_285 = arith.extui %gt3A_284 : i1 to i32
    %cond3A_286 = arith.constant 0 : i32
    %cond3A_287 = arith.cmpi ne, %convert_element_type3A_285, %cond3A_286 : i32
    scf.if %cond3A_287 {
      %multiple_of3A_466 = tpu.assume_multiple %squeeze3A_243, 8 : i32
      %multiple_of3A_467 = tpu.assume_multiple %mul3A_224, 128 : i32
      %dma_start3A_468 = arith.constant 48 : i32
      %dma_start3A_469 = arith.constant 0 : i32
      %dma_start3A_470 = tpu.memref_slice %arg9[%dma_start3A_468, %dma_start3A_469] : memref<256x128xf32, #tpu.memory_space<vmem>> -> memref<16x128xf32, #tpu.memory_space<vmem>>
      %dma_start3A_471 = tpu.memref_slice %arg2[%multiple_of3A_466, %multiple_of3A_467] : memref<65536x1024xf32, #tpu.memory_space<hbm>> -> memref<16x128xf32, #tpu.memory_space<hbm>>
      %dma_start3A_472 = arith.constant 48 : i32
      %dma_start3A_473 = arith.constant 0 : i32
      %dma_start3A_474 = tpu.memref_slice %arg9[%dma_start3A_472, %dma_start3A_473] : memref<256x128xf32, #tpu.memory_space<vmem>> -> memref<16x128xf32, #tpu.memory_space<vmem>>
      %dma_start3A_475 = tpu.memref_slice %arg2[%multiple_of3A_466, %multiple_of3A_467] : memref<65536x1024xf32, #tpu.memory_space<hbm>> -> memref<16x128xf32, #tpu.memory_space<hbm>>
      tpu.enqueue_dma source(%dma_start3A_475 : memref<16x128xf32, #tpu.memory_space<hbm>>) target(%dma_start3A_474 : memref<16x128xf32, #tpu.memory_space<vmem>>) target_semaphore(%arg12 : memref<!tpu.dma_semaphore, #tpu.memory_space<semaphore_mem>>)
    } else {
    }
    %gt3A_288 = arith.constant 4 : i32
    %gt3A_289 = arith.cmpi sgt, %squeeze3A_235, %gt3A_288 : i32
    %convert_element_type3A_290 = arith.extui %gt3A_289 : i1 to i32
    %cond3A_291 = arith.constant 0 : i32
    %cond3A_292 = arith.cmpi ne, %convert_element_type3A_290, %cond3A_291 : i32
    scf.if %cond3A_292 {
      %multiple_of3A_466 = tpu.assume_multiple %squeeze3A_245, 8 : i32
      %multiple_of3A_467 = tpu.assume_multiple %mul3A_224, 128 : i32
      %dma_start3A_468 = arith.constant 64 : i32
      %dma_start3A_469 = arith.constant 0 : i32
      %dma_start3A_470 = tpu.memref_slice %arg9[%dma_start3A_468, %dma_start3A_469] : memref<256x128xf32, #tpu.memory_space<vmem>> -> memref<16x128xf32, #tpu.memory_space<vmem>>
      %dma_start3A_471 = tpu.memref_slice %arg2[%multiple_of3A_466, %multiple_of3A_467] : memref<65536x1024xf32, #tpu.memory_space<hbm>> -> memref<16x128xf32, #tpu.memory_space<hbm>>
      %dma_start3A_472 = arith.constant 64 : i32
      %dma_start3A_473 = arith.constant 0 : i32
      %dma_start3A_474 = tpu.memref_slice %arg9[%dma_start3A_472, %dma_start3A_473] : memref<256x128xf32, #tpu.memory_space<vmem>> -> memref<16x128xf32, #tpu.memory_space<vmem>>
      %dma_start3A_475 = tpu.memref_slice %arg2[%multiple_of3A_466, %multiple_of3A_467] : memref<65536x1024xf32, #tpu.memory_space<hbm>> -> memref<16x128xf32, #tpu.memory_space<hbm>>
      tpu.enqueue_dma source(%dma_start3A_475 : memref<16x128xf32, #tpu.memory_space<hbm>>) target(%dma_start3A_474 : memref<16x128xf32, #tpu.memory_space<vmem>>) target_semaphore(%arg12 : memref<!tpu.dma_semaphore, #tpu.memory_space<semaphore_mem>>)
    } else {
    }
    %gt3A_293 = arith.constant 5 : i32
    %gt3A_294 = arith.cmpi sgt, %squeeze3A_235, %gt3A_293 : i32
    %convert_element_type3A_295 = arith.extui %gt3A_294 : i1 to i32
    %cond3A_296 = arith.constant 0 : i32
    %cond3A_297 = arith.cmpi ne, %convert_element_type3A_295, %cond3A_296 : i32
    scf.if %cond3A_297 {
      %multiple_of3A_466 = tpu.assume_multiple %squeeze3A_247, 8 : i32
      %multiple_of3A_467 = tpu.assume_multiple %mul3A_224, 128 : i32
      %dma_start3A_468 = arith.constant 80 : i32
      %dma_start3A_469 = arith.constant 0 : i32
      %dma_start3A_470 = tpu.memref_slice %arg9[%dma_start3A_468, %dma_start3A_469] : memref<256x128xf32, #tpu.memory_space<vmem>> -> memref<16x128xf32, #tpu.memory_space<vmem>>
      %dma_start3A_471 = tpu.memref_slice %arg2[%multiple_of3A_466, %multiple_of3A_467] : memref<65536x1024xf32, #tpu.memory_space<hbm>> -> memref<16x128xf32, #tpu.memory_space<hbm>>
      %dma_start3A_472 = arith.constant 80 : i32
      %dma_start3A_473 = arith.constant 0 : i32
      %dma_start3A_474 = tpu.memref_slice %arg9[%dma_start3A_472, %dma_start3A_473] : memref<256x128xf32, #tpu.memory_space<vmem>> -> memref<16x128xf32, #tpu.memory_space<vmem>>
      %dma_start3A_475 = tpu.memref_slice %arg2[%multiple_of3A_466, %multiple_of3A_467] : memref<65536x1024xf32, #tpu.memory_space<hbm>> -> memref<16x128xf32, #tpu.memory_space<hbm>>
      tpu.enqueue_dma source(%dma_start3A_475 : memref<16x128xf32, #tpu.memory_space<hbm>>) target(%dma_start3A_474 : memref<16x128xf32, #tpu.memory_space<vmem>>) target_semaphore(%arg12 : memref<!tpu.dma_semaphore, #tpu.memory_space<semaphore_mem>>)
    } else {
    }
    %gt3A_298 = arith.constant 6 : i32
    %gt3A_299 = arith.cmpi sgt, %squeeze3A_235, %gt3A_298 : i32
    %convert_element_type3A_300 = arith.extui %gt3A_299 : i1 to i32
    %cond3A_301 = arith.constant 0 : i32
    %cond3A_302 = arith.cmpi ne, %convert_element_type3A_300, %cond3A_301 : i32
    scf.if %cond3A_302 {
      %multiple_of3A_466 = tpu.assume_multiple %squeeze3A_249, 8 : i32
      %multiple_of3A_467 = tpu.assume_multiple %mul3A_224, 128 : i32
      %dma_start3A_468 = arith.constant 96 : i32
      %dma_start3A_469 = arith.constant 0 : i32
      %dma_start3A_470 = tpu.memref_slice %arg9[%dma_start3A_468, %dma_start3A_469] : memref<256x128xf32, #tpu.memory_space<vmem>> -> memref<16x128xf32, #tpu.memory_space<vmem>>
      %dma_start3A_471 = tpu.memref_slice %arg2[%multiple_of3A_466, %multiple_of3A_467] : memref<65536x1024xf32, #tpu.memory_space<hbm>> -> memref<16x128xf32, #tpu.memory_space<hbm>>
      %dma_start3A_472 = arith.constant 96 : i32
      %dma_start3A_473 = arith.constant 0 : i32
      %dma_start3A_474 = tpu.memref_slice %arg9[%dma_start3A_472, %dma_start3A_473] : memref<256x128xf32, #tpu.memory_space<vmem>> -> memref<16x128xf32, #tpu.memory_space<vmem>>
      %dma_start3A_475 = tpu.memref_slice %arg2[%multiple_of3A_466, %multiple_of3A_467] : memref<65536x1024xf32, #tpu.memory_space<hbm>> -> memref<16x128xf32, #tpu.memory_space<hbm>>
      tpu.enqueue_dma source(%dma_start3A_475 : memref<16x128xf32, #tpu.memory_space<hbm>>) target(%dma_start3A_474 : memref<16x128xf32, #tpu.memory_space<vmem>>) target_semaphore(%arg12 : memref<!tpu.dma_semaphore, #tpu.memory_space<semaphore_mem>>)
    } else {
    }
    %gt3A_303 = arith.constant 7 : i32
    %gt3A_304 = arith.cmpi sgt, %squeeze3A_235, %gt3A_303 : i32
    %convert_element_type3A_305 = arith.extui %gt3A_304 : i1 to i32
    %cond3A_306 = arith.constant 0 : i32
    %cond3A_307 = arith.cmpi ne, %convert_element_type3A_305, %cond3A_306 : i32
    scf.if %cond3A_307 {
      %multiple_of3A_466 = tpu.assume_multiple %squeeze3A_251, 8 : i32
      %multiple_of3A_467 = tpu.assume_multiple %mul3A_224, 128 : i32
      %dma_start3A_468 = arith.constant 112 : i32
      %dma_start3A_469 = arith.constant 0 : i32
      %dma_start3A_470 = tpu.memref_slice %arg9[%dma_start3A_468, %dma_start3A_469] : memref<256x128xf32, #tpu.memory_space<vmem>> -> memref<16x128xf32, #tpu.memory_space<vmem>>
      %dma_start3A_471 = tpu.memref_slice %arg2[%multiple_of3A_466, %multiple_of3A_467] : memref<65536x1024xf32, #tpu.memory_space<hbm>> -> memref<16x128xf32, #tpu.memory_space<hbm>>
      %dma_start3A_472 = arith.constant 112 : i32
      %dma_start3A_473 = arith.constant 0 : i32
      %dma_start3A_474 = tpu.memref_slice %arg9[%dma_start3A_472, %dma_start3A_473] : memref<256x128xf32, #tpu.memory_space<vmem>> -> memref<16x128xf32, #tpu.memory_space<vmem>>
      %dma_start3A_475 = tpu.memref_slice %arg2[%multiple_of3A_466, %multiple_of3A_467] : memref<65536x1024xf32, #tpu.memory_space<hbm>> -> memref<16x128xf32, #tpu.memory_space<hbm>>
      tpu.enqueue_dma source(%dma_start3A_475 : memref<16x128xf32, #tpu.memory_space<hbm>>) target(%dma_start3A_474 : memref<16x128xf32, #tpu.memory_space<vmem>>) target_semaphore(%arg12 : memref<!tpu.dma_semaphore, #tpu.memory_space<semaphore_mem>>)
    } else {
    }
    %gt3A_308 = arith.constant 8 : i32
    %gt3A_309 = arith.cmpi sgt, %squeeze3A_235, %gt3A_308 : i32
    %convert_element_type3A_310 = arith.extui %gt3A_309 : i1 to i32
    %cond3A_311 = arith.constant 0 : i32
    %cond3A_312 = arith.cmpi ne, %convert_element_type3A_310, %cond3A_311 : i32
    scf.if %cond3A_312 {
      %multiple_of3A_466 = tpu.assume_multiple %squeeze3A_253, 8 : i32
      %multiple_of3A_467 = tpu.assume_multiple %mul3A_224, 128 : i32
      %dma_start3A_468 = arith.constant 128 : i32
      %dma_start3A_469 = arith.constant 0 : i32
      %dma_start3A_470 = tpu.memref_slice %arg9[%dma_start3A_468, %dma_start3A_469] : memref<256x128xf32, #tpu.memory_space<vmem>> -> memref<16x128xf32, #tpu.memory_space<vmem>>
      %dma_start3A_471 = tpu.memref_slice %arg2[%multiple_of3A_466, %multiple_of3A_467] : memref<65536x1024xf32, #tpu.memory_space<hbm>> -> memref<16x128xf32, #tpu.memory_space<hbm>>
      %dma_start3A_472 = arith.constant 128 : i32
      %dma_start3A_473 = arith.constant 0 : i32
      %dma_start3A_474 = tpu.memref_slice %arg9[%dma_start3A_472, %dma_start3A_473] : memref<256x128xf32, #tpu.memory_space<vmem>> -> memref<16x128xf32, #tpu.memory_space<vmem>>
      %dma_start3A_475 = tpu.memref_slice %arg2[%multiple_of3A_466, %multiple_of3A_467] : memref<65536x1024xf32, #tpu.memory_space<hbm>> -> memref<16x128xf32, #tpu.memory_space<hbm>>
      tpu.enqueue_dma source(%dma_start3A_475 : memref<16x128xf32, #tpu.memory_space<hbm>>) target(%dma_start3A_474 : memref<16x128xf32, #tpu.memory_space<vmem>>) target_semaphore(%arg12 : memref<!tpu.dma_semaphore, #tpu.memory_space<semaphore_mem>>)
    } else {
    }
    %gt3A_313 = arith.constant 9 : i32
    %gt3A_314 = arith.cmpi sgt, %squeeze3A_235, %gt3A_313 : i32
    %convert_element_type3A_315 = arith.extui %gt3A_314 : i1 to i32
    %cond3A_316 = arith.constant 0 : i32
    %cond3A_317 = arith.cmpi ne, %convert_element_type3A_315, %cond3A_316 : i32
    scf.if %cond3A_317 {
      %multiple_of3A_466 = tpu.assume_multiple %squeeze3A_255, 8 : i32
      %multiple_of3A_467 = tpu.assume_multiple %mul3A_224, 128 : i32
      %dma_start3A_468 = arith.constant 144 : i32
      %dma_start3A_469 = arith.constant 0 : i32
      %dma_start3A_470 = tpu.memref_slice %arg9[%dma_start3A_468, %dma_start3A_469] : memref<256x128xf32, #tpu.memory_space<vmem>> -> memref<16x128xf32, #tpu.memory_space<vmem>>
      %dma_start3A_471 = tpu.memref_slice %arg2[%multiple_of3A_466, %multiple_of3A_467] : memref<65536x1024xf32, #tpu.memory_space<hbm>> -> memref<16x128xf32, #tpu.memory_space<hbm>>
      %dma_start3A_472 = arith.constant 144 : i32
      %dma_start3A_473 = arith.constant 0 : i32
      %dma_start3A_474 = tpu.memref_slice %arg9[%dma_start3A_472, %dma_start3A_473] : memref<256x128xf32, #tpu.memory_space<vmem>> -> memref<16x128xf32, #tpu.memory_space<vmem>>
      %dma_start3A_475 = tpu.memref_slice %arg2[%multiple_of3A_466, %multiple_of3A_467] : memref<65536x1024xf32, #tpu.memory_space<hbm>> -> memref<16x128xf32, #tpu.memory_space<hbm>>
      tpu.enqueue_dma source(%dma_start3A_475 : memref<16x128xf32, #tpu.memory_space<hbm>>) target(%dma_start3A_474 : memref<16x128xf32, #tpu.memory_space<vmem>>) target_semaphore(%arg12 : memref<!tpu.dma_semaphore, #tpu.memory_space<semaphore_mem>>)
    } else {
    }
    %gt3A_318 = arith.constant 10 : i32
    %gt3A_319 = arith.cmpi sgt, %squeeze3A_235, %gt3A_318 : i32
    %convert_element_type3A_320 = arith.extui %gt3A_319 : i1 to i32
    %cond3A_321 = arith.constant 0 : i32
    %cond3A_322 = arith.cmpi ne, %convert_element_type3A_320, %cond3A_321 : i32
    scf.if %cond3A_322 {
      %multiple_of3A_466 = tpu.assume_multiple %squeeze3A_257, 8 : i32
      %multiple_of3A_467 = tpu.assume_multiple %mul3A_224, 128 : i32
      %dma_start3A_468 = arith.constant 160 : i32
      %dma_start3A_469 = arith.constant 0 : i32
      %dma_start3A_470 = tpu.memref_slice %arg9[%dma_start3A_468, %dma_start3A_469] : memref<256x128xf32, #tpu.memory_space<vmem>> -> memref<16x128xf32, #tpu.memory_space<vmem>>
      %dma_start3A_471 = tpu.memref_slice %arg2[%multiple_of3A_466, %multiple_of3A_467] : memref<65536x1024xf32, #tpu.memory_space<hbm>> -> memref<16x128xf32, #tpu.memory_space<hbm>>
      %dma_start3A_472 = arith.constant 160 : i32
      %dma_start3A_473 = arith.constant 0 : i32
      %dma_start3A_474 = tpu.memref_slice %arg9[%dma_start3A_472, %dma_start3A_473] : memref<256x128xf32, #tpu.memory_space<vmem>> -> memref<16x128xf32, #tpu.memory_space<vmem>>
      %dma_start3A_475 = tpu.memref_slice %arg2[%multiple_of3A_466, %multiple_of3A_467] : memref<65536x1024xf32, #tpu.memory_space<hbm>> -> memref<16x128xf32, #tpu.memory_space<hbm>>
      tpu.enqueue_dma source(%dma_start3A_475 : memref<16x128xf32, #tpu.memory_space<hbm>>) target(%dma_start3A_474 : memref<16x128xf32, #tpu.memory_space<vmem>>) target_semaphore(%arg12 : memref<!tpu.dma_semaphore, #tpu.memory_space<semaphore_mem>>)
    } else {
    }
    %gt3A_323 = arith.constant 11 : i32
    %gt3A_324 = arith.cmpi sgt, %squeeze3A_235, %gt3A_323 : i32
    %convert_element_type3A_325 = arith.extui %gt3A_324 : i1 to i32
    %cond3A_326 = arith.constant 0 : i32
    %cond3A_327 = arith.cmpi ne, %convert_element_type3A_325, %cond3A_326 : i32
    scf.if %cond3A_327 {
      %multiple_of3A_466 = tpu.assume_multiple %squeeze3A_259, 8 : i32
      %multiple_of3A_467 = tpu.assume_multiple %mul3A_224, 128 : i32
      %dma_start3A_468 = arith.constant 176 : i32
      %dma_start3A_469 = arith.constant 0 : i32
      %dma_start3A_470 = tpu.memref_slice %arg9[%dma_start3A_468, %dma_start3A_469] : memref<256x128xf32, #tpu.memory_space<vmem>> -> memref<16x128xf32, #tpu.memory_space<vmem>>
      %dma_start3A_471 = tpu.memref_slice %arg2[%multiple_of3A_466, %multiple_of3A_467] : memref<65536x1024xf32, #tpu.memory_space<hbm>> -> memref<16x128xf32, #tpu.memory_space<hbm>>
      %dma_start3A_472 = arith.constant 176 : i32
      %dma_start3A_473 = arith.constant 0 : i32
      %dma_start3A_474 = tpu.memref_slice %arg9[%dma_start3A_472, %dma_start3A_473] : memref<256x128xf32, #tpu.memory_space<vmem>> -> memref<16x128xf32, #tpu.memory_space<vmem>>
      %dma_start3A_475 = tpu.memref_slice %arg2[%multiple_of3A_466, %multiple_of3A_467] : memref<65536x1024xf32, #tpu.memory_space<hbm>> -> memref<16x128xf32, #tpu.memory_space<hbm>>
      tpu.enqueue_dma source(%dma_start3A_475 : memref<16x128xf32, #tpu.memory_space<hbm>>) target(%dma_start3A_474 : memref<16x128xf32, #tpu.memory_space<vmem>>) target_semaphore(%arg12 : memref<!tpu.dma_semaphore, #tpu.memory_space<semaphore_mem>>)
    } else {
    }
    %gt3A_328 = arith.constant 12 : i32
    %gt3A_329 = arith.cmpi sgt, %squeeze3A_235, %gt3A_328 : i32
    %convert_element_type3A_330 = arith.extui %gt3A_329 : i1 to i32
    %cond3A_331 = arith.constant 0 : i32
    %cond3A_332 = arith.cmpi ne, %convert_element_type3A_330, %cond3A_331 : i32
    scf.if %cond3A_332 {
      %multiple_of3A_466 = tpu.assume_multiple %squeeze3A_261, 8 : i32
      %multiple_of3A_467 = tpu.assume_multiple %mul3A_224, 128 : i32
      %dma_start3A_468 = arith.constant 192 : i32
      %dma_start3A_469 = arith.constant 0 : i32
      %dma_start3A_470 = tpu.memref_slice %arg9[%dma_start3A_468, %dma_start3A_469] : memref<256x128xf32, #tpu.memory_space<vmem>> -> memref<16x128xf32, #tpu.memory_space<vmem>>
      %dma_start3A_471 = tpu.memref_slice %arg2[%multiple_of3A_466, %multiple_of3A_467] : memref<65536x1024xf32, #tpu.memory_space<hbm>> -> memref<16x128xf32, #tpu.memory_space<hbm>>
      %dma_start3A_472 = arith.constant 192 : i32
      %dma_start3A_473 = arith.constant 0 : i32
      %dma_start3A_474 = tpu.memref_slice %arg9[%dma_start3A_472, %dma_start3A_473] : memref<256x128xf32, #tpu.memory_space<vmem>> -> memref<16x128xf32, #tpu.memory_space<vmem>>
      %dma_start3A_475 = tpu.memref_slice %arg2[%multiple_of3A_466, %multiple_of3A_467] : memref<65536x1024xf32, #tpu.memory_space<hbm>> -> memref<16x128xf32, #tpu.memory_space<hbm>>
      tpu.enqueue_dma source(%dma_start3A_475 : memref<16x128xf32, #tpu.memory_space<hbm>>) target(%dma_start3A_474 : memref<16x128xf32, #tpu.memory_space<vmem>>) target_semaphore(%arg12 : memref<!tpu.dma_semaphore, #tpu.memory_space<semaphore_mem>>)
    } else {
    }
    %gt3A_333 = arith.constant 13 : i32
    %gt3A_334 = arith.cmpi sgt, %squeeze3A_235, %gt3A_333 : i32
    %convert_element_type3A_335 = arith.extui %gt3A_334 : i1 to i32
    %cond3A_336 = arith.constant 0 : i32
    %cond3A_337 = arith.cmpi ne, %convert_element_type3A_335, %cond3A_336 : i32
    scf.if %cond3A_337 {
      %multiple_of3A_466 = tpu.assume_multiple %squeeze3A_263, 8 : i32
      %multiple_of3A_467 = tpu.assume_multiple %mul3A_224, 128 : i32
      %dma_start3A_468 = arith.constant 208 : i32
      %dma_start3A_469 = arith.constant 0 : i32
      %dma_start3A_470 = tpu.memref_slice %arg9[%dma_start3A_468, %dma_start3A_469] : memref<256x128xf32, #tpu.memory_space<vmem>> -> memref<16x128xf32, #tpu.memory_space<vmem>>
      %dma_start3A_471 = tpu.memref_slice %arg2[%multiple_of3A_466, %multiple_of3A_467] : memref<65536x1024xf32, #tpu.memory_space<hbm>> -> memref<16x128xf32, #tpu.memory_space<hbm>>
      %dma_start3A_472 = arith.constant 208 : i32
      %dma_start3A_473 = arith.constant 0 : i32
      %dma_start3A_474 = tpu.memref_slice %arg9[%dma_start3A_472, %dma_start3A_473] : memref<256x128xf32, #tpu.memory_space<vmem>> -> memref<16x128xf32, #tpu.memory_space<vmem>>
      %dma_start3A_475 = tpu.memref_slice %arg2[%multiple_of3A_466, %multiple_of3A_467] : memref<65536x1024xf32, #tpu.memory_space<hbm>> -> memref<16x128xf32, #tpu.memory_space<hbm>>
      tpu.enqueue_dma source(%dma_start3A_475 : memref<16x128xf32, #tpu.memory_space<hbm>>) target(%dma_start3A_474 : memref<16x128xf32, #tpu.memory_space<vmem>>) target_semaphore(%arg12 : memref<!tpu.dma_semaphore, #tpu.memory_space<semaphore_mem>>)
    } else {
    }
    %gt3A_338 = arith.constant 14 : i32
    %gt3A_339 = arith.cmpi sgt, %squeeze3A_235, %gt3A_338 : i32
    %convert_element_type3A_340 = arith.extui %gt3A_339 : i1 to i32
    %cond3A_341 = arith.constant 0 : i32
    %cond3A_342 = arith.cmpi ne, %convert_element_type3A_340, %cond3A_341 : i32
    scf.if %cond3A_342 {
      %multiple_of3A_466 = tpu.assume_multiple %squeeze3A_265, 8 : i32
      %multiple_of3A_467 = tpu.assume_multiple %mul3A_224, 128 : i32
      %dma_start3A_468 = arith.constant 224 : i32
      %dma_start3A_469 = arith.constant 0 : i32
      %dma_start3A_470 = tpu.memref_slice %arg9[%dma_start3A_468, %dma_start3A_469] : memref<256x128xf32, #tpu.memory_space<vmem>> -> memref<16x128xf32, #tpu.memory_space<vmem>>
      %dma_start3A_471 = tpu.memref_slice %arg2[%multiple_of3A_466, %multiple_of3A_467] : memref<65536x1024xf32, #tpu.memory_space<hbm>> -> memref<16x128xf32, #tpu.memory_space<hbm>>
      %dma_start3A_472 = arith.constant 224 : i32
      %dma_start3A_473 = arith.constant 0 : i32
      %dma_start3A_474 = tpu.memref_slice %arg9[%dma_start3A_472, %dma_start3A_473] : memref<256x128xf32, #tpu.memory_space<vmem>> -> memref<16x128xf32, #tpu.memory_space<vmem>>
      %dma_start3A_475 = tpu.memref_slice %arg2[%multiple_of3A_466, %multiple_of3A_467] : memref<65536x1024xf32, #tpu.memory_space<hbm>> -> memref<16x128xf32, #tpu.memory_space<hbm>>
      tpu.enqueue_dma source(%dma_start3A_475 : memref<16x128xf32, #tpu.memory_space<hbm>>) target(%dma_start3A_474 : memref<16x128xf32, #tpu.memory_space<vmem>>) target_semaphore(%arg12 : memref<!tpu.dma_semaphore, #tpu.memory_space<semaphore_mem>>)
    } else {
    }
    %gt3A_343 = arith.constant 15 : i32
    %gt3A_344 = arith.cmpi sgt, %squeeze3A_235, %gt3A_343 : i32
    %convert_element_type3A_345 = arith.extui %gt3A_344 : i1 to i32
    %cond3A_346 = arith.constant 0 : i32
    %cond3A_347 = arith.cmpi ne, %convert_element_type3A_345, %cond3A_346 : i32
    scf.if %cond3A_347 {
      %multiple_of3A_466 = tpu.assume_multiple %squeeze3A_267, 8 : i32
      %multiple_of3A_467 = tpu.assume_multiple %mul3A_224, 128 : i32
      %dma_start3A_468 = arith.constant 240 : i32
      %dma_start3A_469 = arith.constant 0 : i32
      %dma_start3A_470 = tpu.memref_slice %arg9[%dma_start3A_468, %dma_start3A_469] : memref<256x128xf32, #tpu.memory_space<vmem>> -> memref<16x128xf32, #tpu.memory_space<vmem>>
      %dma_start3A_471 = tpu.memref_slice %arg2[%multiple_of3A_466, %multiple_of3A_467] : memref<65536x1024xf32, #tpu.memory_space<hbm>> -> memref<16x128xf32, #tpu.memory_space<hbm>>
      %dma_start3A_472 = arith.constant 240 : i32
      %dma_start3A_473 = arith.constant 0 : i32
      %dma_start3A_474 = tpu.memref_slice %arg9[%dma_start3A_472, %dma_start3A_473] : memref<256x128xf32, #tpu.memory_space<vmem>> -> memref<16x128xf32, #tpu.memory_space<vmem>>
      %dma_start3A_475 = tpu.memref_slice %arg2[%multiple_of3A_466, %multiple_of3A_467] : memref<65536x1024xf32, #tpu.memory_space<hbm>> -> memref<16x128xf32, #tpu.memory_space<hbm>>
      tpu.enqueue_dma source(%dma_start3A_475 : memref<16x128xf32, #tpu.memory_space<hbm>>) target(%dma_start3A_474 : memref<16x128xf32, #tpu.memory_space<vmem>>) target_semaphore(%arg12 : memref<!tpu.dma_semaphore, #tpu.memory_space<semaphore_mem>>)
    } else {
    }
    %scan3A = arith.constant 0 : i32
    %scan3A_348 = arith.constant 0 : i32
    %scan3A_349 = arith.constant 32 : i32
    %scan3A_350 = arith.addi %scan3A_348, %scan3A_349 : i32
    %scan3A_351 = arith.constant 1 : i32
    scf.for %scan3A_466 = %scan3A_348 to %scan3A_350 step %scan3A_351  : i32 {
      %mul3A_467 = arith.constant 2 : i32
      %mul3A_468 = arith.muli %mul3A_467, %scan3A_466 : i32
      %add3A_469 = arith.addi %mul3A_2, %mul3A_468 : i32
      %jit3A_470 = arith.constant 8 : i32
      %div3A_471 = arith.divsi %add3A_469, %jit3A_470 : i32
      %sign3A_472 = arith.constant 0 : i32
      %sign3A_473 = arith.cmpi sgt, %add3A_469, %sign3A_472 : i32
      %sign3A_474 = arith.extui %sign3A_473 : i1 to i32
      %sign3A_475 = arith.constant 0 : i32
      %sign3A_476 = arith.cmpi slt, %add3A_469, %sign3A_475 : i32
      %sign3A_477 = arith.extui %sign3A_476 : i1 to i32
      %sign3A_478 = arith.subi %sign3A_474, %sign3A_477 : i32
      %sign3A_479 = arith.constant 0 : i32
      %sign3A_480 = arith.cmpi sgt, %jit3A_470, %sign3A_479 : i32
      %sign3A_481 = arith.extui %sign3A_480 : i1 to i32
      %sign3A_482 = arith.constant 0 : i32
      %sign3A_483 = arith.cmpi slt, %jit3A_470, %sign3A_482 : i32
      %sign3A_484 = arith.extui %sign3A_483 : i1 to i32
      %sign3A_485 = arith.subi %sign3A_481, %sign3A_484 : i32
      %ne3A_486 = arith.cmpi ne, %sign3A_478, %sign3A_485 : i32
      %rem3A_487 = arith.remsi %add3A_469, %jit3A_470 : i32
      %ne3A_488 = arith.constant 0 : i32
      %ne3A_489 = arith.cmpi ne, %rem3A_487, %ne3A_488 : i32
      %and3A_490 = arith.andi %ne3A_486, %ne3A_489 : i1
      %sub3A_491 = arith.constant 1 : i32
      %sub3A_492 = arith.subi %div3A_471, %sub3A_491 : i32
      %select_n3A_493 = arith.select %and3A_490, %sub3A_492, %div3A_471 : i32
      %sub3A_494 = arith.subi %select_n3A_493, %select_n3A : i32
      %mul3A_495 = arith.constant 24 : i32
      %mul3A_496 = arith.muli %sub3A_494, %mul3A_495 : i32
      %get3A_497 = arith.index_cast %mul3A_496 : i32 to index
      %get3A_498 = tpu.vector_load %arg6[%get3A_497] {strides = array<i32>} : memref<240xi32, #tpu.memory_space<vmem>>, vector<16xi32>,
      %slice3A_499 = vector.extract_strided_slice %get3A_498 {offsets = [0], sizes = [1], strides = [1]} : vector<16xi32> to vector<1xi32>
      %squeeze3A_500 = vector.extract %slice3A_499[0] : i32 from vector<1xi32>
      %while3A_501 = arith.constant 0 : i32
      %while3A_502 = arith.constant 0 : i32
      %while3A_503 = arith.subi %squeeze3A_500, %while3A_502 : i32
      %while3A_504 = arith.addi %while3A_502, %while3A_503 : i32
      %while3A_505 = arith.constant 1 : i32
      %while3A_506 = arith.divsi %while3A_503, %while3A_505 : i32
      %while3A_507 = arith.muli %while3A_506, %while3A_505 : i32
      %while3A_508 = arith.addi %while3A_502, %while3A_507 : i32
      %while3A_509 = arith.constant 1 : i32
      scf.for %while3A_694 = %while3A_502 to %while3A_508 step %while3A_509  : i32 {
        %dma_wait3A_695 = arith.constant 0 : i32
        %dma_wait3A_696 = arith.constant 0 : i32
        %dma_wait3A_697 = tpu.memref_slice %arg8[%dma_wait3A_695, %dma_wait3A_696] : memref<256x128xf32, #tpu.memory_space<vmem>> -> memref<16x128xf32, #tpu.memory_space<vmem>>
        %dma_wait3A_698 = arith.constant 0 : i32
        %dma_wait3A_699 = arith.constant 0 : i32
        %dma_wait3A_700 = tpu.memref_slice %arg2[%dma_wait3A_698, %dma_wait3A_699] : memref<65536x1024xf32, #tpu.memory_space<hbm>> -> memref<16x128xf32, #tpu.memory_space<hbm>>
        %dma_wait3A_701 = arith.constant 0 : i32
        %dma_wait3A_702 = arith.constant 0 : i32
        %dma_wait3A_703 = tpu.memref_slice %arg8[%dma_wait3A_701, %dma_wait3A_702] : memref<256x128xf32, #tpu.memory_space<vmem>> -> memref<16x128xf32, #tpu.memory_space<vmem>>
        %dma_wait3A_704 = arith.constant 0 : i32
        %dma_wait3A_705 = arith.constant 0 : i32
        %dma_wait3A_706 = tpu.memref_slice %arg2[%dma_wait3A_704, %dma_wait3A_705] : memref<65536x1024xf32, #tpu.memory_space<hbm>> -> memref<16x128xf32, #tpu.memory_space<hbm>>
        tpu.wait_dma2 semaphore(%arg12 : memref<!tpu.dma_semaphore, #tpu.memory_space<semaphore_mem>>) src(%dma_wait3A_706 : memref<16x128xf32, #tpu.memory_space<hbm>>) dst(%dma_wait3A_703 : memref<16x128xf32, #tpu.memory_space<vmem>>)
      }
      %while3A_510 = arith.constant 1 : i32
      scf.for %while3A_694 = %while3A_508 to %while3A_504 step %while3A_510  : i32 {
        %dma_wait3A_695 = arith.constant 0 : i32
        %dma_wait3A_696 = arith.constant 0 : i32
        %dma_wait3A_697 = tpu.memref_slice %arg8[%dma_wait3A_695, %dma_wait3A_696] : memref<256x128xf32, #tpu.memory_space<vmem>> -> memref<16x128xf32, #tpu.memory_space<vmem>>
        %dma_wait3A_698 = arith.constant 0 : i32
        %dma_wait3A_699 = arith.constant 0 : i32
        %dma_wait3A_700 = tpu.memref_slice %arg2[%dma_wait3A_698, %dma_wait3A_699] : memref<65536x1024xf32, #tpu.memory_space<hbm>> -> memref<16x128xf32, #tpu.memory_space<hbm>>
        %dma_wait3A_701 = arith.constant 0 : i32
        %dma_wait3A_702 = arith.constant 0 : i32
        %dma_wait3A_703 = tpu.memref_slice %arg8[%dma_wait3A_701, %dma_wait3A_702] : memref<256x128xf32, #tpu.memory_space<vmem>> -> memref<16x128xf32, #tpu.memory_space<vmem>>
        %dma_wait3A_704 = arith.constant 0 : i32
        %dma_wait3A_705 = arith.constant 0 : i32
        %dma_wait3A_706 = tpu.memref_slice %arg2[%dma_wait3A_704, %dma_wait3A_705] : memref<65536x1024xf32, #tpu.memory_space<hbm>> -> memref<16x128xf32, #tpu.memory_space<hbm>>
        tpu.wait_dma2 semaphore(%arg12 : memref<!tpu.dma_semaphore, #tpu.memory_space<semaphore_mem>>) src(%dma_wait3A_706 : memref<16x128xf32, #tpu.memory_space<hbm>>) dst(%dma_wait3A_703 : memref<16x128xf32, #tpu.memory_space<vmem>>)
      }
      %gt3A_511 = arith.constant 0 : i32
      %gt3A_512 = arith.cmpi sgt, %scan3A_466, %gt3A_511 : i32
      %convert_element_type3A_513 = arith.extui %gt3A_512 : i1 to i32
      %cond3A_514 = arith.constant 0 : i32
      %cond3A_515 = arith.cmpi ne, %convert_element_type3A_513, %cond3A_514 : i32
      scf.if %cond3A_515 {
        %dma_wait3A_694 = arith.constant 0 : i32
        %dma_wait3A_695 = arith.constant 0 : i32
        %dma_wait3A_696 = tpu.memref_slice %arg5[%dma_wait3A_694, %dma_wait3A_695] : memref<1024x33280xf32, #tpu.memory_space<hbm>> -> memref<128x128xf32, #tpu.memory_space<hbm>>
        %dma_wait3A_697 = arith.constant 0 : i32
        %dma_wait3A_698 = arith.constant 0 : i32
        %dma_wait3A_699 = tpu.memref_slice %arg5[%dma_wait3A_697, %dma_wait3A_698] : memref<1024x33280xf32, #tpu.memory_space<hbm>> -> memref<128x128xf32, #tpu.memory_space<hbm>>
        tpu.wait_dma2 semaphore(%arg13 : memref<!tpu.dma_semaphore, #tpu.memory_space<semaphore_mem>>) src(%arg10 : memref<128x128xf32, #tpu.memory_space<vmem>>) dst(%dma_wait3A_699 : memref<128x128xf32, #tpu.memory_space<hbm>>)
      } else {
      }
      %jit3A_516 = arith.constant 8 : i32
      %div3A_517 = arith.divsi %add3A_469, %jit3A_516 : i32
      %sign3A_518 = arith.constant 0 : i32
      %sign3A_519 = arith.cmpi sgt, %add3A_469, %sign3A_518 : i32
      %sign3A_520 = arith.extui %sign3A_519 : i1 to i32
      %sign3A_521 = arith.constant 0 : i32
      %sign3A_522 = arith.cmpi slt, %add3A_469, %sign3A_521 : i32
      %sign3A_523 = arith.extui %sign3A_522 : i1 to i32
      %sign3A_524 = arith.subi %sign3A_520, %sign3A_523 : i32
      %sign3A_525 = arith.constant 0 : i32
      %sign3A_526 = arith.cmpi sgt, %jit3A_516, %sign3A_525 : i32
      %sign3A_527 = arith.extui %sign3A_526 : i1 to i32
      %sign3A_528 = arith.constant 0 : i32
      %sign3A_529 = arith.cmpi slt, %jit3A_516, %sign3A_528 : i32
      %sign3A_530 = arith.extui %sign3A_529 : i1 to i32
      %sign3A_531 = arith.subi %sign3A_527, %sign3A_530 : i32
      %ne3A_532 = arith.cmpi ne, %sign3A_524, %sign3A_531 : i32
      %rem3A_533 = arith.remsi %add3A_469, %jit3A_516 : i32
      %ne3A_534 = arith.constant 0 : i32
      %ne3A_535 = arith.cmpi ne, %rem3A_533, %ne3A_534 : i32
      %and3A_536 = arith.andi %ne3A_532, %ne3A_535 : i1
      %sub3A_537 = arith.constant 1 : i32
      %sub3A_538 = arith.subi %div3A_517, %sub3A_537 : i32
      %select_n3A_539 = arith.select %and3A_536, %sub3A_538, %div3A_517 : i32
      %jit3A_540 = arith.constant 8 : i32
      %eq3A_541 = arith.constant 0 : i32
      %eq3A_542 = arith.cmpi eq, %jit3A_540, %eq3A_541 : i32
      %jit3A_543 = arith.constant 1 : i32
      %select_n3A_544 = arith.select %eq3A_542, %jit3A_543, %jit3A_540 : i32
      %rem3A_545 = arith.remsi %add3A_469, %select_n3A_544 : i32
      %ne3A_546 = arith.constant 0 : i32
      %ne3A_547 = arith.cmpi ne, %rem3A_545, %ne3A_546 : i32
      %lt3A_548 = arith.constant 0 : i32
      %lt3A_549 = arith.cmpi slt, %rem3A_545, %lt3A_548 : i32
      %lt3A_550 = arith.constant 0 : i32
      %lt3A_551 = arith.cmpi slt, %select_n3A_544, %lt3A_550 : i32
      %ne3A_552 = arith.xori %lt3A_549, %lt3A_551 : i1
      %and3A_553 = arith.andi %ne3A_552, %ne3A_547 : i1
      %add3A_554 = arith.addi %rem3A_545, %select_n3A_544 : i32
      %select_n3A_555 = arith.select %and3A_553, %add3A_554, %rem3A_545 : i32
      %mul3A_556 = arith.constant 128 : i32
      %mul3A_557 = arith.muli %select_n3A_555, %mul3A_556 : i32
      %sub3A_558 = arith.subi %select_n3A_539, %select_n3A : i32
      %mul3A_559 = arith.constant 128 : i32
      %mul3A_560 = arith.muli %sub3A_558, %mul3A_559 : i32
      %iota3A_561 = tpu.iota {dimensions = array<i32: 0>} : vector<16xi32>
      %parallel_loop3A_562 = arith.constant 0 : i32
      %parallel_loop3A_563 = arith.constant 64 : i32
      %parallel_loop3A_564 = arith.constant 1 : i32
      scf.for %parallel_loop3A_694 = %parallel_loop3A_562 to %parallel_loop3A_563 step %parallel_loop3A_564  : i32 {
        %parallel_loop3A_695 = arith.constant 8 : i32
        %parallel_loop3A_696 = arith.divsi %parallel_loop3A_694, %parallel_loop3A_695 : i32
        %parallel_loop3A_697 = arith.constant 0 : i32
        %parallel_loop3A_698 = arith.cmpi sgt, %parallel_loop3A_694, %parallel_loop3A_697 : i32
        %parallel_loop3A_699 = arith.extui %parallel_loop3A_698 : i1 to i32
        %parallel_loop3A_700 = arith.constant 0 : i32
        %parallel_loop3A_701 = arith.cmpi slt, %parallel_loop3A_694, %parallel_loop3A_700 : i32
        %parallel_loop3A_702 = arith.extui %parallel_loop3A_701 : i1 to i32
        %parallel_loop3A_703 = arith.subi %parallel_loop3A_699, %parallel_loop3A_702 : i32
        %parallel_loop3A_704 = arith.constant 0 : i32
        %parallel_loop3A_705 = arith.cmpi sgt, %parallel_loop3A_695, %parallel_loop3A_704 : i32
        %parallel_loop3A_706 = arith.extui %parallel_loop3A_705 : i1 to i32
        %parallel_loop3A_707 = arith.constant 0 : i32
        %parallel_loop3A_708 = arith.cmpi slt, %parallel_loop3A_695, %parallel_loop3A_707 : i32
        %parallel_loop3A_709 = arith.extui %parallel_loop3A_708 : i1 to i32
        %parallel_loop3A_710 = arith.subi %parallel_loop3A_706, %parallel_loop3A_709 : i32
        %parallel_loop3A_711 = arith.cmpi ne, %parallel_loop3A_703, %parallel_loop3A_710 : i32
        %parallel_loop3A_712 = arith.remsi %parallel_loop3A_694, %parallel_loop3A_695 : i32
        %parallel_loop3A_713 = arith.constant 0 : i32
        %parallel_loop3A_714 = arith.cmpi ne, %parallel_loop3A_712, %parallel_loop3A_713 : i32
        %parallel_loop3A_715 = arith.andi %parallel_loop3A_711, %parallel_loop3A_714 : i1
        %parallel_loop3A_716 = arith.constant 1 : i32
        %parallel_loop3A_717 = arith.subi %parallel_loop3A_696, %parallel_loop3A_716 : i32
        %parallel_loop3A_718 = arith.select %parallel_loop3A_715, %parallel_loop3A_717, %parallel_loop3A_696 : i32
        %parallel_loop3A_719 = arith.constant 16 : i32
        %parallel_loop3A_720 = arith.muli %parallel_loop3A_718, %parallel_loop3A_719 : i32
        %parallel_loop3A_721 = arith.constant 8 : i32
        %parallel_loop3A_722 = arith.constant 0 : i32
        %parallel_loop3A_723 = arith.cmpi eq, %parallel_loop3A_721, %parallel_loop3A_722 : i32
        %parallel_loop3A_724 = arith.constant 1 : i32
        %parallel_loop3A_725 = arith.select %parallel_loop3A_723, %parallel_loop3A_724, %parallel_loop3A_721 : i32
        %parallel_loop3A_726 = arith.remsi %parallel_loop3A_694, %parallel_loop3A_725 : i32
        %parallel_loop3A_727 = arith.constant 0 : i32
        %parallel_loop3A_728 = arith.cmpi ne, %parallel_loop3A_726, %parallel_loop3A_727 : i32
        %parallel_loop3A_729 = arith.constant 0 : i32
        %parallel_loop3A_730 = arith.cmpi slt, %parallel_loop3A_726, %parallel_loop3A_729 : i32
        %parallel_loop3A_731 = arith.constant 0 : i32
        %parallel_loop3A_732 = arith.cmpi slt, %parallel_loop3A_725, %parallel_loop3A_731 : i32
        %parallel_loop3A_733 = arith.xori %parallel_loop3A_730, %parallel_loop3A_732 : i1
        %parallel_loop3A_734 = arith.andi %parallel_loop3A_733, %parallel_loop3A_728 : i1
        %parallel_loop3A_735 = arith.addi %parallel_loop3A_726, %parallel_loop3A_725 : i32
        %parallel_loop3A_736 = arith.select %parallel_loop3A_734, %parallel_loop3A_735, %parallel_loop3A_726 : i32
        %parallel_loop3A_737 = arith.constant 16 : i32
        %parallel_loop3A_738 = arith.muli %parallel_loop3A_736, %parallel_loop3A_737 : i32
        %parallel_loop3A_739 = arith.addi %mul3A_560, %parallel_loop3A_738 : i32
        %parallel_loop3A_740 = arith.index_cast %parallel_loop3A_739 : i32 to index
        %parallel_loop3A_741 = tpu.vector_load %arg7[%parallel_loop3A_740] {strides = array<i32>} : memref<1280xi32, #tpu.memory_space<vmem>>, vector<16xi32>,
        %parallel_loop3A_742 = vector.broadcast %parallel_loop3A_738 : i32 to vector<16xi32>
        %parallel_loop3A_743 = arith.addi %iota3A_561, %parallel_loop3A_742 : vector<16xi32>
        %parallel_loop3A_744 = vector.broadcast %parallel_loop3A_720 : i32 to vector<16xi32>
        %parallel_loop3A_745 = arith.addi %parallel_loop3A_744, %iota3A_561 : vector<16xi32>
        %parallel_loop3A_746 = tpu.vector_load_idx %arg8[%parallel_loop3A_741, %parallel_loop3A_745] : memref<256x128xf32, #tpu.memory_space<vmem>>[vector<16xi32>, vector<16xi32>], vector<16xf32>,
        tpu.vector_store_idx %arg10[%parallel_loop3A_745, %parallel_loop3A_743], %parallel_loop3A_746 : memref<128x128xf32, #tpu.memory_space<vmem>>[vector<16xi32>, vector<16xi32>], vector<16xf32>,
        %parallel_loop3A_747 = arith.constant 1 : i32
        %parallel_loop3A_748 = vector.broadcast %parallel_loop3A_747 : i32 to vector<16xi32>
        %parallel_loop3A_749 = arith.addi %iota3A_561, %parallel_loop3A_748 : vector<16xi32>
        %parallel_loop3A_750 = arith.constant 15 : i32
        %parallel_loop3A_751 = vector.broadcast %parallel_loop3A_750 : i32 to vector<16xi32>
        %parallel_loop3A_752 = arith.andi %parallel_loop3A_749, %parallel_loop3A_751 : vector<16xi32>
        %parallel_loop3A_753 = arith.addi %parallel_loop3A_744, %parallel_loop3A_752 : vector<16xi32>
        %parallel_loop3A_754 = tpu.vector_load_idx %arg8[%parallel_loop3A_741, %parallel_loop3A_753] : memref<256x128xf32, #tpu.memory_space<vmem>>[vector<16xi32>, vector<16xi32>], vector<16xf32>,
        tpu.vector_store_idx %arg10[%parallel_loop3A_753, %parallel_loop3A_743], %parallel_loop3A_754 : memref<128x128xf32, #tpu.memory_space<vmem>>[vector<16xi32>, vector<16xi32>], vector<16xf32>,
        %parallel_loop3A_755 = arith.constant 1 : i32
        %parallel_loop3A_756 = vector.broadcast %parallel_loop3A_755 : i32 to vector<16xi32>
        %parallel_loop3A_757 = arith.addi %parallel_loop3A_752, %parallel_loop3A_756 : vector<16xi32>
        %parallel_loop3A_758 = arith.constant 15 : i32
        %parallel_loop3A_759 = vector.broadcast %parallel_loop3A_758 : i32 to vector<16xi32>
        %parallel_loop3A_760 = arith.andi %parallel_loop3A_757, %parallel_loop3A_759 : vector<16xi32>
        %parallel_loop3A_761 = arith.addi %parallel_loop3A_744, %parallel_loop3A_760 : vector<16xi32>
        %parallel_loop3A_762 = tpu.vector_load_idx %arg8[%parallel_loop3A_741, %parallel_loop3A_761] : memref<256x128xf32, #tpu.memory_space<vmem>>[vector<16xi32>, vector<16xi32>], vector<16xf32>,
        tpu.vector_store_idx %arg10[%parallel_loop3A_761, %parallel_loop3A_743], %parallel_loop3A_762 : memref<128x128xf32, #tpu.memory_space<vmem>>[vector<16xi32>, vector<16xi32>], vector<16xf32>,
        %parallel_loop3A_763 = arith.constant 1 : i32
        %parallel_loop3A_764 = vector.broadcast %parallel_loop3A_763 : i32 to vector<16xi32>
        %parallel_loop3A_765 = arith.addi %parallel_loop3A_760, %parallel_loop3A_764 : vector<16xi32>
        %parallel_loop3A_766 = arith.constant 15 : i32
        %parallel_loop3A_767 = vector.broadcast %parallel_loop3A_766 : i32 to vector<16xi32>
        %parallel_loop3A_768 = arith.andi %parallel_loop3A_765, %parallel_loop3A_767 : vector<16xi32>
        %parallel_loop3A_769 = arith.addi %parallel_loop3A_744, %parallel_loop3A_768 : vector<16xi32>
        %parallel_loop3A_770 = tpu.vector_load_idx %arg8[%parallel_loop3A_741, %parallel_loop3A_769] : memref<256x128xf32, #tpu.memory_space<vmem>>[vector<16xi32>, vector<16xi32>], vector<16xf32>,
        tpu.vector_store_idx %arg10[%parallel_loop3A_769, %parallel_loop3A_743], %parallel_loop3A_770 : memref<128x128xf32, #tpu.memory_space<vmem>>[vector<16xi32>, vector<16xi32>], vector<16xf32>,
        %parallel_loop3A_771 = arith.constant 1 : i32
        %parallel_loop3A_772 = vector.broadcast %parallel_loop3A_771 : i32 to vector<16xi32>
        %parallel_loop3A_773 = arith.addi %parallel_loop3A_768, %parallel_loop3A_772 : vector<16xi32>
        %parallel_loop3A_774 = arith.constant 15 : i32
        %parallel_loop3A_775 = vector.broadcast %parallel_loop3A_774 : i32 to vector<16xi32>
        %parallel_loop3A_776 = arith.andi %parallel_loop3A_773, %parallel_loop3A_775 : vector<16xi32>
        %parallel_loop3A_777 = arith.addi %parallel_loop3A_744, %parallel_loop3A_776 : vector<16xi32>
        %parallel_loop3A_778 = tpu.vector_load_idx %arg8[%parallel_loop3A_741, %parallel_loop3A_777] : memref<256x128xf32, #tpu.memory_space<vmem>>[vector<16xi32>, vector<16xi32>], vector<16xf32>,
        tpu.vector_store_idx %arg10[%parallel_loop3A_777, %parallel_loop3A_743], %parallel_loop3A_778 : memref<128x128xf32, #tpu.memory_space<vmem>>[vector<16xi32>, vector<16xi32>], vector<16xf32>,
        %parallel_loop3A_779 = arith.constant 1 : i32
        %parallel_loop3A_780 = vector.broadcast %parallel_loop3A_779 : i32 to vector<16xi32>
        %parallel_loop3A_781 = arith.addi %parallel_loop3A_776, %parallel_loop3A_780 : vector<16xi32>
        %parallel_loop3A_782 = arith.constant 15 : i32
        %parallel_loop3A_783 = vector.broadcast %parallel_loop3A_782 : i32 to vector<16xi32>
        %parallel_loop3A_784 = arith.andi %parallel_loop3A_781, %parallel_loop3A_783 : vector<16xi32>
        %parallel_loop3A_785 = arith.addi %parallel_loop3A_744, %parallel_loop3A_784 : vector<16xi32>
        %parallel_loop3A_786 = tpu.vector_load_idx %arg8[%parallel_loop3A_741, %parallel_loop3A_785] : memref<256x128xf32, #tpu.memory_space<vmem>>[vector<16xi32>, vector<16xi32>], vector<16xf32>,
        tpu.vector_store_idx %arg10[%parallel_loop3A_785, %parallel_loop3A_743], %parallel_loop3A_786 : memref<128x128xf32, #tpu.memory_space<vmem>>[vector<16xi32>, vector<16xi32>], vector<16xf32>,
        %parallel_loop3A_787 = arith.constant 1 : i32
        %parallel_loop3A_788 = vector.broadcast %parallel_loop3A_787 : i32 to vector<16xi32>
        %parallel_loop3A_789 = arith.addi %parallel_loop3A_784, %parallel_loop3A_788 : vector<16xi32>
        %parallel_loop3A_790 = arith.constant 15 : i32
        %parallel_loop3A_791 = vector.broadcast %parallel_loop3A_790 : i32 to vector<16xi32>
        %parallel_loop3A_792 = arith.andi %parallel_loop3A_789, %parallel_loop3A_791 : vector<16xi32>
        %parallel_loop3A_793 = arith.addi %parallel_loop3A_744, %parallel_loop3A_792 : vector<16xi32>
        %parallel_loop3A_794 = tpu.vector_load_idx %arg8[%parallel_loop3A_741, %parallel_loop3A_793] : memref<256x128xf32, #tpu.memory_space<vmem>>[vector<16xi32>, vector<16xi32>], vector<16xf32>,
        tpu.vector_store_idx %arg10[%parallel_loop3A_793, %parallel_loop3A_743], %parallel_loop3A_794 : memref<128x128xf32, #tpu.memory_space<vmem>>[vector<16xi32>, vector<16xi32>], vector<16xf32>,
        %parallel_loop3A_795 = arith.constant 1 : i32
        %parallel_loop3A_796 = vector.broadcast %parallel_loop3A_795 : i32 to vector<16xi32>
        %parallel_loop3A_797 = arith.addi %parallel_loop3A_792, %parallel_loop3A_796 : vector<16xi32>
        %parallel_loop3A_798 = arith.constant 15 : i32
        %parallel_loop3A_799 = vector.broadcast %parallel_loop3A_798 : i32 to vector<16xi32>
        %parallel_loop3A_800 = arith.andi %parallel_loop3A_797, %parallel_loop3A_799 : vector<16xi32>
        %parallel_loop3A_801 = arith.addi %parallel_loop3A_744, %parallel_loop3A_800 : vector<16xi32>
        %parallel_loop3A_802 = tpu.vector_load_idx %arg8[%parallel_loop3A_741, %parallel_loop3A_801] : memref<256x128xf32, #tpu.memory_space<vmem>>[vector<16xi32>, vector<16xi32>], vector<16xf32>,
        tpu.vector_store_idx %arg10[%parallel_loop3A_801, %parallel_loop3A_743], %parallel_loop3A_802 : memref<128x128xf32, #tpu.memory_space<vmem>>[vector<16xi32>, vector<16xi32>], vector<16xf32>,
        %parallel_loop3A_803 = arith.constant 1 : i32
        %parallel_loop3A_804 = vector.broadcast %parallel_loop3A_803 : i32 to vector<16xi32>
        %parallel_loop3A_805 = arith.addi %parallel_loop3A_800, %parallel_loop3A_804 : vector<16xi32>
        %parallel_loop3A_806 = arith.constant 15 : i32
        %parallel_loop3A_807 = vector.broadcast %parallel_loop3A_806 : i32 to vector<16xi32>
        %parallel_loop3A_808 = arith.andi %parallel_loop3A_805, %parallel_loop3A_807 : vector<16xi32>
        %parallel_loop3A_809 = arith.addi %parallel_loop3A_744, %parallel_loop3A_808 : vector<16xi32>
        %parallel_loop3A_810 = tpu.vector_load_idx %arg8[%parallel_loop3A_741, %parallel_loop3A_809] : memref<256x128xf32, #tpu.memory_space<vmem>>[vector<16xi32>, vector<16xi32>], vector<16xf32>,
        tpu.vector_store_idx %arg10[%parallel_loop3A_809, %parallel_loop3A_743], %parallel_loop3A_810 : memref<128x128xf32, #tpu.memory_space<vmem>>[vector<16xi32>, vector<16xi32>], vector<16xf32>,
        %parallel_loop3A_811 = arith.constant 1 : i32
        %parallel_loop3A_812 = vector.broadcast %parallel_loop3A_811 : i32 to vector<16xi32>
        %parallel_loop3A_813 = arith.addi %parallel_loop3A_808, %parallel_loop3A_812 : vector<16xi32>
        %parallel_loop3A_814 = arith.constant 15 : i32
        %parallel_loop3A_815 = vector.broadcast %parallel_loop3A_814 : i32 to vector<16xi32>
        %parallel_loop3A_816 = arith.andi %parallel_loop3A_813, %parallel_loop3A_815 : vector<16xi32>
        %parallel_loop3A_817 = arith.addi %parallel_loop3A_744, %parallel_loop3A_816 : vector<16xi32>
        %parallel_loop3A_818 = tpu.vector_load_idx %arg8[%parallel_loop3A_741, %parallel_loop3A_817] : memref<256x128xf32, #tpu.memory_space<vmem>>[vector<16xi32>, vector<16xi32>], vector<16xf32>,
        tpu.vector_store_idx %arg10[%parallel_loop3A_817, %parallel_loop3A_743], %parallel_loop3A_818 : memref<128x128xf32, #tpu.memory_space<vmem>>[vector<16xi32>, vector<16xi32>], vector<16xf32>,
        %parallel_loop3A_819 = arith.constant 1 : i32
        %parallel_loop3A_820 = vector.broadcast %parallel_loop3A_819 : i32 to vector<16xi32>
        %parallel_loop3A_821 = arith.addi %parallel_loop3A_816, %parallel_loop3A_820 : vector<16xi32>
        %parallel_loop3A_822 = arith.constant 15 : i32
        %parallel_loop3A_823 = vector.broadcast %parallel_loop3A_822 : i32 to vector<16xi32>
        %parallel_loop3A_824 = arith.andi %parallel_loop3A_821, %parallel_loop3A_823 : vector<16xi32>
        %parallel_loop3A_825 = arith.addi %parallel_loop3A_744, %parallel_loop3A_824 : vector<16xi32>
        %parallel_loop3A_826 = tpu.vector_load_idx %arg8[%parallel_loop3A_741, %parallel_loop3A_825] : memref<256x128xf32, #tpu.memory_space<vmem>>[vector<16xi32>, vector<16xi32>], vector<16xf32>,
        tpu.vector_store_idx %arg10[%parallel_loop3A_825, %parallel_loop3A_743], %parallel_loop3A_826 : memref<128x128xf32, #tpu.memory_space<vmem>>[vector<16xi32>, vector<16xi32>], vector<16xf32>,
        %parallel_loop3A_827 = arith.constant 1 : i32
        %parallel_loop3A_828 = vector.broadcast %parallel_loop3A_827 : i32 to vector<16xi32>
        %parallel_loop3A_829 = arith.addi %parallel_loop3A_824, %parallel_loop3A_828 : vector<16xi32>
        %parallel_loop3A_830 = arith.constant 15 : i32
        %parallel_loop3A_831 = vector.broadcast %parallel_loop3A_830 : i32 to vector<16xi32>
        %parallel_loop3A_832 = arith.andi %parallel_loop3A_829, %parallel_loop3A_831 : vector<16xi32>
        %parallel_loop3A_833 = arith.addi %parallel_loop3A_744, %parallel_loop3A_832 : vector<16xi32>
        %parallel_loop3A_834 = tpu.vector_load_idx %arg8[%parallel_loop3A_741, %parallel_loop3A_833] : memref<256x128xf32, #tpu.memory_space<vmem>>[vector<16xi32>, vector<16xi32>], vector<16xf32>,
        tpu.vector_store_idx %arg10[%parallel_loop3A_833, %parallel_loop3A_743], %parallel_loop3A_834 : memref<128x128xf32, #tpu.memory_space<vmem>>[vector<16xi32>, vector<16xi32>], vector<16xf32>,
        %parallel_loop3A_835 = arith.constant 1 : i32
        %parallel_loop3A_836 = vector.broadcast %parallel_loop3A_835 : i32 to vector<16xi32>
        %parallel_loop3A_837 = arith.addi %parallel_loop3A_832, %parallel_loop3A_836 : vector<16xi32>
        %parallel_loop3A_838 = arith.constant 15 : i32
        %parallel_loop3A_839 = vector.broadcast %parallel_loop3A_838 : i32 to vector<16xi32>
        %parallel_loop3A_840 = arith.andi %parallel_loop3A_837, %parallel_loop3A_839 : vector<16xi32>
        %parallel_loop3A_841 = arith.addi %parallel_loop3A_744, %parallel_loop3A_840 : vector<16xi32>
        %parallel_loop3A_842 = tpu.vector_load_idx %arg8[%parallel_loop3A_741, %parallel_loop3A_841] : memref<256x128xf32, #tpu.memory_space<vmem>>[vector<16xi32>, vector<16xi32>], vector<16xf32>,
        tpu.vector_store_idx %arg10[%parallel_loop3A_841, %parallel_loop3A_743], %parallel_loop3A_842 : memref<128x128xf32, #tpu.memory_space<vmem>>[vector<16xi32>, vector<16xi32>], vector<16xf32>,
        %parallel_loop3A_843 = arith.constant 1 : i32
        %parallel_loop3A_844 = vector.broadcast %parallel_loop3A_843 : i32 to vector<16xi32>
        %parallel_loop3A_845 = arith.addi %parallel_loop3A_840, %parallel_loop3A_844 : vector<16xi32>
        %parallel_loop3A_846 = arith.constant 15 : i32
        %parallel_loop3A_847 = vector.broadcast %parallel_loop3A_846 : i32 to vector<16xi32>
        %parallel_loop3A_848 = arith.andi %parallel_loop3A_845, %parallel_loop3A_847 : vector<16xi32>
        %parallel_loop3A_849 = arith.addi %parallel_loop3A_744, %parallel_loop3A_848 : vector<16xi32>
        %parallel_loop3A_850 = tpu.vector_load_idx %arg8[%parallel_loop3A_741, %parallel_loop3A_849] : memref<256x128xf32, #tpu.memory_space<vmem>>[vector<16xi32>, vector<16xi32>], vector<16xf32>,
        tpu.vector_store_idx %arg10[%parallel_loop3A_849, %parallel_loop3A_743], %parallel_loop3A_850 : memref<128x128xf32, #tpu.memory_space<vmem>>[vector<16xi32>, vector<16xi32>], vector<16xf32>,
        %parallel_loop3A_851 = arith.constant 1 : i32
        %parallel_loop3A_852 = vector.broadcast %parallel_loop3A_851 : i32 to vector<16xi32>
        %parallel_loop3A_853 = arith.addi %parallel_loop3A_848, %parallel_loop3A_852 : vector<16xi32>
        %parallel_loop3A_854 = arith.constant 15 : i32
        %parallel_loop3A_855 = vector.broadcast %parallel_loop3A_854 : i32 to vector<16xi32>
        %parallel_loop3A_856 = arith.andi %parallel_loop3A_853, %parallel_loop3A_855 : vector<16xi32>
        %parallel_loop3A_857 = arith.addi %parallel_loop3A_744, %parallel_loop3A_856 : vector<16xi32>
        %parallel_loop3A_858 = tpu.vector_load_idx %arg8[%parallel_loop3A_741, %parallel_loop3A_857] : memref<256x128xf32, #tpu.memory_space<vmem>>[vector<16xi32>, vector<16xi32>], vector<16xf32>,
        tpu.vector_store_idx %arg10[%parallel_loop3A_857, %parallel_loop3A_743], %parallel_loop3A_858 : memref<128x128xf32, #tpu.memory_space<vmem>>[vector<16xi32>, vector<16xi32>], vector<16xf32>,
        %parallel_loop3A_859 = arith.constant 1 : i32
        %parallel_loop3A_860 = vector.broadcast %parallel_loop3A_859 : i32 to vector<16xi32>
        %parallel_loop3A_861 = arith.addi %parallel_loop3A_856, %parallel_loop3A_860 : vector<16xi32>
        %parallel_loop3A_862 = arith.constant 15 : i32
        %parallel_loop3A_863 = vector.broadcast %parallel_loop3A_862 : i32 to vector<16xi32>
        %parallel_loop3A_864 = arith.andi %parallel_loop3A_861, %parallel_loop3A_863 : vector<16xi32>
        %parallel_loop3A_865 = arith.addi %parallel_loop3A_744, %parallel_loop3A_864 : vector<16xi32>
        %parallel_loop3A_866 = tpu.vector_load_idx %arg8[%parallel_loop3A_741, %parallel_loop3A_865] : memref<256x128xf32, #tpu.memory_space<vmem>>[vector<16xi32>, vector<16xi32>], vector<16xf32>,
        tpu.vector_store_idx %arg10[%parallel_loop3A_865, %parallel_loop3A_743], %parallel_loop3A_866 : memref<128x128xf32, #tpu.memory_space<vmem>>[vector<16xi32>, vector<16xi32>], vector<16xf32>,
        %parallel_loop3A_867 = arith.constant 1 : i32
        %parallel_loop3A_868 = vector.broadcast %parallel_loop3A_867 : i32 to vector<16xi32>
        %parallel_loop3A_869 = arith.addi %parallel_loop3A_864, %parallel_loop3A_868 : vector<16xi32>
        %parallel_loop3A_870 = arith.constant 15 : i32
        %parallel_loop3A_871 = vector.broadcast %parallel_loop3A_870 : i32 to vector<16xi32>
        %parallel_loop3A_872 = arith.andi %parallel_loop3A_869, %parallel_loop3A_871 : vector<16xi32>
      } {sc.loop_unroll_factor = 2 : i64, sc.parallel_access}
      %multiple_of3A_565 = tpu.assume_multiple %mul3A_557, 128 : i32
      %mul3A_566 = arith.constant 128 : i32
      %mul3A_567 = arith.muli %select_n3A_539, %mul3A_566 : i32
      %multiple_of3A_568 = tpu.assume_multiple %mul3A_567, 128 : i32
      %dma_start3A_569 = tpu.memref_slice %arg5[%multiple_of3A_565, %multiple_of3A_568] : memref<1024x33280xf32, #tpu.memory_space<hbm>> -> memref<128x128xf32, #tpu.memory_space<hbm>>
      %dma_start3A_570 = tpu.memref_slice %arg5[%multiple_of3A_565, %multiple_of3A_568] : memref<1024x33280xf32, #tpu.memory_space<hbm>> -> memref<128x128xf32, #tpu.memory_space<hbm>>
      tpu.enqueue_dma source(%arg10 : memref<128x128xf32, #tpu.memory_space<vmem>>) target(%dma_start3A_570 : memref<128x128xf32, #tpu.memory_space<hbm>>) target_semaphore(%arg13 : memref<!tpu.dma_semaphore, #tpu.memory_space<semaphore_mem>>)
      %mul3A_571 = arith.constant 2 : i32
      %mul3A_572 = arith.muli %mul3A_571, %scan3A_466 : i32
      %add3A_573 = arith.constant 2 : i32
      %add3A_574 = arith.addi %mul3A_572, %add3A_573 : i32
      %lt3A_575 = arith.constant 65 : i32
      %lt3A_576 = arith.cmpi slt, %add3A_574, %lt3A_575 : i32
      %convert_element_type3A_577 = arith.extui %lt3A_576 : i1 to i32
      %cond3A_578 = arith.constant 0 : i32
      %cond3A_579 = arith.cmpi ne, %convert_element_type3A_577, %cond3A_578 : i32
      scf.if %cond3A_579 {
        %add3A_694 = arith.constant 2 : i32
        %add3A_695 = arith.addi %add3A_469, %add3A_694 : i32
        %jit3A_696 = arith.constant 8 : i32
        %div3A_697 = arith.divsi %add3A_695, %jit3A_696 : i32
        %sign3A_698 = arith.constant 0 : i32
        %sign3A_699 = arith.cmpi sgt, %add3A_695, %sign3A_698 : i32
        %sign3A_700 = arith.extui %sign3A_699 : i1 to i32
        %sign3A_701 = arith.constant 0 : i32
        %sign3A_702 = arith.cmpi slt, %add3A_695, %sign3A_701 : i32
        %sign3A_703 = arith.extui %sign3A_702 : i1 to i32
        %sign3A_704 = arith.subi %sign3A_700, %sign3A_703 : i32
        %sign3A_705 = arith.constant 0 : i32
        %sign3A_706 = arith.cmpi sgt, %jit3A_696, %sign3A_705 : i32
        %sign3A_707 = arith.extui %sign3A_706 : i1 to i32
        %sign3A_708 = arith.constant 0 : i32
        %sign3A_709 = arith.cmpi slt, %jit3A_696, %sign3A_708 : i32
        %sign3A_710 = arith.extui %sign3A_709 : i1 to i32
        %sign3A_711 = arith.subi %sign3A_707, %sign3A_710 : i32
        %ne3A_712 = arith.cmpi ne, %sign3A_704, %sign3A_711 : i32
        %rem3A_713 = arith.remsi %add3A_695, %jit3A_696 : i32
        %ne3A_714 = arith.constant 0 : i32
        %ne3A_715 = arith.cmpi ne, %rem3A_713, %ne3A_714 : i32
        %and3A_716 = arith.andi %ne3A_712, %ne3A_715 : i1
        %sub3A_717 = arith.constant 1 : i32
        %sub3A_718 = arith.subi %div3A_697, %sub3A_717 : i32
        %select_n3A_719 = arith.select %and3A_716, %sub3A_718, %div3A_697 : i32
        %jit3A_720 = arith.constant 8 : i32
        %eq3A_721 = arith.constant 0 : i32
        %eq3A_722 = arith.cmpi eq, %jit3A_720, %eq3A_721 : i32
        %jit3A_723 = arith.constant 1 : i32
        %select_n3A_724 = arith.select %eq3A_722, %jit3A_723, %jit3A_720 : i32
        %rem3A_725 = arith.remsi %add3A_695, %select_n3A_724 : i32
        %ne3A_726 = arith.constant 0 : i32
        %ne3A_727 = arith.cmpi ne, %rem3A_725, %ne3A_726 : i32
        %lt3A_728 = arith.constant 0 : i32
        %lt3A_729 = arith.cmpi slt, %rem3A_725, %lt3A_728 : i32
        %lt3A_730 = arith.constant 0 : i32
        %lt3A_731 = arith.cmpi slt, %select_n3A_724, %lt3A_730 : i32
        %ne3A_732 = arith.xori %lt3A_729, %lt3A_731 : i1
        %and3A_733 = arith.andi %ne3A_732, %ne3A_727 : i1
        %add3A_734 = arith.addi %rem3A_725, %select_n3A_724 : i32
        %select_n3A_735 = arith.select %and3A_733, %add3A_734, %rem3A_725 : i32
        %mul3A_736 = arith.constant 128 : i32
        %mul3A_737 = arith.muli %select_n3A_735, %mul3A_736 : i32
        %sub3A_738 = arith.subi %select_n3A_719, %select_n3A : i32
        %mul3A_739 = arith.constant 24 : i32
        %mul3A_740 = arith.muli %sub3A_738, %mul3A_739 : i32
        %get3A_741 = arith.index_cast %mul3A_740 : i32 to index
        %get3A_742 = tpu.vector_load %arg6[%get3A_741] {strides = array<i32>} : memref<240xi32, #tpu.memory_space<vmem>>, vector<16xi32>,
        %add3A_743 = arith.constant 16 : i32
        %add3A_744 = arith.addi %mul3A_740, %add3A_743 : i32
        %get3A_745 = arith.index_cast %add3A_744 : i32 to index
        %get3A_746 = tpu.vector_load %arg6[%get3A_745] {strides = array<i32>} : memref<240xi32, #tpu.memory_space<vmem>>, vector<16xi32>,
        %slice3A_747 = vector.extract_strided_slice %get3A_742 {offsets = [0], sizes = [1], strides = [1]} : vector<16xi32> to vector<1xi32>
        %squeeze3A_748 = vector.extract %slice3A_747[0] : i32 from vector<1xi32>
        %slice3A_749 = vector.extract_strided_slice %get3A_742 {offsets = [1], sizes = [1], strides = [1]} : vector<16xi32> to vector<1xi32>
        %squeeze3A_750 = vector.extract %slice3A_749[0] : i32 from vector<1xi32>
        %slice3A_751 = vector.extract_strided_slice %get3A_742 {offsets = [2], sizes = [1], strides = [1]} : vector<16xi32> to vector<1xi32>
        %squeeze3A_752 = vector.extract %slice3A_751[0] : i32 from vector<1xi32>
        %slice3A_753 = vector.extract_strided_slice %get3A_742 {offsets = [3], sizes = [1], strides = [1]} : vector<16xi32> to vector<1xi32>
        %squeeze3A_754 = vector.extract %slice3A_753[0] : i32 from vector<1xi32>
        %slice3A_755 = vector.extract_strided_slice %get3A_742 {offsets = [4], sizes = [1], strides = [1]} : vector<16xi32> to vector<1xi32>
        %squeeze3A_756 = vector.extract %slice3A_755[0] : i32 from vector<1xi32>
        %slice3A_757 = vector.extract_strided_slice %get3A_742 {offsets = [5], sizes = [1], strides = [1]} : vector<16xi32> to vector<1xi32>
        %squeeze3A_758 = vector.extract %slice3A_757[0] : i32 from vector<1xi32>
        %slice3A_759 = vector.extract_strided_slice %get3A_742 {offsets = [6], sizes = [1], strides = [1]} : vector<16xi32> to vector<1xi32>
        %squeeze3A_760 = vector.extract %slice3A_759[0] : i32 from vector<1xi32>
        %slice3A_761 = vector.extract_strided_slice %get3A_742 {offsets = [7], sizes = [1], strides = [1]} : vector<16xi32> to vector<1xi32>
        %squeeze3A_762 = vector.extract %slice3A_761[0] : i32 from vector<1xi32>
        %slice3A_763 = vector.extract_strided_slice %get3A_742 {offsets = [8], sizes = [1], strides = [1]} : vector<16xi32> to vector<1xi32>
        %squeeze3A_764 = vector.extract %slice3A_763[0] : i32 from vector<1xi32>
        %slice3A_765 = vector.extract_strided_slice %get3A_742 {offsets = [9], sizes = [1], strides = [1]} : vector<16xi32> to vector<1xi32>
        %squeeze3A_766 = vector.extract %slice3A_765[0] : i32 from vector<1xi32>
        %slice3A_767 = vector.extract_strided_slice %get3A_742 {offsets = [10], sizes = [1], strides = [1]} : vector<16xi32> to vector<1xi32>
        %squeeze3A_768 = vector.extract %slice3A_767[0] : i32 from vector<1xi32>
        %slice3A_769 = vector.extract_strided_slice %get3A_742 {offsets = [11], sizes = [1], strides = [1]} : vector<16xi32> to vector<1xi32>
        %squeeze3A_770 = vector.extract %slice3A_769[0] : i32 from vector<1xi32>
        %slice3A_771 = vector.extract_strided_slice %get3A_742 {offsets = [12], sizes = [1], strides = [1]} : vector<16xi32> to vector<1xi32>
        %squeeze3A_772 = vector.extract %slice3A_771[0] : i32 from vector<1xi32>
        %slice3A_773 = vector.extract_strided_slice %get3A_742 {offsets = [13], sizes = [1], strides = [1]} : vector<16xi32> to vector<1xi32>
        %squeeze3A_774 = vector.extract %slice3A_773[0] : i32 from vector<1xi32>
        %slice3A_775 = vector.extract_strided_slice %get3A_742 {offsets = [14], sizes = [1], strides = [1]} : vector<16xi32> to vector<1xi32>
        %squeeze3A_776 = vector.extract %slice3A_775[0] : i32 from vector<1xi32>
        %slice3A_777 = vector.extract_strided_slice %get3A_742 {offsets = [15], sizes = [1], strides = [1]} : vector<16xi32> to vector<1xi32>
        %squeeze3A_778 = vector.extract %slice3A_777[0] : i32 from vector<1xi32>
        %slice3A_779 = vector.extract_strided_slice %get3A_746 {offsets = [0], sizes = [1], strides = [1]} : vector<16xi32> to vector<1xi32>
        %squeeze3A_780 = vector.extract %slice3A_779[0] : i32 from vector<1xi32>
        %gt3A_781 = arith.constant 0 : i32
        %gt3A_782 = arith.cmpi sgt, %squeeze3A_748, %gt3A_781 : i32
        %convert_element_type3A_783 = arith.extui %gt3A_782 : i1 to i32
        %cond3A_784 = arith.constant 0 : i32
        %cond3A_785 = arith.cmpi ne, %convert_element_type3A_783, %cond3A_784 : i32
        scf.if %cond3A_785 {
          %multiple_of3A_861 = tpu.assume_multiple %squeeze3A_750, 8 : i32
          %multiple_of3A_862 = tpu.assume_multiple %mul3A_737, 128 : i32
          %dma_start3A_863 = arith.constant 0 : i32
          %dma_start3A_864 = arith.constant 0 : i32
          %dma_start3A_865 = tpu.memref_slice %arg8[%dma_start3A_863, %dma_start3A_864] : memref<256x128xf32, #tpu.memory_space<vmem>> -> memref<16x128xf32, #tpu.memory_space<vmem>>
          %dma_start3A_866 = tpu.memref_slice %arg2[%multiple_of3A_861, %multiple_of3A_862] : memref<65536x1024xf32, #tpu.memory_space<hbm>> -> memref<16x128xf32, #tpu.memory_space<hbm>>
          %dma_start3A_867 = arith.constant 0 : i32
          %dma_start3A_868 = arith.constant 0 : i32
          %dma_start3A_869 = tpu.memref_slice %arg8[%dma_start3A_867, %dma_start3A_868] : memref<256x128xf32, #tpu.memory_space<vmem>> -> memref<16x128xf32, #tpu.memory_space<vmem>>
          %dma_start3A_870 = tpu.memref_slice %arg2[%multiple_of3A_861, %multiple_of3A_862] : memref<65536x1024xf32, #tpu.memory_space<hbm>> -> memref<16x128xf32, #tpu.memory_space<hbm>>
          tpu.enqueue_dma source(%dma_start3A_870 : memref<16x128xf32, #tpu.memory_space<hbm>>) target(%dma_start3A_869 : memref<16x128xf32, #tpu.memory_space<vmem>>) target_semaphore(%arg12 : memref<!tpu.dma_semaphore, #tpu.memory_space<semaphore_mem>>)
        } else {
        }
        %gt3A_786 = arith.constant 1 : i32
        %gt3A_787 = arith.cmpi sgt, %squeeze3A_748, %gt3A_786 : i32
        %convert_element_type3A_788 = arith.extui %gt3A_787 : i1 to i32
        %cond3A_789 = arith.constant 0 : i32
        %cond3A_790 = arith.cmpi ne, %convert_element_type3A_788, %cond3A_789 : i32
        scf.if %cond3A_790 {
          %multiple_of3A_861 = tpu.assume_multiple %squeeze3A_752, 8 : i32
          %multiple_of3A_862 = tpu.assume_multiple %mul3A_737, 128 : i32
          %dma_start3A_863 = arith.constant 16 : i32
          %dma_start3A_864 = arith.constant 0 : i32
          %dma_start3A_865 = tpu.memref_slice %arg8[%dma_start3A_863, %dma_start3A_864] : memref<256x128xf32, #tpu.memory_space<vmem>> -> memref<16x128xf32, #tpu.memory_space<vmem>>
          %dma_start3A_866 = tpu.memref_slice %arg2[%multiple_of3A_861, %multiple_of3A_862] : memref<65536x1024xf32, #tpu.memory_space<hbm>> -> memref<16x128xf32, #tpu.memory_space<hbm>>
          %dma_start3A_867 = arith.constant 16 : i32
          %dma_start3A_868 = arith.constant 0 : i32
          %dma_start3A_869 = tpu.memref_slice %arg8[%dma_start3A_867, %dma_start3A_868] : memref<256x128xf32, #tpu.memory_space<vmem>> -> memref<16x128xf32, #tpu.memory_space<vmem>>
          %dma_start3A_870 = tpu.memref_slice %arg2[%multiple_of3A_861, %multiple_of3A_862] : memref<65536x1024xf32, #tpu.memory_space<hbm>> -> memref<16x128xf32, #tpu.memory_space<hbm>>
          tpu.enqueue_dma source(%dma_start3A_870 : memref<16x128xf32, #tpu.memory_space<hbm>>) target(%dma_start3A_869 : memref<16x128xf32, #tpu.memory_space<vmem>>) target_semaphore(%arg12 : memref<!tpu.dma_semaphore, #tpu.memory_space<semaphore_mem>>)
        } else {
        }
        %gt3A_791 = arith.constant 2 : i32
        %gt3A_792 = arith.cmpi sgt, %squeeze3A_748, %gt3A_791 : i32
        %convert_element_type3A_793 = arith.extui %gt3A_792 : i1 to i32
        %cond3A_794 = arith.constant 0 : i32
        %cond3A_795 = arith.cmpi ne, %convert_element_type3A_793, %cond3A_794 : i32
        scf.if %cond3A_795 {
          %multiple_of3A_861 = tpu.assume_multiple %squeeze3A_754, 8 : i32
          %multiple_of3A_862 = tpu.assume_multiple %mul3A_737, 128 : i32
          %dma_start3A_863 = arith.constant 32 : i32
          %dma_start3A_864 = arith.constant 0 : i32
          %dma_start3A_865 = tpu.memref_slice %arg8[%dma_start3A_863, %dma_start3A_864] : memref<256x128xf32, #tpu.memory_space<vmem>> -> memref<16x128xf32, #tpu.memory_space<vmem>>
          %dma_start3A_866 = tpu.memref_slice %arg2[%multiple_of3A_861, %multiple_of3A_862] : memref<65536x1024xf32, #tpu.memory_space<hbm>> -> memref<16x128xf32, #tpu.memory_space<hbm>>
          %dma_start3A_867 = arith.constant 32 : i32
          %dma_start3A_868 = arith.constant 0 : i32
          %dma_start3A_869 = tpu.memref_slice %arg8[%dma_start3A_867, %dma_start3A_868] : memref<256x128xf32, #tpu.memory_space<vmem>> -> memref<16x128xf32, #tpu.memory_space<vmem>>
          %dma_start3A_870 = tpu.memref_slice %arg2[%multiple_of3A_861, %multiple_of3A_862] : memref<65536x1024xf32, #tpu.memory_space<hbm>> -> memref<16x128xf32, #tpu.memory_space<hbm>>
          tpu.enqueue_dma source(%dma_start3A_870 : memref<16x128xf32, #tpu.memory_space<hbm>>) target(%dma_start3A_869 : memref<16x128xf32, #tpu.memory_space<vmem>>) target_semaphore(%arg12 : memref<!tpu.dma_semaphore, #tpu.memory_space<semaphore_mem>>)
        } else {
        }
        %gt3A_796 = arith.constant 3 : i32
        %gt3A_797 = arith.cmpi sgt, %squeeze3A_748, %gt3A_796 : i32
        %convert_element_type3A_798 = arith.extui %gt3A_797 : i1 to i32
        %cond3A_799 = arith.constant 0 : i32
        %cond3A_800 = arith.cmpi ne, %convert_element_type3A_798, %cond3A_799 : i32
        scf.if %cond3A_800 {
          %multiple_of3A_861 = tpu.assume_multiple %squeeze3A_756, 8 : i32
          %multiple_of3A_862 = tpu.assume_multiple %mul3A_737, 128 : i32
          %dma_start3A_863 = arith.constant 48 : i32
          %dma_start3A_864 = arith.constant 0 : i32
          %dma_start3A_865 = tpu.memref_slice %arg8[%dma_start3A_863, %dma_start3A_864] : memref<256x128xf32, #tpu.memory_space<vmem>> -> memref<16x128xf32, #tpu.memory_space<vmem>>
          %dma_start3A_866 = tpu.memref_slice %arg2[%multiple_of3A_861, %multiple_of3A_862] : memref<65536x1024xf32, #tpu.memory_space<hbm>> -> memref<16x128xf32, #tpu.memory_space<hbm>>
          %dma_start3A_867 = arith.constant 48 : i32
          %dma_start3A_868 = arith.constant 0 : i32
          %dma_start3A_869 = tpu.memref_slice %arg8[%dma_start3A_867, %dma_start3A_868] : memref<256x128xf32, #tpu.memory_space<vmem>> -> memref<16x128xf32, #tpu.memory_space<vmem>>
          %dma_start3A_870 = tpu.memref_slice %arg2[%multiple_of3A_861, %multiple_of3A_862] : memref<65536x1024xf32, #tpu.memory_space<hbm>> -> memref<16x128xf32, #tpu.memory_space<hbm>>
          tpu.enqueue_dma source(%dma_start3A_870 : memref<16x128xf32, #tpu.memory_space<hbm>>) target(%dma_start3A_869 : memref<16x128xf32, #tpu.memory_space<vmem>>) target_semaphore(%arg12 : memref<!tpu.dma_semaphore, #tpu.memory_space<semaphore_mem>>)
        } else {
        }
        %gt3A_801 = arith.constant 4 : i32
        %gt3A_802 = arith.cmpi sgt, %squeeze3A_748, %gt3A_801 : i32
        %convert_element_type3A_803 = arith.extui %gt3A_802 : i1 to i32
        %cond3A_804 = arith.constant 0 : i32
        %cond3A_805 = arith.cmpi ne, %convert_element_type3A_803, %cond3A_804 : i32
        scf.if %cond3A_805 {
          %multiple_of3A_861 = tpu.assume_multiple %squeeze3A_758, 8 : i32
          %multiple_of3A_862 = tpu.assume_multiple %mul3A_737, 128 : i32
          %dma_start3A_863 = arith.constant 64 : i32
          %dma_start3A_864 = arith.constant 0 : i32
          %dma_start3A_865 = tpu.memref_slice %arg8[%dma_start3A_863, %dma_start3A_864] : memref<256x128xf32, #tpu.memory_space<vmem>> -> memref<16x128xf32, #tpu.memory_space<vmem>>
          %dma_start3A_866 = tpu.memref_slice %arg2[%multiple_of3A_861, %multiple_of3A_862] : memref<65536x1024xf32, #tpu.memory_space<hbm>> -> memref<16x128xf32, #tpu.memory_space<hbm>>
          %dma_start3A_867 = arith.constant 64 : i32
          %dma_start3A_868 = arith.constant 0 : i32
          %dma_start3A_869 = tpu.memref_slice %arg8[%dma_start3A_867, %dma_start3A_868] : memref<256x128xf32, #tpu.memory_space<vmem>> -> memref<16x128xf32, #tpu.memory_space<vmem>>
          %dma_start3A_870 = tpu.memref_slice %arg2[%multiple_of3A_861, %multiple_of3A_862] : memref<65536x1024xf32, #tpu.memory_space<hbm>> -> memref<16x128xf32, #tpu.memory_space<hbm>>
          tpu.enqueue_dma source(%dma_start3A_870 : memref<16x128xf32, #tpu.memory_space<hbm>>) target(%dma_start3A_869 : memref<16x128xf32, #tpu.memory_space<vmem>>) target_semaphore(%arg12 : memref<!tpu.dma_semaphore, #tpu.memory_space<semaphore_mem>>)
        } else {
        }
        %gt3A_806 = arith.constant 5 : i32
        %gt3A_807 = arith.cmpi sgt, %squeeze3A_748, %gt3A_806 : i32
        %convert_element_type3A_808 = arith.extui %gt3A_807 : i1 to i32
        %cond3A_809 = arith.constant 0 : i32
        %cond3A_810 = arith.cmpi ne, %convert_element_type3A_808, %cond3A_809 : i32
        scf.if %cond3A_810 {
          %multiple_of3A_861 = tpu.assume_multiple %squeeze3A_760, 8 : i32
          %multiple_of3A_862 = tpu.assume_multiple %mul3A_737, 128 : i32
          %dma_start3A_863 = arith.constant 80 : i32
          %dma_start3A_864 = arith.constant 0 : i32
          %dma_start3A_865 = tpu.memref_slice %arg8[%dma_start3A_863, %dma_start3A_864] : memref<256x128xf32, #tpu.memory_space<vmem>> -> memref<16x128xf32, #tpu.memory_space<vmem>>
          %dma_start3A_866 = tpu.memref_slice %arg2[%multiple_of3A_861, %multiple_of3A_862] : memref<65536x1024xf32, #tpu.memory_space<hbm>> -> memref<16x128xf32, #tpu.memory_space<hbm>>
          %dma_start3A_867 = arith.constant 80 : i32
          %dma_start3A_868 = arith.constant 0 : i32
          %dma_start3A_869 = tpu.memref_slice %arg8[%dma_start3A_867, %dma_start3A_868] : memref<256x128xf32, #tpu.memory_space<vmem>> -> memref<16x128xf32, #tpu.memory_space<vmem>>
          %dma_start3A_870 = tpu.memref_slice %arg2[%multiple_of3A_861, %multiple_of3A_862] : memref<65536x1024xf32, #tpu.memory_space<hbm>> -> memref<16x128xf32, #tpu.memory_space<hbm>>
          tpu.enqueue_dma source(%dma_start3A_870 : memref<16x128xf32, #tpu.memory_space<hbm>>) target(%dma_start3A_869 : memref<16x128xf32, #tpu.memory_space<vmem>>) target_semaphore(%arg12 : memref<!tpu.dma_semaphore, #tpu.memory_space<semaphore_mem>>)
        } else {
        }
        %gt3A_811 = arith.constant 6 : i32
        %gt3A_812 = arith.cmpi sgt, %squeeze3A_748, %gt3A_811 : i32
        %convert_element_type3A_813 = arith.extui %gt3A_812 : i1 to i32
        %cond3A_814 = arith.constant 0 : i32
        %cond3A_815 = arith.cmpi ne, %convert_element_type3A_813, %cond3A_814 : i32
        scf.if %cond3A_815 {
          %multiple_of3A_861 = tpu.assume_multiple %squeeze3A_762, 8 : i32
          %multiple_of3A_862 = tpu.assume_multiple %mul3A_737, 128 : i32
          %dma_start3A_863 = arith.constant 96 : i32
          %dma_start3A_864 = arith.constant 0 : i32
          %dma_start3A_865 = tpu.memref_slice %arg8[%dma_start3A_863, %dma_start3A_864] : memref<256x128xf32, #tpu.memory_space<vmem>> -> memref<16x128xf32, #tpu.memory_space<vmem>>
          %dma_start3A_866 = tpu.memref_slice %arg2[%multiple_of3A_861, %multiple_of3A_862] : memref<65536x1024xf32, #tpu.memory_space<hbm>> -> memref<16x128xf32, #tpu.memory_space<hbm>>
          %dma_start3A_867 = arith.constant 96 : i32
          %dma_start3A_868 = arith.constant 0 : i32
          %dma_start3A_869 = tpu.memref_slice %arg8[%dma_start3A_867, %dma_start3A_868] : memref<256x128xf32, #tpu.memory_space<vmem>> -> memref<16x128xf32, #tpu.memory_space<vmem>>
          %dma_start3A_870 = tpu.memref_slice %arg2[%multiple_of3A_861, %multiple_of3A_862] : memref<65536x1024xf32, #tpu.memory_space<hbm>> -> memref<16x128xf32, #tpu.memory_space<hbm>>
          tpu.enqueue_dma source(%dma_start3A_870 : memref<16x128xf32, #tpu.memory_space<hbm>>) target(%dma_start3A_869 : memref<16x128xf32, #tpu.memory_space<vmem>>) target_semaphore(%arg12 : memref<!tpu.dma_semaphore, #tpu.memory_space<semaphore_mem>>)
        } else {
        }
        %gt3A_816 = arith.constant 7 : i32
        %gt3A_817 = arith.cmpi sgt, %squeeze3A_748, %gt3A_816 : i32
        %convert_element_type3A_818 = arith.extui %gt3A_817 : i1 to i32
        %cond3A_819 = arith.constant 0 : i32
        %cond3A_820 = arith.cmpi ne, %convert_element_type3A_818, %cond3A_819 : i32
        scf.if %cond3A_820 {
          %multiple_of3A_861 = tpu.assume_multiple %squeeze3A_764, 8 : i32
          %multiple_of3A_862 = tpu.assume_multiple %mul3A_737, 128 : i32
          %dma_start3A_863 = arith.constant 112 : i32
          %dma_start3A_864 = arith.constant 0 : i32
          %dma_start3A_865 = tpu.memref_slice %arg8[%dma_start3A_863, %dma_start3A_864] : memref<256x128xf32, #tpu.memory_space<vmem>> -> memref<16x128xf32, #tpu.memory_space<vmem>>
          %dma_start3A_866 = tpu.memref_slice %arg2[%multiple_of3A_861, %multiple_of3A_862] : memref<65536x1024xf32, #tpu.memory_space<hbm>> -> memref<16x128xf32, #tpu.memory_space<hbm>>
          %dma_start3A_867 = arith.constant 112 : i32
          %dma_start3A_868 = arith.constant 0 : i32
          %dma_start3A_869 = tpu.memref_slice %arg8[%dma_start3A_867, %dma_start3A_868] : memref<256x128xf32, #tpu.memory_space<vmem>> -> memref<16x128xf32, #tpu.memory_space<vmem>>
          %dma_start3A_870 = tpu.memref_slice %arg2[%multiple_of3A_861, %multiple_of3A_862] : memref<65536x1024xf32, #tpu.memory_space<hbm>> -> memref<16x128xf32, #tpu.memory_space<hbm>>
          tpu.enqueue_dma source(%dma_start3A_870 : memref<16x128xf32, #tpu.memory_space<hbm>>) target(%dma_start3A_869 : memref<16x128xf32, #tpu.memory_space<vmem>>) target_semaphore(%arg12 : memref<!tpu.dma_semaphore, #tpu.memory_space<semaphore_mem>>)
        } else {
        }
        %gt3A_821 = arith.constant 8 : i32
        %gt3A_822 = arith.cmpi sgt, %squeeze3A_748, %gt3A_821 : i32
        %convert_element_type3A_823 = arith.extui %gt3A_822 : i1 to i32
        %cond3A_824 = arith.constant 0 : i32
        %cond3A_825 = arith.cmpi ne, %convert_element_type3A_823, %cond3A_824 : i32
        scf.if %cond3A_825 {
          %multiple_of3A_861 = tpu.assume_multiple %squeeze3A_766, 8 : i32
          %multiple_of3A_862 = tpu.assume_multiple %mul3A_737, 128 : i32
          %dma_start3A_863 = arith.constant 128 : i32
          %dma_start3A_864 = arith.constant 0 : i32
          %dma_start3A_865 = tpu.memref_slice %arg8[%dma_start3A_863, %dma_start3A_864] : memref<256x128xf32, #tpu.memory_space<vmem>> -> memref<16x128xf32, #tpu.memory_space<vmem>>
          %dma_start3A_866 = tpu.memref_slice %arg2[%multiple_of3A_861, %multiple_of3A_862] : memref<65536x1024xf32, #tpu.memory_space<hbm>> -> memref<16x128xf32, #tpu.memory_space<hbm>>
          %dma_start3A_867 = arith.constant 128 : i32
          %dma_start3A_868 = arith.constant 0 : i32
          %dma_start3A_869 = tpu.memref_slice %arg8[%dma_start3A_867, %dma_start3A_868] : memref<256x128xf32, #tpu.memory_space<vmem>> -> memref<16x128xf32, #tpu.memory_space<vmem>>
          %dma_start3A_870 = tpu.memref_slice %arg2[%multiple_of3A_861, %multiple_of3A_862] : memref<65536x1024xf32, #tpu.memory_space<hbm>> -> memref<16x128xf32, #tpu.memory_space<hbm>>
          tpu.enqueue_dma source(%dma_start3A_870 : memref<16x128xf32, #tpu.memory_space<hbm>>) target(%dma_start3A_869 : memref<16x128xf32, #tpu.memory_space<vmem>>) target_semaphore(%arg12 : memref<!tpu.dma_semaphore, #tpu.memory_space<semaphore_mem>>)
        } else {
        }
        %gt3A_826 = arith.constant 9 : i32
        %gt3A_827 = arith.cmpi sgt, %squeeze3A_748, %gt3A_826 : i32
        %convert_element_type3A_828 = arith.extui %gt3A_827 : i1 to i32
        %cond3A_829 = arith.constant 0 : i32
        %cond3A_830 = arith.cmpi ne, %convert_element_type3A_828, %cond3A_829 : i32
        scf.if %cond3A_830 {
          %multiple_of3A_861 = tpu.assume_multiple %squeeze3A_768, 8 : i32
          %multiple_of3A_862 = tpu.assume_multiple %mul3A_737, 128 : i32
          %dma_start3A_863 = arith.constant 144 : i32
          %dma_start3A_864 = arith.constant 0 : i32
          %dma_start3A_865 = tpu.memref_slice %arg8[%dma_start3A_863, %dma_start3A_864] : memref<256x128xf32, #tpu.memory_space<vmem>> -> memref<16x128xf32, #tpu.memory_space<vmem>>
          %dma_start3A_866 = tpu.memref_slice %arg2[%multiple_of3A_861, %multiple_of3A_862] : memref<65536x1024xf32, #tpu.memory_space<hbm>> -> memref<16x128xf32, #tpu.memory_space<hbm>>
          %dma_start3A_867 = arith.constant 144 : i32
          %dma_start3A_868 = arith.constant 0 : i32
          %dma_start3A_869 = tpu.memref_slice %arg8[%dma_start3A_867, %dma_start3A_868] : memref<256x128xf32, #tpu.memory_space<vmem>> -> memref<16x128xf32, #tpu.memory_space<vmem>>
          %dma_start3A_870 = tpu.memref_slice %arg2[%multiple_of3A_861, %multiple_of3A_862] : memref<65536x1024xf32, #tpu.memory_space<hbm>> -> memref<16x128xf32, #tpu.memory_space<hbm>>
          tpu.enqueue_dma source(%dma_start3A_870 : memref<16x128xf32, #tpu.memory_space<hbm>>) target(%dma_start3A_869 : memref<16x128xf32, #tpu.memory_space<vmem>>) target_semaphore(%arg12 : memref<!tpu.dma_semaphore, #tpu.memory_space<semaphore_mem>>)
        } else {
        }
        %gt3A_831 = arith.constant 10 : i32
        %gt3A_832 = arith.cmpi sgt, %squeeze3A_748, %gt3A_831 : i32
        %convert_element_type3A_833 = arith.extui %gt3A_832 : i1 to i32
        %cond3A_834 = arith.constant 0 : i32
        %cond3A_835 = arith.cmpi ne, %convert_element_type3A_833, %cond3A_834 : i32
        scf.if %cond3A_835 {
          %multiple_of3A_861 = tpu.assume_multiple %squeeze3A_770, 8 : i32
          %multiple_of3A_862 = tpu.assume_multiple %mul3A_737, 128 : i32
          %dma_start3A_863 = arith.constant 160 : i32
          %dma_start3A_864 = arith.constant 0 : i32
          %dma_start3A_865 = tpu.memref_slice %arg8[%dma_start3A_863, %dma_start3A_864] : memref<256x128xf32, #tpu.memory_space<vmem>> -> memref<16x128xf32, #tpu.memory_space<vmem>>
          %dma_start3A_866 = tpu.memref_slice %arg2[%multiple_of3A_861, %multiple_of3A_862] : memref<65536x1024xf32, #tpu.memory_space<hbm>> -> memref<16x128xf32, #tpu.memory_space<hbm>>
          %dma_start3A_867 = arith.constant 160 : i32
          %dma_start3A_868 = arith.constant 0 : i32
          %dma_start3A_869 = tpu.memref_slice %arg8[%dma_start3A_867, %dma_start3A_868] : memref<256x128xf32, #tpu.memory_space<vmem>> -> memref<16x128xf32, #tpu.memory_space<vmem>>
          %dma_start3A_870 = tpu.memref_slice %arg2[%multiple_of3A_861, %multiple_of3A_862] : memref<65536x1024xf32, #tpu.memory_space<hbm>> -> memref<16x128xf32, #tpu.memory_space<hbm>>
          tpu.enqueue_dma source(%dma_start3A_870 : memref<16x128xf32, #tpu.memory_space<hbm>>) target(%dma_start3A_869 : memref<16x128xf32, #tpu.memory_space<vmem>>) target_semaphore(%arg12 : memref<!tpu.dma_semaphore, #tpu.memory_space<semaphore_mem>>)
        } else {
        }
        %gt3A_836 = arith.constant 11 : i32
        %gt3A_837 = arith.cmpi sgt, %squeeze3A_748, %gt3A_836 : i32
        %convert_element_type3A_838 = arith.extui %gt3A_837 : i1 to i32
        %cond3A_839 = arith.constant 0 : i32
        %cond3A_840 = arith.cmpi ne, %convert_element_type3A_838, %cond3A_839 : i32
        scf.if %cond3A_840 {
          %multiple_of3A_861 = tpu.assume_multiple %squeeze3A_772, 8 : i32
          %multiple_of3A_862 = tpu.assume_multiple %mul3A_737, 128 : i32
          %dma_start3A_863 = arith.constant 176 : i32
          %dma_start3A_864 = arith.constant 0 : i32
          %dma_start3A_865 = tpu.memref_slice %arg8[%dma_start3A_863, %dma_start3A_864] : memref<256x128xf32, #tpu.memory_space<vmem>> -> memref<16x128xf32, #tpu.memory_space<vmem>>
          %dma_start3A_866 = tpu.memref_slice %arg2[%multiple_of3A_861, %multiple_of3A_862] : memref<65536x1024xf32, #tpu.memory_space<hbm>> -> memref<16x128xf32, #tpu.memory_space<hbm>>
          %dma_start3A_867 = arith.constant 176 : i32
          %dma_start3A_868 = arith.constant 0 : i32
          %dma_start3A_869 = tpu.memref_slice %arg8[%dma_start3A_867, %dma_start3A_868] : memref<256x128xf32, #tpu.memory_space<vmem>> -> memref<16x128xf32, #tpu.memory_space<vmem>>
          %dma_start3A_870 = tpu.memref_slice %arg2[%multiple_of3A_861, %multiple_of3A_862] : memref<65536x1024xf32, #tpu.memory_space<hbm>> -> memref<16x128xf32, #tpu.memory_space<hbm>>
          tpu.enqueue_dma source(%dma_start3A_870 : memref<16x128xf32, #tpu.memory_space<hbm>>) target(%dma_start3A_869 : memref<16x128xf32, #tpu.memory_space<vmem>>) target_semaphore(%arg12 : memref<!tpu.dma_semaphore, #tpu.memory_space<semaphore_mem>>)
        } else {
        }
        %gt3A_841 = arith.constant 12 : i32
        %gt3A_842 = arith.cmpi sgt, %squeeze3A_748, %gt3A_841 : i32
        %convert_element_type3A_843 = arith.extui %gt3A_842 : i1 to i32
        %cond3A_844 = arith.constant 0 : i32
        %cond3A_845 = arith.cmpi ne, %convert_element_type3A_843, %cond3A_844 : i32
        scf.if %cond3A_845 {
          %multiple_of3A_861 = tpu.assume_multiple %squeeze3A_774, 8 : i32
          %multiple_of3A_862 = tpu.assume_multiple %mul3A_737, 128 : i32
          %dma_start3A_863 = arith.constant 192 : i32
          %dma_start3A_864 = arith.constant 0 : i32
          %dma_start3A_865 = tpu.memref_slice %arg8[%dma_start3A_863, %dma_start3A_864] : memref<256x128xf32, #tpu.memory_space<vmem>> -> memref<16x128xf32, #tpu.memory_space<vmem>>
          %dma_start3A_866 = tpu.memref_slice %arg2[%multiple_of3A_861, %multiple_of3A_862] : memref<65536x1024xf32, #tpu.memory_space<hbm>> -> memref<16x128xf32, #tpu.memory_space<hbm>>
          %dma_start3A_867 = arith.constant 192 : i32
          %dma_start3A_868 = arith.constant 0 : i32
          %dma_start3A_869 = tpu.memref_slice %arg8[%dma_start3A_867, %dma_start3A_868] : memref<256x128xf32, #tpu.memory_space<vmem>> -> memref<16x128xf32, #tpu.memory_space<vmem>>
          %dma_start3A_870 = tpu.memref_slice %arg2[%multiple_of3A_861, %multiple_of3A_862] : memref<65536x1024xf32, #tpu.memory_space<hbm>> -> memref<16x128xf32, #tpu.memory_space<hbm>>
          tpu.enqueue_dma source(%dma_start3A_870 : memref<16x128xf32, #tpu.memory_space<hbm>>) target(%dma_start3A_869 : memref<16x128xf32, #tpu.memory_space<vmem>>) target_semaphore(%arg12 : memref<!tpu.dma_semaphore, #tpu.memory_space<semaphore_mem>>)
        } else {
        }
        %gt3A_846 = arith.constant 13 : i32
        %gt3A_847 = arith.cmpi sgt, %squeeze3A_748, %gt3A_846 : i32
        %convert_element_type3A_848 = arith.extui %gt3A_847 : i1 to i32
        %cond3A_849 = arith.constant 0 : i32
        %cond3A_850 = arith.cmpi ne, %convert_element_type3A_848, %cond3A_849 : i32
        scf.if %cond3A_850 {
          %multiple_of3A_861 = tpu.assume_multiple %squeeze3A_776, 8 : i32
          %multiple_of3A_862 = tpu.assume_multiple %mul3A_737, 128 : i32
          %dma_start3A_863 = arith.constant 208 : i32
          %dma_start3A_864 = arith.constant 0 : i32
          %dma_start3A_865 = tpu.memref_slice %arg8[%dma_start3A_863, %dma_start3A_864] : memref<256x128xf32, #tpu.memory_space<vmem>> -> memref<16x128xf32, #tpu.memory_space<vmem>>
          %dma_start3A_866 = tpu.memref_slice %arg2[%multiple_of3A_861, %multiple_of3A_862] : memref<65536x1024xf32, #tpu.memory_space<hbm>> -> memref<16x128xf32, #tpu.memory_space<hbm>>
          %dma_start3A_867 = arith.constant 208 : i32
          %dma_start3A_868 = arith.constant 0 : i32
          %dma_start3A_869 = tpu.memref_slice %arg8[%dma_start3A_867, %dma_start3A_868] : memref<256x128xf32, #tpu.memory_space<vmem>> -> memref<16x128xf32, #tpu.memory_space<vmem>>
          %dma_start3A_870 = tpu.memref_slice %arg2[%multiple_of3A_861, %multiple_of3A_862] : memref<65536x1024xf32, #tpu.memory_space<hbm>> -> memref<16x128xf32, #tpu.memory_space<hbm>>
          tpu.enqueue_dma source(%dma_start3A_870 : memref<16x128xf32, #tpu.memory_space<hbm>>) target(%dma_start3A_869 : memref<16x128xf32, #tpu.memory_space<vmem>>) target_semaphore(%arg12 : memref<!tpu.dma_semaphore, #tpu.memory_space<semaphore_mem>>)
        } else {
        }
        %gt3A_851 = arith.constant 14 : i32
        %gt3A_852 = arith.cmpi sgt, %squeeze3A_748, %gt3A_851 : i32
        %convert_element_type3A_853 = arith.extui %gt3A_852 : i1 to i32
        %cond3A_854 = arith.constant 0 : i32
        %cond3A_855 = arith.cmpi ne, %convert_element_type3A_853, %cond3A_854 : i32
        scf.if %cond3A_855 {
          %multiple_of3A_861 = tpu.assume_multiple %squeeze3A_778, 8 : i32
          %multiple_of3A_862 = tpu.assume_multiple %mul3A_737, 128 : i32
          %dma_start3A_863 = arith.constant 224 : i32
          %dma_start3A_864 = arith.constant 0 : i32
          %dma_start3A_865 = tpu.memref_slice %arg8[%dma_start3A_863, %dma_start3A_864] : memref<256x128xf32, #tpu.memory_space<vmem>> -> memref<16x128xf32, #tpu.memory_space<vmem>>
          %dma_start3A_866 = tpu.memref_slice %arg2[%multiple_of3A_861, %multiple_of3A_862] : memref<65536x1024xf32, #tpu.memory_space<hbm>> -> memref<16x128xf32, #tpu.memory_space<hbm>>
          %dma_start3A_867 = arith.constant 224 : i32
          %dma_start3A_868 = arith.constant 0 : i32
          %dma_start3A_869 = tpu.memref_slice %arg8[%dma_start3A_867, %dma_start3A_868] : memref<256x128xf32, #tpu.memory_space<vmem>> -> memref<16x128xf32, #tpu.memory_space<vmem>>
          %dma_start3A_870 = tpu.memref_slice %arg2[%multiple_of3A_861, %multiple_of3A_862] : memref<65536x1024xf32, #tpu.memory_space<hbm>> -> memref<16x128xf32, #tpu.memory_space<hbm>>
          tpu.enqueue_dma source(%dma_start3A_870 : memref<16x128xf32, #tpu.memory_space<hbm>>) target(%dma_start3A_869 : memref<16x128xf32, #tpu.memory_space<vmem>>) target_semaphore(%arg12 : memref<!tpu.dma_semaphore, #tpu.memory_space<semaphore_mem>>)
        } else {
        }
        %gt3A_856 = arith.constant 15 : i32
        %gt3A_857 = arith.cmpi sgt, %squeeze3A_748, %gt3A_856 : i32
        %convert_element_type3A_858 = arith.extui %gt3A_857 : i1 to i32
        %cond3A_859 = arith.constant 0 : i32
        %cond3A_860 = arith.cmpi ne, %convert_element_type3A_858, %cond3A_859 : i32
        scf.if %cond3A_860 {
          %multiple_of3A_861 = tpu.assume_multiple %squeeze3A_780, 8 : i32
          %multiple_of3A_862 = tpu.assume_multiple %mul3A_737, 128 : i32
          %dma_start3A_863 = arith.constant 240 : i32
          %dma_start3A_864 = arith.constant 0 : i32
          %dma_start3A_865 = tpu.memref_slice %arg8[%dma_start3A_863, %dma_start3A_864] : memref<256x128xf32, #tpu.memory_space<vmem>> -> memref<16x128xf32, #tpu.memory_space<vmem>>
          %dma_start3A_866 = tpu.memref_slice %arg2[%multiple_of3A_861, %multiple_of3A_862] : memref<65536x1024xf32, #tpu.memory_space<hbm>> -> memref<16x128xf32, #tpu.memory_space<hbm>>
          %dma_start3A_867 = arith.constant 240 : i32
          %dma_start3A_868 = arith.constant 0 : i32
          %dma_start3A_869 = tpu.memref_slice %arg8[%dma_start3A_867, %dma_start3A_868] : memref<256x128xf32, #tpu.memory_space<vmem>> -> memref<16x128xf32, #tpu.memory_space<vmem>>
          %dma_start3A_870 = tpu.memref_slice %arg2[%multiple_of3A_861, %multiple_of3A_862] : memref<65536x1024xf32, #tpu.memory_space<hbm>> -> memref<16x128xf32, #tpu.memory_space<hbm>>
          tpu.enqueue_dma source(%dma_start3A_870 : memref<16x128xf32, #tpu.memory_space<hbm>>) target(%dma_start3A_869 : memref<16x128xf32, #tpu.memory_space<vmem>>) target_semaphore(%arg12 : memref<!tpu.dma_semaphore, #tpu.memory_space<semaphore_mem>>)
        } else {
        }
      } else {
      }
      %add3A_580 = arith.constant 1 : i32
      %add3A_581 = arith.addi %add3A_469, %add3A_580 : i32
      %jit3A_582 = arith.constant 8 : i32
      %div3A_583 = arith.divsi %add3A_581, %jit3A_582 : i32
      %sign3A_584 = arith.constant 0 : i32
      %sign3A_585 = arith.cmpi sgt, %add3A_581, %sign3A_584 : i32
      %sign3A_586 = arith.extui %sign3A_585 : i1 to i32
      %sign3A_587 = arith.constant 0 : i32
      %sign3A_588 = arith.cmpi slt, %add3A_581, %sign3A_587 : i32
      %sign3A_589 = arith.extui %sign3A_588 : i1 to i32
      %sign3A_590 = arith.subi %sign3A_586, %sign3A_589 : i32
      %sign3A_591 = arith.constant 0 : i32
      %sign3A_592 = arith.cmpi sgt, %jit3A_582, %sign3A_591 : i32
      %sign3A_593 = arith.extui %sign3A_592 : i1 to i32
      %sign3A_594 = arith.constant 0 : i32
      %sign3A_595 = arith.cmpi slt, %jit3A_582, %sign3A_594 : i32
      %sign3A_596 = arith.extui %sign3A_595 : i1 to i32
      %sign3A_597 = arith.subi %sign3A_593, %sign3A_596 : i32
      %ne3A_598 = arith.cmpi ne, %sign3A_590, %sign3A_597 : i32
      %rem3A_599 = arith.remsi %add3A_581, %jit3A_582 : i32
      %ne3A_600 = arith.constant 0 : i32
      %ne3A_601 = arith.cmpi ne, %rem3A_599, %ne3A_600 : i32
      %and3A_602 = arith.andi %ne3A_598, %ne3A_601 : i1
      %sub3A_603 = arith.constant 1 : i32
      %sub3A_604 = arith.subi %div3A_583, %sub3A_603 : i32
      %select_n3A_605 = arith.select %and3A_602, %sub3A_604, %div3A_583 : i32
      %sub3A_606 = arith.subi %select_n3A_605, %select_n3A : i32
      %mul3A_607 = arith.constant 24 : i32
      %mul3A_608 = arith.muli %sub3A_606, %mul3A_607 : i32
      %get3A_609 = arith.index_cast %mul3A_608 : i32 to index
      %get3A_610 = tpu.vector_load %arg6[%get3A_609] {strides = array<i32>} : memref<240xi32, #tpu.memory_space<vmem>>, vector<16xi32>,
      %slice3A_611 = vector.extract_strided_slice %get3A_610 {offsets = [0], sizes = [1], strides = [1]} : vector<16xi32> to vector<1xi32>
      %squeeze3A_612 = vector.extract %slice3A_611[0] : i32 from vector<1xi32>
      %while3A_613 = arith.constant 0 : i32
      %while3A_614 = arith.constant 0 : i32
      %while3A_615 = arith.subi %squeeze3A_612, %while3A_614 : i32
      %while3A_616 = arith.addi %while3A_614, %while3A_615 : i32
      %while3A_617 = arith.constant 1 : i32
      %while3A_618 = arith.divsi %while3A_615, %while3A_617 : i32
      %while3A_619 = arith.muli %while3A_618, %while3A_617 : i32
      %while3A_620 = arith.addi %while3A_614, %while3A_619 : i32
      %while3A_621 = arith.constant 1 : i32
      scf.for %while3A_694 = %while3A_614 to %while3A_620 step %while3A_621  : i32 {
        %dma_wait3A_695 = arith.constant 0 : i32
        %dma_wait3A_696 = arith.constant 0 : i32
        %dma_wait3A_697 = tpu.memref_slice %arg8[%dma_wait3A_695, %dma_wait3A_696] : memref<256x128xf32, #tpu.memory_space<vmem>> -> memref<16x128xf32, #tpu.memory_space<vmem>>
        %dma_wait3A_698 = arith.constant 0 : i32
        %dma_wait3A_699 = arith.constant 0 : i32
        %dma_wait3A_700 = tpu.memref_slice %arg2[%dma_wait3A_698, %dma_wait3A_699] : memref<65536x1024xf32, #tpu.memory_space<hbm>> -> memref<16x128xf32, #tpu.memory_space<hbm>>
        %dma_wait3A_701 = arith.constant 0 : i32
        %dma_wait3A_702 = arith.constant 0 : i32
        %dma_wait3A_703 = tpu.memref_slice %arg8[%dma_wait3A_701, %dma_wait3A_702] : memref<256x128xf32, #tpu.memory_space<vmem>> -> memref<16x128xf32, #tpu.memory_space<vmem>>
        %dma_wait3A_704 = arith.constant 0 : i32
        %dma_wait3A_705 = arith.constant 0 : i32
        %dma_wait3A_706 = tpu.memref_slice %arg2[%dma_wait3A_704, %dma_wait3A_705] : memref<65536x1024xf32, #tpu.memory_space<hbm>> -> memref<16x128xf32, #tpu.memory_space<hbm>>
        tpu.wait_dma2 semaphore(%arg12 : memref<!tpu.dma_semaphore, #tpu.memory_space<semaphore_mem>>) src(%dma_wait3A_706 : memref<16x128xf32, #tpu.memory_space<hbm>>) dst(%dma_wait3A_703 : memref<16x128xf32, #tpu.memory_space<vmem>>)
      }
      %while3A_622 = arith.constant 1 : i32
      scf.for %while3A_694 = %while3A_620 to %while3A_616 step %while3A_622  : i32 {
        %dma_wait3A_695 = arith.constant 0 : i32
        %dma_wait3A_696 = arith.constant 0 : i32
        %dma_wait3A_697 = tpu.memref_slice %arg8[%dma_wait3A_695, %dma_wait3A_696] : memref<256x128xf32, #tpu.memory_space<vmem>> -> memref<16x128xf32, #tpu.memory_space<vmem>>
        %dma_wait3A_698 = arith.constant 0 : i32
        %dma_wait3A_699 = arith.constant 0 : i32
        %dma_wait3A_700 = tpu.memref_slice %arg2[%dma_wait3A_698, %dma_wait3A_699] : memref<65536x1024xf32, #tpu.memory_space<hbm>> -> memref<16x128xf32, #tpu.memory_space<hbm>>
        %dma_wait3A_701 = arith.constant 0 : i32
        %dma_wait3A_702 = arith.constant 0 : i32
        %dma_wait3A_703 = tpu.memref_slice %arg8[%dma_wait3A_701, %dma_wait3A_702] : memref<256x128xf32, #tpu.memory_space<vmem>> -> memref<16x128xf32, #tpu.memory_space<vmem>>
        %dma_wait3A_704 = arith.constant 0 : i32
        %dma_wait3A_705 = arith.constant 0 : i32
        %dma_wait3A_706 = tpu.memref_slice %arg2[%dma_wait3A_704, %dma_wait3A_705] : memref<65536x1024xf32, #tpu.memory_space<hbm>> -> memref<16x128xf32, #tpu.memory_space<hbm>>
        tpu.wait_dma2 semaphore(%arg12 : memref<!tpu.dma_semaphore, #tpu.memory_space<semaphore_mem>>) src(%dma_wait3A_706 : memref<16x128xf32, #tpu.memory_space<hbm>>) dst(%dma_wait3A_703 : memref<16x128xf32, #tpu.memory_space<vmem>>)
      }
      %gt3A_623 = arith.constant 0 : i32
      %gt3A_624 = arith.cmpi sgt, %scan3A_466, %gt3A_623 : i32
      %convert_element_type3A_625 = arith.extui %gt3A_624 : i1 to i32
      %cond3A_626 = arith.constant 0 : i32
      %cond3A_627 = arith.cmpi ne, %convert_element_type3A_625, %cond3A_626 : i32
      scf.if %cond3A_627 {
        %dma_wait3A_694 = arith.constant 0 : i32
        %dma_wait3A_695 = arith.constant 0 : i32
        %dma_wait3A_696 = tpu.memref_slice %arg5[%dma_wait3A_694, %dma_wait3A_695] : memref<1024x33280xf32, #tpu.memory_space<hbm>> -> memref<128x128xf32, #tpu.memory_space<hbm>>
        %dma_wait3A_697 = arith.constant 0 : i32
        %dma_wait3A_698 = arith.constant 0 : i32
        %dma_wait3A_699 = tpu.memref_slice %arg5[%dma_wait3A_697, %dma_wait3A_698] : memref<1024x33280xf32, #tpu.memory_space<hbm>> -> memref<128x128xf32, #tpu.memory_space<hbm>>
        tpu.wait_dma2 semaphore(%arg13 : memref<!tpu.dma_semaphore, #tpu.memory_space<semaphore_mem>>) src(%arg10 : memref<128x128xf32, #tpu.memory_space<vmem>>) dst(%dma_wait3A_699 : memref<128x128xf32, #tpu.memory_space<hbm>>)
      } else {
      }
      %add3A_628 = arith.constant 1 : i32
      %add3A_629 = arith.addi %add3A_469, %add3A_628 : i32
      %jit3A_630 = arith.constant 8 : i32
      %div3A_631 = arith.divsi %add3A_629, %jit3A_630 : i32
      %sign3A_632 = arith.constant 0 : i32
      %sign3A_633 = arith.cmpi sgt, %add3A_629, %sign3A_632 : i32
      %sign3A_634 = arith.extui %sign3A_633 : i1 to i32
      %sign3A_635 = arith.constant 0 : i32
      %sign3A_636 = arith.cmpi slt, %add3A_629, %sign3A_635 : i32
      %sign3A_637 = arith.extui %sign3A_636 : i1 to i32
      %sign3A_638 = arith.subi %sign3A_634, %sign3A_637 : i32
      %sign3A_639 = arith.constant 0 : i32
      %sign3A_640 = arith.cmpi sgt, %jit3A_630, %sign3A_639 : i32
      %sign3A_641 = arith.extui %sign3A_640 : i1 to i32
      %sign3A_642 = arith.constant 0 : i32
      %sign3A_643 = arith.cmpi slt, %jit3A_630, %sign3A_642 : i32
      %sign3A_644 = arith.extui %sign3A_643 : i1 to i32
      %sign3A_645 = arith.subi %sign3A_641, %sign3A_644 : i32
      %ne3A_646 = arith.cmpi ne, %sign3A_638, %sign3A_645 : i32
      %rem3A_647 = arith.remsi %add3A_629, %jit3A_630 : i32
      %ne3A_648 = arith.constant 0 : i32
      %ne3A_649 = arith.cmpi ne, %rem3A_647, %ne3A_648 : i32
      %and3A_650 = arith.andi %ne3A_646, %ne3A_649 : i1
      %sub3A_651 = arith.constant 1 : i32
      %sub3A_652 = arith.subi %div3A_631, %sub3A_651 : i32
      %select_n3A_653 = arith.select %and3A_650, %sub3A_652, %div3A_631 : i32
      %jit3A_654 = arith.constant 8 : i32
      %eq3A_655 = arith.constant 0 : i32
      %eq3A_656 = arith.cmpi eq, %jit3A_654, %eq3A_655 : i32
      %jit3A_657 = arith.constant 1 : i32
      %select_n3A_658 = arith.select %eq3A_656, %jit3A_657, %jit3A_654 : i32
      %rem3A_659 = arith.remsi %add3A_629, %select_n3A_658 : i32
      %ne3A_660 = arith.constant 0 : i32
      %ne3A_661 = arith.cmpi ne, %rem3A_659, %ne3A_660 : i32
      %lt3A_662 = arith.constant 0 : i32
      %lt3A_663 = arith.cmpi slt, %rem3A_659, %lt3A_662 : i32
      %lt3A_664 = arith.constant 0 : i32
      %lt3A_665 = arith.cmpi slt, %select_n3A_658, %lt3A_664 : i32
      %ne3A_666 = arith.xori %lt3A_663, %lt3A_665 : i1
      %and3A_667 = arith.andi %ne3A_666, %ne3A_661 : i1
      %add3A_668 = arith.addi %rem3A_659, %select_n3A_658 : i32
      %select_n3A_669 = arith.select %and3A_667, %add3A_668, %rem3A_659 : i32
      %mul3A_670 = arith.constant 128 : i32
      %mul3A_671 = arith.muli %select_n3A_669, %mul3A_670 : i32
      %sub3A_672 = arith.subi %select_n3A_653, %select_n3A : i32
      %mul3A_673 = arith.constant 128 : i32
      %mul3A_674 = arith.muli %sub3A_672, %mul3A_673 : i32
      %iota3A_675 = tpu.iota {dimensions = array<i32: 0>} : vector<16xi32>
      %parallel_loop3A_676 = arith.constant 0 : i32
      %parallel_loop3A_677 = arith.constant 64 : i32
      %parallel_loop3A_678 = arith.constant 1 : i32
      scf.for %parallel_loop3A_694 = %parallel_loop3A_676 to %parallel_loop3A_677 step %parallel_loop3A_678  : i32 {
        %parallel_loop3A_695 = arith.constant 8 : i32
        %parallel_loop3A_696 = arith.divsi %parallel_loop3A_694, %parallel_loop3A_695 : i32
        %parallel_loop3A_697 = arith.constant 0 : i32
        %parallel_loop3A_698 = arith.cmpi sgt, %parallel_loop3A_694, %parallel_loop3A_697 : i32
        %parallel_loop3A_699 = arith.extui %parallel_loop3A_698 : i1 to i32
        %parallel_loop3A_700 = arith.constant 0 : i32
        %parallel_loop3A_701 = arith.cmpi slt, %parallel_loop3A_694, %parallel_loop3A_700 : i32
        %parallel_loop3A_702 = arith.extui %parallel_loop3A_701 : i1 to i32
        %parallel_loop3A_703 = arith.subi %parallel_loop3A_699, %parallel_loop3A_702 : i32
        %parallel_loop3A_704 = arith.constant 0 : i32
        %parallel_loop3A_705 = arith.cmpi sgt, %parallel_loop3A_695, %parallel_loop3A_704 : i32
        %parallel_loop3A_706 = arith.extui %parallel_loop3A_705 : i1 to i32
        %parallel_loop3A_707 = arith.constant 0 : i32
        %parallel_loop3A_708 = arith.cmpi slt, %parallel_loop3A_695, %parallel_loop3A_707 : i32
        %parallel_loop3A_709 = arith.extui %parallel_loop3A_708 : i1 to i32
        %parallel_loop3A_710 = arith.subi %parallel_loop3A_706, %parallel_loop3A_709 : i32
        %parallel_loop3A_711 = arith.cmpi ne, %parallel_loop3A_703, %parallel_loop3A_710 : i32
        %parallel_loop3A_712 = arith.remsi %parallel_loop3A_694, %parallel_loop3A_695 : i32
        %parallel_loop3A_713 = arith.constant 0 : i32
        %parallel_loop3A_714 = arith.cmpi ne, %parallel_loop3A_712, %parallel_loop3A_713 : i32
        %parallel_loop3A_715 = arith.andi %parallel_loop3A_711, %parallel_loop3A_714 : i1
        %parallel_loop3A_716 = arith.constant 1 : i32
        %parallel_loop3A_717 = arith.subi %parallel_loop3A_696, %parallel_loop3A_716 : i32
        %parallel_loop3A_718 = arith.select %parallel_loop3A_715, %parallel_loop3A_717, %parallel_loop3A_696 : i32
        %parallel_loop3A_719 = arith.constant 16 : i32
        %parallel_loop3A_720 = arith.muli %parallel_loop3A_718, %parallel_loop3A_719 : i32
        %parallel_loop3A_721 = arith.constant 8 : i32
        %parallel_loop3A_722 = arith.constant 0 : i32
        %parallel_loop3A_723 = arith.cmpi eq, %parallel_loop3A_721, %parallel_loop3A_722 : i32
        %parallel_loop3A_724 = arith.constant 1 : i32
        %parallel_loop3A_725 = arith.select %parallel_loop3A_723, %parallel_loop3A_724, %parallel_loop3A_721 : i32
        %parallel_loop3A_726 = arith.remsi %parallel_loop3A_694, %parallel_loop3A_725 : i32
        %parallel_loop3A_727 = arith.constant 0 : i32
        %parallel_loop3A_728 = arith.cmpi ne, %parallel_loop3A_726, %parallel_loop3A_727 : i32
        %parallel_loop3A_729 = arith.constant 0 : i32
        %parallel_loop3A_730 = arith.cmpi slt, %parallel_loop3A_726, %parallel_loop3A_729 : i32
        %parallel_loop3A_731 = arith.constant 0 : i32
        %parallel_loop3A_732 = arith.cmpi slt, %parallel_loop3A_725, %parallel_loop3A_731 : i32
        %parallel_loop3A_733 = arith.xori %parallel_loop3A_730, %parallel_loop3A_732 : i1
        %parallel_loop3A_734 = arith.andi %parallel_loop3A_733, %parallel_loop3A_728 : i1
        %parallel_loop3A_735 = arith.addi %parallel_loop3A_726, %parallel_loop3A_725 : i32
        %parallel_loop3A_736 = arith.select %parallel_loop3A_734, %parallel_loop3A_735, %parallel_loop3A_726 : i32
        %parallel_loop3A_737 = arith.constant 16 : i32
        %parallel_loop3A_738 = arith.muli %parallel_loop3A_736, %parallel_loop3A_737 : i32
        %parallel_loop3A_739 = arith.addi %mul3A_674, %parallel_loop3A_738 : i32
        %parallel_loop3A_740 = arith.index_cast %parallel_loop3A_739 : i32 to index
        %parallel_loop3A_741 = tpu.vector_load %arg7[%parallel_loop3A_740] {strides = array<i32>} : memref<1280xi32, #tpu.memory_space<vmem>>, vector<16xi32>,
        %parallel_loop3A_742 = vector.broadcast %parallel_loop3A_738 : i32 to vector<16xi32>
        %parallel_loop3A_743 = arith.addi %iota3A_675, %parallel_loop3A_742 : vector<16xi32>
        %parallel_loop3A_744 = vector.broadcast %parallel_loop3A_720 : i32 to vector<16xi32>
        %parallel_loop3A_745 = arith.addi %parallel_loop3A_744, %iota3A_675 : vector<16xi32>
        %parallel_loop3A_746 = tpu.vector_load_idx %arg9[%parallel_loop3A_741, %parallel_loop3A_745] : memref<256x128xf32, #tpu.memory_space<vmem>>[vector<16xi32>, vector<16xi32>], vector<16xf32>,
        tpu.vector_store_idx %arg11[%parallel_loop3A_745, %parallel_loop3A_743], %parallel_loop3A_746 : memref<128x128xf32, #tpu.memory_space<vmem>>[vector<16xi32>, vector<16xi32>], vector<16xf32>,
        %parallel_loop3A_747 = arith.constant 1 : i32
        %parallel_loop3A_748 = vector.broadcast %parallel_loop3A_747 : i32 to vector<16xi32>
        %parallel_loop3A_749 = arith.addi %iota3A_675, %parallel_loop3A_748 : vector<16xi32>
        %parallel_loop3A_750 = arith.constant 15 : i32
        %parallel_loop3A_751 = vector.broadcast %parallel_loop3A_750 : i32 to vector<16xi32>
        %parallel_loop3A_752 = arith.andi %parallel_loop3A_749, %parallel_loop3A_751 : vector<16xi32>
        %parallel_loop3A_753 = arith.addi %parallel_loop3A_744, %parallel_loop3A_752 : vector<16xi32>
        %parallel_loop3A_754 = tpu.vector_load_idx %arg9[%parallel_loop3A_741, %parallel_loop3A_753] : memref<256x128xf32, #tpu.memory_space<vmem>>[vector<16xi32>, vector<16xi32>], vector<16xf32>,
        tpu.vector_store_idx %arg11[%parallel_loop3A_753, %parallel_loop3A_743], %parallel_loop3A_754 : memref<128x128xf32, #tpu.memory_space<vmem>>[vector<16xi32>, vector<16xi32>], vector<16xf32>,
        %parallel_loop3A_755 = arith.constant 1 : i32
        %parallel_loop3A_756 = vector.broadcast %parallel_loop3A_755 : i32 to vector<16xi32>
        %parallel_loop3A_757 = arith.addi %parallel_loop3A_752, %parallel_loop3A_756 : vector<16xi32>
        %parallel_loop3A_758 = arith.constant 15 : i32
        %parallel_loop3A_759 = vector.broadcast %parallel_loop3A_758 : i32 to vector<16xi32>
        %parallel_loop3A_760 = arith.andi %parallel_loop3A_757, %parallel_loop3A_759 : vector<16xi32>
        %parallel_loop3A_761 = arith.addi %parallel_loop3A_744, %parallel_loop3A_760 : vector<16xi32>
        %parallel_loop3A_762 = tpu.vector_load_idx %arg9[%parallel_loop3A_741, %parallel_loop3A_761] : memref<256x128xf32, #tpu.memory_space<vmem>>[vector<16xi32>, vector<16xi32>], vector<16xf32>,
        tpu.vector_store_idx %arg11[%parallel_loop3A_761, %parallel_loop3A_743], %parallel_loop3A_762 : memref<128x128xf32, #tpu.memory_space<vmem>>[vector<16xi32>, vector<16xi32>], vector<16xf32>,
        %parallel_loop3A_763 = arith.constant 1 : i32
        %parallel_loop3A_764 = vector.broadcast %parallel_loop3A_763 : i32 to vector<16xi32>
        %parallel_loop3A_765 = arith.addi %parallel_loop3A_760, %parallel_loop3A_764 : vector<16xi32>
        %parallel_loop3A_766 = arith.constant 15 : i32
        %parallel_loop3A_767 = vector.broadcast %parallel_loop3A_766 : i32 to vector<16xi32>
        %parallel_loop3A_768 = arith.andi %parallel_loop3A_765, %parallel_loop3A_767 : vector<16xi32>
        %parallel_loop3A_769 = arith.addi %parallel_loop3A_744, %parallel_loop3A_768 : vector<16xi32>
        %parallel_loop3A_770 = tpu.vector_load_idx %arg9[%parallel_loop3A_741, %parallel_loop3A_769] : memref<256x128xf32, #tpu.memory_space<vmem>>[vector<16xi32>, vector<16xi32>], vector<16xf32>,
        tpu.vector_store_idx %arg11[%parallel_loop3A_769, %parallel_loop3A_743], %parallel_loop3A_770 : memref<128x128xf32, #tpu.memory_space<vmem>>[vector<16xi32>, vector<16xi32>], vector<16xf32>,
        %parallel_loop3A_771 = arith.constant 1 : i32
        %parallel_loop3A_772 = vector.broadcast %parallel_loop3A_771 : i32 to vector<16xi32>
        %parallel_loop3A_773 = arith.addi %parallel_loop3A_768, %parallel_loop3A_772 : vector<16xi32>
        %parallel_loop3A_774 = arith.constant 15 : i32
        %parallel_loop3A_775 = vector.broadcast %parallel_loop3A_774 : i32 to vector<16xi32>
        %parallel_loop3A_776 = arith.andi %parallel_loop3A_773, %parallel_loop3A_775 : vector<16xi32>
        %parallel_loop3A_777 = arith.addi %parallel_loop3A_744, %parallel_loop3A_776 : vector<16xi32>
        %parallel_loop3A_778 = tpu.vector_load_idx %arg9[%parallel_loop3A_741, %parallel_loop3A_777] : memref<256x128xf32, #tpu.memory_space<vmem>>[vector<16xi32>, vector<16xi32>], vector<16xf32>,
        tpu.vector_store_idx %arg11[%parallel_loop3A_777, %parallel_loop3A_743], %parallel_loop3A_778 : memref<128x128xf32, #tpu.memory_space<vmem>>[vector<16xi32>, vector<16xi32>], vector<16xf32>,
        %parallel_loop3A_779 = arith.constant 1 : i32
        %parallel_loop3A_780 = vector.broadcast %parallel_loop3A_779 : i32 to vector<16xi32>
        %parallel_loop3A_781 = arith.addi %parallel_loop3A_776, %parallel_loop3A_780 : vector<16xi32>
        %parallel_loop3A_782 = arith.constant 15 : i32
        %parallel_loop3A_783 = vector.broadcast %parallel_loop3A_782 : i32 to vector<16xi32>
        %parallel_loop3A_784 = arith.andi %parallel_loop3A_781, %parallel_loop3A_783 : vector<16xi32>
        %parallel_loop3A_785 = arith.addi %parallel_loop3A_744, %parallel_loop3A_784 : vector<16xi32>
        %parallel_loop3A_786 = tpu.vector_load_idx %arg9[%parallel_loop3A_741, %parallel_loop3A_785] : memref<256x128xf32, #tpu.memory_space<vmem>>[vector<16xi32>, vector<16xi32>], vector<16xf32>,
        tpu.vector_store_idx %arg11[%parallel_loop3A_785, %parallel_loop3A_743], %parallel_loop3A_786 : memref<128x128xf32, #tpu.memory_space<vmem>>[vector<16xi32>, vector<16xi32>], vector<16xf32>,
        %parallel_loop3A_787 = arith.constant 1 : i32
        %parallel_loop3A_788 = vector.broadcast %parallel_loop3A_787 : i32 to vector<16xi32>
        %parallel_loop3A_789 = arith.addi %parallel_loop3A_784, %parallel_loop3A_788 : vector<16xi32>
        %parallel_loop3A_790 = arith.constant 15 : i32
        %parallel_loop3A_791 = vector.broadcast %parallel_loop3A_790 : i32 to vector<16xi32>
        %parallel_loop3A_792 = arith.andi %parallel_loop3A_789, %parallel_loop3A_791 : vector<16xi32>
        %parallel_loop3A_793 = arith.addi %parallel_loop3A_744, %parallel_loop3A_792 : vector<16xi32>
        %parallel_loop3A_794 = tpu.vector_load_idx %arg9[%parallel_loop3A_741, %parallel_loop3A_793] : memref<256x128xf32, #tpu.memory_space<vmem>>[vector<16xi32>, vector<16xi32>], vector<16xf32>,
        tpu.vector_store_idx %arg11[%parallel_loop3A_793, %parallel_loop3A_743], %parallel_loop3A_794 : memref<128x128xf32, #tpu.memory_space<vmem>>[vector<16xi32>, vector<16xi32>], vector<16xf32>,
        %parallel_loop3A_795 = arith.constant 1 : i32
        %parallel_loop3A_796 = vector.broadcast %parallel_loop3A_795 : i32 to vector<16xi32>
        %parallel_loop3A_797 = arith.addi %parallel_loop3A_792, %parallel_loop3A_796 : vector<16xi32>
        %parallel_loop3A_798 = arith.constant 15 : i32
        %parallel_loop3A_799 = vector.broadcast %parallel_loop3A_798 : i32 to vector<16xi32>
        %parallel_loop3A_800 = arith.andi %parallel_loop3A_797, %parallel_loop3A_799 : vector<16xi32>
        %parallel_loop3A_801 = arith.addi %parallel_loop3A_744, %parallel_loop3A_800 : vector<16xi32>
        %parallel_loop3A_802 = tpu.vector_load_idx %arg9[%parallel_loop3A_741, %parallel_loop3A_801] : memref<256x128xf32, #tpu.memory_space<vmem>>[vector<16xi32>, vector<16xi32>], vector<16xf32>,
        tpu.vector_store_idx %arg11[%parallel_loop3A_801, %parallel_loop3A_743], %parallel_loop3A_802 : memref<128x128xf32, #tpu.memory_space<vmem>>[vector<16xi32>, vector<16xi32>], vector<16xf32>,
        %parallel_loop3A_803 = arith.constant 1 : i32
        %parallel_loop3A_804 = vector.broadcast %parallel_loop3A_803 : i32 to vector<16xi32>
        %parallel_loop3A_805 = arith.addi %parallel_loop3A_800, %parallel_loop3A_804 : vector<16xi32>
        %parallel_loop3A_806 = arith.constant 15 : i32
        %parallel_loop3A_807 = vector.broadcast %parallel_loop3A_806 : i32 to vector<16xi32>
        %parallel_loop3A_808 = arith.andi %parallel_loop3A_805, %parallel_loop3A_807 : vector<16xi32>
        %parallel_loop3A_809 = arith.addi %parallel_loop3A_744, %parallel_loop3A_808 : vector<16xi32>
        %parallel_loop3A_810 = tpu.vector_load_idx %arg9[%parallel_loop3A_741, %parallel_loop3A_809] : memref<256x128xf32, #tpu.memory_space<vmem>>[vector<16xi32>, vector<16xi32>], vector<16xf32>,
        tpu.vector_store_idx %arg11[%parallel_loop3A_809, %parallel_loop3A_743], %parallel_loop3A_810 : memref<128x128xf32, #tpu.memory_space<vmem>>[vector<16xi32>, vector<16xi32>], vector<16xf32>,
        %parallel_loop3A_811 = arith.constant 1 : i32
        %parallel_loop3A_812 = vector.broadcast %parallel_loop3A_811 : i32 to vector<16xi32>
        %parallel_loop3A_813 = arith.addi %parallel_loop3A_808, %parallel_loop3A_812 : vector<16xi32>
        %parallel_loop3A_814 = arith.constant 15 : i32
        %parallel_loop3A_815 = vector.broadcast %parallel_loop3A_814 : i32 to vector<16xi32>
        %parallel_loop3A_816 = arith.andi %parallel_loop3A_813, %parallel_loop3A_815 : vector<16xi32>
        %parallel_loop3A_817 = arith.addi %parallel_loop3A_744, %parallel_loop3A_816 : vector<16xi32>
        %parallel_loop3A_818 = tpu.vector_load_idx %arg9[%parallel_loop3A_741, %parallel_loop3A_817] : memref<256x128xf32, #tpu.memory_space<vmem>>[vector<16xi32>, vector<16xi32>], vector<16xf32>,
        tpu.vector_store_idx %arg11[%parallel_loop3A_817, %parallel_loop3A_743], %parallel_loop3A_818 : memref<128x128xf32, #tpu.memory_space<vmem>>[vector<16xi32>, vector<16xi32>], vector<16xf32>,
        %parallel_loop3A_819 = arith.constant 1 : i32
        %parallel_loop3A_820 = vector.broadcast %parallel_loop3A_819 : i32 to vector<16xi32>
        %parallel_loop3A_821 = arith.addi %parallel_loop3A_816, %parallel_loop3A_820 : vector<16xi32>
        %parallel_loop3A_822 = arith.constant 15 : i32
        %parallel_loop3A_823 = vector.broadcast %parallel_loop3A_822 : i32 to vector<16xi32>
        %parallel_loop3A_824 = arith.andi %parallel_loop3A_821, %parallel_loop3A_823 : vector<16xi32>
        %parallel_loop3A_825 = arith.addi %parallel_loop3A_744, %parallel_loop3A_824 : vector<16xi32>
        %parallel_loop3A_826 = tpu.vector_load_idx %arg9[%parallel_loop3A_741, %parallel_loop3A_825] : memref<256x128xf32, #tpu.memory_space<vmem>>[vector<16xi32>, vector<16xi32>], vector<16xf32>,
        tpu.vector_store_idx %arg11[%parallel_loop3A_825, %parallel_loop3A_743], %parallel_loop3A_826 : memref<128x128xf32, #tpu.memory_space<vmem>>[vector<16xi32>, vector<16xi32>], vector<16xf32>,
        %parallel_loop3A_827 = arith.constant 1 : i32
        %parallel_loop3A_828 = vector.broadcast %parallel_loop3A_827 : i32 to vector<16xi32>
        %parallel_loop3A_829 = arith.addi %parallel_loop3A_824, %parallel_loop3A_828 : vector<16xi32>
        %parallel_loop3A_830 = arith.constant 15 : i32
        %parallel_loop3A_831 = vector.broadcast %parallel_loop3A_830 : i32 to vector<16xi32>
        %parallel_loop3A_832 = arith.andi %parallel_loop3A_829, %parallel_loop3A_831 : vector<16xi32>
        %parallel_loop3A_833 = arith.addi %parallel_loop3A_744, %parallel_loop3A_832 : vector<16xi32>
        %parallel_loop3A_834 = tpu.vector_load_idx %arg9[%parallel_loop3A_741, %parallel_loop3A_833] : memref<256x128xf32, #tpu.memory_space<vmem>>[vector<16xi32>, vector<16xi32>], vector<16xf32>,
        tpu.vector_store_idx %arg11[%parallel_loop3A_833, %parallel_loop3A_743], %parallel_loop3A_834 : memref<128x128xf32, #tpu.memory_space<vmem>>[vector<16xi32>, vector<16xi32>], vector<16xf32>,
        %parallel_loop3A_835 = arith.constant 1 : i32
        %parallel_loop3A_836 = vector.broadcast %parallel_loop3A_835 : i32 to vector<16xi32>
        %parallel_loop3A_837 = arith.addi %parallel_loop3A_832, %parallel_loop3A_836 : vector<16xi32>
        %parallel_loop3A_838 = arith.constant 15 : i32
        %parallel_loop3A_839 = vector.broadcast %parallel_loop3A_838 : i32 to vector<16xi32>
        %parallel_loop3A_840 = arith.andi %parallel_loop3A_837, %parallel_loop3A_839 : vector<16xi32>
        %parallel_loop3A_841 = arith.addi %parallel_loop3A_744, %parallel_loop3A_840 : vector<16xi32>
        %parallel_loop3A_842 = tpu.vector_load_idx %arg9[%parallel_loop3A_741, %parallel_loop3A_841] : memref<256x128xf32, #tpu.memory_space<vmem>>[vector<16xi32>, vector<16xi32>], vector<16xf32>,
        tpu.vector_store_idx %arg11[%parallel_loop3A_841, %parallel_loop3A_743], %parallel_loop3A_842 : memref<128x128xf32, #tpu.memory_space<vmem>>[vector<16xi32>, vector<16xi32>], vector<16xf32>,
        %parallel_loop3A_843 = arith.constant 1 : i32
        %parallel_loop3A_844 = vector.broadcast %parallel_loop3A_843 : i32 to vector<16xi32>
        %parallel_loop3A_845 = arith.addi %parallel_loop3A_840, %parallel_loop3A_844 : vector<16xi32>
        %parallel_loop3A_846 = arith.constant 15 : i32
        %parallel_loop3A_847 = vector.broadcast %parallel_loop3A_846 : i32 to vector<16xi32>
        %parallel_loop3A_848 = arith.andi %parallel_loop3A_845, %parallel_loop3A_847 : vector<16xi32>
        %parallel_loop3A_849 = arith.addi %parallel_loop3A_744, %parallel_loop3A_848 : vector<16xi32>
        %parallel_loop3A_850 = tpu.vector_load_idx %arg9[%parallel_loop3A_741, %parallel_loop3A_849] : memref<256x128xf32, #tpu.memory_space<vmem>>[vector<16xi32>, vector<16xi32>], vector<16xf32>,
        tpu.vector_store_idx %arg11[%parallel_loop3A_849, %parallel_loop3A_743], %parallel_loop3A_850 : memref<128x128xf32, #tpu.memory_space<vmem>>[vector<16xi32>, vector<16xi32>], vector<16xf32>,
        %parallel_loop3A_851 = arith.constant 1 : i32
        %parallel_loop3A_852 = vector.broadcast %parallel_loop3A_851 : i32 to vector<16xi32>
        %parallel_loop3A_853 = arith.addi %parallel_loop3A_848, %parallel_loop3A_852 : vector<16xi32>
        %parallel_loop3A_854 = arith.constant 15 : i32
        %parallel_loop3A_855 = vector.broadcast %parallel_loop3A_854 : i32 to vector<16xi32>
        %parallel_loop3A_856 = arith.andi %parallel_loop3A_853, %parallel_loop3A_855 : vector<16xi32>
        %parallel_loop3A_857 = arith.addi %parallel_loop3A_744, %parallel_loop3A_856 : vector<16xi32>
        %parallel_loop3A_858 = tpu.vector_load_idx %arg9[%parallel_loop3A_741, %parallel_loop3A_857] : memref<256x128xf32, #tpu.memory_space<vmem>>[vector<16xi32>, vector<16xi32>], vector<16xf32>,
        tpu.vector_store_idx %arg11[%parallel_loop3A_857, %parallel_loop3A_743], %parallel_loop3A_858 : memref<128x128xf32, #tpu.memory_space<vmem>>[vector<16xi32>, vector<16xi32>], vector<16xf32>,
        %parallel_loop3A_859 = arith.constant 1 : i32
        %parallel_loop3A_860 = vector.broadcast %parallel_loop3A_859 : i32 to vector<16xi32>
        %parallel_loop3A_861 = arith.addi %parallel_loop3A_856, %parallel_loop3A_860 : vector<16xi32>
        %parallel_loop3A_862 = arith.constant 15 : i32
        %parallel_loop3A_863 = vector.broadcast %parallel_loop3A_862 : i32 to vector<16xi32>
        %parallel_loop3A_864 = arith.andi %parallel_loop3A_861, %parallel_loop3A_863 : vector<16xi32>
        %parallel_loop3A_865 = arith.addi %parallel_loop3A_744, %parallel_loop3A_864 : vector<16xi32>
        %parallel_loop3A_866 = tpu.vector_load_idx %arg9[%parallel_loop3A_741, %parallel_loop3A_865] : memref<256x128xf32, #tpu.memory_space<vmem>>[vector<16xi32>, vector<16xi32>], vector<16xf32>,
        tpu.vector_store_idx %arg11[%parallel_loop3A_865, %parallel_loop3A_743], %parallel_loop3A_866 : memref<128x128xf32, #tpu.memory_space<vmem>>[vector<16xi32>, vector<16xi32>], vector<16xf32>,
        %parallel_loop3A_867 = arith.constant 1 : i32
        %parallel_loop3A_868 = vector.broadcast %parallel_loop3A_867 : i32 to vector<16xi32>
        %parallel_loop3A_869 = arith.addi %parallel_loop3A_864, %parallel_loop3A_868 : vector<16xi32>
        %parallel_loop3A_870 = arith.constant 15 : i32
        %parallel_loop3A_871 = vector.broadcast %parallel_loop3A_870 : i32 to vector<16xi32>
        %parallel_loop3A_872 = arith.andi %parallel_loop3A_869, %parallel_loop3A_871 : vector<16xi32>
      } {sc.loop_unroll_factor = 2 : i64, sc.parallel_access}
      %multiple_of3A_679 = tpu.assume_multiple %mul3A_671, 128 : i32
      %mul3A_680 = arith.constant 128 : i32
      %mul3A_681 = arith.muli %select_n3A_653, %mul3A_680 : i32
      %multiple_of3A_682 = tpu.assume_multiple %mul3A_681, 128 : i32
      %dma_start3A_683 = tpu.memref_slice %arg5[%multiple_of3A_679, %multiple_of3A_682] : memref<1024x33280xf32, #tpu.memory_space<hbm>> -> memref<128x128xf32, #tpu.memory_space<hbm>>
      %dma_start3A_684 = tpu.memref_slice %arg5[%multiple_of3A_679, %multiple_of3A_682] : memref<1024x33280xf32, #tpu.memory_space<hbm>> -> memref<128x128xf32, #tpu.memory_space<hbm>>
      tpu.enqueue_dma source(%arg11 : memref<128x128xf32, #tpu.memory_space<vmem>>) target(%dma_start3A_684 : memref<128x128xf32, #tpu.memory_space<hbm>>) target_semaphore(%arg13 : memref<!tpu.dma_semaphore, #tpu.memory_space<semaphore_mem>>)
      %mul3A_685 = arith.constant 2 : i32
      %mul3A_686 = arith.muli %mul3A_685, %scan3A_466 : i32
      %add3A_687 = arith.constant 3 : i32
      %add3A_688 = arith.addi %mul3A_686, %add3A_687 : i32
      %lt3A_689 = arith.constant 65 : i32
      %lt3A_690 = arith.cmpi slt, %add3A_688, %lt3A_689 : i32
      %convert_element_type3A_691 = arith.extui %lt3A_690 : i1 to i32
      %cond3A_692 = arith.constant 0 : i32
      %cond3A_693 = arith.cmpi ne, %convert_element_type3A_691, %cond3A_692 : i32
      scf.if %cond3A_693 {
        %add3A_694 = arith.constant 3 : i32
        %add3A_695 = arith.addi %add3A_469, %add3A_694 : i32
        %jit3A_696 = arith.constant 8 : i32
        %div3A_697 = arith.divsi %add3A_695, %jit3A_696 : i32
        %sign3A_698 = arith.constant 0 : i32
        %sign3A_699 = arith.cmpi sgt, %add3A_695, %sign3A_698 : i32
        %sign3A_700 = arith.extui %sign3A_699 : i1 to i32
        %sign3A_701 = arith.constant 0 : i32
        %sign3A_702 = arith.cmpi slt, %add3A_695, %sign3A_701 : i32
        %sign3A_703 = arith.extui %sign3A_702 : i1 to i32
        %sign3A_704 = arith.subi %sign3A_700, %sign3A_703 : i32
        %sign3A_705 = arith.constant 0 : i32
        %sign3A_706 = arith.cmpi sgt, %jit3A_696, %sign3A_705 : i32
        %sign3A_707 = arith.extui %sign3A_706 : i1 to i32
        %sign3A_708 = arith.constant 0 : i32
        %sign3A_709 = arith.cmpi slt, %jit3A_696, %sign3A_708 : i32
        %sign3A_710 = arith.extui %sign3A_709 : i1 to i32
        %sign3A_711 = arith.subi %sign3A_707, %sign3A_710 : i32
        %ne3A_712 = arith.cmpi ne, %sign3A_704, %sign3A_711 : i32
        %rem3A_713 = arith.remsi %add3A_695, %jit3A_696 : i32
        %ne3A_714 = arith.constant 0 : i32
        %ne3A_715 = arith.cmpi ne, %rem3A_713, %ne3A_714 : i32
        %and3A_716 = arith.andi %ne3A_712, %ne3A_715 : i1
        %sub3A_717 = arith.constant 1 : i32
        %sub3A_718 = arith.subi %div3A_697, %sub3A_717 : i32
        %select_n3A_719 = arith.select %and3A_716, %sub3A_718, %div3A_697 : i32
        %jit3A_720 = arith.constant 8 : i32
        %eq3A_721 = arith.constant 0 : i32
        %eq3A_722 = arith.cmpi eq, %jit3A_720, %eq3A_721 : i32
        %jit3A_723 = arith.constant 1 : i32
        %select_n3A_724 = arith.select %eq3A_722, %jit3A_723, %jit3A_720 : i32
        %rem3A_725 = arith.remsi %add3A_695, %select_n3A_724 : i32
        %ne3A_726 = arith.constant 0 : i32
        %ne3A_727 = arith.cmpi ne, %rem3A_725, %ne3A_726 : i32
        %lt3A_728 = arith.constant 0 : i32
        %lt3A_729 = arith.cmpi slt, %rem3A_725, %lt3A_728 : i32
        %lt3A_730 = arith.constant 0 : i32
        %lt3A_731 = arith.cmpi slt, %select_n3A_724, %lt3A_730 : i32
        %ne3A_732 = arith.xori %lt3A_729, %lt3A_731 : i1
        %and3A_733 = arith.andi %ne3A_732, %ne3A_727 : i1
        %add3A_734 = arith.addi %rem3A_725, %select_n3A_724 : i32
        %select_n3A_735 = arith.select %and3A_733, %add3A_734, %rem3A_725 : i32
        %mul3A_736 = arith.constant 128 : i32
        %mul3A_737 = arith.muli %select_n3A_735, %mul3A_736 : i32
        %sub3A_738 = arith.subi %select_n3A_719, %select_n3A : i32
        %mul3A_739 = arith.constant 24 : i32
        %mul3A_740 = arith.muli %sub3A_738, %mul3A_739 : i32
        %get3A_741 = arith.index_cast %mul3A_740 : i32 to index
        %get3A_742 = tpu.vector_load %arg6[%get3A_741] {strides = array<i32>} : memref<240xi32, #tpu.memory_space<vmem>>, vector<16xi32>,
        %add3A_743 = arith.constant 16 : i32
        %add3A_744 = arith.addi %mul3A_740, %add3A_743 : i32
        %get3A_745 = arith.index_cast %add3A_744 : i32 to index
        %get3A_746 = tpu.vector_load %arg6[%get3A_745] {strides = array<i32>} : memref<240xi32, #tpu.memory_space<vmem>>, vector<16xi32>,
        %slice3A_747 = vector.extract_strided_slice %get3A_742 {offsets = [0], sizes = [1], strides = [1]} : vector<16xi32> to vector<1xi32>
        %squeeze3A_748 = vector.extract %slice3A_747[0] : i32 from vector<1xi32>
        %slice3A_749 = vector.extract_strided_slice %get3A_742 {offsets = [1], sizes = [1], strides = [1]} : vector<16xi32> to vector<1xi32>
        %squeeze3A_750 = vector.extract %slice3A_749[0] : i32 from vector<1xi32>
        %slice3A_751 = vector.extract_strided_slice %get3A_742 {offsets = [2], sizes = [1], strides = [1]} : vector<16xi32> to vector<1xi32>
        %squeeze3A_752 = vector.extract %slice3A_751[0] : i32 from vector<1xi32>
        %slice3A_753 = vector.extract_strided_slice %get3A_742 {offsets = [3], sizes = [1], strides = [1]} : vector<16xi32> to vector<1xi32>
        %squeeze3A_754 = vector.extract %slice3A_753[0] : i32 from vector<1xi32>
        %slice3A_755 = vector.extract_strided_slice %get3A_742 {offsets = [4], sizes = [1], strides = [1]} : vector<16xi32> to vector<1xi32>
        %squeeze3A_756 = vector.extract %slice3A_755[0] : i32 from vector<1xi32>
        %slice3A_757 = vector.extract_strided_slice %get3A_742 {offsets = [5], sizes = [1], strides = [1]} : vector<16xi32> to vector<1xi32>
        %squeeze3A_758 = vector.extract %slice3A_757[0] : i32 from vector<1xi32>
        %slice3A_759 = vector.extract_strided_slice %get3A_742 {offsets = [6], sizes = [1], strides = [1]} : vector<16xi32> to vector<1xi32>
        %squeeze3A_760 = vector.extract %slice3A_759[0] : i32 from vector<1xi32>
        %slice3A_761 = vector.extract_strided_slice %get3A_742 {offsets = [7], sizes = [1], strides = [1]} : vector<16xi32> to vector<1xi32>
        %squeeze3A_762 = vector.extract %slice3A_761[0] : i32 from vector<1xi32>
        %slice3A_763 = vector.extract_strided_slice %get3A_742 {offsets = [8], sizes = [1], strides = [1]} : vector<16xi32> to vector<1xi32>
        %squeeze3A_764 = vector.extract %slice3A_763[0] : i32 from vector<1xi32>
        %slice3A_765 = vector.extract_strided_slice %get3A_742 {offsets = [9], sizes = [1], strides = [1]} : vector<16xi32> to vector<1xi32>
        %squeeze3A_766 = vector.extract %slice3A_765[0] : i32 from vector<1xi32>
        %slice3A_767 = vector.extract_strided_slice %get3A_742 {offsets = [10], sizes = [1], strides = [1]} : vector<16xi32> to vector<1xi32>
        %squeeze3A_768 = vector.extract %slice3A_767[0] : i32 from vector<1xi32>
        %slice3A_769 = vector.extract_strided_slice %get3A_742 {offsets = [11], sizes = [1], strides = [1]} : vector<16xi32> to vector<1xi32>
        %squeeze3A_770 = vector.extract %slice3A_769[0] : i32 from vector<1xi32>
        %slice3A_771 = vector.extract_strided_slice %get3A_742 {offsets = [12], sizes = [1], strides = [1]} : vector<16xi32> to vector<1xi32>
        %squeeze3A_772 = vector.extract %slice3A_771[0] : i32 from vector<1xi32>
        %slice3A_773 = vector.extract_strided_slice %get3A_742 {offsets = [13], sizes = [1], strides = [1]} : vector<16xi32> to vector<1xi32>
        %squeeze3A_774 = vector.extract %slice3A_773[0] : i32 from vector<1xi32>
        %slice3A_775 = vector.extract_strided_slice %get3A_742 {offsets = [14], sizes = [1], strides = [1]} : vector<16xi32> to vector<1xi32>
        %squeeze3A_776 = vector.extract %slice3A_775[0] : i32 from vector<1xi32>
        %slice3A_777 = vector.extract_strided_slice %get3A_742 {offsets = [15], sizes = [1], strides = [1]} : vector<16xi32> to vector<1xi32>
        %squeeze3A_778 = vector.extract %slice3A_777[0] : i32 from vector<1xi32>
        %slice3A_779 = vector.extract_strided_slice %get3A_746 {offsets = [0], sizes = [1], strides = [1]} : vector<16xi32> to vector<1xi32>
        %squeeze3A_780 = vector.extract %slice3A_779[0] : i32 from vector<1xi32>
        %gt3A_781 = arith.constant 0 : i32
        %gt3A_782 = arith.cmpi sgt, %squeeze3A_748, %gt3A_781 : i32
        %convert_element_type3A_783 = arith.extui %gt3A_782 : i1 to i32
        %cond3A_784 = arith.constant 0 : i32
        %cond3A_785 = arith.cmpi ne, %convert_element_type3A_783, %cond3A_784 : i32
        scf.if %cond3A_785 {
          %multiple_of3A_861 = tpu.assume_multiple %squeeze3A_750, 8 : i32
          %multiple_of3A_862 = tpu.assume_multiple %mul3A_737, 128 : i32
          %dma_start3A_863 = arith.constant 0 : i32
          %dma_start3A_864 = arith.constant 0 : i32
          %dma_start3A_865 = tpu.memref_slice %arg9[%dma_start3A_863, %dma_start3A_864] : memref<256x128xf32, #tpu.memory_space<vmem>> -> memref<16x128xf32, #tpu.memory_space<vmem>>
          %dma_start3A_866 = tpu.memref_slice %arg2[%multiple_of3A_861, %multiple_of3A_862] : memref<65536x1024xf32, #tpu.memory_space<hbm>> -> memref<16x128xf32, #tpu.memory_space<hbm>>
          %dma_start3A_867 = arith.constant 0 : i32
          %dma_start3A_868 = arith.constant 0 : i32
          %dma_start3A_869 = tpu.memref_slice %arg9[%dma_start3A_867, %dma_start3A_868] : memref<256x128xf32, #tpu.memory_space<vmem>> -> memref<16x128xf32, #tpu.memory_space<vmem>>
          %dma_start3A_870 = tpu.memref_slice %arg2[%multiple_of3A_861, %multiple_of3A_862] : memref<65536x1024xf32, #tpu.memory_space<hbm>> -> memref<16x128xf32, #tpu.memory_space<hbm>>
          tpu.enqueue_dma source(%dma_start3A_870 : memref<16x128xf32, #tpu.memory_space<hbm>>) target(%dma_start3A_869 : memref<16x128xf32, #tpu.memory_space<vmem>>) target_semaphore(%arg12 : memref<!tpu.dma_semaphore, #tpu.memory_space<semaphore_mem>>)
        } else {
        }
        %gt3A_786 = arith.constant 1 : i32
        %gt3A_787 = arith.cmpi sgt, %squeeze3A_748, %gt3A_786 : i32
        %convert_element_type3A_788 = arith.extui %gt3A_787 : i1 to i32
        %cond3A_789 = arith.constant 0 : i32
        %cond3A_790 = arith.cmpi ne, %convert_element_type3A_788, %cond3A_789 : i32
        scf.if %cond3A_790 {
          %multiple_of3A_861 = tpu.assume_multiple %squeeze3A_752, 8 : i32
          %multiple_of3A_862 = tpu.assume_multiple %mul3A_737, 128 : i32
          %dma_start3A_863 = arith.constant 16 : i32
          %dma_start3A_864 = arith.constant 0 : i32
          %dma_start3A_865 = tpu.memref_slice %arg9[%dma_start3A_863, %dma_start3A_864] : memref<256x128xf32, #tpu.memory_space<vmem>> -> memref<16x128xf32, #tpu.memory_space<vmem>>
          %dma_start3A_866 = tpu.memref_slice %arg2[%multiple_of3A_861, %multiple_of3A_862] : memref<65536x1024xf32, #tpu.memory_space<hbm>> -> memref<16x128xf32, #tpu.memory_space<hbm>>
          %dma_start3A_867 = arith.constant 16 : i32
          %dma_start3A_868 = arith.constant 0 : i32
          %dma_start3A_869 = tpu.memref_slice %arg9[%dma_start3A_867, %dma_start3A_868] : memref<256x128xf32, #tpu.memory_space<vmem>> -> memref<16x128xf32, #tpu.memory_space<vmem>>
          %dma_start3A_870 = tpu.memref_slice %arg2[%multiple_of3A_861, %multiple_of3A_862] : memref<65536x1024xf32, #tpu.memory_space<hbm>> -> memref<16x128xf32, #tpu.memory_space<hbm>>
          tpu.enqueue_dma source(%dma_start3A_870 : memref<16x128xf32, #tpu.memory_space<hbm>>) target(%dma_start3A_869 : memref<16x128xf32, #tpu.memory_space<vmem>>) target_semaphore(%arg12 : memref<!tpu.dma_semaphore, #tpu.memory_space<semaphore_mem>>)
        } else {
        }
        %gt3A_791 = arith.constant 2 : i32
        %gt3A_792 = arith.cmpi sgt, %squeeze3A_748, %gt3A_791 : i32
        %convert_element_type3A_793 = arith.extui %gt3A_792 : i1 to i32
        %cond3A_794 = arith.constant 0 : i32
        %cond3A_795 = arith.cmpi ne, %convert_element_type3A_793, %cond3A_794 : i32
        scf.if %cond3A_795 {
          %multiple_of3A_861 = tpu.assume_multiple %squeeze3A_754, 8 : i32
          %multiple_of3A_862 = tpu.assume_multiple %mul3A_737, 128 : i32
          %dma_start3A_863 = arith.constant 32 : i32
          %dma_start3A_864 = arith.constant 0 : i32
          %dma_start3A_865 = tpu.memref_slice %arg9[%dma_start3A_863, %dma_start3A_864] : memref<256x128xf32, #tpu.memory_space<vmem>> -> memref<16x128xf32, #tpu.memory_space<vmem>>
          %dma_start3A_866 = tpu.memref_slice %arg2[%multiple_of3A_861, %multiple_of3A_862] : memref<65536x1024xf32, #tpu.memory_space<hbm>> -> memref<16x128xf32, #tpu.memory_space<hbm>>
          %dma_start3A_867 = arith.constant 32 : i32
          %dma_start3A_868 = arith.constant 0 : i32
          %dma_start3A_869 = tpu.memref_slice %arg9[%dma_start3A_867, %dma_start3A_868] : memref<256x128xf32, #tpu.memory_space<vmem>> -> memref<16x128xf32, #tpu.memory_space<vmem>>
          %dma_start3A_870 = tpu.memref_slice %arg2[%multiple_of3A_861, %multiple_of3A_862] : memref<65536x1024xf32, #tpu.memory_space<hbm>> -> memref<16x128xf32, #tpu.memory_space<hbm>>
          tpu.enqueue_dma source(%dma_start3A_870 : memref<16x128xf32, #tpu.memory_space<hbm>>) target(%dma_start3A_869 : memref<16x128xf32, #tpu.memory_space<vmem>>) target_semaphore(%arg12 : memref<!tpu.dma_semaphore, #tpu.memory_space<semaphore_mem>>)
        } else {
        }
        %gt3A_796 = arith.constant 3 : i32
        %gt3A_797 = arith.cmpi sgt, %squeeze3A_748, %gt3A_796 : i32
        %convert_element_type3A_798 = arith.extui %gt3A_797 : i1 to i32
        %cond3A_799 = arith.constant 0 : i32
        %cond3A_800 = arith.cmpi ne, %convert_element_type3A_798, %cond3A_799 : i32
        scf.if %cond3A_800 {
          %multiple_of3A_861 = tpu.assume_multiple %squeeze3A_756, 8 : i32
          %multiple_of3A_862 = tpu.assume_multiple %mul3A_737, 128 : i32
          %dma_start3A_863 = arith.constant 48 : i32
          %dma_start3A_864 = arith.constant 0 : i32
          %dma_start3A_865 = tpu.memref_slice %arg9[%dma_start3A_863, %dma_start3A_864] : memref<256x128xf32, #tpu.memory_space<vmem>> -> memref<16x128xf32, #tpu.memory_space<vmem>>
          %dma_start3A_866 = tpu.memref_slice %arg2[%multiple_of3A_861, %multiple_of3A_862] : memref<65536x1024xf32, #tpu.memory_space<hbm>> -> memref<16x128xf32, #tpu.memory_space<hbm>>
          %dma_start3A_867 = arith.constant 48 : i32
          %dma_start3A_868 = arith.constant 0 : i32
          %dma_start3A_869 = tpu.memref_slice %arg9[%dma_start3A_867, %dma_start3A_868] : memref<256x128xf32, #tpu.memory_space<vmem>> -> memref<16x128xf32, #tpu.memory_space<vmem>>
          %dma_start3A_870 = tpu.memref_slice %arg2[%multiple_of3A_861, %multiple_of3A_862] : memref<65536x1024xf32, #tpu.memory_space<hbm>> -> memref<16x128xf32, #tpu.memory_space<hbm>>
          tpu.enqueue_dma source(%dma_start3A_870 : memref<16x128xf32, #tpu.memory_space<hbm>>) target(%dma_start3A_869 : memref<16x128xf32, #tpu.memory_space<vmem>>) target_semaphore(%arg12 : memref<!tpu.dma_semaphore, #tpu.memory_space<semaphore_mem>>)
        } else {
        }
        %gt3A_801 = arith.constant 4 : i32
        %gt3A_802 = arith.cmpi sgt, %squeeze3A_748, %gt3A_801 : i32
        %convert_element_type3A_803 = arith.extui %gt3A_802 : i1 to i32
        %cond3A_804 = arith.constant 0 : i32
        %cond3A_805 = arith.cmpi ne, %convert_element_type3A_803, %cond3A_804 : i32
        scf.if %cond3A_805 {
          %multiple_of3A_861 = tpu.assume_multiple %squeeze3A_758, 8 : i32
          %multiple_of3A_862 = tpu.assume_multiple %mul3A_737, 128 : i32
          %dma_start3A_863 = arith.constant 64 : i32
          %dma_start3A_864 = arith.constant 0 : i32
          %dma_start3A_865 = tpu.memref_slice %arg9[%dma_start3A_863, %dma_start3A_864] : memref<256x128xf32, #tpu.memory_space<vmem>> -> memref<16x128xf32, #tpu.memory_space<vmem>>
          %dma_start3A_866 = tpu.memref_slice %arg2[%multiple_of3A_861, %multiple_of3A_862] : memref<65536x1024xf32, #tpu.memory_space<hbm>> -> memref<16x128xf32, #tpu.memory_space<hbm>>
          %dma_start3A_867 = arith.constant 64 : i32
          %dma_start3A_868 = arith.constant 0 : i32
          %dma_start3A_869 = tpu.memref_slice %arg9[%dma_start3A_867, %dma_start3A_868] : memref<256x128xf32, #tpu.memory_space<vmem>> -> memref<16x128xf32, #tpu.memory_space<vmem>>
          %dma_start3A_870 = tpu.memref_slice %arg2[%multiple_of3A_861, %multiple_of3A_862] : memref<65536x1024xf32, #tpu.memory_space<hbm>> -> memref<16x128xf32, #tpu.memory_space<hbm>>
          tpu.enqueue_dma source(%dma_start3A_870 : memref<16x128xf32, #tpu.memory_space<hbm>>) target(%dma_start3A_869 : memref<16x128xf32, #tpu.memory_space<vmem>>) target_semaphore(%arg12 : memref<!tpu.dma_semaphore, #tpu.memory_space<semaphore_mem>>)
        } else {
        }
        %gt3A_806 = arith.constant 5 : i32
        %gt3A_807 = arith.cmpi sgt, %squeeze3A_748, %gt3A_806 : i32
        %convert_element_type3A_808 = arith.extui %gt3A_807 : i1 to i32
        %cond3A_809 = arith.constant 0 : i32
        %cond3A_810 = arith.cmpi ne, %convert_element_type3A_808, %cond3A_809 : i32
        scf.if %cond3A_810 {
          %multiple_of3A_861 = tpu.assume_multiple %squeeze3A_760, 8 : i32
          %multiple_of3A_862 = tpu.assume_multiple %mul3A_737, 128 : i32
          %dma_start3A_863 = arith.constant 80 : i32
          %dma_start3A_864 = arith.constant 0 : i32
          %dma_start3A_865 = tpu.memref_slice %arg9[%dma_start3A_863, %dma_start3A_864] : memref<256x128xf32, #tpu.memory_space<vmem>> -> memref<16x128xf32, #tpu.memory_space<vmem>>
          %dma_start3A_866 = tpu.memref_slice %arg2[%multiple_of3A_861, %multiple_of3A_862] : memref<65536x1024xf32, #tpu.memory_space<hbm>> -> memref<16x128xf32, #tpu.memory_space<hbm>>
          %dma_start3A_867 = arith.constant 80 : i32
          %dma_start3A_868 = arith.constant 0 : i32
          %dma_start3A_869 = tpu.memref_slice %arg9[%dma_start3A_867, %dma_start3A_868] : memref<256x128xf32, #tpu.memory_space<vmem>> -> memref<16x128xf32, #tpu.memory_space<vmem>>
          %dma_start3A_870 = tpu.memref_slice %arg2[%multiple_of3A_861, %multiple_of3A_862] : memref<65536x1024xf32, #tpu.memory_space<hbm>> -> memref<16x128xf32, #tpu.memory_space<hbm>>
          tpu.enqueue_dma source(%dma_start3A_870 : memref<16x128xf32, #tpu.memory_space<hbm>>) target(%dma_start3A_869 : memref<16x128xf32, #tpu.memory_space<vmem>>) target_semaphore(%arg12 : memref<!tpu.dma_semaphore, #tpu.memory_space<semaphore_mem>>)
        } else {
        }
        %gt3A_811 = arith.constant 6 : i32
        %gt3A_812 = arith.cmpi sgt, %squeeze3A_748, %gt3A_811 : i32
        %convert_element_type3A_813 = arith.extui %gt3A_812 : i1 to i32
        %cond3A_814 = arith.constant 0 : i32
        %cond3A_815 = arith.cmpi ne, %convert_element_type3A_813, %cond3A_814 : i32
        scf.if %cond3A_815 {
          %multiple_of3A_861 = tpu.assume_multiple %squeeze3A_762, 8 : i32
          %multiple_of3A_862 = tpu.assume_multiple %mul3A_737, 128 : i32
          %dma_start3A_863 = arith.constant 96 : i32
          %dma_start3A_864 = arith.constant 0 : i32
          %dma_start3A_865 = tpu.memref_slice %arg9[%dma_start3A_863, %dma_start3A_864] : memref<256x128xf32, #tpu.memory_space<vmem>> -> memref<16x128xf32, #tpu.memory_space<vmem>>
          %dma_start3A_866 = tpu.memref_slice %arg2[%multiple_of3A_861, %multiple_of3A_862] : memref<65536x1024xf32, #tpu.memory_space<hbm>> -> memref<16x128xf32, #tpu.memory_space<hbm>>
          %dma_start3A_867 = arith.constant 96 : i32
          %dma_start3A_868 = arith.constant 0 : i32
          %dma_start3A_869 = tpu.memref_slice %arg9[%dma_start3A_867, %dma_start3A_868] : memref<256x128xf32, #tpu.memory_space<vmem>> -> memref<16x128xf32, #tpu.memory_space<vmem>>
          %dma_start3A_870 = tpu.memref_slice %arg2[%multiple_of3A_861, %multiple_of3A_862] : memref<65536x1024xf32, #tpu.memory_space<hbm>> -> memref<16x128xf32, #tpu.memory_space<hbm>>
          tpu.enqueue_dma source(%dma_start3A_870 : memref<16x128xf32, #tpu.memory_space<hbm>>) target(%dma_start3A_869 : memref<16x128xf32, #tpu.memory_space<vmem>>) target_semaphore(%arg12 : memref<!tpu.dma_semaphore, #tpu.memory_space<semaphore_mem>>)
        } else {
        }
        %gt3A_816 = arith.constant 7 : i32
        %gt3A_817 = arith.cmpi sgt, %squeeze3A_748, %gt3A_816 : i32
        %convert_element_type3A_818 = arith.extui %gt3A_817 : i1 to i32
        %cond3A_819 = arith.constant 0 : i32
        %cond3A_820 = arith.cmpi ne, %convert_element_type3A_818, %cond3A_819 : i32
        scf.if %cond3A_820 {
          %multiple_of3A_861 = tpu.assume_multiple %squeeze3A_764, 8 : i32
          %multiple_of3A_862 = tpu.assume_multiple %mul3A_737, 128 : i32
          %dma_start3A_863 = arith.constant 112 : i32
          %dma_start3A_864 = arith.constant 0 : i32
          %dma_start3A_865 = tpu.memref_slice %arg9[%dma_start3A_863, %dma_start3A_864] : memref<256x128xf32, #tpu.memory_space<vmem>> -> memref<16x128xf32, #tpu.memory_space<vmem>>
          %dma_start3A_866 = tpu.memref_slice %arg2[%multiple_of3A_861, %multiple_of3A_862] : memref<65536x1024xf32, #tpu.memory_space<hbm>> -> memref<16x128xf32, #tpu.memory_space<hbm>>
          %dma_start3A_867 = arith.constant 112 : i32
          %dma_start3A_868 = arith.constant 0 : i32
          %dma_start3A_869 = tpu.memref_slice %arg9[%dma_start3A_867, %dma_start3A_868] : memref<256x128xf32, #tpu.memory_space<vmem>> -> memref<16x128xf32, #tpu.memory_space<vmem>>
          %dma_start3A_870 = tpu.memref_slice %arg2[%multiple_of3A_861, %multiple_of3A_862] : memref<65536x1024xf32, #tpu.memory_space<hbm>> -> memref<16x128xf32, #tpu.memory_space<hbm>>
          tpu.enqueue_dma source(%dma_start3A_870 : memref<16x128xf32, #tpu.memory_space<hbm>>) target(%dma_start3A_869 : memref<16x128xf32, #tpu.memory_space<vmem>>) target_semaphore(%arg12 : memref<!tpu.dma_semaphore, #tpu.memory_space<semaphore_mem>>)
        } else {
        }
        %gt3A_821 = arith.constant 8 : i32
        %gt3A_822 = arith.cmpi sgt, %squeeze3A_748, %gt3A_821 : i32
        %convert_element_type3A_823 = arith.extui %gt3A_822 : i1 to i32
        %cond3A_824 = arith.constant 0 : i32
        %cond3A_825 = arith.cmpi ne, %convert_element_type3A_823, %cond3A_824 : i32
        scf.if %cond3A_825 {
          %multiple_of3A_861 = tpu.assume_multiple %squeeze3A_766, 8 : i32
          %multiple_of3A_862 = tpu.assume_multiple %mul3A_737, 128 : i32
          %dma_start3A_863 = arith.constant 128 : i32
          %dma_start3A_864 = arith.constant 0 : i32
          %dma_start3A_865 = tpu.memref_slice %arg9[%dma_start3A_863, %dma_start3A_864] : memref<256x128xf32, #tpu.memory_space<vmem>> -> memref<16x128xf32, #tpu.memory_space<vmem>>
          %dma_start3A_866 = tpu.memref_slice %arg2[%multiple_of3A_861, %multiple_of3A_862] : memref<65536x1024xf32, #tpu.memory_space<hbm>> -> memref<16x128xf32, #tpu.memory_space<hbm>>
          %dma_start3A_867 = arith.constant 128 : i32
          %dma_start3A_868 = arith.constant 0 : i32
          %dma_start3A_869 = tpu.memref_slice %arg9[%dma_start3A_867, %dma_start3A_868] : memref<256x128xf32, #tpu.memory_space<vmem>> -> memref<16x128xf32, #tpu.memory_space<vmem>>
          %dma_start3A_870 = tpu.memref_slice %arg2[%multiple_of3A_861, %multiple_of3A_862] : memref<65536x1024xf32, #tpu.memory_space<hbm>> -> memref<16x128xf32, #tpu.memory_space<hbm>>
          tpu.enqueue_dma source(%dma_start3A_870 : memref<16x128xf32, #tpu.memory_space<hbm>>) target(%dma_start3A_869 : memref<16x128xf32, #tpu.memory_space<vmem>>) target_semaphore(%arg12 : memref<!tpu.dma_semaphore, #tpu.memory_space<semaphore_mem>>)
        } else {
        }
        %gt3A_826 = arith.constant 9 : i32
        %gt3A_827 = arith.cmpi sgt, %squeeze3A_748, %gt3A_826 : i32
        %convert_element_type3A_828 = arith.extui %gt3A_827 : i1 to i32
        %cond3A_829 = arith.constant 0 : i32
        %cond3A_830 = arith.cmpi ne, %convert_element_type3A_828, %cond3A_829 : i32
        scf.if %cond3A_830 {
          %multiple_of3A_861 = tpu.assume_multiple %squeeze3A_768, 8 : i32
          %multiple_of3A_862 = tpu.assume_multiple %mul3A_737, 128 : i32
          %dma_start3A_863 = arith.constant 144 : i32
          %dma_start3A_864 = arith.constant 0 : i32
          %dma_start3A_865 = tpu.memref_slice %arg9[%dma_start3A_863, %dma_start3A_864] : memref<256x128xf32, #tpu.memory_space<vmem>> -> memref<16x128xf32, #tpu.memory_space<vmem>>
          %dma_start3A_866 = tpu.memref_slice %arg2[%multiple_of3A_861, %multiple_of3A_862] : memref<65536x1024xf32, #tpu.memory_space<hbm>> -> memref<16x128xf32, #tpu.memory_space<hbm>>
          %dma_start3A_867 = arith.constant 144 : i32
          %dma_start3A_868 = arith.constant 0 : i32
          %dma_start3A_869 = tpu.memref_slice %arg9[%dma_start3A_867, %dma_start3A_868] : memref<256x128xf32, #tpu.memory_space<vmem>> -> memref<16x128xf32, #tpu.memory_space<vmem>>
          %dma_start3A_870 = tpu.memref_slice %arg2[%multiple_of3A_861, %multiple_of3A_862] : memref<65536x1024xf32, #tpu.memory_space<hbm>> -> memref<16x128xf32, #tpu.memory_space<hbm>>
          tpu.enqueue_dma source(%dma_start3A_870 : memref<16x128xf32, #tpu.memory_space<hbm>>) target(%dma_start3A_869 : memref<16x128xf32, #tpu.memory_space<vmem>>) target_semaphore(%arg12 : memref<!tpu.dma_semaphore, #tpu.memory_space<semaphore_mem>>)
        } else {
        }
        %gt3A_831 = arith.constant 10 : i32
        %gt3A_832 = arith.cmpi sgt, %squeeze3A_748, %gt3A_831 : i32
        %convert_element_type3A_833 = arith.extui %gt3A_832 : i1 to i32
        %cond3A_834 = arith.constant 0 : i32
        %cond3A_835 = arith.cmpi ne, %convert_element_type3A_833, %cond3A_834 : i32
        scf.if %cond3A_835 {
          %multiple_of3A_861 = tpu.assume_multiple %squeeze3A_770, 8 : i32
          %multiple_of3A_862 = tpu.assume_multiple %mul3A_737, 128 : i32
          %dma_start3A_863 = arith.constant 160 : i32
          %dma_start3A_864 = arith.constant 0 : i32
          %dma_start3A_865 = tpu.memref_slice %arg9[%dma_start3A_863, %dma_start3A_864] : memref<256x128xf32, #tpu.memory_space<vmem>> -> memref<16x128xf32, #tpu.memory_space<vmem>>
          %dma_start3A_866 = tpu.memref_slice %arg2[%multiple_of3A_861, %multiple_of3A_862] : memref<65536x1024xf32, #tpu.memory_space<hbm>> -> memref<16x128xf32, #tpu.memory_space<hbm>>
          %dma_start3A_867 = arith.constant 160 : i32
          %dma_start3A_868 = arith.constant 0 : i32
          %dma_start3A_869 = tpu.memref_slice %arg9[%dma_start3A_867, %dma_start3A_868] : memref<256x128xf32, #tpu.memory_space<vmem>> -> memref<16x128xf32, #tpu.memory_space<vmem>>
          %dma_start3A_870 = tpu.memref_slice %arg2[%multiple_of3A_861, %multiple_of3A_862] : memref<65536x1024xf32, #tpu.memory_space<hbm>> -> memref<16x128xf32, #tpu.memory_space<hbm>>
          tpu.enqueue_dma source(%dma_start3A_870 : memref<16x128xf32, #tpu.memory_space<hbm>>) target(%dma_start3A_869 : memref<16x128xf32, #tpu.memory_space<vmem>>) target_semaphore(%arg12 : memref<!tpu.dma_semaphore, #tpu.memory_space<semaphore_mem>>)
        } else {
        }
        %gt3A_836 = arith.constant 11 : i32
        %gt3A_837 = arith.cmpi sgt, %squeeze3A_748, %gt3A_836 : i32
        %convert_element_type3A_838 = arith.extui %gt3A_837 : i1 to i32
        %cond3A_839 = arith.constant 0 : i32
        %cond3A_840 = arith.cmpi ne, %convert_element_type3A_838, %cond3A_839 : i32
        scf.if %cond3A_840 {
          %multiple_of3A_861 = tpu.assume_multiple %squeeze3A_772, 8 : i32
          %multiple_of3A_862 = tpu.assume_multiple %mul3A_737, 128 : i32
          %dma_start3A_863 = arith.constant 176 : i32
          %dma_start3A_864 = arith.constant 0 : i32
          %dma_start3A_865 = tpu.memref_slice %arg9[%dma_start3A_863, %dma_start3A_864] : memref<256x128xf32, #tpu.memory_space<vmem>> -> memref<16x128xf32, #tpu.memory_space<vmem>>
          %dma_start3A_866 = tpu.memref_slice %arg2[%multiple_of3A_861, %multiple_of3A_862] : memref<65536x1024xf32, #tpu.memory_space<hbm>> -> memref<16x128xf32, #tpu.memory_space<hbm>>
          %dma_start3A_867 = arith.constant 176 : i32
          %dma_start3A_868 = arith.constant 0 : i32
          %dma_start3A_869 = tpu.memref_slice %arg9[%dma_start3A_867, %dma_start3A_868] : memref<256x128xf32, #tpu.memory_space<vmem>> -> memref<16x128xf32, #tpu.memory_space<vmem>>
          %dma_start3A_870 = tpu.memref_slice %arg2[%multiple_of3A_861, %multiple_of3A_862] : memref<65536x1024xf32, #tpu.memory_space<hbm>> -> memref<16x128xf32, #tpu.memory_space<hbm>>
          tpu.enqueue_dma source(%dma_start3A_870 : memref<16x128xf32, #tpu.memory_space<hbm>>) target(%dma_start3A_869 : memref<16x128xf32, #tpu.memory_space<vmem>>) target_semaphore(%arg12 : memref<!tpu.dma_semaphore, #tpu.memory_space<semaphore_mem>>)
        } else {
        }
        %gt3A_841 = arith.constant 12 : i32
        %gt3A_842 = arith.cmpi sgt, %squeeze3A_748, %gt3A_841 : i32
        %convert_element_type3A_843 = arith.extui %gt3A_842 : i1 to i32
        %cond3A_844 = arith.constant 0 : i32
        %cond3A_845 = arith.cmpi ne, %convert_element_type3A_843, %cond3A_844 : i32
        scf.if %cond3A_845 {
          %multiple_of3A_861 = tpu.assume_multiple %squeeze3A_774, 8 : i32
          %multiple_of3A_862 = tpu.assume_multiple %mul3A_737, 128 : i32
          %dma_start3A_863 = arith.constant 192 : i32
          %dma_start3A_864 = arith.constant 0 : i32
          %dma_start3A_865 = tpu.memref_slice %arg9[%dma_start3A_863, %dma_start3A_864] : memref<256x128xf32, #tpu.memory_space<vmem>> -> memref<16x128xf32, #tpu.memory_space<vmem>>
          %dma_start3A_866 = tpu.memref_slice %arg2[%multiple_of3A_861, %multiple_of3A_862] : memref<65536x1024xf32, #tpu.memory_space<hbm>> -> memref<16x128xf32, #tpu.memory_space<hbm>>
          %dma_start3A_867 = arith.constant 192 : i32
          %dma_start3A_868 = arith.constant 0 : i32
          %dma_start3A_869 = tpu.memref_slice %arg9[%dma_start3A_867, %dma_start3A_868] : memref<256x128xf32, #tpu.memory_space<vmem>> -> memref<16x128xf32, #tpu.memory_space<vmem>>
          %dma_start3A_870 = tpu.memref_slice %arg2[%multiple_of3A_861, %multiple_of3A_862] : memref<65536x1024xf32, #tpu.memory_space<hbm>> -> memref<16x128xf32, #tpu.memory_space<hbm>>
          tpu.enqueue_dma source(%dma_start3A_870 : memref<16x128xf32, #tpu.memory_space<hbm>>) target(%dma_start3A_869 : memref<16x128xf32, #tpu.memory_space<vmem>>) target_semaphore(%arg12 : memref<!tpu.dma_semaphore, #tpu.memory_space<semaphore_mem>>)
        } else {
        }
        %gt3A_846 = arith.constant 13 : i32
        %gt3A_847 = arith.cmpi sgt, %squeeze3A_748, %gt3A_846 : i32
        %convert_element_type3A_848 = arith.extui %gt3A_847 : i1 to i32
        %cond3A_849 = arith.constant 0 : i32
        %cond3A_850 = arith.cmpi ne, %convert_element_type3A_848, %cond3A_849 : i32
        scf.if %cond3A_850 {
          %multiple_of3A_861 = tpu.assume_multiple %squeeze3A_776, 8 : i32
          %multiple_of3A_862 = tpu.assume_multiple %mul3A_737, 128 : i32
          %dma_start3A_863 = arith.constant 208 : i32
          %dma_start3A_864 = arith.constant 0 : i32
          %dma_start3A_865 = tpu.memref_slice %arg9[%dma_start3A_863, %dma_start3A_864] : memref<256x128xf32, #tpu.memory_space<vmem>> -> memref<16x128xf32, #tpu.memory_space<vmem>>
          %dma_start3A_866 = tpu.memref_slice %arg2[%multiple_of3A_861, %multiple_of3A_862] : memref<65536x1024xf32, #tpu.memory_space<hbm>> -> memref<16x128xf32, #tpu.memory_space<hbm>>
          %dma_start3A_867 = arith.constant 208 : i32
          %dma_start3A_868 = arith.constant 0 : i32
          %dma_start3A_869 = tpu.memref_slice %arg9[%dma_start3A_867, %dma_start3A_868] : memref<256x128xf32, #tpu.memory_space<vmem>> -> memref<16x128xf32, #tpu.memory_space<vmem>>
          %dma_start3A_870 = tpu.memref_slice %arg2[%multiple_of3A_861, %multiple_of3A_862] : memref<65536x1024xf32, #tpu.memory_space<hbm>> -> memref<16x128xf32, #tpu.memory_space<hbm>>
          tpu.enqueue_dma source(%dma_start3A_870 : memref<16x128xf32, #tpu.memory_space<hbm>>) target(%dma_start3A_869 : memref<16x128xf32, #tpu.memory_space<vmem>>) target_semaphore(%arg12 : memref<!tpu.dma_semaphore, #tpu.memory_space<semaphore_mem>>)
        } else {
        }
        %gt3A_851 = arith.constant 14 : i32
        %gt3A_852 = arith.cmpi sgt, %squeeze3A_748, %gt3A_851 : i32
        %convert_element_type3A_853 = arith.extui %gt3A_852 : i1 to i32
        %cond3A_854 = arith.constant 0 : i32
        %cond3A_855 = arith.cmpi ne, %convert_element_type3A_853, %cond3A_854 : i32
        scf.if %cond3A_855 {
          %multiple_of3A_861 = tpu.assume_multiple %squeeze3A_778, 8 : i32
          %multiple_of3A_862 = tpu.assume_multiple %mul3A_737, 128 : i32
          %dma_start3A_863 = arith.constant 224 : i32
          %dma_start3A_864 = arith.constant 0 : i32
          %dma_start3A_865 = tpu.memref_slice %arg9[%dma_start3A_863, %dma_start3A_864] : memref<256x128xf32, #tpu.memory_space<vmem>> -> memref<16x128xf32, #tpu.memory_space<vmem>>
          %dma_start3A_866 = tpu.memref_slice %arg2[%multiple_of3A_861, %multiple_of3A_862] : memref<65536x1024xf32, #tpu.memory_space<hbm>> -> memref<16x128xf32, #tpu.memory_space<hbm>>
          %dma_start3A_867 = arith.constant 224 : i32
          %dma_start3A_868 = arith.constant 0 : i32
          %dma_start3A_869 = tpu.memref_slice %arg9[%dma_start3A_867, %dma_start3A_868] : memref<256x128xf32, #tpu.memory_space<vmem>> -> memref<16x128xf32, #tpu.memory_space<vmem>>
          %dma_start3A_870 = tpu.memref_slice %arg2[%multiple_of3A_861, %multiple_of3A_862] : memref<65536x1024xf32, #tpu.memory_space<hbm>> -> memref<16x128xf32, #tpu.memory_space<hbm>>
          tpu.enqueue_dma source(%dma_start3A_870 : memref<16x128xf32, #tpu.memory_space<hbm>>) target(%dma_start3A_869 : memref<16x128xf32, #tpu.memory_space<vmem>>) target_semaphore(%arg12 : memref<!tpu.dma_semaphore, #tpu.memory_space<semaphore_mem>>)
        } else {
        }
        %gt3A_856 = arith.constant 15 : i32
        %gt3A_857 = arith.cmpi sgt, %squeeze3A_748, %gt3A_856 : i32
        %convert_element_type3A_858 = arith.extui %gt3A_857 : i1 to i32
        %cond3A_859 = arith.constant 0 : i32
        %cond3A_860 = arith.cmpi ne, %convert_element_type3A_858, %cond3A_859 : i32
        scf.if %cond3A_860 {
          %multiple_of3A_861 = tpu.assume_multiple %squeeze3A_780, 8 : i32
          %multiple_of3A_862 = tpu.assume_multiple %mul3A_737, 128 : i32
          %dma_start3A_863 = arith.constant 240 : i32
          %dma_start3A_864 = arith.constant 0 : i32
          %dma_start3A_865 = tpu.memref_slice %arg9[%dma_start3A_863, %dma_start3A_864] : memref<256x128xf32, #tpu.memory_space<vmem>> -> memref<16x128xf32, #tpu.memory_space<vmem>>
          %dma_start3A_866 = tpu.memref_slice %arg2[%multiple_of3A_861, %multiple_of3A_862] : memref<65536x1024xf32, #tpu.memory_space<hbm>> -> memref<16x128xf32, #tpu.memory_space<hbm>>
          %dma_start3A_867 = arith.constant 240 : i32
          %dma_start3A_868 = arith.constant 0 : i32
          %dma_start3A_869 = tpu.memref_slice %arg9[%dma_start3A_867, %dma_start3A_868] : memref<256x128xf32, #tpu.memory_space<vmem>> -> memref<16x128xf32, #tpu.memory_space<vmem>>
          %dma_start3A_870 = tpu.memref_slice %arg2[%multiple_of3A_861, %multiple_of3A_862] : memref<65536x1024xf32, #tpu.memory_space<hbm>> -> memref<16x128xf32, #tpu.memory_space<hbm>>
          tpu.enqueue_dma source(%dma_start3A_870 : memref<16x128xf32, #tpu.memory_space<hbm>>) target(%dma_start3A_869 : memref<16x128xf32, #tpu.memory_space<vmem>>) target_semaphore(%arg12 : memref<!tpu.dma_semaphore, #tpu.memory_space<semaphore_mem>>)
        } else {
        }
      } else {
      }
    }
    %scan3A_352 = arith.constant 32 : i32
    %add3A_353 = arith.constant 65 : i32
    %add3A_354 = arith.addi %mul3A_2, %add3A_353 : i32
    %sub3A_355 = arith.constant 1 : i32
    %sub3A_356 = arith.subi %add3A_354, %sub3A_355 : i32
    %jit3A_357 = arith.constant 8 : i32
    %div3A_358 = arith.divsi %sub3A_356, %jit3A_357 : i32
    %sign3A_359 = arith.constant 0 : i32
    %sign3A_360 = arith.cmpi sgt, %sub3A_356, %sign3A_359 : i32
    %sign3A_361 = arith.extui %sign3A_360 : i1 to i32
    %sign3A_362 = arith.constant 0 : i32
    %sign3A_363 = arith.cmpi slt, %sub3A_356, %sign3A_362 : i32
    %sign3A_364 = arith.extui %sign3A_363 : i1 to i32
    %sign3A_365 = arith.subi %sign3A_361, %sign3A_364 : i32
    %sign3A_366 = arith.constant 0 : i32
    %sign3A_367 = arith.cmpi sgt, %jit3A_357, %sign3A_366 : i32
    %sign3A_368 = arith.extui %sign3A_367 : i1 to i32
    %sign3A_369 = arith.constant 0 : i32
    %sign3A_370 = arith.cmpi slt, %jit3A_357, %sign3A_369 : i32
    %sign3A_371 = arith.extui %sign3A_370 : i1 to i32
    %sign3A_372 = arith.subi %sign3A_368, %sign3A_371 : i32
    %ne3A_373 = arith.cmpi ne, %sign3A_365, %sign3A_372 : i32
    %rem3A_374 = arith.remsi %sub3A_356, %jit3A_357 : i32
    %ne3A_375 = arith.constant 0 : i32
    %ne3A_376 = arith.cmpi ne, %rem3A_374, %ne3A_375 : i32
    %and3A_377 = arith.andi %ne3A_373, %ne3A_376 : i1
    %sub3A_378 = arith.constant 1 : i32
    %sub3A_379 = arith.subi %div3A_358, %sub3A_378 : i32
    %select_n3A_380 = arith.select %and3A_377, %sub3A_379, %div3A_358 : i32
    %sub3A_381 = arith.subi %select_n3A_380, %select_n3A : i32
    %mul3A_382 = arith.constant 24 : i32
    %mul3A_383 = arith.muli %sub3A_381, %mul3A_382 : i32
    %get3A_384 = arith.index_cast %mul3A_383 : i32 to index
    %get3A_385 = tpu.vector_load %arg6[%get3A_384] {strides = array<i32>} : memref<240xi32, #tpu.memory_space<vmem>>, vector<16xi32>,
    %slice3A_386 = vector.extract_strided_slice %get3A_385 {offsets = [0], sizes = [1], strides = [1]} : vector<16xi32> to vector<1xi32>
    %squeeze3A_387 = vector.extract %slice3A_386[0] : i32 from vector<1xi32>
    %while3A = arith.constant 0 : i32
    %while3A_388 = arith.constant 0 : i32
    %while3A_389 = arith.subi %squeeze3A_387, %while3A_388 : i32
    %while3A_390 = arith.addi %while3A_388, %while3A_389 : i32
    %while3A_391 = arith.constant 1 : i32
    %while3A_392 = arith.divsi %while3A_389, %while3A_391 : i32
    %while3A_393 = arith.muli %while3A_392, %while3A_391 : i32
    %while3A_394 = arith.addi %while3A_388, %while3A_393 : i32
    %while3A_395 = arith.constant 1 : i32
    scf.for %while3A_466 = %while3A_388 to %while3A_394 step %while3A_395  : i32 {
      %dma_wait3A_467 = arith.constant 0 : i32
      %dma_wait3A_468 = arith.constant 0 : i32
      %dma_wait3A_469 = tpu.memref_slice %arg8[%dma_wait3A_467, %dma_wait3A_468] : memref<256x128xf32, #tpu.memory_space<vmem>> -> memref<16x128xf32, #tpu.memory_space<vmem>>
      %dma_wait3A_470 = arith.constant 0 : i32
      %dma_wait3A_471 = arith.constant 0 : i32
      %dma_wait3A_472 = tpu.memref_slice %arg2[%dma_wait3A_470, %dma_wait3A_471] : memref<65536x1024xf32, #tpu.memory_space<hbm>> -> memref<16x128xf32, #tpu.memory_space<hbm>>
      %dma_wait3A_473 = arith.constant 0 : i32
      %dma_wait3A_474 = arith.constant 0 : i32
      %dma_wait3A_475 = tpu.memref_slice %arg8[%dma_wait3A_473, %dma_wait3A_474] : memref<256x128xf32, #tpu.memory_space<vmem>> -> memref<16x128xf32, #tpu.memory_space<vmem>>
      %dma_wait3A_476 = arith.constant 0 : i32
      %dma_wait3A_477 = arith.constant 0 : i32
      %dma_wait3A_478 = tpu.memref_slice %arg2[%dma_wait3A_476, %dma_wait3A_477] : memref<65536x1024xf32, #tpu.memory_space<hbm>> -> memref<16x128xf32, #tpu.memory_space<hbm>>
      tpu.wait_dma2 semaphore(%arg12 : memref<!tpu.dma_semaphore, #tpu.memory_space<semaphore_mem>>) src(%dma_wait3A_478 : memref<16x128xf32, #tpu.memory_space<hbm>>) dst(%dma_wait3A_475 : memref<16x128xf32, #tpu.memory_space<vmem>>)
    }
    %while3A_396 = arith.constant 1 : i32
    scf.for %while3A_466 = %while3A_394 to %while3A_390 step %while3A_396  : i32 {
      %dma_wait3A_467 = arith.constant 0 : i32
      %dma_wait3A_468 = arith.constant 0 : i32
      %dma_wait3A_469 = tpu.memref_slice %arg8[%dma_wait3A_467, %dma_wait3A_468] : memref<256x128xf32, #tpu.memory_space<vmem>> -> memref<16x128xf32, #tpu.memory_space<vmem>>
      %dma_wait3A_470 = arith.constant 0 : i32
      %dma_wait3A_471 = arith.constant 0 : i32
      %dma_wait3A_472 = tpu.memref_slice %arg2[%dma_wait3A_470, %dma_wait3A_471] : memref<65536x1024xf32, #tpu.memory_space<hbm>> -> memref<16x128xf32, #tpu.memory_space<hbm>>
      %dma_wait3A_473 = arith.constant 0 : i32
      %dma_wait3A_474 = arith.constant 0 : i32
      %dma_wait3A_475 = tpu.memref_slice %arg8[%dma_wait3A_473, %dma_wait3A_474] : memref<256x128xf32, #tpu.memory_space<vmem>> -> memref<16x128xf32, #tpu.memory_space<vmem>>
      %dma_wait3A_476 = arith.constant 0 : i32
      %dma_wait3A_477 = arith.constant 0 : i32
      %dma_wait3A_478 = tpu.memref_slice %arg2[%dma_wait3A_476, %dma_wait3A_477] : memref<65536x1024xf32, #tpu.memory_space<hbm>> -> memref<16x128xf32, #tpu.memory_space<hbm>>
      tpu.wait_dma2 semaphore(%arg12 : memref<!tpu.dma_semaphore, #tpu.memory_space<semaphore_mem>>) src(%dma_wait3A_478 : memref<16x128xf32, #tpu.memory_space<hbm>>) dst(%dma_wait3A_475 : memref<16x128xf32, #tpu.memory_space<vmem>>)
    }
    %dma_wait3A = arith.constant 0 : i32
    %dma_wait3A_397 = arith.constant 0 : i32
    %dma_wait3A_398 = tpu.memref_slice %arg5[%dma_wait3A, %dma_wait3A_397] : memref<1024x33280xf32, #tpu.memory_space<hbm>> -> memref<128x128xf32, #tpu.memory_space<hbm>>
    %dma_wait3A_399 = arith.constant 0 : i32
    %dma_wait3A_400 = arith.constant 0 : i32
    %dma_wait3A_401 = tpu.memref_slice %arg5[%dma_wait3A_399, %dma_wait3A_400] : memref<1024x33280xf32, #tpu.memory_space<hbm>> -> memref<128x128xf32, #tpu.memory_space<hbm>>
    tpu.wait_dma2 semaphore(%arg13 : memref<!tpu.dma_semaphore, #tpu.memory_space<semaphore_mem>>) src(%arg10 : memref<128x128xf32, #tpu.memory_space<vmem>>) dst(%dma_wait3A_401 : memref<128x128xf32, #tpu.memory_space<hbm>>)
    %jit3A_402 = arith.constant 8 : i32
    %div3A_403 = arith.divsi %sub3A_356, %jit3A_402 : i32
    %sign3A_404 = arith.constant 0 : i32
    %sign3A_405 = arith.cmpi sgt, %sub3A_356, %sign3A_404 : i32
    %sign3A_406 = arith.extui %sign3A_405 : i1 to i32
    %sign3A_407 = arith.constant 0 : i32
    %sign3A_408 = arith.cmpi slt, %sub3A_356, %sign3A_407 : i32
    %sign3A_409 = arith.extui %sign3A_408 : i1 to i32
    %sign3A_410 = arith.subi %sign3A_406, %sign3A_409 : i32
    %sign3A_411 = arith.constant 0 : i32
    %sign3A_412 = arith.cmpi sgt, %jit3A_402, %sign3A_411 : i32
    %sign3A_413 = arith.extui %sign3A_412 : i1 to i32
    %sign3A_414 = arith.constant 0 : i32
    %sign3A_415 = arith.cmpi slt, %jit3A_402, %sign3A_414 : i32
    %sign3A_416 = arith.extui %sign3A_415 : i1 to i32
    %sign3A_417 = arith.subi %sign3A_413, %sign3A_416 : i32
    %ne3A_418 = arith.cmpi ne, %sign3A_410, %sign3A_417 : i32
    %rem3A_419 = arith.remsi %sub3A_356, %jit3A_402 : i32
    %ne3A_420 = arith.constant 0 : i32
    %ne3A_421 = arith.cmpi ne, %rem3A_419, %ne3A_420 : i32
    %and3A_422 = arith.andi %ne3A_418, %ne3A_421 : i1
    %sub3A_423 = arith.constant 1 : i32
    %sub3A_424 = arith.subi %div3A_403, %sub3A_423 : i32
    %select_n3A_425 = arith.select %and3A_422, %sub3A_424, %div3A_403 : i32
    %jit3A_426 = arith.constant 8 : i32
    %eq3A_427 = arith.constant 0 : i32
    %eq3A_428 = arith.cmpi eq, %jit3A_426, %eq3A_427 : i32
    %jit3A_429 = arith.constant 1 : i32
    %select_n3A_430 = arith.select %eq3A_428, %jit3A_429, %jit3A_426 : i32
    %rem3A_431 = arith.remsi %sub3A_356, %select_n3A_430 : i32
    %ne3A_432 = arith.constant 0 : i32
    %ne3A_433 = arith.cmpi ne, %rem3A_431, %ne3A_432 : i32
    %lt3A_434 = arith.constant 0 : i32
    %lt3A_435 = arith.cmpi slt, %rem3A_431, %lt3A_434 : i32
    %lt3A_436 = arith.constant 0 : i32
    %lt3A_437 = arith.cmpi slt, %select_n3A_430, %lt3A_436 : i32
    %ne3A_438 = arith.xori %lt3A_435, %lt3A_437 : i1
    %and3A_439 = arith.andi %ne3A_438, %ne3A_433 : i1
    %add3A_440 = arith.addi %rem3A_431, %select_n3A_430 : i32
    %select_n3A_441 = arith.select %and3A_439, %add3A_440, %rem3A_431 : i32
    %mul3A_442 = arith.constant 128 : i32
    %mul3A_443 = arith.muli %select_n3A_441, %mul3A_442 : i32
    %sub3A_444 = arith.subi %select_n3A_425, %select_n3A : i32
    %mul3A_445 = arith.constant 128 : i32
    %mul3A_446 = arith.muli %sub3A_444, %mul3A_445 : i32
    %iota3A = tpu.iota {dimensions = array<i32: 0>} : vector<16xi32>
    %parallel_loop3A = arith.constant 0 : i32
    %parallel_loop3A_447 = arith.constant 64 : i32
    %parallel_loop3A_448 = arith.constant 1 : i32
    scf.for %parallel_loop3A_466 = %parallel_loop3A to %parallel_loop3A_447 step %parallel_loop3A_448  : i32 {
      %parallel_loop3A_467 = arith.constant 8 : i32
      %parallel_loop3A_468 = arith.divsi %parallel_loop3A_466, %parallel_loop3A_467 : i32
      %parallel_loop3A_469 = arith.constant 0 : i32
      %parallel_loop3A_470 = arith.cmpi sgt, %parallel_loop3A_466, %parallel_loop3A_469 : i32
      %parallel_loop3A_471 = arith.extui %parallel_loop3A_470 : i1 to i32
      %parallel_loop3A_472 = arith.constant 0 : i32
      %parallel_loop3A_473 = arith.cmpi slt, %parallel_loop3A_466, %parallel_loop3A_472 : i32
      %parallel_loop3A_474 = arith.extui %parallel_loop3A_473 : i1 to i32
      %parallel_loop3A_475 = arith.subi %parallel_loop3A_471, %parallel_loop3A_474 : i32
      %parallel_loop3A_476 = arith.constant 0 : i32
      %parallel_loop3A_477 = arith.cmpi sgt, %parallel_loop3A_467, %parallel_loop3A_476 : i32
      %parallel_loop3A_478 = arith.extui %parallel_loop3A_477 : i1 to i32
      %parallel_loop3A_479 = arith.constant 0 : i32
      %parallel_loop3A_480 = arith.cmpi slt, %parallel_loop3A_467, %parallel_loop3A_479 : i32
      %parallel_loop3A_481 = arith.extui %parallel_loop3A_480 : i1 to i32
      %parallel_loop3A_482 = arith.subi %parallel_loop3A_478, %parallel_loop3A_481 : i32
      %parallel_loop3A_483 = arith.cmpi ne, %parallel_loop3A_475, %parallel_loop3A_482 : i32
      %parallel_loop3A_484 = arith.remsi %parallel_loop3A_466, %parallel_loop3A_467 : i32
      %parallel_loop3A_485 = arith.constant 0 : i32
      %parallel_loop3A_486 = arith.cmpi ne, %parallel_loop3A_484, %parallel_loop3A_485 : i32
      %parallel_loop3A_487 = arith.andi %parallel_loop3A_483, %parallel_loop3A_486 : i1
      %parallel_loop3A_488 = arith.constant 1 : i32
      %parallel_loop3A_489 = arith.subi %parallel_loop3A_468, %parallel_loop3A_488 : i32
      %parallel_loop3A_490 = arith.select %parallel_loop3A_487, %parallel_loop3A_489, %parallel_loop3A_468 : i32
      %parallel_loop3A_491 = arith.constant 16 : i32
      %parallel_loop3A_492 = arith.muli %parallel_loop3A_490, %parallel_loop3A_491 : i32
      %parallel_loop3A_493 = arith.constant 8 : i32
      %parallel_loop3A_494 = arith.constant 0 : i32
      %parallel_loop3A_495 = arith.cmpi eq, %parallel_loop3A_493, %parallel_loop3A_494 : i32
      %parallel_loop3A_496 = arith.constant 1 : i32
      %parallel_loop3A_497 = arith.select %parallel_loop3A_495, %parallel_loop3A_496, %parallel_loop3A_493 : i32
      %parallel_loop3A_498 = arith.remsi %parallel_loop3A_466, %parallel_loop3A_497 : i32
      %parallel_loop3A_499 = arith.constant 0 : i32
      %parallel_loop3A_500 = arith.cmpi ne, %parallel_loop3A_498, %parallel_loop3A_499 : i32
      %parallel_loop3A_501 = arith.constant 0 : i32
      %parallel_loop3A_502 = arith.cmpi slt, %parallel_loop3A_498, %parallel_loop3A_501 : i32
      %parallel_loop3A_503 = arith.constant 0 : i32
      %parallel_loop3A_504 = arith.cmpi slt, %parallel_loop3A_497, %parallel_loop3A_503 : i32
      %parallel_loop3A_505 = arith.xori %parallel_loop3A_502, %parallel_loop3A_504 : i1
      %parallel_loop3A_506 = arith.andi %parallel_loop3A_505, %parallel_loop3A_500 : i1
      %parallel_loop3A_507 = arith.addi %parallel_loop3A_498, %parallel_loop3A_497 : i32
      %parallel_loop3A_508 = arith.select %parallel_loop3A_506, %parallel_loop3A_507, %parallel_loop3A_498 : i32
      %parallel_loop3A_509 = arith.constant 16 : i32
      %parallel_loop3A_510 = arith.muli %parallel_loop3A_508, %parallel_loop3A_509 : i32
      %parallel_loop3A_511 = arith.addi %mul3A_446, %parallel_loop3A_510 : i32
      %parallel_loop3A_512 = arith.index_cast %parallel_loop3A_511 : i32 to index
      %parallel_loop3A_513 = tpu.vector_load %arg7[%parallel_loop3A_512] {strides = array<i32>} : memref<1280xi32, #tpu.memory_space<vmem>>, vector<16xi32>,
      %parallel_loop3A_514 = vector.broadcast %parallel_loop3A_510 : i32 to vector<16xi32>
      %parallel_loop3A_515 = arith.addi %iota3A, %parallel_loop3A_514 : vector<16xi32>
      %parallel_loop3A_516 = vector.broadcast %parallel_loop3A_492 : i32 to vector<16xi32>
      %parallel_loop3A_517 = arith.addi %parallel_loop3A_516, %iota3A : vector<16xi32>
      %parallel_loop3A_518 = tpu.vector_load_idx %arg8[%parallel_loop3A_513, %parallel_loop3A_517] : memref<256x128xf32, #tpu.memory_space<vmem>>[vector<16xi32>, vector<16xi32>], vector<16xf32>,
      tpu.vector_store_idx %arg10[%parallel_loop3A_517, %parallel_loop3A_515], %parallel_loop3A_518 : memref<128x128xf32, #tpu.memory_space<vmem>>[vector<16xi32>, vector<16xi32>], vector<16xf32>,
      %parallel_loop3A_519 = arith.constant 1 : i32
      %parallel_loop3A_520 = vector.broadcast %parallel_loop3A_519 : i32 to vector<16xi32>
      %parallel_loop3A_521 = arith.addi %iota3A, %parallel_loop3A_520 : vector<16xi32>
      %parallel_loop3A_522 = arith.constant 15 : i32
      %parallel_loop3A_523 = vector.broadcast %parallel_loop3A_522 : i32 to vector<16xi32>
      %parallel_loop3A_524 = arith.andi %parallel_loop3A_521, %parallel_loop3A_523 : vector<16xi32>
      %parallel_loop3A_525 = arith.addi %parallel_loop3A_516, %parallel_loop3A_524 : vector<16xi32>
      %parallel_loop3A_526 = tpu.vector_load_idx %arg8[%parallel_loop3A_513, %parallel_loop3A_525] : memref<256x128xf32, #tpu.memory_space<vmem>>[vector<16xi32>, vector<16xi32>], vector<16xf32>,
      tpu.vector_store_idx %arg10[%parallel_loop3A_525, %parallel_loop3A_515], %parallel_loop3A_526 : memref<128x128xf32, #tpu.memory_space<vmem>>[vector<16xi32>, vector<16xi32>], vector<16xf32>,
      %parallel_loop3A_527 = arith.constant 1 : i32
      %parallel_loop3A_528 = vector.broadcast %parallel_loop3A_527 : i32 to vector<16xi32>
      %parallel_loop3A_529 = arith.addi %parallel_loop3A_524, %parallel_loop3A_528 : vector<16xi32>
      %parallel_loop3A_530 = arith.constant 15 : i32
      %parallel_loop3A_531 = vector.broadcast %parallel_loop3A_530 : i32 to vector<16xi32>
      %parallel_loop3A_532 = arith.andi %parallel_loop3A_529, %parallel_loop3A_531 : vector<16xi32>
      %parallel_loop3A_533 = arith.addi %parallel_loop3A_516, %parallel_loop3A_532 : vector<16xi32>
      %parallel_loop3A_534 = tpu.vector_load_idx %arg8[%parallel_loop3A_513, %parallel_loop3A_533] : memref<256x128xf32, #tpu.memory_space<vmem>>[vector<16xi32>, vector<16xi32>], vector<16xf32>,
      tpu.vector_store_idx %arg10[%parallel_loop3A_533, %parallel_loop3A_515], %parallel_loop3A_534 : memref<128x128xf32, #tpu.memory_space<vmem>>[vector<16xi32>, vector<16xi32>], vector<16xf32>,
      %parallel_loop3A_535 = arith.constant 1 : i32
      %parallel_loop3A_536 = vector.broadcast %parallel_loop3A_535 : i32 to vector<16xi32>
      %parallel_loop3A_537 = arith.addi %parallel_loop3A_532, %parallel_loop3A_536 : vector<16xi32>
      %parallel_loop3A_538 = arith.constant 15 : i32
      %parallel_loop3A_539 = vector.broadcast %parallel_loop3A_538 : i32 to vector<16xi32>
      %parallel_loop3A_540 = arith.andi %parallel_loop3A_537, %parallel_loop3A_539 : vector<16xi32>
      %parallel_loop3A_541 = arith.addi %parallel_loop3A_516, %parallel_loop3A_540 : vector<16xi32>
      %parallel_loop3A_542 = tpu.vector_load_idx %arg8[%parallel_loop3A_513, %parallel_loop3A_541] : memref<256x128xf32, #tpu.memory_space<vmem>>[vector<16xi32>, vector<16xi32>], vector<16xf32>,
      tpu.vector_store_idx %arg10[%parallel_loop3A_541, %parallel_loop3A_515], %parallel_loop3A_542 : memref<128x128xf32, #tpu.memory_space<vmem>>[vector<16xi32>, vector<16xi32>], vector<16xf32>,
      %parallel_loop3A_543 = arith.constant 1 : i32
      %parallel_loop3A_544 = vector.broadcast %parallel_loop3A_543 : i32 to vector<16xi32>
      %parallel_loop3A_545 = arith.addi %parallel_loop3A_540, %parallel_loop3A_544 : vector<16xi32>
      %parallel_loop3A_546 = arith.constant 15 : i32
      %parallel_loop3A_547 = vector.broadcast %parallel_loop3A_546 : i32 to vector<16xi32>
      %parallel_loop3A_548 = arith.andi %parallel_loop3A_545, %parallel_loop3A_547 : vector<16xi32>
      %parallel_loop3A_549 = arith.addi %parallel_loop3A_516, %parallel_loop3A_548 : vector<16xi32>
      %parallel_loop3A_550 = tpu.vector_load_idx %arg8[%parallel_loop3A_513, %parallel_loop3A_549] : memref<256x128xf32, #tpu.memory_space<vmem>>[vector<16xi32>, vector<16xi32>], vector<16xf32>,
      tpu.vector_store_idx %arg10[%parallel_loop3A_549, %parallel_loop3A_515], %parallel_loop3A_550 : memref<128x128xf32, #tpu.memory_space<vmem>>[vector<16xi32>, vector<16xi32>], vector<16xf32>,
      %parallel_loop3A_551 = arith.constant 1 : i32
      %parallel_loop3A_552 = vector.broadcast %parallel_loop3A_551 : i32 to vector<16xi32>
      %parallel_loop3A_553 = arith.addi %parallel_loop3A_548, %parallel_loop3A_552 : vector<16xi32>
      %parallel_loop3A_554 = arith.constant 15 : i32
      %parallel_loop3A_555 = vector.broadcast %parallel_loop3A_554 : i32 to vector<16xi32>
      %parallel_loop3A_556 = arith.andi %parallel_loop3A_553, %parallel_loop3A_555 : vector<16xi32>
      %parallel_loop3A_557 = arith.addi %parallel_loop3A_516, %parallel_loop3A_556 : vector<16xi32>
      %parallel_loop3A_558 = tpu.vector_load_idx %arg8[%parallel_loop3A_513, %parallel_loop3A_557] : memref<256x128xf32, #tpu.memory_space<vmem>>[vector<16xi32>, vector<16xi32>], vector<16xf32>,
      tpu.vector_store_idx %arg10[%parallel_loop3A_557, %parallel_loop3A_515], %parallel_loop3A_558 : memref<128x128xf32, #tpu.memory_space<vmem>>[vector<16xi32>, vector<16xi32>], vector<16xf32>,
      %parallel_loop3A_559 = arith.constant 1 : i32
      %parallel_loop3A_560 = vector.broadcast %parallel_loop3A_559 : i32 to vector<16xi32>
      %parallel_loop3A_561 = arith.addi %parallel_loop3A_556, %parallel_loop3A_560 : vector<16xi32>
      %parallel_loop3A_562 = arith.constant 15 : i32
      %parallel_loop3A_563 = vector.broadcast %parallel_loop3A_562 : i32 to vector<16xi32>
      %parallel_loop3A_564 = arith.andi %parallel_loop3A_561, %parallel_loop3A_563 : vector<16xi32>
      %parallel_loop3A_565 = arith.addi %parallel_loop3A_516, %parallel_loop3A_564 : vector<16xi32>
      %parallel_loop3A_566 = tpu.vector_load_idx %arg8[%parallel_loop3A_513, %parallel_loop3A_565] : memref<256x128xf32, #tpu.memory_space<vmem>>[vector<16xi32>, vector<16xi32>], vector<16xf32>,
      tpu.vector_store_idx %arg10[%parallel_loop3A_565, %parallel_loop3A_515], %parallel_loop3A_566 : memref<128x128xf32, #tpu.memory_space<vmem>>[vector<16xi32>, vector<16xi32>], vector<16xf32>,
      %parallel_loop3A_567 = arith.constant 1 : i32
      %parallel_loop3A_568 = vector.broadcast %parallel_loop3A_567 : i32 to vector<16xi32>
      %parallel_loop3A_569 = arith.addi %parallel_loop3A_564, %parallel_loop3A_568 : vector<16xi32>
      %parallel_loop3A_570 = arith.constant 15 : i32
      %parallel_loop3A_571 = vector.broadcast %parallel_loop3A_570 : i32 to vector<16xi32>
      %parallel_loop3A_572 = arith.andi %parallel_loop3A_569, %parallel_loop3A_571 : vector<16xi32>
      %parallel_loop3A_573 = arith.addi %parallel_loop3A_516, %parallel_loop3A_572 : vector<16xi32>
      %parallel_loop3A_574 = tpu.vector_load_idx %arg8[%parallel_loop3A_513, %parallel_loop3A_573] : memref<256x128xf32, #tpu.memory_space<vmem>>[vector<16xi32>, vector<16xi32>], vector<16xf32>,
      tpu.vector_store_idx %arg10[%parallel_loop3A_573, %parallel_loop3A_515], %parallel_loop3A_574 : memref<128x128xf32, #tpu.memory_space<vmem>>[vector<16xi32>, vector<16xi32>], vector<16xf32>,
      %parallel_loop3A_575 = arith.constant 1 : i32
      %parallel_loop3A_576 = vector.broadcast %parallel_loop3A_575 : i32 to vector<16xi32>
      %parallel_loop3A_577 = arith.addi %parallel_loop3A_572, %parallel_loop3A_576 : vector<16xi32>
      %parallel_loop3A_578 = arith.constant 15 : i32
      %parallel_loop3A_579 = vector.broadcast %parallel_loop3A_578 : i32 to vector<16xi32>
      %parallel_loop3A_580 = arith.andi %parallel_loop3A_577, %parallel_loop3A_579 : vector<16xi32>
      %parallel_loop3A_581 = arith.addi %parallel_loop3A_516, %parallel_loop3A_580 : vector<16xi32>
      %parallel_loop3A_582 = tpu.vector_load_idx %arg8[%parallel_loop3A_513, %parallel_loop3A_581] : memref<256x128xf32, #tpu.memory_space<vmem>>[vector<16xi32>, vector<16xi32>], vector<16xf32>,
      tpu.vector_store_idx %arg10[%parallel_loop3A_581, %parallel_loop3A_515], %parallel_loop3A_582 : memref<128x128xf32, #tpu.memory_space<vmem>>[vector<16xi32>, vector<16xi32>], vector<16xf32>,
      %parallel_loop3A_583 = arith.constant 1 : i32
      %parallel_loop3A_584 = vector.broadcast %parallel_loop3A_583 : i32 to vector<16xi32>
      %parallel_loop3A_585 = arith.addi %parallel_loop3A_580, %parallel_loop3A_584 : vector<16xi32>
      %parallel_loop3A_586 = arith.constant 15 : i32
      %parallel_loop3A_587 = vector.broadcast %parallel_loop3A_586 : i32 to vector<16xi32>
      %parallel_loop3A_588 = arith.andi %parallel_loop3A_585, %parallel_loop3A_587 : vector<16xi32>
      %parallel_loop3A_589 = arith.addi %parallel_loop3A_516, %parallel_loop3A_588 : vector<16xi32>
      %parallel_loop3A_590 = tpu.vector_load_idx %arg8[%parallel_loop3A_513, %parallel_loop3A_589] : memref<256x128xf32, #tpu.memory_space<vmem>>[vector<16xi32>, vector<16xi32>], vector<16xf32>,
      tpu.vector_store_idx %arg10[%parallel_loop3A_589, %parallel_loop3A_515], %parallel_loop3A_590 : memref<128x128xf32, #tpu.memory_space<vmem>>[vector<16xi32>, vector<16xi32>], vector<16xf32>,
      %parallel_loop3A_591 = arith.constant 1 : i32
      %parallel_loop3A_592 = vector.broadcast %parallel_loop3A_591 : i32 to vector<16xi32>
      %parallel_loop3A_593 = arith.addi %parallel_loop3A_588, %parallel_loop3A_592 : vector<16xi32>
      %parallel_loop3A_594 = arith.constant 15 : i32
      %parallel_loop3A_595 = vector.broadcast %parallel_loop3A_594 : i32 to vector<16xi32>
      %parallel_loop3A_596 = arith.andi %parallel_loop3A_593, %parallel_loop3A_595 : vector<16xi32>
      %parallel_loop3A_597 = arith.addi %parallel_loop3A_516, %parallel_loop3A_596 : vector<16xi32>
      %parallel_loop3A_598 = tpu.vector_load_idx %arg8[%parallel_loop3A_513, %parallel_loop3A_597] : memref<256x128xf32, #tpu.memory_space<vmem>>[vector<16xi32>, vector<16xi32>], vector<16xf32>,
      tpu.vector_store_idx %arg10[%parallel_loop3A_597, %parallel_loop3A_515], %parallel_loop3A_598 : memref<128x128xf32, #tpu.memory_space<vmem>>[vector<16xi32>, vector<16xi32>], vector<16xf32>,
      %parallel_loop3A_599 = arith.constant 1 : i32
      %parallel_loop3A_600 = vector.broadcast %parallel_loop3A_599 : i32 to vector<16xi32>
      %parallel_loop3A_601 = arith.addi %parallel_loop3A_596, %parallel_loop3A_600 : vector<16xi32>
      %parallel_loop3A_602 = arith.constant 15 : i32
      %parallel_loop3A_603 = vector.broadcast %parallel_loop3A_602 : i32 to vector<16xi32>
      %parallel_loop3A_604 = arith.andi %parallel_loop3A_601, %parallel_loop3A_603 : vector<16xi32>
      %parallel_loop3A_605 = arith.addi %parallel_loop3A_516, %parallel_loop3A_604 : vector<16xi32>
      %parallel_loop3A_606 = tpu.vector_load_idx %arg8[%parallel_loop3A_513, %parallel_loop3A_605] : memref<256x128xf32, #tpu.memory_space<vmem>>[vector<16xi32>, vector<16xi32>], vector<16xf32>,
      tpu.vector_store_idx %arg10[%parallel_loop3A_605, %parallel_loop3A_515], %parallel_loop3A_606 : memref<128x128xf32, #tpu.memory_space<vmem>>[vector<16xi32>, vector<16xi32>], vector<16xf32>,
      %parallel_loop3A_607 = arith.constant 1 : i32
      %parallel_loop3A_608 = vector.broadcast %parallel_loop3A_607 : i32 to vector<16xi32>
      %parallel_loop3A_609 = arith.addi %parallel_loop3A_604, %parallel_loop3A_608 : vector<16xi32>
      %parallel_loop3A_610 = arith.constant 15 : i32
      %parallel_loop3A_611 = vector.broadcast %parallel_loop3A_610 : i32 to vector<16xi32>
      %parallel_loop3A_612 = arith.andi %parallel_loop3A_609, %parallel_loop3A_611 : vector<16xi32>
      %parallel_loop3A_613 = arith.addi %parallel_loop3A_516, %parallel_loop3A_612 : vector<16xi32>
      %parallel_loop3A_614 = tpu.vector_load_idx %arg8[%parallel_loop3A_513, %parallel_loop3A_613] : memref<256x128xf32, #tpu.memory_space<vmem>>[vector<16xi32>, vector<16xi32>], vector<16xf32>,
      tpu.vector_store_idx %arg10[%parallel_loop3A_613, %parallel_loop3A_515], %parallel_loop3A_614 : memref<128x128xf32, #tpu.memory_space<vmem>>[vector<16xi32>, vector<16xi32>], vector<16xf32>,
      %parallel_loop3A_615 = arith.constant 1 : i32
      %parallel_loop3A_616 = vector.broadcast %parallel_loop3A_615 : i32 to vector<16xi32>
      %parallel_loop3A_617 = arith.addi %parallel_loop3A_612, %parallel_loop3A_616 : vector<16xi32>
      %parallel_loop3A_618 = arith.constant 15 : i32
      %parallel_loop3A_619 = vector.broadcast %parallel_loop3A_618 : i32 to vector<16xi32>
      %parallel_loop3A_620 = arith.andi %parallel_loop3A_617, %parallel_loop3A_619 : vector<16xi32>
      %parallel_loop3A_621 = arith.addi %parallel_loop3A_516, %parallel_loop3A_620 : vector<16xi32>
      %parallel_loop3A_622 = tpu.vector_load_idx %arg8[%parallel_loop3A_513, %parallel_loop3A_621] : memref<256x128xf32, #tpu.memory_space<vmem>>[vector<16xi32>, vector<16xi32>], vector<16xf32>,
      tpu.vector_store_idx %arg10[%parallel_loop3A_621, %parallel_loop3A_515], %parallel_loop3A_622 : memref<128x128xf32, #tpu.memory_space<vmem>>[vector<16xi32>, vector<16xi32>], vector<16xf32>,
      %parallel_loop3A_623 = arith.constant 1 : i32
      %parallel_loop3A_624 = vector.broadcast %parallel_loop3A_623 : i32 to vector<16xi32>
      %parallel_loop3A_625 = arith.addi %parallel_loop3A_620, %parallel_loop3A_624 : vector<16xi32>
      %parallel_loop3A_626 = arith.constant 15 : i32
      %parallel_loop3A_627 = vector.broadcast %parallel_loop3A_626 : i32 to vector<16xi32>
      %parallel_loop3A_628 = arith.andi %parallel_loop3A_625, %parallel_loop3A_627 : vector<16xi32>
      %parallel_loop3A_629 = arith.addi %parallel_loop3A_516, %parallel_loop3A_628 : vector<16xi32>
      %parallel_loop3A_630 = tpu.vector_load_idx %arg8[%parallel_loop3A_513, %parallel_loop3A_629] : memref<256x128xf32, #tpu.memory_space<vmem>>[vector<16xi32>, vector<16xi32>], vector<16xf32>,
      tpu.vector_store_idx %arg10[%parallel_loop3A_629, %parallel_loop3A_515], %parallel_loop3A_630 : memref<128x128xf32, #tpu.memory_space<vmem>>[vector<16xi32>, vector<16xi32>], vector<16xf32>,
      %parallel_loop3A_631 = arith.constant 1 : i32
      %parallel_loop3A_632 = vector.broadcast %parallel_loop3A_631 : i32 to vector<16xi32>
      %parallel_loop3A_633 = arith.addi %parallel_loop3A_628, %parallel_loop3A_632 : vector<16xi32>
      %parallel_loop3A_634 = arith.constant 15 : i32
      %parallel_loop3A_635 = vector.broadcast %parallel_loop3A_634 : i32 to vector<16xi32>
      %parallel_loop3A_636 = arith.andi %parallel_loop3A_633, %parallel_loop3A_635 : vector<16xi32>
      %parallel_loop3A_637 = arith.addi %parallel_loop3A_516, %parallel_loop3A_636 : vector<16xi32>
      %parallel_loop3A_638 = tpu.vector_load_idx %arg8[%parallel_loop3A_513, %parallel_loop3A_637] : memref<256x128xf32, #tpu.memory_space<vmem>>[vector<16xi32>, vector<16xi32>], vector<16xf32>,
      tpu.vector_store_idx %arg10[%parallel_loop3A_637, %parallel_loop3A_515], %parallel_loop3A_638 : memref<128x128xf32, #tpu.memory_space<vmem>>[vector<16xi32>, vector<16xi32>], vector<16xf32>,
      %parallel_loop3A_639 = arith.constant 1 : i32
      %parallel_loop3A_640 = vector.broadcast %parallel_loop3A_639 : i32 to vector<16xi32>
      %parallel_loop3A_641 = arith.addi %parallel_loop3A_636, %parallel_loop3A_640 : vector<16xi32>
      %parallel_loop3A_642 = arith.constant 15 : i32
      %parallel_loop3A_643 = vector.broadcast %parallel_loop3A_642 : i32 to vector<16xi32>
      %parallel_loop3A_644 = arith.andi %parallel_loop3A_641, %parallel_loop3A_643 : vector<16xi32>
    } {sc.loop_unroll_factor = 2 : i64, sc.parallel_access}
    %multiple_of3A_449 = tpu.assume_multiple %mul3A_443, 128 : i32
    %mul3A_450 = arith.constant 128 : i32
    %mul3A_451 = arith.muli %select_n3A_425, %mul3A_450 : i32
    %multiple_of3A_452 = tpu.assume_multiple %mul3A_451, 128 : i32
    %dma_start3A = tpu.memref_slice %arg5[%multiple_of3A_449, %multiple_of3A_452] : memref<1024x33280xf32, #tpu.memory_space<hbm>> -> memref<128x128xf32, #tpu.memory_space<hbm>>
    %dma_start3A_453 = tpu.memref_slice %arg5[%multiple_of3A_449, %multiple_of3A_452] : memref<1024x33280xf32, #tpu.memory_space<hbm>> -> memref<128x128xf32, #tpu.memory_space<hbm>>
    tpu.enqueue_dma source(%arg10 : memref<128x128xf32, #tpu.memory_space<vmem>>) target(%dma_start3A_453 : memref<128x128xf32, #tpu.memory_space<hbm>>) target_semaphore(%arg13 : memref<!tpu.dma_semaphore, #tpu.memory_space<semaphore_mem>>)
    %dma_wait3A_454 = arith.constant 0 : i32
    %dma_wait3A_455 = arith.constant 0 : i32
    %dma_wait3A_456 = tpu.memref_slice %arg5[%dma_wait3A_454, %dma_wait3A_455] : memref<1024x33280xf32, #tpu.memory_space<hbm>> -> memref<128x128xf32, #tpu.memory_space<hbm>>
    %dma_wait3A_457 = arith.constant 0 : i32
    %dma_wait3A_458 = arith.constant 0 : i32
    %dma_wait3A_459 = tpu.memref_slice %arg5[%dma_wait3A_457, %dma_wait3A_458] : memref<1024x33280xf32, #tpu.memory_space<hbm>> -> memref<128x128xf32, #tpu.memory_space<hbm>>
    tpu.wait_dma2 semaphore(%arg13 : memref<!tpu.dma_semaphore, #tpu.memory_space<semaphore_mem>>) src(%arg10 : memref<128x128xf32, #tpu.memory_space<vmem>>) dst(%dma_wait3A_459 : memref<128x128xf32, #tpu.memory_space<hbm>>)
    %dma_wait3A_460 = arith.constant 0 : i32
    %dma_wait3A_461 = arith.constant 0 : i32
    %dma_wait3A_462 = tpu.memref_slice %arg5[%dma_wait3A_460, %dma_wait3A_461] : memref<1024x33280xf32, #tpu.memory_space<hbm>> -> memref<128x128xf32, #tpu.memory_space<hbm>>
    %dma_wait3A_463 = arith.constant 0 : i32
    %dma_wait3A_464 = arith.constant 0 : i32
    %dma_wait3A_465 = tpu.memref_slice %arg5[%dma_wait3A_463, %dma_wait3A_464] : memref<1024x33280xf32, #tpu.memory_space<hbm>> -> memref<128x128xf32, #tpu.memory_space<hbm>>
    tpu.wait_dma2 semaphore(%arg13 : memref<!tpu.dma_semaphore, #tpu.memory_space<semaphore_mem>>) src(%arg10 : memref<128x128xf32, #tpu.memory_space<vmem>>) dst(%dma_wait3A_465 : memref<128x128xf32, #tpu.memory_space<hbm>>)
    return
  }
}

</mosaic_0001>

<sc_bundles>
// kernel: kernel.3.cloned.1.call-start
scs
__scs_entry_jumppad:
0x0: {  	(pc) =	sbr.rel $0x88, $3  }
0x1: {  	(tag) =	ssettag $0x0;
	lr =	simm.s32 $0x1  }
0x2: {  	[smem:$0x3FA0] =	sst lr;
	_ =	strace $0xD0000000  }
0x3: {  	_ = 	snop  }
0x4: {  	_ = 	snop  }
0x5: {  	_ = 	snop  }
0x6: {  	_ = 	snop  }
0x7: {  	_ = 	snop  }
__scs_overlays_trampoline_lowered:
0x8: {  	[smem:$0x3FAF] =	sst s0  }
0x9: {  	[smem:$0x3FB0] =	sst s1  }
0xa: {  	[smem:$0x3FB1] =	sst s2  }
0xb: {  	[smem:$0x3FB2] =	sst s3  }
0xc: {  	[smem:$0x3FB3] =	sst s4  }
0xd: {  	[smem:$0x3FB4] =	sst s5  }
0xe: {  	[smem:$0x3FB5] =	sst s6  }
0xf: {  	[smem:$0x3FB6] =	sst s7  }
0x10: {  	[smem:$0x3FB7] =	sst s8  }
0x11: {  	[smem:$0x3FB8] =	sst s9;
	s0 =	simm.s32 @!p0 $0x0  }
0x12: {  	s1 =	sld [smem:$0x3F9E];
	s0 =	simm.s32 @p0 $0x1  }
0x13: {  	[smem:$0x3FB9] =	sst s0;
	s0 =	simm.s32 @!p1 $0x0  }
0x14: {  	s2 =	sld [smem:$0x3F9D];
	s0 =	simm.s32 @p1 $0x1  }
0x15: {  	[smem:$0x3FBA] =	sst s0;
	s0 =	simm.s32 @!p2 $0x0  }
0x16: {  	s3 =	sld [smem:$0x3FDB];
	s0 =	simm.s32 @p2 $0x1  }
0x17: {  	s4 =	simm.s32 $0x1BF5;
	[smem:$0x3FBC] =	sst s0  }
0x18: {  	s0 =	sld [smem:$0x3F9F];
	_ =	swait.ge [sflag:s4], $0x0  }
0x19: {  	s7 =	sld [smem:$0x3FA0]  }
0x1a: {  	s8 =	sadd.s32 $0xFFFFE003, lr  }
0x1b: {  	s9 =	sadd.s32 $0xFFFFFEF7, lr;
	s5 =	simm.s32 $0xFFFFFFFF;
	p2 =	slt.u32 s8, $0xFFFFF086  }
0x1c: {  	p1 =	slt.u32 s9, $0xF7A;
	s5 =	simm.s32 @!p2 $0x0  }
0x1d: {  	s5 =	simm.s32 @p1 $0x1;
	p0 =	seq.s32 s7, s2  }
0x1e: {  	s7 =	smul.u32 @!p0 $0xF7A, s2;
	p2 =	seq.s32 @!p0 s5, $0x0  }
0x1f: {  	s9 =	smul.u32 $0xF7A, s1;
	s8 =	simm.s32 @!p0 $0x1BF5;
	p2 =	por !p2, p0  }
0x20: {  	[sflag:s8] =	ssyncset.s32 @!p0 $0xFFFFF086;
	s6 =	sadd.s32 @!p0 s3, s7;
	s7 =	simm.s32 @!p0 $0x108  }
0x21: {  	s3 =	sadd.s32 s3, s9;
	s6 =	sadd.s32 @!p0 $0x88, s6;
	s7 =	simm.s32 @p2 $0x1082  }
0x22: {  	[simem:s7], [sflag:s8] =	dma.local @!p0 [hbm:s6], $0xF7A  }
0x23: {  	s9 =	sor.u32 $0xD0000000, s2;
	s6 =	simm.s32 $0x108;
	_ =	swait.ge @!p0 [sflag:s8], $0x0  }
0x24: {  	s3 =	sadd.s32 $0x88, s3;
	s6 =	simm.s32 @!p1 $0x1082;
	[sflag:s4] =	ssyncset.s32 $0xFFFFF086  }
0x25: {  	[simem:s6], [sflag:s4] =	dma.local [hbm:s3], $0xF7A  }
0x26: {  	[smem:$0x3FA0] =	sst s1;
	(tag) =	ssettag s2;
	_ =	strace s9  }
0x27: {  	s1 =	sld [smem:$0x3FB0]  }
0x28: {  	s2 =	sld [smem:$0x3FB1]  }
0x29: {  	s4 =	sld [smem:$0x3FB3]  }
0x2a: {  	p0 =	seq.s32 s5, $0x0;
	s5 =	sld [smem:$0x3FB4]  }
0x2b: {  	s6 =	sld [smem:$0x3FB5]  }
0x2c: {  	s7 =	sld [smem:$0x3FB6]  }
0x2d: {  	s3 =	simm.s32 $0x108;
	s8 =	sld [smem:$0x3FB7]  }
0x2e: {  	s3 =	simm.s32 @!p0 $0x1082;
	s9 =	sld [smem:$0x3FB8]  }
0x2f: {  	lr =	sadd.s32 s0, s3;
	s0 =	sld [smem:$0x3FAF]  }
0x30: {  	s3 =	sld [smem:$0x3FB2]  }
0x31: {  	[smem:$0x3FBB] =	sst s10  }
0x32: {  	s10 =	sld [smem:$0x3FB9];
	_ =	sdelay $0x3  }
0x33: {  	p0 =	seq.s32 s10, $0x1;
	s10 =	sld [smem:$0x3FBB];
	_ =	sdelay $0x3  }
0x34: {  	[smem:$0x3FBB] =	sst s10  }
0x35: {  	s10 =	sld [smem:$0x3FBA];
	_ =	sdelay $0x3  }
0x36: {  	p1 =	seq.s32 s10, $0x1;
	s10 =	sld [smem:$0x3FBB];
	_ =	sdelay $0x3  }
0x37: {  	[smem:$0x3FBB] =	sst s10  }
0x38: {  	s10 =	sld [smem:$0x3FBC]  }
0x39: {  	_ = 	snop;
	(pc) =	sbr.ind lr, $3  }
0x3a: {  	_ = 	snop  }
0x3b: {  	_ = 	snop  }
0x3c: {  	p2 =	seq.s32 s10, $0x1;
	s10 =	sld [smem:$0x3FBB]  }
0x3d: {  	_ =	shalt  }
0x3e: {  	_ =	shalt  }
0x3f: {  	_ =	shalt  }
0x40: {  	_ =	shalt  }
0x41: {  	_ =	shalt  }
0x42: {  	_ =	shalt  }
0x43: {  	_ =	shalt  }
0x44: {  	_ =	shalt  }
0x45: {  	_ =	shalt  }
0x46: {  	_ =	shalt  }
0x47: {  	_ =	shalt  }
0x48: {  	_ =	shalt  }
0x49: {  	_ =	shalt  }
0x4a: {  	_ =	shalt  }
0x4b: {  	_ =	shalt  }
0x4c: {  	_ =	shalt  }
0x4d: {  	_ =	shalt  }
0x4e: {  	_ =	shalt  }
0x4f: {  	_ =	shalt  }
0x50: {  	_ =	shalt  }
0x51: {  	_ =	shalt  }
0x52: {  	_ =	shalt  }
0x53: {  	_ =	shalt  }
0x54: {  	_ =	shalt  }
0x55: {  	_ =	shalt  }
0x56: {  	_ =	shalt  }
0x57: {  	_ =	shalt  }
0x58: {  	_ =	shalt  }
0x59: {  	_ =	shalt  }
0x5a: {  	_ =	shalt  }
0x5b: {  	_ =	shalt  }
0x5c: {  	_ =	shalt  }
0x5d: {  	_ =	shalt  }
0x5e: {  	_ =	shalt  }
0x5f: {  	_ =	shalt  }
0x60: {  	_ =	shalt  }
0x61: {  	_ =	shalt  }
0x62: {  	_ =	shalt  }
0x63: {  	_ =	shalt  }
0x64: {  	_ =	shalt  }
0x65: {  	_ =	shalt  }
0x66: {  	_ =	shalt  }
0x67: {  	_ =	shalt  }
0x68: {  	_ =	shalt  }
0x69: {  	_ =	shalt  }
0x6a: {  	_ =	shalt  }
0x6b: {  	_ =	shalt  }
0x6c: {  	_ =	shalt  }
0x6d: {  	_ =	shalt  }
0x6e: {  	_ =	shalt  }
0x6f: {  	_ =	shalt  }
0x70: {  	_ =	shalt  }
0x71: {  	_ =	shalt  }
0x72: {  	_ =	shalt  }
0x73: {  	_ =	shalt  }
0x74: {  	_ =	shalt  }
0x75: {  	_ =	shalt  }
0x76: {  	_ =	shalt  }
0x77: {  	_ =	shalt  }
0x78: {  	_ =	shalt  }
0x79: {  	_ =	shalt  }
0x7a: {  	_ =	shalt  }
0x7b: {  	_ =	shalt  }
0x7c: {  	_ =	shalt  }
0x7d: {  	_ =	shalt  }
0x7e: {  	_ =	shalt  }
0x7f: {  	_ =	shalt  }
0x80: {  	_ =	shalt  }
0x81: {  	_ =	shalt  }
0x82: {  	_ =	shalt  }
0x83: {  	_ =	shalt  }
0x84: {  	_ =	shalt  }
0x85: {  	_ =	shalt  }
0x86: {  	_ =	shalt  }
0x87: {  	_ =	shalt  }
.Lfunc_end0:
.L_simem_size_0:
called_computation_lowered:
.L_overlay_start_0:
0x88: {  	s2 =	sld [smem:$0x3FD9]  }
0x89: {  	s3 =	sld [smem:$0x3FFE];
	_ =	sdelay $0x1  }
0x8a: {  	s1 =	srdreg.scid  }
0x8b: {  	s0 =	sand.u32 $0x1, s1  }
0x8c: {  	s17 =	sshll.u32 s0, $0xA;
	s2 =	sadd.s32 s3, s2  }
0x8d: {  	s2 =	sadd.s32 s2, s17  }
0x8e: {  	[smem:$0x3FC7] =	sst s2  }
0x8f: {  	_ = 	snop  }
0x90: {  	s2 =	sld [smem:$0x3FC9]  }
0x91: {  	s18 =	sld [smem:$0x3FD0];
	(tm) =	ssettm $0x1  }
0x92: {  	s4 =	sld [smem:$0x3FFB];
	_ =	sdelay $0x3  }
0x93: {  	_ =	strace s4  }
0x94: {  	s4 =	sld [smem:$0x3FFC];
	_ =	sdelay $0x3  }
0x95: {  	_ =	strace s4  }
0x96: {  	s4 =	sld [smem:$0x3FFD];
	_ =	sdelay $0x3  }
0x97: {  	_ =	strace s4  }
0x98: {  	_ =	strace $0x8FFFFFFF  }
0x99: {  	s19 =	sld [smem:$0x3FDB];
	_ =	sdelay $0x1  }
0x9a: {  	s5 =	simm.s32 $_scs_section_size  }
0x9b: {  	s6 =	simm.s32 $_size__tile_overlayer_lowered;
	s7 =	simm.s32 $_tile_overlayer_lowered  }
0x9c: {  	s22 =	simm.s32 $0x1BFF;
	s21 =	sshll.u32 s7, $0x1;
	s4 =	sadd.s32 s5, s19  }
0x9d: {  	s8 =	simm.s32 $0x0;
	s20 =	sshll.u32 s6, $0x1;
	s6 =	sadd.s32 s21, s4  }
0x9e: {  	[timem:s8], [sflag:s22] =	dma.local [hbm:s6], s20  }
0x9f: {  	_ =	swait.ge [sflag:s22], s20  }
0xa0: {  	s5 =	ssub.s32 $0x0, s20;
	[sflag:s22] =	ssyncset.done $0x0  }
0xa1: {  	[sflag:s22] =	ssyncadd.s32 s5;
	_ =	sdelay $0x1  }
0xa2: {  	s23 =	simm.s32 $0x1B8B  }
0xa3: {  	_ =	swait.ge [sflag:s23], $0x1  }
0xa4: {  	[sflag:s23] =	ssyncset.done $0x0  }
0xa5: {  	s25 =	simm.s32 $0x1B8E;
	s24 =	sld [smem:$0x3FFE];
	[sflag:s23] =	ssyncadd.s32 $0xFFFFFFFF  }
0xa6: {  	s26 =	simm.s32 $execute0_lowered;
	[smem:$0x3FD2] =	sst s25  }
0xa7: {  	s6 =	sshll.u32 s26, $0x1;
	_ =	strace $0x80000046;
	[dreg:$0x1] =	wrdreg $0xFFFFFFFF  }
0xa8: {  	s28 =	simm.s32 $_size_execute0_lowered;
	s4 =	sadd.s32 s4, s6;
	[dreg:$0x0] =	wrdreg $0x0  }
0xa9: {  	s6 =	sshll.u32 s28, $0x1;
	[dreg:$0x2] =	wrdreg s4  }
0xaa: {  	[dreg:$0x3] =	wrdreg s6  }
0xab: {  	[dreg:$0x4] =	wrdreg $0xC0  }
0xac: {  	_ =	task [dreg:s8], $0x5FFFF  }
0xad: {  	[dreg:$0x1] =	wrdreg $0xFFFFFFFF  }
0xae: {  	[dreg:$0x0] =	wrdreg $0x60  }
0xaf: {  	[dreg:$0x2] =	wrdreg s2  }
0xb0: {  	[dreg:$0x3] =	wrdreg s24  }
0xb1: {  	[dreg:$0x4] =	wrdreg s18  }
0xb2: {  	[dreg:$0x5] =	wrdreg $0x9  }
0xb3: {  	_ =	task.clear_ibuf [dreg:s8], $0x6FFFF;
	_ =	strace $0x90000046  }
0xb4: {  	s29 =	simm.s32 $0x9;
	_ =	strace $0x80000048  }
0xb5: {  	_ =	swait.ge [sflag:s29], $0x1  }
0xb6: {  	[sflag:s29] =	ssyncadd.s32 $0xFFFFFFFF  }
0xb7: {  	_ =	strace $0x90000048  }
0xb8: {  	_ =	sfence  }
0xb9: {  	s30 =	sld [smem:$0x0];
	_ =	sdelay $0x2  }
0xba: {  	s31 =	sshll.u32 s1, $0xD;
	s1 =	sshrl.u32 s1, $0x2  }
0xbb: {  	s3 =	sand.u32 $0x4000, s31;
	s1 =	sadd.s32 s1, s30  }
0xbc: {  	s0 =	sor.u32 s3, s0;
	s1 =	sshll.u32 s1, $0x11  }
0xbd: {  	s0 =	sor.u32 s1, s0  }
0xbe: {  	s0 =	sadd.s32 $0x8F2B, s0  }
0xbf: {  	[sflag:s0] =	ssyncadd.remote.s32 $0x1  }
0xc0: {  	_ =	sfence.sel $0xFFFF  }
0xc1: {  	[dreg:$0x0] =	wrdreg $0xFFFFFFFF;
	(pc) =	sbr.abs _section_cstart, $3  }
0xc2: {  	[dreg:$0x1] =	wrdreg $0xFFFFFFFF  }
0xc3: {  	_ =	task.clear_ibuf [dreg:s8], $0x2FFFF;
	_ =	strace $0x9FFFFFFF  }
0xc4: {  	(tm) =	ssettm $0x7FFFFFFF  }
0xc5: {  	_ =	shalt  }
tec
execute0_lowered:
.L_overlay_start_1:
0x0: {  	(tag) =	ssettag $0x1  }
0x1: {  	v0 =	vimm.s32 $0xFEDCBA9;
	v1 =	vimm.s32 $0x87654321  }
0x2: {  	v3 =	vimm.s32 $0x210FEDCB;
	v4 =	vimm.s32 $0xA9876543;
	v18 =	vimm.s32 $0x6543210F  }
0x3: {  	v19 =	vimm.s32 $0xEDCBA987;
	v20 =	vimm.s32 $0xFEDCBA98;
	v21 =	vimm.s32 $0x76543210  }
0x4: {  	v2 =	vunpack.c.l.s4.s8 v0;
	v1 =	vunpack.c.l.s4.s8 v1;
	v0 =	vlaneseq.u32  }
0x5: {  	v3 =	vunpack.c.l.s4.s8 v3;
	v18 =	vunpack.c.l.s4.s8 v18;
	v19 =	vunpack.c.l.s4.s8 v19  }
0x6: {  	v20 =	vunpack.c.l.s4.s8 v20;
	v8 =	vunpack.c.0.s8.s32 v2;
	v9 =	vunpack.c.0.s8.s32 v1  }
0x7: {  	s18 =	rddreg [dreg:$0x0];
	v1 =	vimm.s32 $0x10FEDCBA;
	v2 =	vimm.s32 $0x98765432;
	v12 =	vunpack.c.0.s8.s32 v3  }
0x8: {  	s0 =	srdreg.scid;
	s5 =	rddreg [dreg:$0x1];
	v3 =	vimm.s32 $0x43210FED;
	v18 =	vunpack.c.0.s8.s32 v18;
	v19 =	vunpack.c.0.s8.s32 v19  }
0x9: {  	s1 =	stileid.u32;
	s4 =	rddreg [dreg:$0x2];
	s7 =	simm.s32 $0x0;
	v1 =	vunpack.c.l.s4.s8 v1;
	v2 =	vunpack.c.l.s4.s8 v2;
	v5 =	vcombine.low v9, v8  }
0xa: {  	s30 =	simm.s32 $0x500;
	s0 =	sand.u32 $0x1, s0;
	s2 =	sshll.u32 s1, $0x1;
	v3 =	vunpack.c.l.s4.s8 v3;
	v24 =	vcombine.low v19, v18;
	v9 =	vcombine.low v8, v9  }
0xb: {  	s16 =	simm.s32 $0x1;
	s17 =	simm.s32 $0x600;
	s3 =	sor.u32 s0, s2;
	v10 =	vunpack.c.0.s8.s32 v1;
	v1 =	vunpack.c.l.s4.s8 v4;
	v11 =	vunpack.c.0.s8.s32 v2  }
0xc: {  	[smem:$0x7FF] =	sst s7;
	s0 =	ssub.s32 $0x2, s0;
	s2 =	smul.u32 $0x41, s3;
	v2 =	vimm.s32 $0x3210FEDC;
	v4 =	vimm.s32 $0xCBA98765;
	v16 =	vunpack.c.0.s8.s32 v3  }
0xd: {  	s20 =	sshrl.u32 s0, $0x1;
	s21 =	sshll.u32 s3, $0x4;
	s3 =	sshll.u32 s3, $0x7;
	v4 =	vunpack.c.l.s4.s8 v4;
	v8 =	vand.u32 $0xF, v24;
	v9 =	vand.u32 $0xF, v9  }
0xe: {  	_ =	strace $0x80000047;
	s0 =	ssub.s32 s0, s20;
	s3 =	sand.u32 $0x380, s3;
	v13 =	vunpack.c.0.s8.s32 v1;
	v1 =	vunpack.c.l.s4.s8 v2;
	v2 =	vimm.s32 $0xBA987654  }
0xf: {  	s20 =	simm.s32 $0x41000;
	s6 =	sshrl.u32 s2, $0x3;
	s8 =	sshll.u32 s2, $0x1;
	v6 =	vcombine.low v11, v10;
	v10 =	vcombine.low v10, v11;
	v2 =	vunpack.c.l.s4.s8 v2  }
0x10: {  	[dreg:$0x4] =	wrdreg s2;
	s22 =	sadd.s32 $0x1, s2;
	s19 =	smul.u32 $0x3, s6;
	v17 =	vunpack.c.0.s8.s32 v4;
	v7 =	vcombine.low v13, v12;
	v14 =	vunpack.c.0.s8.s32 v1  }
0x11: {  	s24 =	sadd.s32 s18, s3;
	s0 =	smax.u32 s0, $0x1;
	s8 =	sand.u32 $0xFF0, s8;
	v1 =	vand.u32 $0xF, v5;
	v11 =	vcombine.low v12, v13;
	v10 =	vand.u32 $0xF, v10  }
0x12: {  	s23 =	sshrl.u32 s22, $0x3;
	[dreg:$0x7] =	wrdreg s24;
	s7 =	sadd.s32 s19, s5;
	v13 =	vmov s30;
	v15 =	vunpack.c.0.s8.s32 v2;
	v2 =	vand.u32 $0xF, v6  }
0x13: {  	s9 =	sshll.u32 s6, $0xA;
	[dreg:$0xb] =	wrdreg s0;
	s7 =	sadd.s32 $0x1600, s7;
	v5 =	vcombine.low v17, v16;
	v6 =	vimm.s32 $0x543210FE;
	v3 =	vand.u32 $0xF, v7  }
0x14: {  	s5 =	sadd.s32 s8, s5;
	[dreg:$0x5] =	wrdreg s7;
	s7 =	sand.u32 $0x70, s21;
	v7 =	vimm.s32 $0xDCBA9876;
	v6 =	vunpack.c.l.s4.s8 v6;
	v11 =	vand.u32 $0xF, v11  }
0x15: {  	s8 =	ssub.s32 s23, s6;
	s5 =	sadd.s32 $0x400, s5;
	s7 =	smul.u32 $0x41000, s7;
	v4 =	vcombine.low v15, v14;
	v7 =	vunpack.c.l.s4.s8 v7;
	v12 =	vcombine.low v14, v15  }
0x16: {  	s19 =	simm.s32 $0x400;
	s8 =	smul.u32 $0x60, s8;
	[dreg:$0x6] =	wrdreg s5;
	v5 =	vand.u32 $0xF, v5;
	v14 =	vcombine.low v16, v17;
	v16 =	vcombine.low v18, v19  }
0x17: {  	s5 =	sshll.u32 s22, $0x7;
	s21 =	simm.s32 $0x8600;
	s7 =	sadd.s32 s7, s9;
	v22 =	vunpack.c.0.s8.s32 v6;
	v6 =	vunpack.c.l.s4.s8 v21;
	v23 =	vunpack.c.0.s8.s32 v7  }
0x18: {  	s25 =	sand.u32 $0x380, s5;
	s28 =	sshra.s32 s8, $0x2;
	s26 =	sadd.s32 $0x2000, s7;
	v7 =	vunpack.c.0.s8.s32 v20;
	v4 =	vand.u32 $0xF, v4;
	v12 =	vand.u32 $0xF, v12  }
0x19: {  	[dreg:$0x8] =	wrdreg s28;
	s1 =	sadd.s32 s18, s25;
	s29 =	sshrl.u32 s26, $0x3;
	v21 =	vunpack.c.0.s8.s32 v6;
	v63 =	vcombine.low v23, v22;
	v15 =	vcombine.low v22, v23  }
0x1a: {  	s22 =	simm.s32 $0x14600;
	[dreg:$0x9] =	wrdreg s1;
	v14 =	vand.u32 $0xF, v14;
	v16 =	vand.u32 $0xF, v16;
	s31 =	sadd.s32 s4, s29;
	v7 =	vand.u32 $0xF, v7  }
0x1b: {  	s18 =	simm.s32 $0x10600;
	s1 =	simm.s32 $0x0;
	[dreg:$0xa] =	wrdreg s31;
	v7 =	vcombine.low v7, v21;
	v6 =	vand.u32 $0xF, v63;
	v15 =	vand.u32 $0xF, v15  }
.LBB2_1:
0x1c: {  	[dreg:$0xc] =	wrdreg s1  }
0x1d: {  	s0 =	simm.s32 $0x0;
	s30 =	rddreg [dreg:$0x5];
	s2 =	simm.s32 $0x3  }
0x1e: {  	[tilespmem:s0], [sflag:$0x3] =	stream.linear.gather [hbm4b:s30+s0], $0xF0, $0x38;
	[tilespmem:$0x18600] =	vst v63  }
0x1f: {  	_ =	swait.ge [sflag:s2], $0xF0  }
0x20: {  	[sflag:s2] =	ssyncset.done $0x0  }
0x21: {  	s3 =	simm.s32 $0x100;
	s31 =	rddreg [dreg:$0x6];
	[sflag:s2] =	ssyncadd.s32 $0xFFFFFF10  }
0x22: {  	[tilespmem:s3], [sflag:$0x3] =	stream.linear.gather [hbm4b:s31+s0], $0x500, $0x38;
	[tilespmem:$0x18600] =	vst v63  }
0x23: {  	_ =	swait.ge [sflag:s2], $0x500  }
0x24: {  	[sflag:s2] =	ssyncset.done $0x0  }
0x25: {  	[sflag:s2] =	ssyncadd.s32 $0xFFFFFB00  }
0x26: {  	v17 =	vld [tilespmem:$0x0];
	_ =	sdelay $0x4  }
0x27: {  	(v2sf) =	vpush v17, $0x0;
	_ =	sdelay $0x1  }
0x28: {  	(v2sf) =	vpush v17, $0x2  }
0x29: {  	(v2sf) =	vpush v17, $0x3  }
0x2a: {  	(v2sf) =	vpush v17, $0x4  }
0x2b: {  	(v2sf) =	vpush v17, $0x5  }
0x2c: {  	(v2sf) =	vpush v17, $0x6  }
0x2d: {  	(v2sf) =	vpush v17, $0x7  }
0x2e: {  	(v2sf) =	vpush v17, $0x8  }
0x2f: {  	(v2sf) =	vpush v17, $0x9  }
0x30: {  	(v2sf) =	vpush v17, $0xA  }
0x31: {  	v18 =	vld [tilespmem:$0x10];
	(v2sf) =	vpush v17, $0xB  }
0x32: {  	(v2sf) =	vpush v17, $0xC  }
0x33: {  	(v2sf) =	vpush v17, $0xD  }
0x34: {  	(v2sf) =	vpush v17, $0xE  }
0x35: {  	s0 =	spop (v2sf);
	(v2sf) =	vpush v17, $0xF  }
0x36: {  	(v2sf) =	vpush v18, $0x0;
	p0 =	slt.s32 s0, $0x1  }
0x37: {  	s24 =	spop (v2sf);
	(v2sf) =	vpush @!p0 v17, $0x1  }
0x38: {  	s30 =	spop (v2sf)  }
0x39: {  	s31 =	spop (v2sf)  }
0x3a: {  	s29 =	spop (v2sf)  }
0x3b: {  	s26 =	spop (v2sf)  }
0x3c: {  	s23 =	spop (v2sf)  }
0x3d: {  	s14 =	spop (v2sf)  }
0x3e: {  	s10 =	spop (v2sf)  }
0x3f: {  	s15 =	spop (v2sf)  }
0x40: {  	s13 =	spop (v2sf)  }
0x41: {  	s12 =	spop (v2sf)  }
0x42: {  	s8 =	spop (v2sf)  }
0x43: {  	s7 =	spop (v2sf)  }
0x44: {  	s5 =	spop (v2sf)  }
0x45: {  	s3 =	spop (v2sf)  }
0x46: {  	s28 =	spop @!p0 (v2sf)  }
0x47: {  	s1 =	rddreg [dreg:$0x7];
	s28 =	sshll.u32 @!p0 s28, $0x7  }
0x48: {  	s9 =	simm.s32 @!p0 $0x400;
	s11 =	simm.s32 @!p0 $0x2000;
	s28 =	sand.u32 @!p0 $0xFFFFC00, s28  }
0x49: {  	s25 =	simm.s32 @!p0 $0x600;
	p1 =	seq.s32 @!p0 s0, $0x1;
	s28 =	sadd.s32 @!p0 s28, s1  }
0x4a: {  	[tilespmem:s25], [sflag:$0x1] =	stream.strided.gather @!p0 [hbm4b:s28+s9], $0x800, s11, s9, $0x38;
	[tilespmem:$0x18600] =	vst v63  }
0x4b: {  	p0 =	por p0, p1  }
0x4c: {  	s9 =	sshll.u32 @!p0 s24, $0x7  }
0x4d: {  	s11 =	simm.s32 @!p0 $0x400;
	s24 =	simm.s32 @!p0 $0x2000;
	s9 =	sand.u32 @!p0 $0xFFFFC00, s9  }
0x4e: {  	s25 =	simm.s32 @!p0 $0xE00;
	p1 =	slt.u32 @!p0 s0, $0x3;
	s9 =	sadd.s32 @!p0 s9, s1  }
0x4f: {  	[tilespmem:s25], [sflag:$0x1] =	stream.strided.gather @!p0 [hbm4b:s9+s11], $0x800, s24, s11, $0x38;
	[tilespmem:$0x18600] =	vst v63  }
0x50: {  	p0 =	por p0, p1  }
0x51: {  	s9 =	sshll.u32 @!p0 s30, $0x7  }
0x52: {  	s11 =	simm.s32 @!p0 $0x400;
	s24 =	simm.s32 @!p0 $0x2000;
	s9 =	sand.u32 @!p0 $0xFFFFC00, s9  }
0x53: {  	s25 =	simm.s32 @!p0 $0x1600;
	p1 =	seq.s32 @!p0 s0, $0x3;
	s9 =	sadd.s32 @!p0 s9, s1  }
0x54: {  	[tilespmem:s25], [sflag:$0x1] =	stream.strided.gather @!p0 [hbm4b:s9+s11], $0x800, s24, s11, $0x38;
	[tilespmem:$0x18600] =	vst v63  }
0x55: {  	p0 =	por p0, p1  }
0x56: {  	s9 =	sshll.u32 @!p0 s31, $0x7  }
0x57: {  	s11 =	simm.s32 @!p0 $0x400;
	s24 =	simm.s32 @!p0 $0x2000;
	s9 =	sand.u32 @!p0 $0xFFFFC00, s9  }
0x58: {  	s25 =	simm.s32 @!p0 $0x1E00;
	p1 =	slt.u32 @!p0 s0, $0x5;
	s9 =	sadd.s32 @!p0 s9, s1  }
0x59: {  	[tilespmem:s25], [sflag:$0x1] =	stream.strided.gather @!p0 [hbm4b:s9+s11], $0x800, s24, s11, $0x38;
	[tilespmem:$0x18600] =	vst v63  }
0x5a: {  	p0 =	por p0, p1  }
0x5b: {  	s9 =	sshll.u32 @!p0 s29, $0x7  }
0x5c: {  	s11 =	simm.s32 @!p0 $0x400;
	s24 =	simm.s32 @!p0 $0x2000;
	s9 =	sand.u32 @!p0 $0xFFFFC00, s9  }
0x5d: {  	s25 =	simm.s32 @!p0 $0x2600;
	p1 =	seq.s32 @!p0 s0, $0x5;
	s9 =	sadd.s32 @!p0 s9, s1  }
0x5e: {  	[tilespmem:s25], [sflag:$0x1] =	stream.strided.gather @!p0 [hbm4b:s9+s11], $0x800, s24, s11, $0x38;
	[tilespmem:$0x18600] =	vst v63  }
0x5f: {  	p0 =	por p0, p1  }
0x60: {  	s9 =	sshll.u32 @!p0 s26, $0x7  }
0x61: {  	s11 =	simm.s32 @!p0 $0x400;
	s24 =	simm.s32 @!p0 $0x2000;
	s9 =	sand.u32 @!p0 $0xFFFFC00, s9  }
0x62: {  	s25 =	simm.s32 @!p0 $0x2E00;
	p1 =	slt.u32 @!p0 s0, $0x7;
	s9 =	sadd.s32 @!p0 s9, s1  }
0x63: {  	[tilespmem:s25], [sflag:$0x1] =	stream.strided.gather @!p0 [hbm4b:s9+s11], $0x800, s24, s11, $0x38;
	[tilespmem:$0x18600] =	vst v63  }
0x64: {  	p0 =	por p0, p1  }
0x65: {  	s9 =	sshll.u32 @!p0 s23, $0x7  }
0x66: {  	s11 =	simm.s32 @!p0 $0x400;
	s23 =	simm.s32 @!p0 $0x2000;
	s9 =	sand.u32 @!p0 $0xFFFFC00, s9  }
0x67: {  	s24 =	simm.s32 @!p0 $0x3600;
	p1 =	seq.s32 @!p0 s0, $0x7;
	s9 =	sadd.s32 @!p0 s9, s1  }
0x68: {  	[tilespmem:s24], [sflag:$0x1] =	stream.strided.gather @!p0 [hbm4b:s9+s11], $0x800, s23, s11, $0x38;
	[tilespmem:$0x18600] =	vst v63  }
0x69: {  	p0 =	por p0, p1  }
0x6a: {  	s9 =	sshll.u32 @!p0 s14, $0x7  }
0x6b: {  	s11 =	simm.s32 @!p0 $0x400;
	s14 =	simm.s32 @!p0 $0x2000;
	s9 =	sand.u32 @!p0 $0xFFFFC00, s9  }
0x6c: {  	s23 =	simm.s32 @!p0 $0x3E00;
	p1 =	slt.u32 @!p0 s0, $0x9;
	s9 =	sadd.s32 @!p0 s9, s1  }
0x6d: {  	[tilespmem:s23], [sflag:$0x1] =	stream.strided.gather @!p0 [hbm4b:s9+s11], $0x800, s14, s11, $0x38;
	[tilespmem:$0x18600] =	vst v63  }
0x6e: {  	p0 =	por p0, p1  }
0x6f: {  	s9 =	sshll.u32 @!p0 s10, $0x7  }
0x70: {  	s10 =	simm.s32 @!p0 $0x400;
	s11 =	simm.s32 @!p0 $0x2000;
	s9 =	sand.u32 @!p0 $0xFFFFC00, s9  }
0x71: {  	s14 =	simm.s32 @!p0 $0x4600;
	p1 =	seq.s32 @!p0 s0, $0x9;
	s9 =	sadd.s32 @!p0 s9, s1  }
0x72: {  	[tilespmem:s14], [sflag:$0x1] =	stream.strided.gather @!p0 [hbm4b:s9+s10], $0x800, s11, s10, $0x38;
	[tilespmem:$0x18600] =	vst v63  }
0x73: {  	p0 =	por p0, p1  }
0x74: {  	s9 =	sshll.u32 @!p0 s15, $0x7  }
0x75: {  	s10 =	simm.s32 @!p0 $0x400;
	s11 =	simm.s32 @!p0 $0x2000;
	s9 =	sand.u32 @!p0 $0xFFFFC00, s9  }
0x76: {  	s14 =	simm.s32 @!p0 $0x4E00;
	p1 =	slt.u32 @!p0 s0, $0xB;
	s9 =	sadd.s32 @!p0 s9, s1  }
0x77: {  	[tilespmem:s14], [sflag:$0x1] =	stream.strided.gather @!p0 [hbm4b:s9+s10], $0x800, s11, s10, $0x38;
	[tilespmem:$0x18600] =	vst v63  }
0x78: {  	p0 =	por p0, p1  }
0x79: {  	s9 =	sshll.u32 @!p0 s13, $0x7  }
0x7a: {  	s10 =	simm.s32 @!p0 $0x400;
	s11 =	simm.s32 @!p0 $0x2000;
	s9 =	sand.u32 @!p0 $0xFFFFC00, s9  }
0x7b: {  	s13 =	simm.s32 @!p0 $0x5600;
	p1 =	seq.s32 @!p0 s0, $0xB;
	s9 =	sadd.s32 @!p0 s9, s1  }
0x7c: {  	[tilespmem:s13], [sflag:$0x1] =	stream.strided.gather @!p0 [hbm4b:s9+s10], $0x800, s11, s10, $0x38;
	[tilespmem:$0x18600] =	vst v63  }
0x7d: {  	p0 =	por p0, p1  }
.Ltmp0:
0x7e: {  	_ = 	snop;
	(pc) =	sbr.rel @p0 .LBB2_3-.Ltmp0, $1  }
0x7f: {  	_ =	sdelay $0x3  }
0x80: {  	s9 =	sshll.u32 s12, $0x7  }
0x81: {  	s1 =	rddreg [dreg:$0x7];
	s2 =	simm.s32 $0x2000;
	p0 =	slt.u32 s0, $0xD  }
0x82: {  	s4 =	simm.s32 $0x5E00;
	s9 =	sand.u32 $0xFFFFC00, s9;
	s8 =	sshll.u32 @!p0 s8, $0x7  }
0x83: {  	s10 =	simm.s32 @!p0 $0x2000;
	s11 =	simm.s32 @!p0 $0x6600;
	p1 =	seq.s32 @!p0 s0, $0xD  }
0x84: {  	s9 =	sadd.s32 s9, s1;
	s8 =	sand.u32 @!p0 $0xFFFFC00, s8;
	p2 =	por p1, p0  }
0x85: {  	[tilespmem:s4], [sflag:$0x1] =	stream.strided.gather [hbm4b:s9+s19], $0x800, s2, s19, $0x38;
	[tilespmem:$0x18600] =	vst v63  }
0x86: {  	s8 =	sadd.s32 @!p0 s8, s1;
	s7 =	sshll.u32 @!p2 s7, $0x7;
	p3 =	slt.u32 @!p2 s0, $0xF  }
0x87: {  	s9 =	simm.s32 @!p0 $0x400;
	s7 =	sand.u32 @!p2 $0xFFFFC00, s7;
	p4 =	por @!p0 p3, p1  }
0x88: {  	[tilespmem:s11], [sflag:$0x1] =	stream.strided.gather @!p0 [hbm4b:s8+s9], $0x800, s10, s9, $0x38;
	[tilespmem:$0x18600] =	vst v63  }
0x89: {  	s7 =	sadd.s32 @!p2 s7, s1;
	s8 =	simm.s32 @!p2 $0x400;
	p4 =	por p4, p0  }
0x8a: {  	s9 =	simm.s32 @!p2 $0x2000;
	s10 =	simm.s32 @!p2 $0x6E00;
	s5 =	sshll.u32 @!p4 s5, $0x7  }
0x8b: {  	[tilespmem:s10], [sflag:$0x1] =	stream.strided.gather @!p2 [hbm4b:s7+s8], $0x800, s9, s8, $0x38;
	[tilespmem:$0x18600] =	vst v63  }
0x8c: {  	s5 =	sand.u32 @!p4 $0xFFFFC00, s5;
	s7 =	simm.s32 @!p4 $0x400  }
0x8d: {  	s8 =	simm.s32 @!p4 $0x2000;
	s9 =	simm.s32 @!p4 $0x7600;
	s5 =	sadd.s32 @!p4 s5, s1  }
0x8e: {  	[tilespmem:s9], [sflag:$0x1] =	stream.strided.gather @!p4 [hbm4b:s5+s7], $0x800, s8, s7, $0x38;
	[tilespmem:$0x18600] =	vst v63  }
0x8f: {  	p4 =	seq.s32 @!p4 s0, $0xF  }
0x90: {  	p2 =	por @!p2 p4, p3  }
0x91: {  	p1 =	por @!p0 p2, p1  }
0x92: {  	p0 =	por p1, p0  }
0x93: {  	s0 =	sshll.u32 @!p0 s3, $0x7  }
0x94: {  	s3 =	simm.s32 @!p0 $0x400;
	s0 =	sand.u32 @!p0 $0xFFFFC00, s0  }
0x95: {  	s5 =	simm.s32 @!p0 $0x2000;
	s7 =	simm.s32 @!p0 $0x7E00;
	s0 =	sadd.s32 @!p0 s0, s1  }
0x96: {  	[tilespmem:s7], [sflag:$0x1] =	stream.strided.gather @!p0 [hbm4b:s0+s3], $0x800, s5, s3, $0x38;
	[tilespmem:$0x18600] =	vst v63  }
.LBB2_3:
0x97: {  	s0 =	rddreg [dreg:$0x8]  }
0x98: {  	v17 =	vld [tilespmem:s0+$0x0];
	_ =	sdelay $0x4  }
0x99: {  	(v2sf) =	vpush v17, $0x0;
	_ =	sdelay $0x1  }
0x9a: {  	(v2sf) =	vpush v17, $0x2  }
0x9b: {  	(v2sf) =	vpush v17, $0x3  }
0x9c: {  	(v2sf) =	vpush v17, $0x4  }
0x9d: {  	(v2sf) =	vpush v17, $0x5  }
0x9e: {  	(v2sf) =	vpush v17, $0x6  }
0x9f: {  	(v2sf) =	vpush v17, $0x7  }
0xa0: {  	(v2sf) =	vpush v17, $0x8  }
0xa1: {  	(v2sf) =	vpush v17, $0x9  }
0xa2: {  	(v2sf) =	vpush v17, $0xA  }
0xa3: {  	v18 =	vld [tilespmem:s0+$0x10];
	(v2sf) =	vpush v17, $0xB  }
0xa4: {  	(v2sf) =	vpush v17, $0xC  }
0xa5: {  	(v2sf) =	vpush v17, $0xD  }
0xa6: {  	(v2sf) =	vpush v17, $0xE  }
0xa7: {  	s0 =	spop (v2sf);
	(v2sf) =	vpush v17, $0xF  }
0xa8: {  	(v2sf) =	vpush v18, $0x0;
	p0 =	slt.s32 s0, $0x1  }
0xa9: {  	s9 =	spop (v2sf);
	(v2sf) =	vpush @!p0 v17, $0x1  }
0xaa: {  	s11 =	spop (v2sf)  }
0xab: {  	s24 =	spop (v2sf)  }
0xac: {  	s25 =	spop (v2sf)  }
0xad: {  	s26 =	spop (v2sf)  }
0xae: {  	s23 =	spop (v2sf)  }
0xaf: {  	s14 =	spop (v2sf)  }
0xb0: {  	s10 =	spop (v2sf)  }
0xb1: {  	s15 =	spop (v2sf)  }
0xb2: {  	s13 =	spop (v2sf)  }
0xb3: {  	s12 =	spop (v2sf)  }
0xb4: {  	s8 =	spop (v2sf)  }
0xb5: {  	s7 =	spop (v2sf)  }
0xb6: {  	s5 =	spop (v2sf)  }
0xb7: {  	s3 =	spop (v2sf)  }
0xb8: {  	s28 =	spop @!p0 (v2sf)  }
0xb9: {  	s1 =	rddreg [dreg:$0x9];
	s28 =	sshll.u32 @!p0 s28, $0x7  }
0xba: {  	s29 =	simm.s32 @!p0 $0x400;
	s30 =	simm.s32 @!p0 $0x2000;
	s28 =	sand.u32 @!p0 $0xFFFFC00, s28  }
0xbb: {  	s31 =	simm.s32 @!p0 $0x8600;
	p1 =	seq.s32 @!p0 s0, $0x1;
	s28 =	sadd.s32 @!p0 s28, s1  }
0xbc: {  	[tilespmem:s31], [sflag:$0x1] =	stream.strided.gather @!p0 [hbm4b:s28+s29], $0x800, s30, s29, $0x38;
	[tilespmem:$0x18600] =	vst v63  }
0xbd: {  	p0 =	por p0, p1  }
0xbe: {  	s9 =	sshll.u32 @!p0 s9, $0x7  }
0xbf: {  	s28 =	simm.s32 @!p0 $0x400;
	s29 =	simm.s32 @!p0 $0x2000;
	s9 =	sand.u32 @!p0 $0xFFFFC00, s9  }
0xc0: {  	s30 =	simm.s32 @!p0 $0x8E00;
	p1 =	slt.u32 @!p0 s0, $0x3;
	s9 =	sadd.s32 @!p0 s9, s1  }
0xc1: {  	[tilespmem:s30], [sflag:$0x1] =	stream.strided.gather @!p0 [hbm4b:s9+s28], $0x800, s29, s28, $0x38;
	[tilespmem:$0x18600] =	vst v63  }
0xc2: {  	p0 =	por p0, p1  }
0xc3: {  	s9 =	sshll.u32 @!p0 s11, $0x7  }
0xc4: {  	s11 =	simm.s32 @!p0 $0x400;
	s28 =	simm.s32 @!p0 $0x2000;
	s9 =	sand.u32 @!p0 $0xFFFFC00, s9  }
0xc5: {  	s29 =	simm.s32 @!p0 $0x9600;
	p1 =	seq.s32 @!p0 s0, $0x3;
	s9 =	sadd.s32 @!p0 s9, s1  }
0xc6: {  	[tilespmem:s29], [sflag:$0x1] =	stream.strided.gather @!p0 [hbm4b:s9+s11], $0x800, s28, s11, $0x38;
	[tilespmem:$0x18600] =	vst v63  }
0xc7: {  	p0 =	por p0, p1  }
0xc8: {  	s9 =	sshll.u32 @!p0 s24, $0x7  }
0xc9: {  	s11 =	simm.s32 @!p0 $0x400;
	s24 =	simm.s32 @!p0 $0x2000;
	s9 =	sand.u32 @!p0 $0xFFFFC00, s9  }
0xca: {  	s28 =	simm.s32 @!p0 $0x9E00;
	p1 =	slt.u32 @!p0 s0, $0x5;
	s9 =	sadd.s32 @!p0 s9, s1  }
0xcb: {  	[tilespmem:s28], [sflag:$0x1] =	stream.strided.gather @!p0 [hbm4b:s9+s11], $0x800, s24, s11, $0x38;
	[tilespmem:$0x18600] =	vst v63  }
0xcc: {  	p0 =	por p0, p1  }
0xcd: {  	s9 =	sshll.u32 @!p0 s25, $0x7  }
0xce: {  	s11 =	simm.s32 @!p0 $0x400;
	s24 =	simm.s32 @!p0 $0x2000;
	s9 =	sand.u32 @!p0 $0xFFFFC00, s9  }
0xcf: {  	s25 =	simm.s32 @!p0 $0xA600;
	p1 =	seq.s32 @!p0 s0, $0x5;
	s9 =	sadd.s32 @!p0 s9, s1  }
0xd0: {  	[tilespmem:s25], [sflag:$0x1] =	stream.strided.gather @!p0 [hbm4b:s9+s11], $0x800, s24, s11, $0x38;
	[tilespmem:$0x18600] =	vst v63  }
0xd1: {  	p0 =	por p0, p1  }
0xd2: {  	s9 =	sshll.u32 @!p0 s26, $0x7  }
0xd3: {  	s11 =	simm.s32 @!p0 $0x400;
	s24 =	simm.s32 @!p0 $0x2000;
	s9 =	sand.u32 @!p0 $0xFFFFC00, s9  }
0xd4: {  	s25 =	simm.s32 @!p0 $0xAE00;
	p1 =	slt.u32 @!p0 s0, $0x7;
	s9 =	sadd.s32 @!p0 s9, s1  }
0xd5: {  	[tilespmem:s25], [sflag:$0x1] =	stream.strided.gather @!p0 [hbm4b:s9+s11], $0x800, s24, s11, $0x38;
	[tilespmem:$0x18600] =	vst v63  }
0xd6: {  	p0 =	por p0, p1  }
0xd7: {  	s9 =	sshll.u32 @!p0 s23, $0x7  }
0xd8: {  	s11 =	simm.s32 @!p0 $0x400;
	s23 =	simm.s32 @!p0 $0x2000;
	s9 =	sand.u32 @!p0 $0xFFFFC00, s9  }
0xd9: {  	s24 =	simm.s32 @!p0 $0xB600;
	p1 =	seq.s32 @!p0 s0, $0x7;
	s9 =	sadd.s32 @!p0 s9, s1  }
0xda: {  	[tilespmem:s24], [sflag:$0x1] =	stream.strided.gather @!p0 [hbm4b:s9+s11], $0x800, s23, s11, $0x38;
	[tilespmem:$0x18600] =	vst v63  }
0xdb: {  	p0 =	por p0, p1  }
0xdc: {  	s9 =	sshll.u32 @!p0 s14, $0x7  }
0xdd: {  	s11 =	simm.s32 @!p0 $0x400;
	s14 =	simm.s32 @!p0 $0x2000;
	s9 =	sand.u32 @!p0 $0xFFFFC00, s9  }
0xde: {  	s23 =	simm.s32 @!p0 $0xBE00;
	p1 =	slt.u32 @!p0 s0, $0x9;
	s9 =	sadd.s32 @!p0 s9, s1  }
0xdf: {  	[tilespmem:s23], [sflag:$0x1] =	stream.strided.gather @!p0 [hbm4b:s9+s11], $0x800, s14, s11, $0x38;
	[tilespmem:$0x18600] =	vst v63  }
0xe0: {  	p0 =	por p0, p1  }
0xe1: {  	s9 =	sshll.u32 @!p0 s10, $0x7  }
0xe2: {  	s10 =	simm.s32 @!p0 $0x400;
	s11 =	simm.s32 @!p0 $0x2000;
	s9 =	sand.u32 @!p0 $0xFFFFC00, s9  }
0xe3: {  	s14 =	simm.s32 @!p0 $0xC600;
	p1 =	seq.s32 @!p0 s0, $0x9;
	s9 =	sadd.s32 @!p0 s9, s1  }
0xe4: {  	[tilespmem:s14], [sflag:$0x1] =	stream.strided.gather @!p0 [hbm4b:s9+s10], $0x800, s11, s10, $0x38;
	[tilespmem:$0x18600] =	vst v63  }
0xe5: {  	p0 =	por p0, p1  }
0xe6: {  	s9 =	sshll.u32 @!p0 s15, $0x7  }
0xe7: {  	s10 =	simm.s32 @!p0 $0x400;
	s11 =	simm.s32 @!p0 $0x2000;
	s9 =	sand.u32 @!p0 $0xFFFFC00, s9  }
0xe8: {  	s14 =	simm.s32 @!p0 $0xCE00;
	p1 =	slt.u32 @!p0 s0, $0xB;
	s9 =	sadd.s32 @!p0 s9, s1  }
0xe9: {  	[tilespmem:s14], [sflag:$0x1] =	stream.strided.gather @!p0 [hbm4b:s9+s10], $0x800, s11, s10, $0x38;
	[tilespmem:$0x18600] =	vst v63  }
0xea: {  	p0 =	por p0, p1  }
0xeb: {  	s9 =	sshll.u32 @!p0 s13, $0x7  }
0xec: {  	s10 =	simm.s32 @!p0 $0x400;
	s11 =	simm.s32 @!p0 $0x2000;
	s9 =	sand.u32 @!p0 $0xFFFFC00, s9  }
0xed: {  	s13 =	simm.s32 @!p0 $0xD600;
	p1 =	seq.s32 @!p0 s0, $0xB;
	s9 =	sadd.s32 @!p0 s9, s1  }
0xee: {  	[tilespmem:s13], [sflag:$0x1] =	stream.strided.gather @!p0 [hbm4b:s9+s10], $0x800, s11, s10, $0x38;
	[tilespmem:$0x18600] =	vst v63  }
0xef: {  	p0 =	por p0, p1  }
.Ltmp1:
0xf0: {  	_ = 	snop;
	(pc) =	sbr.rel @p0 .LBB2_5-.Ltmp1, $1  }
0xf1: {  	_ =	sdelay $0x3  }
0xf2: {  	s9 =	sshll.u32 s12, $0x7  }
0xf3: {  	s1 =	rddreg [dreg:$0x9];
	s2 =	simm.s32 $0x2000;
	p0 =	slt.u32 s0, $0xD  }
0xf4: {  	s4 =	simm.s32 $0xDE00;
	s9 =	sand.u32 $0xFFFFC00, s9;
	s8 =	sshll.u32 @!p0 s8, $0x7  }
0xf5: {  	s10 =	simm.s32 @!p0 $0x2000;
	s11 =	simm.s32 @!p0 $0xE600;
	p1 =	seq.s32 @!p0 s0, $0xD  }
0xf6: {  	s9 =	sadd.s32 s9, s1;
	s8 =	sand.u32 @!p0 $0xFFFFC00, s8;
	p2 =	por p1, p0  }
0xf7: {  	[tilespmem:s4], [sflag:$0x1] =	stream.strided.gather [hbm4b:s9+s19], $0x800, s2, s19, $0x38;
	[tilespmem:$0x18600] =	vst v63  }
0xf8: {  	s8 =	sadd.s32 @!p0 s8, s1;
	s7 =	sshll.u32 @!p2 s7, $0x7;
	p3 =	slt.u32 @!p2 s0, $0xF  }
0xf9: {  	s9 =	simm.s32 @!p0 $0x400;
	s7 =	sand.u32 @!p2 $0xFFFFC00, s7;
	p4 =	por @!p0 p3, p1  }
0xfa: {  	[tilespmem:s11], [sflag:$0x1] =	stream.strided.gather @!p0 [hbm4b:s8+s9], $0x800, s10, s9, $0x38;
	[tilespmem:$0x18600] =	vst v63  }
0xfb: {  	s7 =	sadd.s32 @!p2 s7, s1;
	s8 =	simm.s32 @!p2 $0x400;
	p4 =	por p4, p0  }
0xfc: {  	s9 =	simm.s32 @!p2 $0x2000;
	s10 =	simm.s32 @!p2 $0xEE00;
	s5 =	sshll.u32 @!p4 s5, $0x7  }
0xfd: {  	[tilespmem:s10], [sflag:$0x1] =	stream.strided.gather @!p2 [hbm4b:s7+s8], $0x800, s9, s8, $0x38;
	[tilespmem:$0x18600] =	vst v63  }
0xfe: {  	s5 =	sand.u32 @!p4 $0xFFFFC00, s5;
	s7 =	simm.s32 @!p4 $0x400  }
0xff: {  	s8 =	simm.s32 @!p4 $0x2000;
	s9 =	simm.s32 @!p4 $0xF600;
	s5 =	sadd.s32 @!p4 s5, s1  }
0x100: {  	[tilespmem:s9], [sflag:$0x1] =	stream.strided.gather @!p4 [hbm4b:s5+s7], $0x800, s8, s7, $0x38;
	[tilespmem:$0x18600] =	vst v63  }
0x101: {  	p4 =	seq.s32 @!p4 s0, $0xF  }
0x102: {  	p2 =	por @!p2 p4, p3  }
0x103: {  	p1 =	por @!p0 p2, p1  }
0x104: {  	p0 =	por p1, p0  }
0x105: {  	s0 =	sshll.u32 @!p0 s3, $0x7  }
0x106: {  	s3 =	simm.s32 @!p0 $0x400;
	s0 =	sand.u32 @!p0 $0xFFFFC00, s0  }
0x107: {  	s5 =	simm.s32 @!p0 $0x2000;
	s7 =	simm.s32 @!p0 $0xFE00;
	s0 =	sadd.s32 @!p0 s0, s1  }
0x108: {  	[tilespmem:s7], [sflag:$0x1] =	stream.strided.gather @!p0 [hbm4b:s0+s3], $0x800, s5, s3, $0x38;
	[tilespmem:$0x18600] =	vst v63  }
.LBB2_5:
.Ltmp2:
0x109: {  	(pc) =	sbr.rel .LBB2_6-.Ltmp2, $2  }
0x10a: {  	_ =	sdelay $0x2  }
0x10b: {  	s30 =	simm.s32 $0x0  }
.LBB2_23:
0x10c: {  	s30 =	sadd.s32 $0x1, s30  }
.LBB2_6:
0x10d: {  	s0 =	sshll.u32 s30, $0x1;
	s1 =	rddreg [dreg:$0x4]  }
0x10e: {  	s31 =	sadd.s32 s1, s0  }
0x10f: {  	s3 =	sshrl.u32 s31, $0x3  }
0x110: {  	s0 =	ssub.s32 s3, s6  }
0x111: {  	s5 =	smul.u32 $0x60, s0;
	_ =	sdelay $0x1  }
0x112: {  	s5 =	sshra.s32 s5, $0x2  }
0x113: {  	v17 =	vld [tilespmem:s5+$0x0];
	_ =	sdelay $0x4  }
0x114: {  	(v2sf) =	vpush v17, $0x0;
	_ =	sdelay $0xe  }
0x115: {  	s5 =	spop (v2sf)  }
0x116: {  	p0 =	slt.s32 s5, $0x1  }
.Ltmp3:
0x117: {  	_ = 	snop;
	(pc) =	sbr.rel @p0 .LBB2_10-.Ltmp3, $1  }
0x118: {  	_ =	sdelay $0x3  }
0x119: {  	p0 =	sne.s32 s5, $0x1  }
.Ltmp4:
0x11a: {  	_ = 	snop;
	(pc) =	sbr.rel @!p0 .LBB2_9-.Ltmp4, $3  }
0x11b: {  	_ =	sdelay $0x1  }
0x11c: {  	_ =	swait.ge [sflag:s16], $0x800  }
0x11d: {  	s5 =	sadd.s32 $0xFFFFFFFF, s5;
	[sflag:s16] =	ssyncset.done $0x0  }
.LBB2_8:
0x11e: {  	p0 =	sne.s32 s5, $0x1;
	s5 =	sadd.s32 $0xFFFFFFFF, s5;
	[sflag:s16] =	ssyncadd.s32 $0xFFFFF800  }
.Ltmp5:
0x11f: {  	(pc) =	sbr.rel @p0 .LBB2_8-.Ltmp5, $3  }
0x120: {  	_ =	sdelay $0x1  }
0x121: {  	_ =	swait.ge [sflag:s16], $0x800  }
0x122: {  	[sflag:s16] =	ssyncset.done $0x0  }
.LBB2_9:
0x123: {  	[sflag:s16] =	ssyncadd.s32 $0xFFFFF800  }
.LBB2_10:
0x124: {  	s0 =	sshll.u32 s0, $0x9  }
0x125: {  	s0 =	sshra.s32 s0, $0x2  }
0x126: {  	s0 =	sadd.s32 $0x100, s0  }
0x127: {  	p0 =	seq.s32 s30, $0x0;
	v27 =	vmov s0  }
0x128: {  	s0 =	simm.s32 @!p0 $0x2  }
0x129: {  	_ =	swait.ge @!p0 [sflag:s0], $0x4000  }
0x12a: {  	s5 =	simm.s32 $0x0;
	[sflag:s0] =	ssyncset.done @!p0 $0x0  }
0x12b: {  	s23 =	sand.u32 $0x60, s5;
	[sflag:s0] =	ssyncadd.s32 @!p0 $0xFFFFC000  }
0x12c: {  	s7 =	sor.u32 $0x10, s23;
	v17 =	vld.idx.msk [tilespmem:v27+s23+$0x0 ss:$0x1], $0xffff  }
0x12d: {  	v18 =	vld.idx.msk [tilespmem:v27+s7+$0x0 ss:$0x1], $0xffff;
	_ =	sdelay $0x2  }
0x12e: {  	s5 =	sand.u32 $0x70, s5  }
0x12f: {  	v19 =	vor.u32 s5, v0;
	v25 =	vshll.u32 v17, $0x7  }
0x130: {  	v28 =	vshll.u32 v18, $0x7;
	v17 =	vor.u32 v19, v25  }
0x131: {  	v18 =	vor.u32 v19, v28;
	_ =	sdelay $0x2  }
0x132: {  	v26 =	vor.u32 s23, v0;
	v19 =	vshll.u32 v19, $0x7  }
0x133: {  	v21 =	vor.u32 s5, v1;
	v29 =	vor.u32 s7, v0;
	v20 =	vor.u32 v26, v19;
	v17 =	vld.idx.msk [tilespmem:v17+s17+$0x0], $0xffff  }
0x134: {  	v22 =	vor.u32 v21, v25;
	v19 =	vor.u32 v29, v19;
	v18 =	vld.idx.msk [tilespmem:v18+s17+$0x0], $0xffff  }
0x135: {  	v23 =	vor.u32 v21, v28;
	_ =	sdelay $0x2  }
0x136: {  	v21 =	vshll.u32 v21, $0x7;
	[tilespmem:v20+s18+$0x0] =	vst.idx.msk $0xffff, v17  }
0x137: {  	v17 =	vor.u32 v26, v21;
	v20 =	vor.u32 s5, v2;
	[tilespmem:v19+s18+$0x0] =	vst.idx.msk $0xffff, v18;
	v22 =	vld.idx.msk [tilespmem:v22+s17+$0x0], $0xffff  }
0x138: {  	v18 =	vor.u32 v29, v21;
	v24 =	vor.u32 v20, v25;
	v19 =	vld.idx.msk [tilespmem:v23+s17+$0x0], $0xffff  }
0x139: {  	v21 =	vor.u32 v20, v28;
	_ =	sdelay $0x2  }
0x13a: {  	v20 =	vshll.u32 v20, $0x7;
	[tilespmem:v17+s18+$0x0] =	vst.idx.msk $0xffff, v22  }
0x13b: {  	v17 =	vor.u32 v26, v20;
	v22 =	vor.u32 s5, v3;
	[tilespmem:v18+s18+$0x0] =	vst.idx.msk $0xffff, v19;
	v23 =	vld.idx.msk [tilespmem:v24+s17+$0x0], $0xffff  }
0x13c: {  	v18 =	vor.u32 v29, v20;
	v24 =	vor.u32 v22, v25;
	v19 =	vld.idx.msk [tilespmem:v21+s17+$0x0], $0xffff  }
0x13d: {  	v20 =	vor.u32 v22, v28;
	_ =	sdelay $0x2  }
0x13e: {  	v21 =	vshll.u32 v22, $0x7;
	[tilespmem:v17+s18+$0x0] =	vst.idx.msk $0xffff, v23  }
0x13f: {  	v22 =	vor.u32 s5, v4;
	v17 =	vor.u32 v26, v21;
	[tilespmem:v18+s18+$0x0] =	vst.idx.msk $0xffff, v19;
	v23 =	vld.idx.msk [tilespmem:v24+s17+$0x0], $0xffff  }
0x140: {  	s24 =	simm.s32 $0x20;
	v18 =	vor.u32 v29, v21;
	v24 =	vor.u32 v22, v25;
	v19 =	vld.idx.msk [tilespmem:v20+s17+$0x0], $0xffff  }
0x141: {  	s25 =	sand.u32 $0x60, s24;
	v20 =	vor.u32 v22, v28  }
0x142: {  	s8 =	sor.u32 $0x10, s25  }
0x143: {  	v30 =	vld.idx.msk [tilespmem:v27+s8+$0x0 ss:$0x1], $0xffff  }
0x144: {  	v21 =	vshll.u32 v22, $0x7;
	[tilespmem:v17+s18+$0x0] =	vst.idx.msk $0xffff, v23;
	v17 =	vld.idx.msk [tilespmem:v27+s25+$0x0 ss:$0x1], $0xffff  }
0x145: {  	v22 =	vor.u32 v26, v21;
	v23 =	vor.u32 s5, v5;
	[tilespmem:v18+s18+$0x0] =	vst.idx.msk $0xffff, v19;
	v24 =	vld.idx.msk [tilespmem:v24+s17+$0x0], $0xffff  }
0x146: {  	v19 =	vor.u32 v29, v21;
	v31 =	vor.u32 v23, v25;
	v21 =	vld.idx.msk [tilespmem:v20+s17+$0x0], $0xffff  }
0x147: {  	s26 =	simm.s32 $0x4;
	v32 =	vor.u32 v23, v28  }
0x148: {  	s0 =	sand.u32 $0x70, s26  }
0x149: {  	v33 =	vor.u32 s0, v0;
	v20 =	vshll.u32 v30, $0x7;
	v18 =	vshll.u32 v17, $0x7  }
0x14a: {  	v30 =	vor.u32 v33, v20;
	v17 =	vshll.u32 v23, $0x7;
	[tilespmem:v22+s18+$0x0] =	vst.idx.msk $0xffff, v24;
	v22 =	vor.u32 v33, v18  }
0x14b: {  	v23 =	vor.u32 v26, v17;
	v24 =	vor.u32 s5, v6;
	[tilespmem:v19+s18+$0x0] =	vst.idx.msk $0xffff, v21;
	v31 =	vld.idx.msk [tilespmem:v31+s17+$0x0], $0xffff  }
0x14c: {  	v21 =	vor.u32 v29, v17;
	v34 =	vor.u32 v24, v25;
	v32 =	vld.idx.msk [tilespmem:v32+s17+$0x0], $0xffff  }
0x14d: {  	v35 =	vor.u32 v24, v28  }
0x14e: {  	v17 =	vor.u32 s25, v0;
	v33 =	vshll.u32 v33, $0x7;
	v19 =	vor.u32 s8, v0  }
0x14f: {  	v36 =	vor.u32 v17, v33;
	v33 =	vor.u32 v19, v33;
	v30 =	vld.idx.msk [tilespmem:v30+s17+$0x0], $0xffff  }
0x150: {  	v37 =	vor.u32 s0, v1;
	v24 =	vshll.u32 v24, $0x7;
	v22 =	vld.idx.msk [tilespmem:v22+s17+$0x0], $0xffff;
	[tilespmem:v23+s18+$0x0] =	vst.idx.msk $0xffff, v31  }
0x151: {  	v38 =	vor.u32 v37, v18;
	v23 =	vor.u32 v26, v24;
	[tilespmem:v21+s18+$0x0] =	vst.idx.msk $0xffff, v32;
	v34 =	vld.idx.msk [tilespmem:v34+s17+$0x0], $0xffff  }
0x152: {  	v31 =	vor.u32 s5, v8;
	v21 =	vor.u32 v37, v20;
	v24 =	vor.u32 v29, v24;
	v32 =	vld.idx.msk [tilespmem:v35+s17+$0x0], $0xffff  }
0x153: {  	v55 =	vor.u32 v31, v28  }
0x154: {  	[tilespmem:v33+s18+$0x0] =	vst.idx.msk $0xffff, v30;
	v39 =	vor.u32 v31, v25  }
0x155: {  	v57 =	vor.u32 s5, v7;
	v51 =	vor.u32 s5, v10;
	v37 =	vshll.u32 v37, $0x7;
	[tilespmem:v36+s18+$0x0] =	vst.idx.msk $0xffff, v22  }
0x156: {  	v56 =	vor.u32 s0, v2;
	v31 =	vshll.u32 v31, $0x7;
	v22 =	vor.u32 v17, v37;
	v38 =	vld.idx.msk [tilespmem:v38+s17+$0x0], $0xffff;
	[tilespmem:v23+s18+$0x0] =	vst.idx.msk $0xffff, v34  }
0x157: {  	v58 =	vor.u32 v19, v37;
	v21 =	vld.idx.msk [tilespmem:v21+s17+$0x0], $0xffff;
	v23 =	vor.u32 v56, v18;
	[tilespmem:v24+s18+$0x0] =	vst.idx.msk $0xffff, v32  }
0x158: {  	v40 =	vor.u32 v26, v31;
	v31 =	vor.u32 v29, v31;
	v24 =	vor.u32 v56, v20;
	v32 =	vld.idx.msk [tilespmem:v55+s17+$0x0], $0xffff  }
0x159: {  	v61 =	vor.u32 s0, v3;
	v59 =	vshll.u32 v56, $0x7;
	v60 =	vor.u32 v57, v28;
	v39 =	vld.idx.msk [tilespmem:v39+s17+$0x0], $0xffff  }
0x15a: {  	v52 =	vor.u32 v51, v25;
	v53 =	vor.u32 v51, v28;
	v30 =	vor.u32 v57, v25  }
0x15b: {  	v62 =	vor.u32 v61, v18;
	v44 =	vor.u32 v19, v59;
	[tilespmem:v22+s18+$0x0] =	vst.idx.msk $0xffff, v38  }
0x15c: {  	v48 =	vshll.u32 v61, $0x7;
	v34 =	vshll.u32 v57, $0x7;
	v22 =	vor.u32 v17, v59;
	[tilespmem:v58+s18+$0x0] =	vst.idx.msk $0xffff, v21;
	v23 =	vld.idx.msk [tilespmem:v23+s17+$0x0], $0xffff  }
0x15d: {  	v36 =	vor.u32 v19, v48;
	v46 =	vor.u32 v29, v34;
	v24 =	vld.idx.msk [tilespmem:v24+s17+$0x0], $0xffff;
	[tilespmem:v31+s18+$0x0] =	vst.idx.msk $0xffff, v32  }
0x15e: {  	v41 =	vor.u32 s0, v5;
	v21 =	vor.u32 s5, v9;
	[tilespmem:v40+s18+$0x0] =	vst.idx.msk $0xffff, v39;
	v31 =	vor.u32 v61, v20;
	v47 =	vld.idx.msk [tilespmem:v60+s17+$0x0], $0xffff  }
0x15f: {  	s28 =	simm.s32 $0x40;
	v63 =	vor.u32 v26, v34;
	v59 =	vor.u32 s5, v11;
	v49 =	vor.u32 v21, v28;
	v30 =	vld.idx.msk [tilespmem:v30+s17+$0x0], $0xffff  }
0x160: {  	s7 =	sand.u32 $0x60, s28;
	v55 =	vor.u32 v41, v20;
	v45 =	vor.u32 v21, v25;
	v40 =	vshll.u32 v59, $0x7  }
0x161: {  	s23 =	simm.s32 $0x8;
	v43 =	vld.idx.msk [tilespmem:v27+s7+$0x0 ss:$0x1], $0xffff;
	v21 =	vshll.u32 v21, $0x7;
	v39 =	vor.u32 v26, v40;
	[tilespmem:v22+s18+$0x0] =	vst.idx.msk $0xffff, v23;
	v23 =	vor.u32 s0, v4  }
0x162: {  	s15 =	sand.u32 $0x70, s23;
	v22 =	vor.u32 v17, v48;
	[tilespmem:v44+s18+$0x0] =	vst.idx.msk $0xffff, v24;
	v38 =	vld.idx.msk [tilespmem:v62+s17+$0x0], $0xffff;
	v50 =	vor.u32 v23, v18  }
0x163: {  	v60 =	vor.u32 s15, v0;
	v24 =	vshll.u32 v23, $0x7;
	v31 =	vld.idx.msk [tilespmem:v31+s17+$0x0], $0xffff;
	v23 =	vor.u32 v23, v20;
	[tilespmem:v46+s18+$0x0] =	vst.idx.msk $0xffff, v47  }
0x164: {  	[tilespmem:v63+s18+$0x0] =	vst.idx.msk $0xffff, v30;
	v30 =	vor.u32 v26, v21;
	v21 =	vor.u32 v29, v21;
	v34 =	vld.idx.msk [tilespmem:v49+s17+$0x0], $0xffff  }
0x165: {  	s29 =	sor.u32 $0x10, s7;
	v40 =	vor.u32 v29, v40;
	v44 =	vor.u32 v59, v28;
	v62 =	vor.u32 s0, v6;
	v35 =	vld.idx.msk [tilespmem:v45+s17+$0x0], $0xffff  }
0x166: {  	v54 =	vor.u32 v17, v24;
	v24 =	vor.u32 v19, v24;
	v46 =	vor.u32 v41, v18;
	v45 =	vld.idx.msk [tilespmem:v27+s29+$0x0 ss:$0x1], $0xffff  }
0x167: {  	v47 =	vor.u32 v59, v25;
	v48 =	vor.u32 v62, v18;
	[tilespmem:v22+s18+$0x0] =	vst.idx.msk $0xffff, v38;
	v22 =	vshll.u32 v51, $0x7  }
0x168: {  	v33 =	vor.u32 v62, v20;
	[tilespmem:v36+s18+$0x0] =	vst.idx.msk $0xffff, v31;
	v58 =	vld.idx.msk [tilespmem:v50+s17+$0x0], $0xffff;
	v42 =	vor.u32 v26, v22  }
0x169: {  	v59 =	vshll.u32 v62, $0x7;
	v31 =	vor.u32 v29, v22;
	v36 =	vld.idx.msk [tilespmem:v23+s17+$0x0], $0xffff;
	v23 =	vshll.u32 v43, $0x7;
	[tilespmem:v21+s18+$0x0] =	vst.idx.msk $0xffff, v34  }
0x16a: {  	v50 =	vor.u32 s15, v1;
	v21 =	vshll.u32 v41, $0x7;
	[tilespmem:v30+s18+$0x0] =	vst.idx.msk $0xffff, v35;
	v30 =	vor.u32 s5, v15  }
0x16b: {  	v56 =	vor.u32 v60, v23;
	v22 =	vshll.u32 v45, $0x7;
	v34 =	vshll.u32 v60, $0x7  }
0x16c: {  	v35 =	vor.u32 v19, v59;
	v61 =	vld.idx.msk [tilespmem:v53+s17+$0x0], $0xffff;
	v37 =	vor.u32 v17, v21;
	v49 =	vor.u32 v60, v22  }
0x16d: {  	v32 =	vld.idx.msk [tilespmem:v52+s17+$0x0], $0xffff;
	v51 =	vor.u32 v30, v25;
	v57 =	vor.u32 v19, v21;
	[tilespmem:v54+s18+$0x0] =	vst.idx.msk $0xffff, v58  }
0x16e: {  	v21 =	vor.u32 s7, v0;
	v60 =	vor.u32 v50, v23;
	v52 =	vor.u32 s0, v8;
	[tilespmem:v24+s18+$0x0] =	vst.idx.msk $0xffff, v36;
	v63 =	vld.idx.msk [tilespmem:v46+s17+$0x0], $0xffff  }
0x16f: {  	v41 =	vor.u32 v21, v34;
	v53 =	vor.u32 v52, v18;
	v24 =	vor.u32 s29, v0;
	v38 =	vld.idx.msk [tilespmem:v55+s17+$0x0], $0xffff  }
0x170: {  	v58 =	vor.u32 s5, v12;
	v54 =	vor.u32 s5, v14;
	v46 =	vld.idx.msk [tilespmem:v56+s17+$0x0], $0xffff;
	v34 =	vor.u32 v24, v34  }
0x171: {  	v36 =	vshll.u32 v58, $0x7;
	v55 =	vor.u32 v54, v25;
	[tilespmem:v31+s18+$0x0] =	vst.idx.msk $0xffff, v61;
	v49 =	vld.idx.msk [tilespmem:v49+s17+$0x0], $0xffff  }
0x172: {  	v31 =	vor.u32 v58, v28;
	[tilespmem:v42+s18+$0x0] =	vst.idx.msk $0xffff, v32;
	v61 =	vor.u32 v17, v59;
	v62 =	vld.idx.msk [tilespmem:v44+s17+$0x0], $0xffff  }
0x173: {  	v45 =	vor.u32 v26, v36;
	v59 =	vor.u32 v29, v36;
	v47 =	vld.idx.msk [tilespmem:v47+s17+$0x0], $0xffff;
	[tilespmem:v37+s18+$0x0] =	vst.idx.msk $0xffff, v63  }
0x174: {  	v63 =	vor.u32 v58, v25;
	[tilespmem:v57+s18+$0x0] =	vst.idx.msk $0xffff, v38;
	v38 =	vor.u32 v52, v20  }
0x175: {  	v52 =	vshll.u32 v52, $0x7;
	[tilespmem:v41+s18+$0x0] =	vst.idx.msk $0xffff, v46;
	v43 =	vld.idx.msk [tilespmem:v48+s17+$0x0], $0xffff;
	v48 =	vor.u32 v50, v22  }
0x176: {  	v50 =	vshll.u32 v50, $0x7;
	v33 =	vld.idx.msk [tilespmem:v33+s17+$0x0], $0xffff;
	v46 =	vor.u32 v17, v52;
	[tilespmem:v34+s18+$0x0] =	vst.idx.msk $0xffff, v49  }
0x177: {  	v42 =	vld.idx.msk [tilespmem:v60+s17+$0x0], $0xffff;
	v49 =	vor.u32 v19, v52;
	[tilespmem:v40+s18+$0x0] =	vst.idx.msk $0xffff, v62;
	v36 =	vor.u32 v21, v50  }
0x178: {  	v56 =	vor.u32 s0, v7;
	v62 =	vor.u32 s15, v2;
	[tilespmem:v39+s18+$0x0] =	vst.idx.msk $0xffff, v47;
	v57 =	vor.u32 v24, v50;
	v31 =	vld.idx.msk [tilespmem:v31+s17+$0x0], $0xffff  }
0x179: {  	v40 =	vor.u32 v56, v20;
	v39 =	vor.u32 v62, v22;
	v60 =	vor.u32 v62, v23  }
0x17a: {  	v62 =	vshll.u32 v62, $0x7;
	v37 =	vld.idx.msk [tilespmem:v63+s17+$0x0], $0xffff;
	v63 =	vor.u32 v54, v28;
	[tilespmem:v61+s18+$0x0] =	vst.idx.msk $0xffff, v43  }
0x17b: {  	v41 =	vor.u32 v21, v62;
	v47 =	vor.u32 v24, v62;
	v48 =	vld.idx.msk [tilespmem:v48+s17+$0x0], $0xffff;
	[tilespmem:v35+s18+$0x0] =	vst.idx.msk $0xffff, v33  }
0x17c: {  	v43 =	vor.u32 v56, v18;
	v61 =	vshll.u32 v54, $0x7;
	v58 =	vld.idx.msk [tilespmem:v53+s17+$0x0], $0xffff;
	[tilespmem:v36+s18+$0x0] =	vst.idx.msk $0xffff, v42  }
0x17d: {  	v33 =	vor.u32 v26, v61;
	v38 =	vld.idx.msk [tilespmem:v38+s17+$0x0], $0xffff;
	[tilespmem:v59+s18+$0x0] =	vst.idx.msk $0xffff, v31;
	v59 =	vshll.u32 v56, $0x7  }
0x17e: {  	v35 =	vor.u32 v29, v61;
	v31 =	vor.u32 s5, v16;
	v50 =	vld.idx.msk [tilespmem:v60+s17+$0x0], $0xffff;
	v53 =	vor.u32 v17, v59  }
0x17f: {  	v34 =	vor.u32 v31, v28;
	[tilespmem:v45+s18+$0x0] =	vst.idx.msk $0xffff, v37;
	v37 =	vld.idx.msk [tilespmem:v63+s17+$0x0], $0xffff;
	v63 =	vor.u32 s15, v3  }
0x180: {  	v60 =	vor.u32 v19, v59;
	v42 =	vor.u32 v63, v23;
	[tilespmem:v57+s18+$0x0] =	vst.idx.msk $0xffff, v48  }
0x181: {  	v36 =	vld.idx.msk [tilespmem:v55+s17+$0x0], $0xffff;
	v54 =	vor.u32 v63, v22;
	[tilespmem:v46+s18+$0x0] =	vst.idx.msk $0xffff, v58;
	v46 =	vor.u32 v30, v28  }
0x182: {  	v63 =	vshll.u32 v63, $0x7;
	v28 =	vor.u32 s0, v9;
	v30 =	vshll.u32 v30, $0x7;
	v61 =	vld.idx.msk [tilespmem:v39+s17+$0x0], $0xffff  }
0x183: {  	[tilespmem:v49+s18+$0x0] =	vst.idx.msk $0xffff, v38;
	v44 =	vor.u32 v21, v63;
	v39 =	vor.u32 v24, v63;
	v32 =	vld.idx.msk [tilespmem:v43+s17+$0x0], $0xffff  }
0x184: {  	v62 =	vor.u32 v28, v18;
	v45 =	vor.u32 v29, v30;
	[tilespmem:v41+s18+$0x0] =	vst.idx.msk $0xffff, v50  }
0x185: {  	v57 =	vshll.u32 v28, $0x7;
	v58 =	vld.idx.msk [tilespmem:v40+s17+$0x0], $0xffff;
	v49 =	vor.u32 v28, v20;
	v28 =	vor.u32 s15, v4;
	[tilespmem:v35+s18+$0x0] =	vst.idx.msk $0xffff, v37  }
0x186: {  	s5 =	simm.s32 $0x60;
	v43 =	vshll.u32 v31, $0x7;
	v40 =	vor.u32 v28, v23;
	[tilespmem:v33+s18+$0x0] =	vst.idx.msk $0xffff, v36;
	v52 =	vld.idx.msk [tilespmem:v46+s17+$0x0], $0xffff  }
0x187: {  	s10 =	sand.u32 $0x60, s5;
	v38 =	vor.u32 v19, v57;
	v37 =	vor.u32 v28, v22;
	v50 =	vld.idx.msk [tilespmem:v42+s17+$0x0], $0xffff;
	[tilespmem:v47+s18+$0x0] =	vst.idx.msk $0xffff, v61  }
0x188: {  	v41 =	vshll.u32 v28, $0x7;
	v28 =	vor.u32 s10, v0;
	v36 =	vor.u32 v26, v30;
	v47 =	vld.idx.msk [tilespmem:v51+s17+$0x0], $0xffff;
	[tilespmem:v53+s18+$0x0] =	vst.idx.msk $0xffff, v32  }
0x189: {  	v42 =	vor.u32 v17, v57;
	v33 =	vor.u32 v29, v43;
	v46 =	vor.u32 s0, v10;
	v48 =	vld.idx.msk [tilespmem:v62+s17+$0x0], $0xffff  }
0x18a: {  	s7 =	simm.s32 $0x6;
	s8 =	sor.u32 $0x10, s10;
	v32 =	vor.u32 v46, v18;
	v35 =	vor.u32 v46, v20;
	v51 =	vld.idx.msk [tilespmem:v54+s17+$0x0], $0xffff;
	[tilespmem:v60+s18+$0x0] =	vst.idx.msk $0xffff, v58  }
.LBB2_11:
0x18b: {  	s7 =	sadd.s32 $0x2, s7;
	v30 =	vld.idx.msk [tilespmem:v49+s17+$0x0], $0xffff;
	v31 =	vor.u32 v31, v25;
	v43 =	vor.u32 v26, v43;
	[tilespmem:v45+s18+$0x0] =	vst.idx.msk $0xffff, v52  }
0x18c: {  	v45 =	vor.u32 v21, v41;
	v49 =	vor.u32 s15, v5;
	v25 =	vmovc v18;
	v18 =	vmovc v23;
	v29 =	vmov v24;
	p1 =	slt.u32 s7, $0x3E;
	v34 =	vld.idx.msk [tilespmem:v34+s17+$0x0], $0xffff  }
0x18d: {  	v23 =	vshll.u32 v46, $0x7;
	v26 =	vmov v17;
	v24 =	vld.idx.msk [tilespmem:v27+s8+$0x0 ss:$0x1], $0xffff;
	[tilespmem:v44+s18+$0x0] =	vst.idx.msk $0xffff, v50;
	v44 =	vor.u32 v49, v22  }
0x18e: {  	s23 =	sadd.s32 $0x4, s23;
	v46 =	vor.u32 s0, v11;
	v17 =	vmov v21;
	v40 =	vld.idx.msk [tilespmem:v40+s17+$0x0], $0xffff;
	[tilespmem:v42+s18+$0x0] =	vst.idx.msk $0xffff, v48;
	v42 =	vor.u32 v26, v23  }
0x18f: {  	v41 =	vor.u32 v29, v41;
	v50 =	vor.u32 v46, v20;
	v48 =	vld.idx.msk [tilespmem:v27+s10+$0x0 ss:$0x1], $0xffff;
	[tilespmem:v36+s18+$0x0] =	vst.idx.msk $0xffff, v47  }
0x190: {  	v36 =	vor.u32 v49, v18;
	[tilespmem:v39+s18+$0x0] =	vst.idx.msk $0xffff, v51;
	v39 =	vor.u32 v19, v23;
	v31 =	vld.idx.msk [tilespmem:v31+s17+$0x0], $0xffff  }
0x191: {  	v21 =	vmov v28;
	s12 =	sand.u32 $0x70, s23;
	v47 =	vor.u32 v46, v25;
	v37 =	vld.idx.msk [tilespmem:v37+s17+$0x0], $0xffff;
	[tilespmem:v38+s18+$0x0] =	vst.idx.msk $0xffff, v30  }
0x192: {  	v49 =	vshll.u32 v49, $0x7;
	v38 =	vor.u32 s12, v0;
	v30 =	vor.u32 s0, v15;
	v35 =	vld.idx.msk [tilespmem:v35+s17+$0x0], $0xffff;
	[tilespmem:v33+s18+$0x0] =	vst.idx.msk $0xffff, v34  }
0x193: {  	v33 =	vor.u32 v17, v49;
	v34 =	vor.u32 s15, v6;
	v28 =	vor.u32 v30, v25;
	v32 =	vld.idx.msk [tilespmem:v32+s17+$0x0], $0xffff  }
0x194: {  	v46 =	vshll.u32 v46, $0x7;
	[tilespmem:v45+s18+$0x0] =	vst.idx.msk $0xffff, v40;
	v40 =	vor.u32 v34, v18;
	v45 =	vor.u32 v34, v22  }
0x195: {  	v23 =	vshll.u32 v48, $0x7;
	v48 =	vor.u32 v26, v46;
	v36 =	vld.idx.msk [tilespmem:v36+s17+$0x0], $0xffff  }
0x196: {  	v52 =	vshll.u32 v24, $0x7;
	v49 =	vor.u32 v29, v49;
	v51 =	vor.u32 v38, v23;
	[tilespmem:v43+s18+$0x0] =	vst.idx.msk $0xffff, v31  }
0x197: {  	v31 =	vor.u32 v38, v52;
	[tilespmem:v41+s18+$0x0] =	vst.idx.msk $0xffff, v37;
	v37 =	vor.u32 s0, v12;
	v41 =	vor.u32 v19, v46  }
0x198: {  	v34 =	vshll.u32 v34, $0x7;
	v38 =	vshll.u32 v38, $0x7;
	v43 =	vld.idx.msk [tilespmem:v44+s17+$0x0], $0xffff;
	[tilespmem:v39+s18+$0x0] =	vst.idx.msk $0xffff, v35;
	v35 =	vor.u32 v37, v20  }
0x199: {  	v39 =	vor.u32 v21, v38;
	v44 =	vor.u32 s12, v1;
	[tilespmem:v42+s18+$0x0] =	vst.idx.msk $0xffff, v32;
	v32 =	vld.idx.msk [tilespmem:v50+s17+$0x0], $0xffff  }
0x19a: {  	v46 =	vor.u32 v17, v34;
	v42 =	vor.u32 v44, v23;
	v50 =	vor.u32 s15, v8;
	v47 =	vld.idx.msk [tilespmem:v47+s17+$0x0], $0xffff  }
0x19b: {  	v24 =	vor.u32 s8, v0;
	v51 =	vld.idx.msk [tilespmem:v51+s17+$0x0], $0xffff;
	[tilespmem:v33+s18+$0x0] =	vst.idx.msk $0xffff, v36;
	v33 =	vor.u32 v50, v18;
	v36 =	vor.u32 s0, v14  }
0x19c: {  	v38 =	vor.u32 v24, v38;
	v53 =	vor.u32 v37, v25;
	v37 =	vshll.u32 v37, $0x7;
	v40 =	vld.idx.msk [tilespmem:v40+s17+$0x0], $0xffff  }
0x19d: {  	v34 =	vor.u32 v29, v34;
	v54 =	vor.u32 v44, v52;
	v55 =	vor.u32 v36, v25  }
0x19e: {  	v31 =	vld.idx.msk [tilespmem:v31+s17+$0x0], $0xffff;
	[tilespmem:v49+s18+$0x0] =	vst.idx.msk $0xffff, v43;
	v43 =	vor.u32 v50, v22;
	v49 =	vor.u32 v26, v37  }
0x19f: {  	v56 =	vor.u32 s15, v7;
	v44 =	vshll.u32 v44, $0x7;
	v45 =	vld.idx.msk [tilespmem:v45+s17+$0x0], $0xffff;
	[tilespmem:v41+s18+$0x0] =	vst.idx.msk $0xffff, v32;
	v32 =	vor.u32 v19, v37  }
0x1a0: {  	v50 =	vshll.u32 v50, $0x7;
	v37 =	vor.u32 v21, v44;
	v41 =	vor.u32 s12, v2;
	[tilespmem:v48+s18+$0x0] =	vst.idx.msk $0xffff, v47;
	v35 =	vld.idx.msk [tilespmem:v35+s17+$0x0], $0xffff  }
0x1a1: {  	v47 =	vor.u32 v17, v50;
	[tilespmem:v39+s18+$0x0] =	vst.idx.msk $0xffff, v51;
	v39 =	vor.u32 v41, v52;
	v48 =	vld.idx.msk [tilespmem:v53+s17+$0x0], $0xffff  }
0x1a2: {  	v42 =	vld.idx.msk [tilespmem:v42+s17+$0x0], $0xffff;
	[tilespmem:v46+s18+$0x0] =	vst.idx.msk $0xffff, v40;
	v40 =	vor.u32 v56, v18;
	v46 =	vor.u32 v36, v20  }
0x1a3: {  	v44 =	vor.u32 v24, v44;
	v36 =	vshll.u32 v36, $0x7;
	v33 =	vld.idx.msk [tilespmem:v33+s17+$0x0], $0xffff  }
0x1a4: {  	v51 =	vor.u32 v41, v23;
	[tilespmem:v38+s18+$0x0] =	vst.idx.msk $0xffff, v31;
	v38 =	vor.u32 v29, v50  }
0x1a5: {  	v53 =	vor.u32 v26, v36;
	v36 =	vor.u32 v19, v36;
	v50 =	vld.idx.msk [tilespmem:v54+s17+$0x0], $0xffff;
	[tilespmem:v34+s18+$0x0] =	vst.idx.msk $0xffff, v45  }
0x1a6: {  	v31 =	vor.u32 s0, v16;
	s0 =	smov.u32 s15;
	s15 =	smov.u32 s12;
	v34 =	vshll.u32 v41, $0x7;
	v54 =	vor.u32 v56, v22;
	v41 =	vld.idx.msk [tilespmem:v43+s17+$0x0], $0xffff;
	[tilespmem:v32+s18+$0x0] =	vst.idx.msk $0xffff, v35  }
0x1a7: {  	v45 =	vshll.u32 v56, $0x7;
	v32 =	vor.u32 v21, v34;
	v35 =	vor.u32 s15, v3;
	[tilespmem:v49+s18+$0x0] =	vst.idx.msk $0xffff, v48;
	v46 =	vld.idx.msk [tilespmem:v46+s17+$0x0], $0xffff  }
0x1a8: {  	[tilespmem:v37+s18+$0x0] =	vst.idx.msk $0xffff, v42;
	v37 =	vor.u32 v35, v23;
	v42 =	vor.u32 v17, v45;
	v48 =	vld.idx.msk [tilespmem:v55+s17+$0x0], $0xffff  }
0x1a9: {  	v55 =	vor.u32 v35, v52;
	v51 =	vld.idx.msk [tilespmem:v51+s17+$0x0], $0xffff;
	[tilespmem:v47+s18+$0x0] =	vst.idx.msk $0xffff, v33;
	v33 =	vor.u32 v30, v20  }
0x1aa: {  	v43 =	vshll.u32 v31, $0x7;
	v47 =	vor.u32 v24, v34;
	v34 =	vor.u32 v31, v20;
	v20 =	vmovc v22;
	v56 =	vld.idx.msk [tilespmem:v40+s17+$0x0], $0xffff  }
0x1ab: {  	v57 =	vor.u32 v29, v45;
	v30 =	vshll.u32 v30, $0x7;
	v22 =	vmovc v52;
	v40 =	vor.u32 s0, v9;
	[tilespmem:v44+s18+$0x0] =	vst.idx.msk $0xffff, v50  }
0x1ac: {  	v45 =	vor.u32 v19, v30;
	v59 =	vor.u32 v40, v18;
	v58 =	vld.idx.msk [tilespmem:v39+s17+$0x0], $0xffff;
	[tilespmem:v38+s18+$0x0] =	vst.idx.msk $0xffff, v41  }
0x1ad: {  	v35 =	vshll.u32 v35, $0x7;
	v49 =	vor.u32 v40, v20;
	v38 =	vshll.u32 v40, $0x7;
	v54 =	vld.idx.msk [tilespmem:v54+s17+$0x0], $0xffff;
	[tilespmem:v36+s18+$0x0] =	vst.idx.msk $0xffff, v46  }
0x1ae: {  	v60 =	vor.u32 s15, v4;
	v44 =	vor.u32 v21, v35;
	[tilespmem:v53+s18+$0x0] =	vst.idx.msk $0xffff, v48;
	v52 =	vld.idx.msk [tilespmem:v33+s17+$0x0], $0xffff  }
.Ltmp6:
0x1af: {  	v40 =	vor.u32 v60, v23;
	v41 =	vshll.u32 v60, $0x7;
	v36 =	vor.u32 v26, v30;
	[tilespmem:v32+s18+$0x0] =	vst.idx.msk $0xffff, v51;
	(pc) =	sbr.rel @p1 .LBB2_11-.Ltmp6, $4  }
0x1b0: {  	v46 =	vor.u32 s0, v10;
	v50 =	vld.idx.msk [tilespmem:v37+s17+$0x0], $0xffff;
	[tilespmem:v42+s18+$0x0] =	vst.idx.msk $0xffff, v56;
	v42 =	vor.u32 v17, v38  }
0x1b1: {  	s5 =	sadd.s32 $0x20, s5;
	v39 =	vor.u32 v24, v35;
	v32 =	vor.u32 v46, v18;
	v37 =	vor.u32 v60, v22;
	v48 =	vld.idx.msk [tilespmem:v59+s17+$0x0], $0xffff  }
0x1b2: {  	s10 =	sand.u32 $0x60, s5;
	v35 =	vor.u32 v46, v20;
	v38 =	vor.u32 v29, v38;
	[tilespmem:v47+s18+$0x0] =	vst.idx.msk $0xffff, v58;
	v47 =	vld.idx.msk [tilespmem:v28+s17+$0x0], $0xffff  }
0x1b3: {  	s8 =	sor.u32 $0x10, s10;
	v33 =	vor.u32 v19, v43;
	v19 =	vmov v29;
	v28 =	vor.u32 s10, v0;
	v51 =	vld.idx.msk [tilespmem:v55+s17+$0x0], $0xffff;
	[tilespmem:v57+s18+$0x0] =	vst.idx.msk $0xffff, v54  }
0x1b4: {  	_ =	sdelay $0x3  }
0x1b5: {  	v29 =	vld.idx.msk [tilespmem:v27+s8+$0x0 ss:$0x1], $0xffff  }
0x1b6: {  	v62 =	vld.idx.msk [tilespmem:v27+s10+$0x0 ss:$0x1], $0xffff;
	_ =	sdelay $0x1  }
0x1b7: {  	s5 =	sadd.s32 $0x4, s23  }
0x1b8: {  	s5 =	sand.u32 $0x70, s5  }
0x1b9: {  	v53 =	vor.u32 s5, v0;
	v30 =	vshll.u32 v29, $0x7  }
0x1ba: {  	v29 =	vshll.u32 v62, $0x7;
	v54 =	vor.u32 v53, v30  }
0x1bb: {  	v55 =	vor.u32 v53, v29;
	_ =	sdelay $0x2  }
0x1bc: {  	v27 =	vor.u32 s8, v0;
	v53 =	vshll.u32 v53, $0x7  }
0x1bd: {  	v56 =	vor.u32 s5, v1;
	v57 =	vor.u32 v27, v53;
	v54 =	vld.idx.msk [tilespmem:v54+s17+$0x0], $0xffff  }
0x1be: {  	v58 =	vor.u32 v56, v30;
	v53 =	vor.u32 v28, v53;
	v55 =	vld.idx.msk [tilespmem:v55+s17+$0x0], $0xffff  }
0x1bf: {  	v59 =	vor.u32 v56, v29;
	_ =	sdelay $0x2  }
0x1c0: {  	v56 =	vshll.u32 v56, $0x7;
	[tilespmem:v57+s18+$0x0] =	vst.idx.msk $0xffff, v54  }
0x1c1: {  	v54 =	vor.u32 s5, v2;
	[tilespmem:v53+s18+$0x0] =	vst.idx.msk $0xffff, v55;
	v53 =	vor.u32 v27, v56;
	v63 =	vld.idx.msk [tilespmem:v58+s17+$0x0], $0xffff  }
0x1c2: {  	v56 =	vor.u32 v28, v56;
	v60 =	vor.u32 v54, v30;
	v61 =	vld.idx.msk [tilespmem:v59+s17+$0x0], $0xffff  }
0x1c3: {  	v62 =	vor.u32 v54, v29;
	_ =	sdelay $0x2  }
0x1c4: {  	v54 =	vshll.u32 v54, $0x7;
	[tilespmem:v53+s18+$0x0] =	vst.idx.msk $0xffff, v63  }
0x1c5: {  	v55 =	vor.u32 v27, v54;
	v63 =	vor.u32 s5, v3;
	[tilespmem:v56+s18+$0x0] =	vst.idx.msk $0xffff, v61;
	v56 =	vld.idx.msk [tilespmem:v60+s17+$0x0], $0xffff  }
0x1c6: {  	v54 =	vor.u32 v28, v54;
	v60 =	vld.idx.msk [tilespmem:v62+s17+$0x0], $0xffff;
	v61 =	vor.u32 v63, v30  }
0x1c7: {  	v62 =	vor.u32 v63, v29;
	_ =	sdelay $0x1  }
0x1c8: {  	[tilespmem:v45+s18+$0x0] =	vst.idx.msk $0xffff, v52;
	v25 =	vor.u32 v31, v25;
	v31 =	vor.u32 v26, v43  }
0x1c9: {  	v26 =	vld.idx.msk [tilespmem:v49+s17+$0x0], $0xffff;
	v43 =	vor.u32 v21, v41;
	v63 =	vshll.u32 v63, $0x7;
	[tilespmem:v55+s18+$0x0] =	vst.idx.msk $0xffff, v56  }
0x1ca: {  	v49 =	vor.u32 s5, v4;
	[tilespmem:v54+s18+$0x0] =	vst.idx.msk $0xffff, v60;
	v60 =	vor.u32 v27, v63;
	v61 =	vld.idx.msk [tilespmem:v61+s17+$0x0], $0xffff  }
0x1cb: {  	[tilespmem:v44+s18+$0x0] =	vst.idx.msk $0xffff, v50;
	v44 =	vor.u32 v28, v63;
	v54 =	vld.idx.msk [tilespmem:v62+s17+$0x0], $0xffff;
	v62 =	vor.u32 v49, v30  }
0x1cc: {  	v45 =	vor.u32 s15, v5;
	v46 =	vshll.u32 v46, $0x7;
	v34 =	vld.idx.msk [tilespmem:v34+s17+$0x0], $0xffff;
	[tilespmem:v42+s18+$0x0] =	vst.idx.msk $0xffff, v48;
	v63 =	vor.u32 v49, v29  }
0x1cd: {  	v40 =	vld.idx.msk [tilespmem:v40+s17+$0x0], $0xffff;
	v48 =	vor.u32 v17, v46;
	v46 =	vor.u32 v19, v46;
	[tilespmem:v39+s18+$0x0] =	vst.idx.msk $0xffff, v51  }
0x1ce: {  	[tilespmem:v36+s18+$0x0] =	vst.idx.msk $0xffff, v47;
	v37 =	vld.idx.msk [tilespmem:v37+s17+$0x0], $0xffff;
	v58 =	vor.u32 v45, v23;
	v56 =	vor.u32 v24, v41  }
0x1cf: {  	v47 =	vld.idx.msk [tilespmem:v25+s17+$0x0], $0xffff;
	v59 =	vshll.u32 v49, $0x7;
	v53 =	vor.u32 v45, v22;
	[tilespmem:v60+s18+$0x0] =	vst.idx.msk $0xffff, v61  }
0x1d0: {  	v49 =	vor.u32 s5, v5;
	[tilespmem:v44+s18+$0x0] =	vst.idx.msk $0xffff, v54;
	v44 =	vor.u32 v27, v59;
	v50 =	vld.idx.msk [tilespmem:v62+s17+$0x0], $0xffff  }
0x1d1: {  	v39 =	vor.u32 s0, v11;
	v25 =	vor.u32 v28, v59;
	v60 =	vor.u32 v49, v30;
	v42 =	vld.idx.msk [tilespmem:v63+s17+$0x0], $0xffff  }
0x1d2: {  	v51 =	vor.u32 v39, v20;
	[tilespmem:v43+s18+$0x0] =	vst.idx.msk $0xffff, v40;
	v61 =	vshll.u32 v45, $0x7;
	v62 =	vor.u32 v49, v29  }
0x1d3: {  	v57 =	vor.u32 s15, v6;
	v36 =	vld.idx.msk [tilespmem:v58+s17+$0x0], $0xffff;
	[tilespmem:v56+s18+$0x0] =	vst.idx.msk $0xffff, v37;
	v63 =	vor.u32 v21, v61  }
0x1d4: {  	[tilespmem:v38+s18+$0x0] =	vst.idx.msk $0xffff, v26;
	v41 =	vor.u32 v57, v23;
	v53 =	vld.idx.msk [tilespmem:v53+s17+$0x0], $0xffff;
	v58 =	vor.u32 v24, v61  }
0x1d5: {  	v35 =	vld.idx.msk [tilespmem:v35+s17+$0x0], $0xffff;
	v59 =	vor.u32 v57, v22;
	v49 =	vshll.u32 v49, $0x7;
	[tilespmem:v44+s18+$0x0] =	vst.idx.msk $0xffff, v50  }
0x1d6: {  	v44 =	vor.u32 s5, v6;
	[tilespmem:v25+s18+$0x0] =	vst.idx.msk $0xffff, v42;
	v42 =	vor.u32 v27, v49;
	v38 =	vld.idx.msk [tilespmem:v60+s17+$0x0], $0xffff  }
0x1d7: {  	[tilespmem:v33+s18+$0x0] =	vst.idx.msk $0xffff, v34;
	v60 =	vor.u32 v28, v49;
	v61 =	vor.u32 v44, v30;
	v40 =	vld.idx.msk [tilespmem:v62+s17+$0x0], $0xffff  }
0x1d8: {  	v32 =	vld.idx.msk [tilespmem:v32+s17+$0x0], $0xffff;
	v45 =	vshll.u32 v57, $0x7;
	[tilespmem:v63+s18+$0x0] =	vst.idx.msk $0xffff, v36;
	v62 =	vor.u32 v44, v29  }
0x1d9: {  	v57 =	vor.u32 s15, v8;
	v63 =	vor.u32 v21, v45;
	[tilespmem:v58+s18+$0x0] =	vst.idx.msk $0xffff, v53;
	v41 =	vld.idx.msk [tilespmem:v41+s17+$0x0], $0xffff  }
0x1da: {  	[tilespmem:v46+s18+$0x0] =	vst.idx.msk $0xffff, v35;
	v58 =	vor.u32 v57, v23;
	v45 =	vor.u32 v24, v45;
	v52 =	vld.idx.msk [tilespmem:v59+s17+$0x0], $0xffff  }
0x1db: {  	v46 =	vld.idx.msk [tilespmem:v51+s17+$0x0], $0xffff;
	v59 =	vor.u32 v57, v22;
	v44 =	vshll.u32 v44, $0x7;
	[tilespmem:v42+s18+$0x0] =	vst.idx.msk $0xffff, v38  }
0x1dc: {  	v38 =	vor.u32 s5, v8;
	[tilespmem:v60+s18+$0x0] =	vst.idx.msk $0xffff, v40;
	v60 =	vor.u32 v27, v44;
	v34 =	vld.idx.msk [tilespmem:v61+s17+$0x0], $0xffff  }
0x1dd: {  	[tilespmem:v48+s18+$0x0] =	vst.idx.msk $0xffff, v32;
	v61 =	vor.u32 v28, v44;
	v36 =	vld.idx.msk [tilespmem:v62+s17+$0x0], $0xffff;
	v40 =	vor.u32 v38, v30  }
0x1de: {  	v37 =	vor.u32 v39, v18;
	[tilespmem:v63+s18+$0x0] =	vst.idx.msk $0xffff, v41;
	v62 =	vshll.u32 v57, $0x7;
	v63 =	vor.u32 v38, v29  }
0x1df: {  	v55 =	vor.u32 s15, v7;
	v39 =	vshll.u32 v39, $0x7;
	[tilespmem:v45+s18+$0x0] =	vst.idx.msk $0xffff, v52;
	v57 =	vld.idx.msk [tilespmem:v58+s17+$0x0], $0xffff;
	v56 =	vor.u32 v21, v62  }
0x1e0: {  	v53 =	vor.u32 v17, v39;
	v58 =	vor.u32 v55, v23;
	v45 =	vld.idx.msk [tilespmem:v59+s17+$0x0], $0xffff;
	v42 =	vor.u32 v24, v62  }
0x1e1: {  	v39 =	vor.u32 v19, v39;
	v59 =	vor.u32 v55, v22;
	v38 =	vshll.u32 v38, $0x7;
	[tilespmem:v60+s18+$0x0] =	vst.idx.msk $0xffff, v34  }
0x1e2: {  	v26 =	vor.u32 s0, v15;
	v60 =	vor.u32 s5, v7;
	[tilespmem:v61+s18+$0x0] =	vst.idx.msk $0xffff, v36;
	v61 =	vor.u32 v27, v38;
	v34 =	vld.idx.msk [tilespmem:v40+s17+$0x0], $0xffff  }
0x1e3: {  	[tilespmem:v31+s18+$0x0] =	vst.idx.msk $0xffff, v47;
	v62 =	vor.u32 v28, v38;
	v36 =	vld.idx.msk [tilespmem:v63+s17+$0x0], $0xffff;
	v63 =	vor.u32 v60, v30  }
0x1e4: {  	v32 =	vor.u32 s5, v9;
	v51 =	vshll.u32 v55, $0x7;
	v37 =	vld.idx.msk [tilespmem:v37+s17+$0x0], $0xffff;
	[tilespmem:v56+s18+$0x0] =	vst.idx.msk $0xffff, v57;
	v52 =	vor.u32 v60, v29  }
0x1e5: {  	v54 =	vor.u32 s0, v12;
	v55 =	vor.u32 v21, v51;
	v56 =	vor.u32 s15, v9;
	[tilespmem:v42+s18+$0x0] =	vst.idx.msk $0xffff, v45;
	v35 =	vld.idx.msk [tilespmem:v58+s17+$0x0], $0xffff  }
0x1e6: {  	[tilespmem:v39+s18+$0x0] =	vst.idx.msk $0xffff, v46;
	v40 =	vor.u32 v24, v51;
	v57 =	vor.u32 v56, v23;
	v58 =	vld.idx.msk [tilespmem:v59+s17+$0x0], $0xffff  }
0x1e7: {  	v25 =	vor.u32 v26, v18;
	v33 =	vshll.u32 v60, $0x7;
	v59 =	vor.u32 v56, v22;
	[tilespmem:v61+s18+$0x0] =	vst.idx.msk $0xffff, v34  }
0x1e8: {  	v49 =	vor.u32 v54, v18;
	v60 =	vor.u32 v27, v33;
	[tilespmem:v62+s18+$0x0] =	vst.idx.msk $0xffff, v36;
	v61 =	vld.idx.msk [tilespmem:v63+s17+$0x0], $0xffff  }
0x1e9: {  	[tilespmem:v53+s18+$0x0] =	vst.idx.msk $0xffff, v37;
	v33 =	vor.u32 v28, v33;
	v62 =	vor.u32 v32, v30;
	v41 =	vld.idx.msk [tilespmem:v52+s17+$0x0], $0xffff  }
0x1ea: {  	v31 =	vor.u32 s0, v14;
	v42 =	vor.u32 v54, v20;
	[tilespmem:v55+s18+$0x0] =	vst.idx.msk $0xffff, v35;
	v63 =	vor.u32 v32, v29  }
0x1eb: {  	v51 =	vor.u32 v31, v18;
	v47 =	vshll.u32 v56, $0x7;
	[tilespmem:v40+s18+$0x0] =	vst.idx.msk $0xffff, v58;
	v45 =	vld.idx.msk [tilespmem:v57+s17+$0x0], $0xffff  }
0x1ec: {  	v56 =	vor.u32 v24, v47;
	v52 =	vor.u32 v21, v47;
	v55 =	vor.u32 s15, v10;
	v57 =	vld.idx.msk [tilespmem:v59+s17+$0x0], $0xffff  }
0x1ed: {  	v32 =	vshll.u32 v32, $0x7;
	v58 =	vor.u32 v55, v23;
	v59 =	vor.u32 v55, v22;
	[tilespmem:v60+s18+$0x0] =	vst.idx.msk $0xffff, v61  }
0x1ee: {  	v38 =	vshll.u32 v54, $0x7;
	[tilespmem:v33+s18+$0x0] =	vst.idx.msk $0xffff, v41;
	v60 =	vor.u32 s5, v10;
	v61 =	vor.u32 v27, v32;
	v36 =	vld.idx.msk [tilespmem:v62+s17+$0x0], $0xffff  }
0x1ef: {  	v44 =	vor.u32 v17, v38;
	v32 =	vor.u32 v28, v32;
	v35 =	vld.idx.msk [tilespmem:v63+s17+$0x0], $0xffff;
	v62 =	vor.u32 v60, v30  }
0x1f0: {  	v43 =	vld.idx.msk [tilespmem:v49+s17+$0x0], $0xffff;
	v38 =	vor.u32 v19, v38;
	v39 =	vshll.u32 v55, $0x7;
	v53 =	vor.u32 v60, v29  }
0x1f1: {  	v55 =	vor.u32 s15, v11;
	v40 =	vor.u32 v21, v39;
	v63 =	vld.idx.msk [tilespmem:v42+s17+$0x0], $0xffff;
	[tilespmem:v56+s18+$0x0] =	vst.idx.msk $0xffff, v57  }
0x1f2: {  	v39 =	vor.u32 v24, v39;
	[tilespmem:v52+s18+$0x0] =	vst.idx.msk $0xffff, v45;
	v56 =	vor.u32 v55, v22;
	v48 =	vld.idx.msk [tilespmem:v59+s17+$0x0], $0xffff  }
0x1f3: {  	v57 =	vor.u32 v55, v23;
	v33 =	vshll.u32 v60, $0x7;
	v47 =	vld.idx.msk [tilespmem:v58+s17+$0x0], $0xffff;
	[tilespmem:v61+s18+$0x0] =	vst.idx.msk $0xffff, v36  }
0x1f4: {  	v58 =	vor.u32 v27, v33;
	[tilespmem:v32+s18+$0x0] =	vst.idx.msk $0xffff, v35;
	v32 =	vor.u32 s5, v11;
	v59 =	vld.idx.msk [tilespmem:v62+s17+$0x0], $0xffff  }
0x1f5: {  	[tilespmem:v44+s18+$0x0] =	vst.idx.msk $0xffff, v43;
	v33 =	vor.u32 v28, v33;
	v60 =	vor.u32 v32, v30;
	v42 =	vld.idx.msk [tilespmem:v53+s17+$0x0], $0xffff  }
0x1f6: {  	v54 =	vor.u32 v31, v20;
	[tilespmem:v38+s18+$0x0] =	vst.idx.msk $0xffff, v63;
	v61 =	vshll.u32 v55, $0x7;
	v62 =	vor.u32 v32, v29  }
0x1f7: {  	v43 =	vor.u32 v26, v20;
	v63 =	vor.u32 s15, v12;
	v49 =	vor.u32 v21, v61;
	[tilespmem:v39+s18+$0x0] =	vst.idx.msk $0xffff, v48  }
0x1f8: {  	v38 =	vor.u32 v24, v61;
	v39 =	vor.u32 v63, v22;
	[tilespmem:v40+s18+$0x0] =	vst.idx.msk $0xffff, v47;
	v56 =	vld.idx.msk [tilespmem:v56+s17+$0x0], $0xffff  }
0x1f9: {  	v32 =	vshll.u32 v32, $0x7;
	v46 =	vld.idx.msk [tilespmem:v57+s17+$0x0], $0xffff;
	v57 =	vor.u32 v63, v23;
	[tilespmem:v58+s18+$0x0] =	vst.idx.msk $0xffff, v59  }
0x1fa: {  	v31 =	vshll.u32 v31, $0x7;
	v58 =	vor.u32 s5, v12;
	v59 =	vor.u32 v27, v32;
	[tilespmem:v33+s18+$0x0] =	vst.idx.msk $0xffff, v42;
	v60 =	vld.idx.msk [tilespmem:v60+s17+$0x0], $0xffff  }
0x1fb: {  	v44 =	vor.u32 s15, v14;
	v32 =	vor.u32 v28, v32;
	v61 =	vor.u32 v58, v30;
	v41 =	vld.idx.msk [tilespmem:v62+s17+$0x0], $0xffff  }
0x1fc: {  	v52 =	vor.u32 v44, v23;
	v36 =	vor.u32 v17, v31;
	v62 =	vor.u32 v58, v29  }
0x1fd: {  	v31 =	vor.u32 v19, v31;
	v45 =	vld.idx.msk [tilespmem:v54+s17+$0x0], $0xffff;
	v63 =	vshll.u32 v63, $0x7;
	[tilespmem:v38+s18+$0x0] =	vst.idx.msk $0xffff, v56  }
0x1fe: {  	v55 =	vor.u32 v21, v63;
	v56 =	vor.u32 v24, v63;
	[tilespmem:v49+s18+$0x0] =	vst.idx.msk $0xffff, v46;
	v39 =	vld.idx.msk [tilespmem:v39+s17+$0x0], $0xffff  }
0x1ff: {  	v35 =	vshll.u32 v58, $0x7;
	v46 =	vld.idx.msk [tilespmem:v57+s17+$0x0], $0xffff;
	v57 =	vor.u32 v44, v22;
	[tilespmem:v59+s18+$0x0] =	vst.idx.msk $0xffff, v60  }
0x200: {  	v34 =	vor.u32 s0, v16;
	v58 =	vor.u32 s5, v14;
	v59 =	vor.u32 v27, v35;
	[tilespmem:v32+s18+$0x0] =	vst.idx.msk $0xffff, v41;
	v60 =	vld.idx.msk [tilespmem:v61+s17+$0x0], $0xffff  }
0x201: {  	v20 =	vor.u32 v34, v20;
	v35 =	vor.u32 v28, v35;
	v61 =	vld.idx.msk [tilespmem:v62+s17+$0x0], $0xffff;
	v62 =	vor.u32 v58, v30  }
0x202: {  	v18 =	vor.u32 v34, v18;
	[tilespmem:v31+s18+$0x0] =	vst.idx.msk $0xffff, v45;
	v31 =	vor.u32 s15, v15;
	v63 =	vor.u32 v58, v29  }
0x203: {  	v42 =	vld.idx.msk [tilespmem:v51+s17+$0x0], $0xffff;
	v50 =	vor.u32 v31, v23;
	v44 =	vshll.u32 v44, $0x7;
	[tilespmem:v56+s18+$0x0] =	vst.idx.msk $0xffff, v39  }
0x204: {  	v33 =	vshll.u32 v58, $0x7;
	v51 =	vor.u32 v24, v44;
	[tilespmem:v55+s18+$0x0] =	vst.idx.msk $0xffff, v46;
	v53 =	vld.idx.msk [tilespmem:v57+s17+$0x0], $0xffff  }
0x205: {  	v39 =	vor.u32 v21, v44;
	v55 =	vor.u32 v31, v22;
	v54 =	vld.idx.msk [tilespmem:v52+s17+$0x0], $0xffff;
	[tilespmem:v59+s18+$0x0] =	vst.idx.msk $0xffff, v60  }
0x206: {  	v26 =	vshll.u32 v26, $0x7;
	v56 =	vor.u32 s5, v15;
	v57 =	vor.u32 v27, v33;
	[tilespmem:v35+s18+$0x0] =	vst.idx.msk $0xffff, v61;
	v58 =	vld.idx.msk [tilespmem:v62+s17+$0x0], $0xffff  }
0x207: {  	v49 =	vor.u32 v19, v26;
	v33 =	vor.u32 v28, v33;
	v60 =	vor.u32 v56, v30;
	v59 =	vld.idx.msk [tilespmem:v63+s17+$0x0], $0xffff  }
0x208: {  	v43 =	vld.idx.msk [tilespmem:v43+s17+$0x0], $0xffff;
	[tilespmem:v36+s18+$0x0] =	vst.idx.msk $0xffff, v42;
	v31 =	vshll.u32 v31, $0x7;
	v62 =	vor.u32 v56, v29  }
0x209: {  	v26 =	vor.u32 v17, v26;
	v25 =	vld.idx.msk [tilespmem:v25+s17+$0x0], $0xffff;
	v48 =	vor.u32 v24, v31;
	[tilespmem:v51+s18+$0x0] =	vst.idx.msk $0xffff, v53  }
0x20a: {  	v31 =	vor.u32 v21, v31;
	v32 =	vshll.u32 v56, $0x7;
	v61 =	vor.u32 s15, v16;
	[tilespmem:v39+s18+$0x0] =	vst.idx.msk $0xffff, v54;
	v51 =	vld.idx.msk [tilespmem:v55+s17+$0x0], $0xffff  }
0x20b: {  	v63 =	vor.u32 v61, v22;
	v53 =	vor.u32 v61, v23;
	v52 =	vld.idx.msk [tilespmem:v50+s17+$0x0], $0xffff;
	[tilespmem:v57+s18+$0x0] =	vst.idx.msk $0xffff, v58  }
0x20c: {  	v34 =	vshll.u32 v34, $0x7;
	v54 =	vor.u32 s5, v16;
	v55 =	vor.u32 v27, v32;
	[tilespmem:v33+s18+$0x0] =	vst.idx.msk $0xffff, v59;
	v56 =	vld.idx.msk [tilespmem:v60+s17+$0x0], $0xffff  }
0x20d: {  	[tilespmem:v49+s18+$0x0] =	vst.idx.msk $0xffff, v43;
	v30 =	vor.u32 v54, v30;
	v32 =	vor.u32 v28, v32;
	v36 =	vld.idx.msk [tilespmem:v62+s17+$0x0], $0xffff  }
0x20e: {  	v19 =	vor.u32 v19, v34;
	v20 =	vld.idx.msk [tilespmem:v20+s17+$0x0], $0xffff;
	[tilespmem:v26+s18+$0x0] =	vst.idx.msk $0xffff, v25;
	v57 =	vor.u32 v54, v29  }
0x20f: {  	v17 =	vor.u32 v17, v34;
	v18 =	vld.idx.msk [tilespmem:v18+s17+$0x0], $0xffff;
	v58 =	vshll.u32 v61, $0x7;
	[tilespmem:v48+s18+$0x0] =	vst.idx.msk $0xffff, v51  }
0x210: {  	v59 =	vor.u32 v24, v58;
	[tilespmem:v31+s18+$0x0] =	vst.idx.msk $0xffff, v52;
	v22 =	vld.idx.msk [tilespmem:v63+s17+$0x0], $0xffff  }
0x211: {  	s26 =	sshll.u32 s31, $0x4;
	v61 =	vshll.u32 v54, $0x7;
	v60 =	vor.u32 v21, v58;
	v23 =	vld.idx.msk [tilespmem:v53+s17+$0x0], $0xffff;
	[tilespmem:v55+s18+$0x0] =	vst.idx.msk $0xffff, v56  }
0x212: {  	s0 =	sand.u32 $0x70, s26;
	v27 =	vor.u32 v27, v61;
	[tilespmem:v32+s18+$0x0] =	vst.idx.msk $0xffff, v36;
	v62 =	vld.idx.msk [tilespmem:v30+s17+$0x0], $0xffff  }
0x213: {  	s0 =	smul.u32 $0x41000, s0;
	[tilespmem:v19+s18+$0x0] =	vst.idx.msk $0xffff, v20;
	s5 =	sadd.s32 $0x2, s31;
	v19 =	vor.u32 v28, v61;
	v63 =	vld.idx.msk [tilespmem:v57+s17+$0x0], $0xffff  }
0x214: {  	s3 =	sshll.u32 s3, $0xA;
	s28 =	sshrl.u32 s5, $0x3;
	[tilespmem:v17+s18+$0x0] =	vst.idx.msk $0xffff, v18  }
0x215: {  	s0 =	sadd.s32 s3, s0;
	s3 =	ssub.s32 s28, s6;
	[tilespmem:v59+s18+$0x0] =	vst.idx.msk $0xffff, v22  }
0x216: {  	s3 =	smul.u32 $0x60, s3;
	[tilespmem:v60+s18+$0x0] =	vst.idx.msk $0xffff, v23  }
0x217: {  	s1 =	rddreg [dreg:$0x2];
	s0 =	sshrl.u32 s0, $0x3;
	[tilespmem:v27+s18+$0x0] =	vst.idx.msk $0xffff, v62  }
0x218: {  	s0 =	sadd.s32 s1, s0;
	s29 =	sshra.s32 s3, $0x2;
	[tilespmem:v19+s18+$0x0] =	vst.idx.msk $0xffff, v63  }
0x219: {  	[hbm4b:s0+s19] =	stream.strided.scatter [tilespmem:s18], [sflag:$0x2], $0x4000, s20, s19, $0x38;
	[tilespmem:$0x18600] =	vst v63  }
0x21a: {  	v17 =	vld [tilespmem:s29+$0x0];
	_ =	sdelay $0x4  }
0x21b: {  	(v2sf) =	vpush v17, $0x0;
	_ =	sdelay $0x1  }
0x21c: {  	(v2sf) =	vpush v17, $0x2  }
0x21d: {  	(v2sf) =	vpush v17, $0x3  }
0x21e: {  	(v2sf) =	vpush v17, $0x4  }
0x21f: {  	(v2sf) =	vpush v17, $0x5  }
0x220: {  	(v2sf) =	vpush v17, $0x6  }
0x221: {  	(v2sf) =	vpush v17, $0x7  }
0x222: {  	(v2sf) =	vpush v17, $0x8  }
0x223: {  	(v2sf) =	vpush v17, $0x9  }
0x224: {  	(v2sf) =	vpush v17, $0xA  }
0x225: {  	v18 =	vld [tilespmem:s29+$0x10];
	(v2sf) =	vpush v17, $0xB  }
0x226: {  	(v2sf) =	vpush v17, $0xC  }
0x227: {  	(v2sf) =	vpush v17, $0xD  }
0x228: {  	(v2sf) =	vpush v17, $0xE  }
0x229: {  	s0 =	spop (v2sf);
	(v2sf) =	vpush v17, $0xF  }
0x22a: {  	(v2sf) =	vpush v18, $0x0;
	p1 =	slt.s32 s0, $0x1  }
0x22b: {  	s9 =	spop (v2sf);
	(v2sf) =	vpush @!p1 v17, $0x1  }
0x22c: {  	s11 =	spop (v2sf)  }
0x22d: {  	s25 =	spop (v2sf)  }
0x22e: {  	s26 =	spop (v2sf)  }
0x22f: {  	s28 =	spop (v2sf)  }
0x230: {  	s24 =	spop (v2sf)  }
0x231: {  	s14 =	spop (v2sf)  }
0x232: {  	s10 =	spop (v2sf)  }
0x233: {  	s23 =	spop (v2sf)  }
0x234: {  	s13 =	spop (v2sf)  }
0x235: {  	s12 =	spop (v2sf)  }
0x236: {  	s15 =	spop (v2sf)  }
0x237: {  	s8 =	spop (v2sf)  }
0x238: {  	s7 =	spop (v2sf)  }
0x239: {  	s3 =	spop (v2sf)  }
0x23a: {  	s1 =	rddreg [dreg:$0x0];
	s5 =	sshll.u32 @!p1 s5, $0x7;
	s29 =	spop @!p1 (v2sf)  }
0x23b: {  	s4 =	simm.s32 @!p1 $0x2000;
	s5 =	sand.u32 @!p1 $0x380, s5;
	s29 =	sshll.u32 @!p1 s29, $0x7  }
0x23c: {  	s2 =	simm.s32 @!p1 $0x600;
	s5 =	sadd.s32 @!p1 s1, s5;
	s29 =	sand.u32 @!p1 $0xFFFFC00, s29  }
0x23d: {  	p2 =	seq.s32 @!p1 s0, $0x1;
	s1 =	simm.s32 @!p1 $0x400;
	s29 =	sadd.s32 @!p1 s29, s5  }
0x23e: {  	[tilespmem:s2], [sflag:$0x1] =	stream.strided.gather @!p1 [hbm4b:s29+s1], $0x800, s4, s1, $0x38;
	[tilespmem:$0x18600] =	vst v63  }
0x23f: {  	p1 =	por p1, p2  }
0x240: {  	s1 =	sshll.u32 @!p1 s9, $0x7  }
0x241: {  	s2 =	simm.s32 @!p1 $0x400;
	s4 =	simm.s32 @!p1 $0x2000;
	s1 =	sand.u32 @!p1 $0xFFFFC00, s1  }
0x242: {  	s9 =	simm.s32 @!p1 $0xE00;
	p2 =	slt.u32 @!p1 s0, $0x3;
	s1 =	sadd.s32 @!p1 s1, s5  }
0x243: {  	[tilespmem:s9], [sflag:$0x1] =	stream.strided.gather @!p1 [hbm4b:s1+s2], $0x800, s4, s2, $0x38;
	[tilespmem:$0x18600] =	vst v63  }
0x244: {  	p1 =	por p1, p2  }
0x245: {  	s1 =	sshll.u32 @!p1 s11, $0x7  }
0x246: {  	s2 =	simm.s32 @!p1 $0x400;
	s4 =	simm.s32 @!p1 $0x2000;
	s1 =	sand.u32 @!p1 $0xFFFFC00, s1  }
0x247: {  	s9 =	simm.s32 @!p1 $0x1600;
	p2 =	seq.s32 @!p1 s0, $0x3;
	s1 =	sadd.s32 @!p1 s1, s5  }
0x248: {  	[tilespmem:s9], [sflag:$0x1] =	stream.strided.gather @!p1 [hbm4b:s1+s2], $0x800, s4, s2, $0x38;
	[tilespmem:$0x18600] =	vst v63  }
0x249: {  	p1 =	por p1, p2  }
0x24a: {  	s1 =	sshll.u32 @!p1 s25, $0x7  }
0x24b: {  	s2 =	simm.s32 @!p1 $0x400;
	s4 =	simm.s32 @!p1 $0x2000;
	s1 =	sand.u32 @!p1 $0xFFFFC00, s1  }
0x24c: {  	s9 =	simm.s32 @!p1 $0x1E00;
	p2 =	slt.u32 @!p1 s0, $0x5;
	s1 =	sadd.s32 @!p1 s1, s5  }
0x24d: {  	[tilespmem:s9], [sflag:$0x1] =	stream.strided.gather @!p1 [hbm4b:s1+s2], $0x800, s4, s2, $0x38;
	[tilespmem:$0x18600] =	vst v63  }
0x24e: {  	p1 =	por p1, p2  }
0x24f: {  	s1 =	sshll.u32 @!p1 s26, $0x7  }
0x250: {  	s2 =	simm.s32 @!p1 $0x400;
	s4 =	simm.s32 @!p1 $0x2000;
	s1 =	sand.u32 @!p1 $0xFFFFC00, s1  }
0x251: {  	s9 =	simm.s32 @!p1 $0x2600;
	p2 =	seq.s32 @!p1 s0, $0x5;
	s1 =	sadd.s32 @!p1 s1, s5  }
0x252: {  	[tilespmem:s9], [sflag:$0x1] =	stream.strided.gather @!p1 [hbm4b:s1+s2], $0x800, s4, s2, $0x38;
	[tilespmem:$0x18600] =	vst v63  }
0x253: {  	p1 =	por p1, p2  }
0x254: {  	s1 =	sshll.u32 @!p1 s28, $0x7  }
0x255: {  	s2 =	simm.s32 @!p1 $0x400;
	s4 =	simm.s32 @!p1 $0x2000;
	s1 =	sand.u32 @!p1 $0xFFFFC00, s1  }
0x256: {  	s9 =	simm.s32 @!p1 $0x2E00;
	p2 =	slt.u32 @!p1 s0, $0x7;
	s1 =	sadd.s32 @!p1 s1, s5  }
0x257: {  	[tilespmem:s9], [sflag:$0x1] =	stream.strided.gather @!p1 [hbm4b:s1+s2], $0x800, s4, s2, $0x38;
	[tilespmem:$0x18600] =	vst v63  }
0x258: {  	p1 =	por p1, p2  }
0x259: {  	s1 =	sshll.u32 @!p1 s24, $0x7  }
0x25a: {  	s2 =	simm.s32 @!p1 $0x400;
	s4 =	simm.s32 @!p1 $0x2000;
	s1 =	sand.u32 @!p1 $0xFFFFC00, s1  }
0x25b: {  	s9 =	simm.s32 @!p1 $0x3600;
	p2 =	seq.s32 @!p1 s0, $0x7;
	s1 =	sadd.s32 @!p1 s1, s5  }
0x25c: {  	[tilespmem:s9], [sflag:$0x1] =	stream.strided.gather @!p1 [hbm4b:s1+s2], $0x800, s4, s2, $0x38;
	[tilespmem:$0x18600] =	vst v63  }
0x25d: {  	p1 =	por p1, p2  }
0x25e: {  	s1 =	sshll.u32 @!p1 s14, $0x7  }
0x25f: {  	s2 =	simm.s32 @!p1 $0x400;
	s4 =	simm.s32 @!p1 $0x2000;
	s1 =	sand.u32 @!p1 $0xFFFFC00, s1  }
0x260: {  	s9 =	simm.s32 @!p1 $0x3E00;
	p2 =	slt.u32 @!p1 s0, $0x9;
	s1 =	sadd.s32 @!p1 s1, s5  }
0x261: {  	[tilespmem:s9], [sflag:$0x1] =	stream.strided.gather @!p1 [hbm4b:s1+s2], $0x800, s4, s2, $0x38;
	[tilespmem:$0x18600] =	vst v63  }
0x262: {  	p1 =	por p1, p2  }
0x263: {  	s1 =	sshll.u32 @!p1 s10, $0x7  }
0x264: {  	s2 =	simm.s32 @!p1 $0x400;
	s4 =	simm.s32 @!p1 $0x2000;
	s1 =	sand.u32 @!p1 $0xFFFFC00, s1  }
0x265: {  	s9 =	simm.s32 @!p1 $0x4600;
	p2 =	seq.s32 @!p1 s0, $0x9;
	s1 =	sadd.s32 @!p1 s1, s5  }
0x266: {  	[tilespmem:s9], [sflag:$0x1] =	stream.strided.gather @!p1 [hbm4b:s1+s2], $0x800, s4, s2, $0x38;
	[tilespmem:$0x18600] =	vst v63  }
0x267: {  	p1 =	por p1, p2  }
0x268: {  	s1 =	sshll.u32 @!p1 s23, $0x7  }
0x269: {  	s2 =	simm.s32 @!p1 $0x400;
	s4 =	simm.s32 @!p1 $0x2000;
	s1 =	sand.u32 @!p1 $0xFFFFC00, s1  }
0x26a: {  	s9 =	simm.s32 @!p1 $0x4E00;
	p2 =	slt.u32 @!p1 s0, $0xB;
	s1 =	sadd.s32 @!p1 s1, s5  }
0x26b: {  	[tilespmem:s9], [sflag:$0x1] =	stream.strided.gather @!p1 [hbm4b:s1+s2], $0x800, s4, s2, $0x38;
	[tilespmem:$0x18600] =	vst v63  }
0x26c: {  	p1 =	por p1, p2  }
0x26d: {  	s1 =	sshll.u32 @!p1 s13, $0x7  }
0x26e: {  	s2 =	simm.s32 @!p1 $0x400;
	s4 =	simm.s32 @!p1 $0x2000;
	s1 =	sand.u32 @!p1 $0xFFFFC00, s1  }
0x26f: {  	s9 =	simm.s32 @!p1 $0x5600;
	p2 =	seq.s32 @!p1 s0, $0xB;
	s1 =	sadd.s32 @!p1 s1, s5  }
0x270: {  	[tilespmem:s9], [sflag:$0x1] =	stream.strided.gather @!p1 [hbm4b:s1+s2], $0x800, s4, s2, $0x38;
	[tilespmem:$0x18600] =	vst v63  }
0x271: {  	p1 =	por p1, p2  }
.Ltmp7:
0x272: {  	_ = 	snop;
	(pc) =	sbr.rel @p1 .LBB2_14-.Ltmp7, $1  }
0x273: {  	_ =	sdelay $0x3  }
0x274: {  	s1 =	sshll.u32 s12, $0x7  }
0x275: {  	s2 =	simm.s32 $0x2000;
	s1 =	sand.u32 $0xFFFFC00, s1  }
0x276: {  	s4 =	simm.s32 $0x5E00;
	p1 =	slt.u32 s0, $0xD;
	s1 =	sadd.s32 s1, s5  }
0x277: {  	[tilespmem:s4], [sflag:$0x1] =	stream.strided.gather [hbm4b:s1+s19], $0x800, s2, s19, $0x38;
	[tilespmem:$0x18600] =	vst v63  }
0x278: {  	s9 =	simm.s32 @!p1 $0x6600;
	p2 =	seq.s32 @!p1 s0, $0xD;
	s1 =	sshll.u32 @!p1 s15, $0x7  }
0x279: {  	p3 =	por p2, p1;
	s2 =	simm.s32 @!p1 $0x400;
	s1 =	sand.u32 @!p1 $0xFFFFC00, s1  }
0x27a: {  	s4 =	simm.s32 @!p1 $0x2000;
	p4 =	slt.u32 @!p3 s0, $0xF;
	s1 =	sadd.s32 @!p1 s1, s5  }
0x27b: {  	[tilespmem:s9], [sflag:$0x1] =	stream.strided.gather @!p1 [hbm4b:s1+s2], $0x800, s4, s2, $0x38;
	[tilespmem:$0x18600] =	vst v63  }
0x27c: {  	p5 =	por @!p1 p4, p2;
	s1 =	sshll.u32 @!p3 s8, $0x7  }
0x27d: {  	p5 =	por p5, p1;
	s2 =	simm.s32 @!p3 $0x400;
	s1 =	sand.u32 @!p3 $0xFFFFC00, s1  }
0x27e: {  	s4 =	simm.s32 @!p3 $0x2000;
	s8 =	simm.s32 @!p3 $0x6E00;
	s1 =	sadd.s32 @!p3 s1, s5  }
0x27f: {  	[tilespmem:s8], [sflag:$0x1] =	stream.strided.gather @!p3 [hbm4b:s1+s2], $0x800, s4, s2, $0x38;
	[tilespmem:$0x18600] =	vst v63  }
0x280: {  	s1 =	sshll.u32 @!p5 s7, $0x7  }
0x281: {  	s2 =	simm.s32 @!p5 $0x400;
	s1 =	sand.u32 @!p5 $0xFFFFC00, s1  }
0x282: {  	s4 =	simm.s32 @!p5 $0x2000;
	s7 =	simm.s32 @!p5 $0x7600;
	s1 =	sadd.s32 @!p5 s1, s5  }
0x283: {  	[tilespmem:s7], [sflag:$0x1] =	stream.strided.gather @!p5 [hbm4b:s1+s2], $0x800, s4, s2, $0x38;
	[tilespmem:$0x18600] =	vst v63  }
0x284: {  	p5 =	seq.s32 @!p5 s0, $0xF  }
0x285: {  	p3 =	por @!p3 p5, p4  }
0x286: {  	p2 =	por @!p1 p3, p2  }
0x287: {  	p1 =	por p2, p1  }
0x288: {  	s0 =	sshll.u32 @!p1 s3, $0x7  }
0x289: {  	s1 =	simm.s32 @!p1 $0x400;
	s0 =	sand.u32 @!p1 $0xFFFFC00, s0  }
0x28a: {  	s2 =	simm.s32 @!p1 $0x2000;
	s3 =	simm.s32 @!p1 $0x7E00;
	s0 =	sadd.s32 @!p1 s0, s5  }
0x28b: {  	[tilespmem:s3], [sflag:$0x1] =	stream.strided.gather @!p1 [hbm4b:s0+s1], $0x800, s2, s1, $0x38;
	[tilespmem:$0x18600] =	vst v63  }
.LBB2_14:
0x28c: {  	s0 =	sadd.s32 $0x1, s31  }
0x28d: {  	s3 =	sshrl.u32 s0, $0x3  }
0x28e: {  	s5 =	ssub.s32 s3, s6  }
0x28f: {  	s1 =	smul.u32 $0x60, s5;
	_ =	sdelay $0x1  }
0x290: {  	s1 =	sshra.s32 s1, $0x2  }
0x291: {  	v17 =	vld [tilespmem:s1+$0x0];
	_ =	sdelay $0x4  }
0x292: {  	(v2sf) =	vpush v17, $0x0;
	_ =	sdelay $0xe  }
0x293: {  	s7 =	spop (v2sf)  }
0x294: {  	p1 =	slt.s32 s7, $0x1  }
.Ltmp8:
0x295: {  	_ = 	snop;
	(pc) =	sbr.rel @p1 .LBB2_18-.Ltmp8, $1  }
0x296: {  	_ =	sdelay $0x3  }
0x297: {  	p1 =	sne.s32 s7, $0x1  }
.Ltmp9:
0x298: {  	_ = 	snop;
	(pc) =	sbr.rel @!p1 .LBB2_17-.Ltmp9, $3  }
0x299: {  	_ =	sdelay $0x1  }
0x29a: {  	_ =	swait.ge [sflag:s16], $0x800  }
0x29b: {  	s7 =	sadd.s32 $0xFFFFFFFF, s7;
	[sflag:s16] =	ssyncset.done $0x0  }
.LBB2_16:
0x29c: {  	p1 =	sne.s32 s7, $0x1;
	s7 =	sadd.s32 $0xFFFFFFFF, s7;
	[sflag:s16] =	ssyncadd.s32 $0xFFFFF800  }
.Ltmp10:
0x29d: {  	(pc) =	sbr.rel @p1 .LBB2_16-.Ltmp10, $3  }
0x29e: {  	_ =	sdelay $0x1  }
0x29f: {  	_ =	swait.ge [sflag:s16], $0x800  }
0x2a0: {  	[sflag:s16] =	ssyncset.done $0x0  }
.LBB2_17:
0x2a1: {  	[sflag:s16] =	ssyncadd.s32 $0xFFFFF800  }
.LBB2_18:
0x2a2: {  	s1 =	sshll.u32 s5, $0x9  }
0x2a3: {  	s1 =	sshra.s32 s1, $0x2  }
0x2a4: {  	s1 =	sadd.s32 $0x100, s1  }
0x2a5: {  	v27 =	vmov s1  }
0x2a6: {  	s1 =	simm.s32 @!p0 $0x2  }
0x2a7: {  	_ =	swait.ge @!p0 [sflag:s1], $0x4000  }
0x2a8: {  	s2 =	simm.s32 $0x0;
	[sflag:s1] =	ssyncset.done @!p0 $0x0  }
0x2a9: {  	s23 =	sand.u32 $0x60, s2;
	[sflag:s1] =	ssyncadd.s32 @!p0 $0xFFFFC000  }
0x2aa: {  	s4 =	sor.u32 $0x10, s23;
	v17 =	vld.idx.msk [tilespmem:v27+s23+$0x0 ss:$0x1], $0xffff  }
0x2ab: {  	v18 =	vld.idx.msk [tilespmem:v27+s4+$0x0 ss:$0x1], $0xffff;
	_ =	sdelay $0x2  }
0x2ac: {  	s7 =	sand.u32 $0x70, s2  }
0x2ad: {  	v19 =	vor.u32 s7, v0;
	v25 =	vshll.u32 v17, $0x7  }
0x2ae: {  	v28 =	vshll.u32 v18, $0x7;
	v17 =	vor.u32 v19, v25  }
0x2af: {  	v18 =	vor.u32 v19, v28;
	_ =	sdelay $0x2  }
0x2b0: {  	v26 =	vor.u32 s23, v0;
	v19 =	vshll.u32 v19, $0x7  }
0x2b1: {  	v21 =	vor.u32 s7, v1;
	v29 =	vor.u32 s4, v0;
	v20 =	vor.u32 v26, v19;
	v17 =	vld.idx.msk [tilespmem:v17+s21+$0x0], $0xffff  }
0x2b2: {  	v22 =	vor.u32 v21, v25;
	v19 =	vor.u32 v29, v19;
	v18 =	vld.idx.msk [tilespmem:v18+s21+$0x0], $0xffff  }
0x2b3: {  	v23 =	vor.u32 v21, v28;
	_ =	sdelay $0x2  }
0x2b4: {  	v21 =	vshll.u32 v21, $0x7;
	[tilespmem:v20+s22+$0x0] =	vst.idx.msk $0xffff, v17  }
0x2b5: {  	v17 =	vor.u32 v26, v21;
	v20 =	vor.u32 s7, v2;
	[tilespmem:v19+s22+$0x0] =	vst.idx.msk $0xffff, v18;
	v22 =	vld.idx.msk [tilespmem:v22+s21+$0x0], $0xffff  }
0x2b6: {  	v18 =	vor.u32 v29, v21;
	v24 =	vor.u32 v20, v25;
	v19 =	vld.idx.msk [tilespmem:v23+s21+$0x0], $0xffff  }
0x2b7: {  	v21 =	vor.u32 v20, v28;
	_ =	sdelay $0x2  }
0x2b8: {  	v20 =	vshll.u32 v20, $0x7;
	[tilespmem:v17+s22+$0x0] =	vst.idx.msk $0xffff, v22  }
0x2b9: {  	v17 =	vor.u32 v26, v20;
	v22 =	vor.u32 s7, v3;
	[tilespmem:v18+s22+$0x0] =	vst.idx.msk $0xffff, v19;
	v23 =	vld.idx.msk [tilespmem:v24+s21+$0x0], $0xffff  }
0x2ba: {  	v18 =	vor.u32 v29, v20;
	v24 =	vor.u32 v22, v25;
	v19 =	vld.idx.msk [tilespmem:v21+s21+$0x0], $0xffff  }
0x2bb: {  	v20 =	vor.u32 v22, v28;
	_ =	sdelay $0x2  }
0x2bc: {  	v21 =	vshll.u32 v22, $0x7;
	[tilespmem:v17+s22+$0x0] =	vst.idx.msk $0xffff, v23  }
0x2bd: {  	v22 =	vor.u32 s7, v4;
	v17 =	vor.u32 v26, v21;
	[tilespmem:v18+s22+$0x0] =	vst.idx.msk $0xffff, v19;
	v23 =	vld.idx.msk [tilespmem:v24+s21+$0x0], $0xffff  }
0x2be: {  	s24 =	simm.s32 $0x20;
	v18 =	vor.u32 v29, v21;
	v24 =	vor.u32 v22, v25;
	v19 =	vld.idx.msk [tilespmem:v20+s21+$0x0], $0xffff  }
0x2bf: {  	s1 =	sand.u32 $0x60, s24;
	v20 =	vor.u32 v22, v28  }
0x2c0: {  	s25 =	sor.u32 $0x10, s1  }
0x2c1: {  	v30 =	vld.idx.msk [tilespmem:v27+s25+$0x0 ss:$0x1], $0xffff  }
0x2c2: {  	v21 =	vshll.u32 v22, $0x7;
	[tilespmem:v17+s22+$0x0] =	vst.idx.msk $0xffff, v23;
	v17 =	vld.idx.msk [tilespmem:v27+s1+$0x0 ss:$0x1], $0xffff  }
0x2c3: {  	v22 =	vor.u32 v26, v21;
	v23 =	vor.u32 s7, v5;
	[tilespmem:v18+s22+$0x0] =	vst.idx.msk $0xffff, v19;
	v24 =	vld.idx.msk [tilespmem:v24+s21+$0x0], $0xffff  }
0x2c4: {  	v19 =	vor.u32 v29, v21;
	v31 =	vor.u32 v23, v25;
	v21 =	vld.idx.msk [tilespmem:v20+s21+$0x0], $0xffff  }
0x2c5: {  	s26 =	simm.s32 $0x4;
	v32 =	vor.u32 v23, v28  }
0x2c6: {  	s15 =	sand.u32 $0x70, s26  }
0x2c7: {  	v33 =	vor.u32 s15, v0;
	v20 =	vshll.u32 v30, $0x7;
	v18 =	vshll.u32 v17, $0x7  }
0x2c8: {  	v30 =	vor.u32 v33, v20;
	v17 =	vshll.u32 v23, $0x7;
	[tilespmem:v22+s22+$0x0] =	vst.idx.msk $0xffff, v24;
	v22 =	vor.u32 v33, v18  }
0x2c9: {  	v23 =	vor.u32 v26, v17;
	v24 =	vor.u32 s7, v6;
	[tilespmem:v19+s22+$0x0] =	vst.idx.msk $0xffff, v21;
	v31 =	vld.idx.msk [tilespmem:v31+s21+$0x0], $0xffff  }
0x2ca: {  	v21 =	vor.u32 v29, v17;
	v34 =	vor.u32 v24, v25;
	v32 =	vld.idx.msk [tilespmem:v32+s21+$0x0], $0xffff  }
0x2cb: {  	v35 =	vor.u32 v24, v28  }
0x2cc: {  	v17 =	vor.u32 s1, v0;
	v33 =	vshll.u32 v33, $0x7;
	v19 =	vor.u32 s25, v0  }
0x2cd: {  	v36 =	vor.u32 v17, v33;
	v33 =	vor.u32 v19, v33;
	v30 =	vld.idx.msk [tilespmem:v30+s21+$0x0], $0xffff  }
0x2ce: {  	v37 =	vor.u32 s15, v1;
	v24 =	vshll.u32 v24, $0x7;
	v22 =	vld.idx.msk [tilespmem:v22+s21+$0x0], $0xffff;
	[tilespmem:v23+s22+$0x0] =	vst.idx.msk $0xffff, v31  }
0x2cf: {  	v38 =	vor.u32 v37, v18;
	v23 =	vor.u32 v26, v24;
	[tilespmem:v21+s22+$0x0] =	vst.idx.msk $0xffff, v32;
	v34 =	vld.idx.msk [tilespmem:v34+s21+$0x0], $0xffff  }
0x2d0: {  	v31 =	vor.u32 s7, v8;
	v21 =	vor.u32 v37, v20;
	v24 =	vor.u32 v29, v24;
	v32 =	vld.idx.msk [tilespmem:v35+s21+$0x0], $0xffff  }
0x2d1: {  	v55 =	vor.u32 v31, v28  }
0x2d2: {  	[tilespmem:v33+s22+$0x0] =	vst.idx.msk $0xffff, v30;
	v39 =	vor.u32 v31, v25  }
0x2d3: {  	v56 =	vor.u32 s15, v2;
	v57 =	vor.u32 s7, v7;
	v37 =	vshll.u32 v37, $0x7;
	[tilespmem:v36+s22+$0x0] =	vst.idx.msk $0xffff, v22  }
0x2d4: {  	v61 =	vor.u32 s15, v3;
	v31 =	vshll.u32 v31, $0x7;
	v22 =	vor.u32 v17, v37;
	v38 =	vld.idx.msk [tilespmem:v38+s21+$0x0], $0xffff;
	[tilespmem:v23+s22+$0x0] =	vst.idx.msk $0xffff, v34  }
0x2d5: {  	v58 =	vor.u32 v19, v37;
	v21 =	vld.idx.msk [tilespmem:v21+s21+$0x0], $0xffff;
	v23 =	vor.u32 v56, v18;
	[tilespmem:v24+s22+$0x0] =	vst.idx.msk $0xffff, v32  }
0x2d6: {  	v40 =	vor.u32 v26, v31;
	v31 =	vor.u32 v29, v31;
	v24 =	vor.u32 v56, v20;
	v32 =	vld.idx.msk [tilespmem:v55+s21+$0x0], $0xffff  }
0x2d7: {  	v51 =	vor.u32 s7, v10;
	v59 =	vshll.u32 v56, $0x7;
	v60 =	vor.u32 v57, v28;
	v39 =	vld.idx.msk [tilespmem:v39+s21+$0x0], $0xffff  }
0x2d8: {  	v52 =	vor.u32 v51, v25;
	v53 =	vor.u32 v51, v28;
	v30 =	vor.u32 v57, v25  }
0x2d9: {  	v62 =	vor.u32 v61, v18;
	v44 =	vor.u32 v19, v59;
	[tilespmem:v22+s22+$0x0] =	vst.idx.msk $0xffff, v38  }
0x2da: {  	v48 =	vshll.u32 v61, $0x7;
	v34 =	vshll.u32 v57, $0x7;
	v22 =	vor.u32 v17, v59;
	[tilespmem:v58+s22+$0x0] =	vst.idx.msk $0xffff, v21;
	v23 =	vld.idx.msk [tilespmem:v23+s21+$0x0], $0xffff  }
0x2db: {  	v36 =	vor.u32 v19, v48;
	v46 =	vor.u32 v29, v34;
	v24 =	vld.idx.msk [tilespmem:v24+s21+$0x0], $0xffff;
	[tilespmem:v31+s22+$0x0] =	vst.idx.msk $0xffff, v32  }
0x2dc: {  	v41 =	vor.u32 s15, v5;
	v21 =	vor.u32 s7, v9;
	[tilespmem:v40+s22+$0x0] =	vst.idx.msk $0xffff, v39;
	v31 =	vor.u32 v61, v20;
	v47 =	vld.idx.msk [tilespmem:v60+s21+$0x0], $0xffff  }
0x2dd: {  	s28 =	simm.s32 $0x40;
	v63 =	vor.u32 v26, v34;
	v59 =	vor.u32 s7, v11;
	v49 =	vor.u32 v21, v28;
	v30 =	vld.idx.msk [tilespmem:v30+s21+$0x0], $0xffff  }
0x2de: {  	s1 =	sand.u32 $0x60, s28;
	v55 =	vor.u32 v41, v20;
	v45 =	vor.u32 v21, v25;
	v40 =	vshll.u32 v59, $0x7  }
0x2df: {  	s5 =	simm.s32 $0x8;
	v43 =	vld.idx.msk [tilespmem:v27+s1+$0x0 ss:$0x1], $0xffff;
	v21 =	vshll.u32 v21, $0x7;
	v39 =	vor.u32 v26, v40;
	[tilespmem:v22+s22+$0x0] =	vst.idx.msk $0xffff, v23;
	v23 =	vor.u32 s15, v4  }
0x2e0: {  	s23 =	sand.u32 $0x70, s5;
	v22 =	vor.u32 v17, v48;
	[tilespmem:v44+s22+$0x0] =	vst.idx.msk $0xffff, v24;
	v38 =	vld.idx.msk [tilespmem:v62+s21+$0x0], $0xffff;
	v50 =	vor.u32 v23, v18  }
0x2e1: {  	v60 =	vor.u32 s23, v0;
	v24 =	vshll.u32 v23, $0x7;
	v31 =	vld.idx.msk [tilespmem:v31+s21+$0x0], $0xffff;
	v23 =	vor.u32 v23, v20;
	[tilespmem:v46+s22+$0x0] =	vst.idx.msk $0xffff, v47  }
0x2e2: {  	[tilespmem:v63+s22+$0x0] =	vst.idx.msk $0xffff, v30;
	v30 =	vor.u32 v26, v21;
	v21 =	vor.u32 v29, v21;
	v34 =	vld.idx.msk [tilespmem:v49+s21+$0x0], $0xffff  }
0x2e3: {  	s29 =	sor.u32 $0x10, s1;
	v40 =	vor.u32 v29, v40;
	v44 =	vor.u32 v59, v28;
	v62 =	vor.u32 s15, v6;
	v35 =	vld.idx.msk [tilespmem:v45+s21+$0x0], $0xffff  }
0x2e4: {  	v54 =	vor.u32 v17, v24;
	v24 =	vor.u32 v19, v24;
	v46 =	vor.u32 v41, v18;
	v45 =	vld.idx.msk [tilespmem:v27+s29+$0x0 ss:$0x1], $0xffff  }
0x2e5: {  	v47 =	vor.u32 v59, v25;
	v48 =	vor.u32 v62, v18;
	[tilespmem:v22+s22+$0x0] =	vst.idx.msk $0xffff, v38;
	v22 =	vshll.u32 v51, $0x7  }
0x2e6: {  	v33 =	vor.u32 v62, v20;
	[tilespmem:v36+s22+$0x0] =	vst.idx.msk $0xffff, v31;
	v58 =	vld.idx.msk [tilespmem:v50+s21+$0x0], $0xffff;
	v42 =	vor.u32 v26, v22  }
0x2e7: {  	v59 =	vshll.u32 v62, $0x7;
	v31 =	vor.u32 v29, v22;
	v36 =	vld.idx.msk [tilespmem:v23+s21+$0x0], $0xffff;
	v23 =	vshll.u32 v43, $0x7;
	[tilespmem:v21+s22+$0x0] =	vst.idx.msk $0xffff, v34  }
0x2e8: {  	v50 =	vor.u32 s23, v1;
	v21 =	vshll.u32 v41, $0x7;
	[tilespmem:v30+s22+$0x0] =	vst.idx.msk $0xffff, v35;
	v30 =	vor.u32 s7, v15  }
0x2e9: {  	v56 =	vor.u32 v60, v23;
	v22 =	vshll.u32 v45, $0x7;
	v34 =	vshll.u32 v60, $0x7  }
0x2ea: {  	v35 =	vor.u32 v19, v59;
	v61 =	vld.idx.msk [tilespmem:v53+s21+$0x0], $0xffff;
	v37 =	vor.u32 v17, v21;
	v49 =	vor.u32 v60, v22  }
0x2eb: {  	v32 =	vld.idx.msk [tilespmem:v52+s21+$0x0], $0xffff;
	v51 =	vor.u32 v30, v25;
	v57 =	vor.u32 v19, v21;
	[tilespmem:v54+s22+$0x0] =	vst.idx.msk $0xffff, v58  }
0x2ec: {  	v21 =	vor.u32 s1, v0;
	v60 =	vor.u32 v50, v23;
	v52 =	vor.u32 s15, v8;
	[tilespmem:v24+s22+$0x0] =	vst.idx.msk $0xffff, v36;
	v63 =	vld.idx.msk [tilespmem:v46+s21+$0x0], $0xffff  }
0x2ed: {  	v41 =	vor.u32 v21, v34;
	v53 =	vor.u32 v52, v18;
	v24 =	vor.u32 s29, v0;
	v38 =	vld.idx.msk [tilespmem:v55+s21+$0x0], $0xffff  }
0x2ee: {  	v58 =	vor.u32 s7, v12;
	v54 =	vor.u32 s7, v14;
	v46 =	vld.idx.msk [tilespmem:v56+s21+$0x0], $0xffff;
	v34 =	vor.u32 v24, v34  }
0x2ef: {  	v36 =	vshll.u32 v58, $0x7;
	v55 =	vor.u32 v54, v25;
	[tilespmem:v31+s22+$0x0] =	vst.idx.msk $0xffff, v61;
	v49 =	vld.idx.msk [tilespmem:v49+s21+$0x0], $0xffff  }
0x2f0: {  	v31 =	vor.u32 v58, v28;
	[tilespmem:v42+s22+$0x0] =	vst.idx.msk $0xffff, v32;
	v61 =	vor.u32 v17, v59;
	v62 =	vld.idx.msk [tilespmem:v44+s21+$0x0], $0xffff  }
0x2f1: {  	v45 =	vor.u32 v26, v36;
	v59 =	vor.u32 v29, v36;
	v47 =	vld.idx.msk [tilespmem:v47+s21+$0x0], $0xffff;
	[tilespmem:v37+s22+$0x0] =	vst.idx.msk $0xffff, v63  }
0x2f2: {  	v63 =	vor.u32 v58, v25;
	[tilespmem:v57+s22+$0x0] =	vst.idx.msk $0xffff, v38;
	v38 =	vor.u32 v52, v20  }
0x2f3: {  	v52 =	vshll.u32 v52, $0x7;
	[tilespmem:v41+s22+$0x0] =	vst.idx.msk $0xffff, v46;
	v43 =	vld.idx.msk [tilespmem:v48+s21+$0x0], $0xffff;
	v48 =	vor.u32 v50, v22  }
0x2f4: {  	v50 =	vshll.u32 v50, $0x7;
	v33 =	vld.idx.msk [tilespmem:v33+s21+$0x0], $0xffff;
	v46 =	vor.u32 v17, v52;
	[tilespmem:v34+s22+$0x0] =	vst.idx.msk $0xffff, v49  }
0x2f5: {  	v42 =	vld.idx.msk [tilespmem:v60+s21+$0x0], $0xffff;
	v49 =	vor.u32 v19, v52;
	[tilespmem:v40+s22+$0x0] =	vst.idx.msk $0xffff, v62;
	v36 =	vor.u32 v21, v50  }
0x2f6: {  	v56 =	vor.u32 s15, v7;
	v62 =	vor.u32 s23, v2;
	[tilespmem:v39+s22+$0x0] =	vst.idx.msk $0xffff, v47;
	v57 =	vor.u32 v24, v50;
	v31 =	vld.idx.msk [tilespmem:v31+s21+$0x0], $0xffff  }
0x2f7: {  	v40 =	vor.u32 v56, v20;
	v39 =	vor.u32 v62, v22;
	v60 =	vor.u32 v62, v23  }
0x2f8: {  	v62 =	vshll.u32 v62, $0x7;
	v37 =	vld.idx.msk [tilespmem:v63+s21+$0x0], $0xffff;
	v63 =	vor.u32 v54, v28;
	[tilespmem:v61+s22+$0x0] =	vst.idx.msk $0xffff, v43  }
0x2f9: {  	v41 =	vor.u32 v21, v62;
	v47 =	vor.u32 v24, v62;
	v48 =	vld.idx.msk [tilespmem:v48+s21+$0x0], $0xffff;
	[tilespmem:v35+s22+$0x0] =	vst.idx.msk $0xffff, v33  }
0x2fa: {  	v43 =	vor.u32 v56, v18;
	v61 =	vshll.u32 v54, $0x7;
	v58 =	vld.idx.msk [tilespmem:v53+s21+$0x0], $0xffff;
	[tilespmem:v36+s22+$0x0] =	vst.idx.msk $0xffff, v42  }
0x2fb: {  	v33 =	vor.u32 v26, v61;
	v38 =	vld.idx.msk [tilespmem:v38+s21+$0x0], $0xffff;
	[tilespmem:v59+s22+$0x0] =	vst.idx.msk $0xffff, v31;
	v59 =	vshll.u32 v56, $0x7  }
0x2fc: {  	v35 =	vor.u32 v29, v61;
	v31 =	vor.u32 s7, v16;
	v50 =	vld.idx.msk [tilespmem:v60+s21+$0x0], $0xffff;
	v53 =	vor.u32 v17, v59  }
0x2fd: {  	v34 =	vor.u32 v31, v28;
	[tilespmem:v45+s22+$0x0] =	vst.idx.msk $0xffff, v37;
	v37 =	vld.idx.msk [tilespmem:v63+s21+$0x0], $0xffff;
	v63 =	vor.u32 s23, v3  }
0x2fe: {  	v60 =	vor.u32 v19, v59;
	v42 =	vor.u32 v63, v23;
	[tilespmem:v57+s22+$0x0] =	vst.idx.msk $0xffff, v48  }
0x2ff: {  	v36 =	vld.idx.msk [tilespmem:v55+s21+$0x0], $0xffff;
	v54 =	vor.u32 v63, v22;
	[tilespmem:v46+s22+$0x0] =	vst.idx.msk $0xffff, v58;
	v46 =	vor.u32 v30, v28  }
0x300: {  	v63 =	vshll.u32 v63, $0x7;
	v28 =	vor.u32 s15, v9;
	v30 =	vshll.u32 v30, $0x7;
	v61 =	vld.idx.msk [tilespmem:v39+s21+$0x0], $0xffff  }
0x301: {  	[tilespmem:v49+s22+$0x0] =	vst.idx.msk $0xffff, v38;
	v44 =	vor.u32 v21, v63;
	v39 =	vor.u32 v24, v63;
	v32 =	vld.idx.msk [tilespmem:v43+s21+$0x0], $0xffff  }
0x302: {  	v62 =	vor.u32 v28, v18;
	v45 =	vor.u32 v29, v30;
	[tilespmem:v41+s22+$0x0] =	vst.idx.msk $0xffff, v50  }
0x303: {  	v57 =	vshll.u32 v28, $0x7;
	v58 =	vld.idx.msk [tilespmem:v40+s21+$0x0], $0xffff;
	v49 =	vor.u32 v28, v20;
	v28 =	vor.u32 s23, v4;
	[tilespmem:v35+s22+$0x0] =	vst.idx.msk $0xffff, v37  }
0x304: {  	s7 =	simm.s32 $0x60;
	v43 =	vshll.u32 v31, $0x7;
	v40 =	vor.u32 v28, v23;
	[tilespmem:v33+s22+$0x0] =	vst.idx.msk $0xffff, v36;
	v52 =	vld.idx.msk [tilespmem:v46+s21+$0x0], $0xffff  }
0x305: {  	s10 =	sand.u32 $0x60, s7;
	v38 =	vor.u32 v19, v57;
	v37 =	vor.u32 v28, v22;
	v50 =	vld.idx.msk [tilespmem:v42+s21+$0x0], $0xffff;
	[tilespmem:v47+s22+$0x0] =	vst.idx.msk $0xffff, v61  }
0x306: {  	v41 =	vshll.u32 v28, $0x7;
	v28 =	vor.u32 s10, v0;
	v36 =	vor.u32 v26, v30;
	v47 =	vld.idx.msk [tilespmem:v51+s21+$0x0], $0xffff;
	[tilespmem:v53+s22+$0x0] =	vst.idx.msk $0xffff, v32  }
0x307: {  	v42 =	vor.u32 v17, v57;
	v33 =	vor.u32 v29, v43;
	v46 =	vor.u32 s15, v10;
	v48 =	vld.idx.msk [tilespmem:v62+s21+$0x0], $0xffff  }
0x308: {  	s8 =	simm.s32 $0x6;
	s12 =	sor.u32 $0x10, s10;
	v32 =	vor.u32 v46, v18;
	v35 =	vor.u32 v46, v20;
	v51 =	vld.idx.msk [tilespmem:v54+s21+$0x0], $0xffff;
	[tilespmem:v60+s22+$0x0] =	vst.idx.msk $0xffff, v58  }
.LBB2_19:
0x309: {  	s8 =	sadd.s32 $0x2, s8;
	v30 =	vld.idx.msk [tilespmem:v49+s21+$0x0], $0xffff;
	v31 =	vor.u32 v31, v25;
	v43 =	vor.u32 v26, v43;
	[tilespmem:v45+s22+$0x0] =	vst.idx.msk $0xffff, v52  }
0x30a: {  	v45 =	vor.u32 v21, v41;
	v49 =	vor.u32 s23, v5;
	v25 =	vmovc v18;
	v18 =	vmovc v23;
	v29 =	vmov v24;
	p0 =	slt.u32 s8, $0x3E;
	v34 =	vld.idx.msk [tilespmem:v34+s21+$0x0], $0xffff  }
0x30b: {  	v23 =	vshll.u32 v46, $0x7;
	v26 =	vmov v17;
	v24 =	vld.idx.msk [tilespmem:v27+s12+$0x0 ss:$0x1], $0xffff;
	[tilespmem:v44+s22+$0x0] =	vst.idx.msk $0xffff, v50;
	v44 =	vor.u32 v49, v22  }
0x30c: {  	s5 =	sadd.s32 $0x4, s5;
	v46 =	vor.u32 s15, v11;
	v17 =	vmov v21;
	v40 =	vld.idx.msk [tilespmem:v40+s21+$0x0], $0xffff;
	[tilespmem:v42+s22+$0x0] =	vst.idx.msk $0xffff, v48;
	v42 =	vor.u32 v26, v23  }
0x30d: {  	v41 =	vor.u32 v29, v41;
	v50 =	vor.u32 v46, v20;
	v48 =	vld.idx.msk [tilespmem:v27+s10+$0x0 ss:$0x1], $0xffff;
	[tilespmem:v36+s22+$0x0] =	vst.idx.msk $0xffff, v47  }
0x30e: {  	v36 =	vor.u32 v49, v18;
	[tilespmem:v39+s22+$0x0] =	vst.idx.msk $0xffff, v51;
	v39 =	vor.u32 v19, v23;
	v31 =	vld.idx.msk [tilespmem:v31+s21+$0x0], $0xffff  }
0x30f: {  	v21 =	vmov v28;
	s13 =	sand.u32 $0x70, s5;
	v47 =	vor.u32 v46, v25;
	v37 =	vld.idx.msk [tilespmem:v37+s21+$0x0], $0xffff;
	[tilespmem:v38+s22+$0x0] =	vst.idx.msk $0xffff, v30  }
0x310: {  	v49 =	vshll.u32 v49, $0x7;
	v38 =	vor.u32 s13, v0;
	v30 =	vor.u32 s15, v15;
	v35 =	vld.idx.msk [tilespmem:v35+s21+$0x0], $0xffff;
	[tilespmem:v33+s22+$0x0] =	vst.idx.msk $0xffff, v34  }
0x311: {  	v33 =	vor.u32 v17, v49;
	v34 =	vor.u32 s23, v6;
	v28 =	vor.u32 v30, v25;
	v32 =	vld.idx.msk [tilespmem:v32+s21+$0x0], $0xffff  }
0x312: {  	v46 =	vshll.u32 v46, $0x7;
	[tilespmem:v45+s22+$0x0] =	vst.idx.msk $0xffff, v40;
	v40 =	vor.u32 v34, v18;
	v45 =	vor.u32 v34, v22  }
0x313: {  	v23 =	vshll.u32 v48, $0x7;
	v48 =	vor.u32 v26, v46;
	v36 =	vld.idx.msk [tilespmem:v36+s21+$0x0], $0xffff  }
0x314: {  	v52 =	vshll.u32 v24, $0x7;
	v49 =	vor.u32 v29, v49;
	v51 =	vor.u32 v38, v23;
	[tilespmem:v43+s22+$0x0] =	vst.idx.msk $0xffff, v31  }
0x315: {  	v31 =	vor.u32 v38, v52;
	[tilespmem:v41+s22+$0x0] =	vst.idx.msk $0xffff, v37;
	v37 =	vor.u32 s15, v12;
	v41 =	vor.u32 v19, v46  }
0x316: {  	v34 =	vshll.u32 v34, $0x7;
	v38 =	vshll.u32 v38, $0x7;
	v43 =	vld.idx.msk [tilespmem:v44+s21+$0x0], $0xffff;
	[tilespmem:v39+s22+$0x0] =	vst.idx.msk $0xffff, v35;
	v35 =	vor.u32 v37, v20  }
0x317: {  	v39 =	vor.u32 v21, v38;
	v44 =	vor.u32 s13, v1;
	[tilespmem:v42+s22+$0x0] =	vst.idx.msk $0xffff, v32;
	v32 =	vld.idx.msk [tilespmem:v50+s21+$0x0], $0xffff  }
0x318: {  	v46 =	vor.u32 v17, v34;
	v42 =	vor.u32 v44, v23;
	v50 =	vor.u32 s23, v8;
	v47 =	vld.idx.msk [tilespmem:v47+s21+$0x0], $0xffff  }
0x319: {  	v24 =	vor.u32 s12, v0;
	v51 =	vld.idx.msk [tilespmem:v51+s21+$0x0], $0xffff;
	[tilespmem:v33+s22+$0x0] =	vst.idx.msk $0xffff, v36;
	v33 =	vor.u32 v50, v18;
	v36 =	vor.u32 s15, v14  }
0x31a: {  	v38 =	vor.u32 v24, v38;
	v53 =	vor.u32 v37, v25;
	v37 =	vshll.u32 v37, $0x7;
	v40 =	vld.idx.msk [tilespmem:v40+s21+$0x0], $0xffff  }
0x31b: {  	v34 =	vor.u32 v29, v34;
	v54 =	vor.u32 v44, v52;
	v55 =	vor.u32 v36, v25  }
0x31c: {  	v31 =	vld.idx.msk [tilespmem:v31+s21+$0x0], $0xffff;
	[tilespmem:v49+s22+$0x0] =	vst.idx.msk $0xffff, v43;
	v43 =	vor.u32 v50, v22;
	v49 =	vor.u32 v26, v37  }
0x31d: {  	v56 =	vor.u32 s23, v7;
	v44 =	vshll.u32 v44, $0x7;
	v45 =	vld.idx.msk [tilespmem:v45+s21+$0x0], $0xffff;
	[tilespmem:v41+s22+$0x0] =	vst.idx.msk $0xffff, v32;
	v32 =	vor.u32 v19, v37  }
0x31e: {  	v50 =	vshll.u32 v50, $0x7;
	v37 =	vor.u32 v21, v44;
	v41 =	vor.u32 s13, v2;
	[tilespmem:v48+s22+$0x0] =	vst.idx.msk $0xffff, v47;
	v35 =	vld.idx.msk [tilespmem:v35+s21+$0x0], $0xffff  }
0x31f: {  	v47 =	vor.u32 v17, v50;
	[tilespmem:v39+s22+$0x0] =	vst.idx.msk $0xffff, v51;
	v39 =	vor.u32 v41, v52;
	v48 =	vld.idx.msk [tilespmem:v53+s21+$0x0], $0xffff  }
0x320: {  	v42 =	vld.idx.msk [tilespmem:v42+s21+$0x0], $0xffff;
	[tilespmem:v46+s22+$0x0] =	vst.idx.msk $0xffff, v40;
	v40 =	vor.u32 v56, v18;
	v46 =	vor.u32 v36, v20  }
0x321: {  	v44 =	vor.u32 v24, v44;
	v36 =	vshll.u32 v36, $0x7;
	v33 =	vld.idx.msk [tilespmem:v33+s21+$0x0], $0xffff  }
0x322: {  	v51 =	vor.u32 v41, v23;
	[tilespmem:v38+s22+$0x0] =	vst.idx.msk $0xffff, v31;
	v38 =	vor.u32 v29, v50  }
0x323: {  	v53 =	vor.u32 v26, v36;
	v36 =	vor.u32 v19, v36;
	v50 =	vld.idx.msk [tilespmem:v54+s21+$0x0], $0xffff;
	[tilespmem:v34+s22+$0x0] =	vst.idx.msk $0xffff, v45  }
0x324: {  	v31 =	vor.u32 s15, v16;
	s15 =	smov.u32 s23;
	s23 =	smov.u32 s13;
	v34 =	vshll.u32 v41, $0x7;
	v54 =	vor.u32 v56, v22;
	v41 =	vld.idx.msk [tilespmem:v43+s21+$0x0], $0xffff;
	[tilespmem:v32+s22+$0x0] =	vst.idx.msk $0xffff, v35  }
0x325: {  	v45 =	vshll.u32 v56, $0x7;
	v32 =	vor.u32 v21, v34;
	v35 =	vor.u32 s23, v3;
	[tilespmem:v49+s22+$0x0] =	vst.idx.msk $0xffff, v48;
	v46 =	vld.idx.msk [tilespmem:v46+s21+$0x0], $0xffff  }
0x326: {  	[tilespmem:v37+s22+$0x0] =	vst.idx.msk $0xffff, v42;
	v37 =	vor.u32 v35, v23;
	v42 =	vor.u32 v17, v45;
	v48 =	vld.idx.msk [tilespmem:v55+s21+$0x0], $0xffff  }
0x327: {  	v55 =	vor.u32 v35, v52;
	v51 =	vld.idx.msk [tilespmem:v51+s21+$0x0], $0xffff;
	[tilespmem:v47+s22+$0x0] =	vst.idx.msk $0xffff, v33;
	v33 =	vor.u32 v30, v20  }
0x328: {  	v43 =	vshll.u32 v31, $0x7;
	v47 =	vor.u32 v24, v34;
	v34 =	vor.u32 v31, v20;
	v20 =	vmovc v22;
	v56 =	vld.idx.msk [tilespmem:v40+s21+$0x0], $0xffff  }
0x329: {  	v57 =	vor.u32 v29, v45;
	v30 =	vshll.u32 v30, $0x7;
	v22 =	vmovc v52;
	v40 =	vor.u32 s15, v9;
	[tilespmem:v44+s22+$0x0] =	vst.idx.msk $0xffff, v50  }
0x32a: {  	v45 =	vor.u32 v19, v30;
	v59 =	vor.u32 v40, v18;
	v58 =	vld.idx.msk [tilespmem:v39+s21+$0x0], $0xffff;
	[tilespmem:v38+s22+$0x0] =	vst.idx.msk $0xffff, v41  }
0x32b: {  	v35 =	vshll.u32 v35, $0x7;
	v49 =	vor.u32 v40, v20;
	v38 =	vshll.u32 v40, $0x7;
	v54 =	vld.idx.msk [tilespmem:v54+s21+$0x0], $0xffff;
	[tilespmem:v36+s22+$0x0] =	vst.idx.msk $0xffff, v46  }
0x32c: {  	v60 =	vor.u32 s23, v4;
	v44 =	vor.u32 v21, v35;
	[tilespmem:v53+s22+$0x0] =	vst.idx.msk $0xffff, v48;
	v52 =	vld.idx.msk [tilespmem:v33+s21+$0x0], $0xffff  }
.Ltmp11:
0x32d: {  	v40 =	vor.u32 v60, v23;
	v41 =	vshll.u32 v60, $0x7;
	v36 =	vor.u32 v26, v30;
	[tilespmem:v32+s22+$0x0] =	vst.idx.msk $0xffff, v51;
	(pc) =	sbr.rel @p0 .LBB2_19-.Ltmp11, $4  }
0x32e: {  	v46 =	vor.u32 s15, v10;
	v50 =	vld.idx.msk [tilespmem:v37+s21+$0x0], $0xffff;
	[tilespmem:v42+s22+$0x0] =	vst.idx.msk $0xffff, v56;
	v42 =	vor.u32 v17, v38  }
0x32f: {  	s7 =	sadd.s32 $0x20, s7;
	v39 =	vor.u32 v24, v35;
	v32 =	vor.u32 v46, v18;
	v37 =	vor.u32 v60, v22;
	v48 =	vld.idx.msk [tilespmem:v59+s21+$0x0], $0xffff  }
0x330: {  	s10 =	sand.u32 $0x60, s7;
	v35 =	vor.u32 v46, v20;
	v38 =	vor.u32 v29, v38;
	[tilespmem:v47+s22+$0x0] =	vst.idx.msk $0xffff, v58;
	v47 =	vld.idx.msk [tilespmem:v28+s21+$0x0], $0xffff  }
0x331: {  	s12 =	sor.u32 $0x10, s10;
	v33 =	vor.u32 v19, v43;
	v19 =	vmov v29;
	v28 =	vor.u32 s10, v0;
	v51 =	vld.idx.msk [tilespmem:v55+s21+$0x0], $0xffff;
	[tilespmem:v57+s22+$0x0] =	vst.idx.msk $0xffff, v54  }
0x332: {  	_ =	sdelay $0x3  }
0x333: {  	v29 =	vld.idx.msk [tilespmem:v27+s12+$0x0 ss:$0x1], $0xffff  }
0x334: {  	v62 =	vld.idx.msk [tilespmem:v27+s10+$0x0 ss:$0x1], $0xffff;
	_ =	sdelay $0x1  }
0x335: {  	s1 =	sadd.s32 $0x4, s5  }
0x336: {  	s5 =	sand.u32 $0x70, s1  }
0x337: {  	v53 =	vor.u32 s5, v0;
	v30 =	vshll.u32 v29, $0x7  }
0x338: {  	v29 =	vshll.u32 v62, $0x7;
	v54 =	vor.u32 v53, v30  }
0x339: {  	v55 =	vor.u32 v53, v29;
	_ =	sdelay $0x2  }
0x33a: {  	v27 =	vor.u32 s12, v0;
	v53 =	vshll.u32 v53, $0x7  }
0x33b: {  	v56 =	vor.u32 s5, v1;
	v57 =	vor.u32 v27, v53;
	v54 =	vld.idx.msk [tilespmem:v54+s21+$0x0], $0xffff  }
0x33c: {  	v58 =	vor.u32 v56, v30;
	v53 =	vor.u32 v28, v53;
	v55 =	vld.idx.msk [tilespmem:v55+s21+$0x0], $0xffff  }
0x33d: {  	v59 =	vor.u32 v56, v29;
	_ =	sdelay $0x2  }
0x33e: {  	v56 =	vshll.u32 v56, $0x7;
	[tilespmem:v57+s22+$0x0] =	vst.idx.msk $0xffff, v54  }
0x33f: {  	v54 =	vor.u32 s5, v2;
	[tilespmem:v53+s22+$0x0] =	vst.idx.msk $0xffff, v55;
	v53 =	vor.u32 v27, v56;
	v63 =	vld.idx.msk [tilespmem:v58+s21+$0x0], $0xffff  }
0x340: {  	v56 =	vor.u32 v28, v56;
	v60 =	vor.u32 v54, v30;
	v61 =	vld.idx.msk [tilespmem:v59+s21+$0x0], $0xffff  }
0x341: {  	v62 =	vor.u32 v54, v29;
	_ =	sdelay $0x2  }
0x342: {  	v54 =	vshll.u32 v54, $0x7;
	[tilespmem:v53+s22+$0x0] =	vst.idx.msk $0xffff, v63  }
0x343: {  	v55 =	vor.u32 v27, v54;
	v63 =	vor.u32 s5, v3;
	[tilespmem:v56+s22+$0x0] =	vst.idx.msk $0xffff, v61;
	v56 =	vld.idx.msk [tilespmem:v60+s21+$0x0], $0xffff  }
0x344: {  	v54 =	vor.u32 v28, v54;
	v60 =	vld.idx.msk [tilespmem:v62+s21+$0x0], $0xffff;
	v61 =	vor.u32 v63, v30  }
0x345: {  	v62 =	vor.u32 v63, v29;
	_ =	sdelay $0x1  }
0x346: {  	[tilespmem:v45+s22+$0x0] =	vst.idx.msk $0xffff, v52;
	v25 =	vor.u32 v31, v25;
	v31 =	vor.u32 v26, v43  }
0x347: {  	v26 =	vld.idx.msk [tilespmem:v49+s21+$0x0], $0xffff;
	v43 =	vor.u32 v21, v41;
	v63 =	vshll.u32 v63, $0x7;
	[tilespmem:v55+s22+$0x0] =	vst.idx.msk $0xffff, v56  }
0x348: {  	v49 =	vor.u32 s5, v4;
	[tilespmem:v54+s22+$0x0] =	vst.idx.msk $0xffff, v60;
	v60 =	vor.u32 v27, v63;
	v61 =	vld.idx.msk [tilespmem:v61+s21+$0x0], $0xffff  }
0x349: {  	[tilespmem:v44+s22+$0x0] =	vst.idx.msk $0xffff, v50;
	v44 =	vor.u32 v28, v63;
	v54 =	vld.idx.msk [tilespmem:v62+s21+$0x0], $0xffff;
	v62 =	vor.u32 v49, v30  }
0x34a: {  	v45 =	vor.u32 s23, v5;
	v46 =	vshll.u32 v46, $0x7;
	v34 =	vld.idx.msk [tilespmem:v34+s21+$0x0], $0xffff;
	[tilespmem:v42+s22+$0x0] =	vst.idx.msk $0xffff, v48;
	v63 =	vor.u32 v49, v29  }
0x34b: {  	v40 =	vld.idx.msk [tilespmem:v40+s21+$0x0], $0xffff;
	v48 =	vor.u32 v17, v46;
	v46 =	vor.u32 v19, v46;
	[tilespmem:v39+s22+$0x0] =	vst.idx.msk $0xffff, v51  }
0x34c: {  	[tilespmem:v36+s22+$0x0] =	vst.idx.msk $0xffff, v47;
	v37 =	vld.idx.msk [tilespmem:v37+s21+$0x0], $0xffff;
	v58 =	vor.u32 v45, v23;
	v56 =	vor.u32 v24, v41  }
0x34d: {  	v47 =	vld.idx.msk [tilespmem:v25+s21+$0x0], $0xffff;
	v59 =	vshll.u32 v49, $0x7;
	v53 =	vor.u32 v45, v22;
	[tilespmem:v60+s22+$0x0] =	vst.idx.msk $0xffff, v61  }
0x34e: {  	v49 =	vor.u32 s5, v5;
	[tilespmem:v44+s22+$0x0] =	vst.idx.msk $0xffff, v54;
	v44 =	vor.u32 v27, v59;
	v50 =	vld.idx.msk [tilespmem:v62+s21+$0x0], $0xffff  }
0x34f: {  	v39 =	vor.u32 s15, v11;
	v25 =	vor.u32 v28, v59;
	v60 =	vor.u32 v49, v30;
	v42 =	vld.idx.msk [tilespmem:v63+s21+$0x0], $0xffff  }
0x350: {  	v51 =	vor.u32 v39, v20;
	[tilespmem:v43+s22+$0x0] =	vst.idx.msk $0xffff, v40;
	v61 =	vshll.u32 v45, $0x7;
	v62 =	vor.u32 v49, v29  }
0x351: {  	v57 =	vor.u32 s23, v6;
	v36 =	vld.idx.msk [tilespmem:v58+s21+$0x0], $0xffff;
	[tilespmem:v56+s22+$0x0] =	vst.idx.msk $0xffff, v37;
	v63 =	vor.u32 v21, v61  }
0x352: {  	[tilespmem:v38+s22+$0x0] =	vst.idx.msk $0xffff, v26;
	v41 =	vor.u32 v57, v23;
	v53 =	vld.idx.msk [tilespmem:v53+s21+$0x0], $0xffff;
	v58 =	vor.u32 v24, v61  }
0x353: {  	v35 =	vld.idx.msk [tilespmem:v35+s21+$0x0], $0xffff;
	v59 =	vor.u32 v57, v22;
	v49 =	vshll.u32 v49, $0x7;
	[tilespmem:v44+s22+$0x0] =	vst.idx.msk $0xffff, v50  }
0x354: {  	v44 =	vor.u32 s5, v6;
	[tilespmem:v25+s22+$0x0] =	vst.idx.msk $0xffff, v42;
	v42 =	vor.u32 v27, v49;
	v38 =	vld.idx.msk [tilespmem:v60+s21+$0x0], $0xffff  }
0x355: {  	[tilespmem:v33+s22+$0x0] =	vst.idx.msk $0xffff, v34;
	v60 =	vor.u32 v28, v49;
	v61 =	vor.u32 v44, v30;
	v40 =	vld.idx.msk [tilespmem:v62+s21+$0x0], $0xffff  }
0x356: {  	v32 =	vld.idx.msk [tilespmem:v32+s21+$0x0], $0xffff;
	v45 =	vshll.u32 v57, $0x7;
	[tilespmem:v63+s22+$0x0] =	vst.idx.msk $0xffff, v36;
	v62 =	vor.u32 v44, v29  }
0x357: {  	v57 =	vor.u32 s23, v8;
	v63 =	vor.u32 v21, v45;
	[tilespmem:v58+s22+$0x0] =	vst.idx.msk $0xffff, v53;
	v41 =	vld.idx.msk [tilespmem:v41+s21+$0x0], $0xffff  }
0x358: {  	[tilespmem:v46+s22+$0x0] =	vst.idx.msk $0xffff, v35;
	v58 =	vor.u32 v57, v23;
	v45 =	vor.u32 v24, v45;
	v52 =	vld.idx.msk [tilespmem:v59+s21+$0x0], $0xffff  }
0x359: {  	v46 =	vld.idx.msk [tilespmem:v51+s21+$0x0], $0xffff;
	v59 =	vor.u32 v57, v22;
	v44 =	vshll.u32 v44, $0x7;
	[tilespmem:v42+s22+$0x0] =	vst.idx.msk $0xffff, v38  }
0x35a: {  	v38 =	vor.u32 s5, v8;
	[tilespmem:v60+s22+$0x0] =	vst.idx.msk $0xffff, v40;
	v60 =	vor.u32 v27, v44;
	v34 =	vld.idx.msk [tilespmem:v61+s21+$0x0], $0xffff  }
0x35b: {  	[tilespmem:v48+s22+$0x0] =	vst.idx.msk $0xffff, v32;
	v61 =	vor.u32 v28, v44;
	v36 =	vld.idx.msk [tilespmem:v62+s21+$0x0], $0xffff;
	v40 =	vor.u32 v38, v30  }
0x35c: {  	v37 =	vor.u32 v39, v18;
	[tilespmem:v63+s22+$0x0] =	vst.idx.msk $0xffff, v41;
	v62 =	vshll.u32 v57, $0x7;
	v63 =	vor.u32 v38, v29  }
0x35d: {  	v55 =	vor.u32 s23, v7;
	v39 =	vshll.u32 v39, $0x7;
	[tilespmem:v45+s22+$0x0] =	vst.idx.msk $0xffff, v52;
	v57 =	vld.idx.msk [tilespmem:v58+s21+$0x0], $0xffff;
	v56 =	vor.u32 v21, v62  }
0x35e: {  	v53 =	vor.u32 v17, v39;
	v58 =	vor.u32 v55, v23;
	v45 =	vld.idx.msk [tilespmem:v59+s21+$0x0], $0xffff;
	v42 =	vor.u32 v24, v62  }
0x35f: {  	v39 =	vor.u32 v19, v39;
	v59 =	vor.u32 v55, v22;
	v38 =	vshll.u32 v38, $0x7;
	[tilespmem:v60+s22+$0x0] =	vst.idx.msk $0xffff, v34  }
0x360: {  	v26 =	vor.u32 s15, v15;
	v60 =	vor.u32 s5, v7;
	[tilespmem:v61+s22+$0x0] =	vst.idx.msk $0xffff, v36;
	v61 =	vor.u32 v27, v38;
	v34 =	vld.idx.msk [tilespmem:v40+s21+$0x0], $0xffff  }
0x361: {  	[tilespmem:v31+s22+$0x0] =	vst.idx.msk $0xffff, v47;
	v62 =	vor.u32 v28, v38;
	v36 =	vld.idx.msk [tilespmem:v63+s21+$0x0], $0xffff;
	v63 =	vor.u32 v60, v30  }
0x362: {  	v32 =	vor.u32 s5, v9;
	v51 =	vshll.u32 v55, $0x7;
	v37 =	vld.idx.msk [tilespmem:v37+s21+$0x0], $0xffff;
	[tilespmem:v56+s22+$0x0] =	vst.idx.msk $0xffff, v57;
	v52 =	vor.u32 v60, v29  }
0x363: {  	v54 =	vor.u32 s15, v12;
	v55 =	vor.u32 v21, v51;
	v56 =	vor.u32 s23, v9;
	[tilespmem:v42+s22+$0x0] =	vst.idx.msk $0xffff, v45;
	v35 =	vld.idx.msk [tilespmem:v58+s21+$0x0], $0xffff  }
0x364: {  	[tilespmem:v39+s22+$0x0] =	vst.idx.msk $0xffff, v46;
	v40 =	vor.u32 v24, v51;
	v57 =	vor.u32 v56, v23;
	v58 =	vld.idx.msk [tilespmem:v59+s21+$0x0], $0xffff  }
0x365: {  	v25 =	vor.u32 v26, v18;
	v33 =	vshll.u32 v60, $0x7;
	v59 =	vor.u32 v56, v22;
	[tilespmem:v61+s22+$0x0] =	vst.idx.msk $0xffff, v34  }
0x366: {  	v49 =	vor.u32 v54, v18;
	v60 =	vor.u32 v27, v33;
	[tilespmem:v62+s22+$0x0] =	vst.idx.msk $0xffff, v36;
	v61 =	vld.idx.msk [tilespmem:v63+s21+$0x0], $0xffff  }
0x367: {  	[tilespmem:v53+s22+$0x0] =	vst.idx.msk $0xffff, v37;
	v33 =	vor.u32 v28, v33;
	v62 =	vor.u32 v32, v30;
	v41 =	vld.idx.msk [tilespmem:v52+s21+$0x0], $0xffff  }
0x368: {  	v31 =	vor.u32 s15, v14;
	v42 =	vor.u32 v54, v20;
	[tilespmem:v55+s22+$0x0] =	vst.idx.msk $0xffff, v35;
	v63 =	vor.u32 v32, v29  }
0x369: {  	v51 =	vor.u32 v31, v18;
	v47 =	vshll.u32 v56, $0x7;
	[tilespmem:v40+s22+$0x0] =	vst.idx.msk $0xffff, v58;
	v45 =	vld.idx.msk [tilespmem:v57+s21+$0x0], $0xffff  }
0x36a: {  	v56 =	vor.u32 v24, v47;
	v52 =	vor.u32 v21, v47;
	v55 =	vor.u32 s23, v10;
	v57 =	vld.idx.msk [tilespmem:v59+s21+$0x0], $0xffff  }
0x36b: {  	v32 =	vshll.u32 v32, $0x7;
	v58 =	vor.u32 v55, v23;
	v59 =	vor.u32 v55, v22;
	[tilespmem:v60+s22+$0x0] =	vst.idx.msk $0xffff, v61  }
0x36c: {  	v38 =	vshll.u32 v54, $0x7;
	[tilespmem:v33+s22+$0x0] =	vst.idx.msk $0xffff, v41;
	v60 =	vor.u32 s5, v10;
	v61 =	vor.u32 v27, v32;
	v36 =	vld.idx.msk [tilespmem:v62+s21+$0x0], $0xffff  }
0x36d: {  	v44 =	vor.u32 v17, v38;
	v32 =	vor.u32 v28, v32;
	v35 =	vld.idx.msk [tilespmem:v63+s21+$0x0], $0xffff;
	v62 =	vor.u32 v60, v30  }
0x36e: {  	v43 =	vld.idx.msk [tilespmem:v49+s21+$0x0], $0xffff;
	v38 =	vor.u32 v19, v38;
	v39 =	vshll.u32 v55, $0x7;
	v53 =	vor.u32 v60, v29  }
0x36f: {  	v55 =	vor.u32 s23, v11;
	v40 =	vor.u32 v21, v39;
	v63 =	vld.idx.msk [tilespmem:v42+s21+$0x0], $0xffff;
	[tilespmem:v56+s22+$0x0] =	vst.idx.msk $0xffff, v57  }
0x370: {  	v39 =	vor.u32 v24, v39;
	[tilespmem:v52+s22+$0x0] =	vst.idx.msk $0xffff, v45;
	v56 =	vor.u32 v55, v22;
	v48 =	vld.idx.msk [tilespmem:v59+s21+$0x0], $0xffff  }
0x371: {  	v57 =	vor.u32 v55, v23;
	v33 =	vshll.u32 v60, $0x7;
	v47 =	vld.idx.msk [tilespmem:v58+s21+$0x0], $0xffff;
	[tilespmem:v61+s22+$0x0] =	vst.idx.msk $0xffff, v36  }
0x372: {  	v58 =	vor.u32 v27, v33;
	[tilespmem:v32+s22+$0x0] =	vst.idx.msk $0xffff, v35;
	v32 =	vor.u32 s5, v11;
	v59 =	vld.idx.msk [tilespmem:v62+s21+$0x0], $0xffff  }
0x373: {  	[tilespmem:v44+s22+$0x0] =	vst.idx.msk $0xffff, v43;
	v33 =	vor.u32 v28, v33;
	v60 =	vor.u32 v32, v30;
	v42 =	vld.idx.msk [tilespmem:v53+s21+$0x0], $0xffff  }
0x374: {  	v54 =	vor.u32 v31, v20;
	[tilespmem:v38+s22+$0x0] =	vst.idx.msk $0xffff, v63;
	v61 =	vshll.u32 v55, $0x7;
	v62 =	vor.u32 v32, v29  }
0x375: {  	v43 =	vor.u32 v26, v20;
	v63 =	vor.u32 s23, v12;
	v49 =	vor.u32 v21, v61;
	[tilespmem:v39+s22+$0x0] =	vst.idx.msk $0xffff, v48  }
0x376: {  	v38 =	vor.u32 v24, v61;
	v39 =	vor.u32 v63, v22;
	[tilespmem:v40+s22+$0x0] =	vst.idx.msk $0xffff, v47;
	v56 =	vld.idx.msk [tilespmem:v56+s21+$0x0], $0xffff  }
0x377: {  	v32 =	vshll.u32 v32, $0x7;
	v46 =	vld.idx.msk [tilespmem:v57+s21+$0x0], $0xffff;
	v57 =	vor.u32 v63, v23;
	[tilespmem:v58+s22+$0x0] =	vst.idx.msk $0xffff, v59  }
0x378: {  	v31 =	vshll.u32 v31, $0x7;
	v58 =	vor.u32 s5, v12;
	v59 =	vor.u32 v27, v32;
	[tilespmem:v33+s22+$0x0] =	vst.idx.msk $0xffff, v42;
	v60 =	vld.idx.msk [tilespmem:v60+s21+$0x0], $0xffff  }
0x379: {  	v44 =	vor.u32 s23, v14;
	v32 =	vor.u32 v28, v32;
	v61 =	vor.u32 v58, v30;
	v41 =	vld.idx.msk [tilespmem:v62+s21+$0x0], $0xffff  }
0x37a: {  	v52 =	vor.u32 v44, v23;
	v36 =	vor.u32 v17, v31;
	v62 =	vor.u32 v58, v29  }
0x37b: {  	v31 =	vor.u32 v19, v31;
	v45 =	vld.idx.msk [tilespmem:v54+s21+$0x0], $0xffff;
	v63 =	vshll.u32 v63, $0x7;
	[tilespmem:v38+s22+$0x0] =	vst.idx.msk $0xffff, v56  }
0x37c: {  	v55 =	vor.u32 v21, v63;
	v56 =	vor.u32 v24, v63;
	[tilespmem:v49+s22+$0x0] =	vst.idx.msk $0xffff, v46;
	v39 =	vld.idx.msk [tilespmem:v39+s21+$0x0], $0xffff  }
0x37d: {  	v35 =	vshll.u32 v58, $0x7;
	v46 =	vld.idx.msk [tilespmem:v57+s21+$0x0], $0xffff;
	v57 =	vor.u32 v44, v22;
	[tilespmem:v59+s22+$0x0] =	vst.idx.msk $0xffff, v60  }
0x37e: {  	v34 =	vor.u32 s15, v16;
	v58 =	vor.u32 s5, v14;
	v59 =	vor.u32 v27, v35;
	[tilespmem:v32+s22+$0x0] =	vst.idx.msk $0xffff, v41;
	v60 =	vld.idx.msk [tilespmem:v61+s21+$0x0], $0xffff  }
0x37f: {  	v20 =	vor.u32 v34, v20;
	v35 =	vor.u32 v28, v35;
	v61 =	vld.idx.msk [tilespmem:v62+s21+$0x0], $0xffff;
	v62 =	vor.u32 v58, v30  }
0x380: {  	v18 =	vor.u32 v34, v18;
	[tilespmem:v31+s22+$0x0] =	vst.idx.msk $0xffff, v45;
	v31 =	vor.u32 s23, v15;
	v63 =	vor.u32 v58, v29  }
0x381: {  	v42 =	vld.idx.msk [tilespmem:v51+s21+$0x0], $0xffff;
	v50 =	vor.u32 v31, v23;
	v44 =	vshll.u32 v44, $0x7;
	[tilespmem:v56+s22+$0x0] =	vst.idx.msk $0xffff, v39  }
0x382: {  	v33 =	vshll.u32 v58, $0x7;
	v51 =	vor.u32 v24, v44;
	[tilespmem:v55+s22+$0x0] =	vst.idx.msk $0xffff, v46;
	v53 =	vld.idx.msk [tilespmem:v57+s21+$0x0], $0xffff  }
0x383: {  	v39 =	vor.u32 v21, v44;
	v55 =	vor.u32 v31, v22;
	v54 =	vld.idx.msk [tilespmem:v52+s21+$0x0], $0xffff;
	[tilespmem:v59+s22+$0x0] =	vst.idx.msk $0xffff, v60  }
0x384: {  	v26 =	vshll.u32 v26, $0x7;
	v56 =	vor.u32 s5, v15;
	v57 =	vor.u32 v27, v33;
	[tilespmem:v35+s22+$0x0] =	vst.idx.msk $0xffff, v61;
	v58 =	vld.idx.msk [tilespmem:v62+s21+$0x0], $0xffff  }
0x385: {  	v49 =	vor.u32 v19, v26;
	v33 =	vor.u32 v28, v33;
	v60 =	vor.u32 v56, v30;
	v59 =	vld.idx.msk [tilespmem:v63+s21+$0x0], $0xffff  }
0x386: {  	v43 =	vld.idx.msk [tilespmem:v43+s21+$0x0], $0xffff;
	[tilespmem:v36+s22+$0x0] =	vst.idx.msk $0xffff, v42;
	v31 =	vshll.u32 v31, $0x7;
	v62 =	vor.u32 v56, v29  }
0x387: {  	v26 =	vor.u32 v17, v26;
	v25 =	vld.idx.msk [tilespmem:v25+s21+$0x0], $0xffff;
	v48 =	vor.u32 v24, v31;
	[tilespmem:v51+s22+$0x0] =	vst.idx.msk $0xffff, v53  }
0x388: {  	v31 =	vor.u32 v21, v31;
	v32 =	vshll.u32 v56, $0x7;
	v61 =	vor.u32 s23, v16;
	[tilespmem:v39+s22+$0x0] =	vst.idx.msk $0xffff, v54;
	v51 =	vld.idx.msk [tilespmem:v55+s21+$0x0], $0xffff  }
0x389: {  	v63 =	vor.u32 v61, v22;
	v53 =	vor.u32 v61, v23;
	v52 =	vld.idx.msk [tilespmem:v50+s21+$0x0], $0xffff;
	[tilespmem:v57+s22+$0x0] =	vst.idx.msk $0xffff, v58  }
0x38a: {  	v34 =	vshll.u32 v34, $0x7;
	v54 =	vor.u32 s5, v16;
	v55 =	vor.u32 v27, v32;
	[tilespmem:v33+s22+$0x0] =	vst.idx.msk $0xffff, v59;
	v56 =	vld.idx.msk [tilespmem:v60+s21+$0x0], $0xffff  }
0x38b: {  	[tilespmem:v49+s22+$0x0] =	vst.idx.msk $0xffff, v43;
	v30 =	vor.u32 v54, v30;
	v32 =	vor.u32 v28, v32;
	v36 =	vld.idx.msk [tilespmem:v62+s21+$0x0], $0xffff  }
0x38c: {  	v19 =	vor.u32 v19, v34;
	v20 =	vld.idx.msk [tilespmem:v20+s21+$0x0], $0xffff;
	[tilespmem:v26+s22+$0x0] =	vst.idx.msk $0xffff, v25;
	v57 =	vor.u32 v54, v29  }
0x38d: {  	v17 =	vor.u32 v17, v34;
	v18 =	vld.idx.msk [tilespmem:v18+s21+$0x0], $0xffff;
	v58 =	vshll.u32 v61, $0x7;
	[tilespmem:v48+s22+$0x0] =	vst.idx.msk $0xffff, v51  }
0x38e: {  	v59 =	vor.u32 v24, v58;
	[tilespmem:v31+s22+$0x0] =	vst.idx.msk $0xffff, v52;
	v22 =	vld.idx.msk [tilespmem:v63+s21+$0x0], $0xffff  }
0x38f: {  	v61 =	vshll.u32 v54, $0x7;
	v60 =	vor.u32 v21, v58;
	v23 =	vld.idx.msk [tilespmem:v53+s21+$0x0], $0xffff;
	[tilespmem:v55+s22+$0x0] =	vst.idx.msk $0xffff, v56  }
0x390: {  	s0 =	sshll.u32 s0, $0x4;
	v27 =	vor.u32 v27, v61;
	[tilespmem:v32+s22+$0x0] =	vst.idx.msk $0xffff, v36;
	v62 =	vld.idx.msk [tilespmem:v30+s21+$0x0], $0xffff  }
0x391: {  	s0 =	sand.u32 $0x70, s0;
	[tilespmem:v19+s22+$0x0] =	vst.idx.msk $0xffff, v20;
	v19 =	vor.u32 v28, v61;
	v63 =	vld.idx.msk [tilespmem:v57+s21+$0x0], $0xffff  }
0x392: {  	p0 =	seq.s32 s30, $0x1F;
	s0 =	smul.u32 $0x41000, s0;
	[tilespmem:v17+s22+$0x0] =	vst.idx.msk $0xffff, v18  }
.Ltmp12:
0x393: {  	s28 =	sshll.u32 s3, $0xA;
	[tilespmem:v59+s22+$0x0] =	vst.idx.msk $0xffff, v22;
	(pc) =	sbr.rel @p0 .LBB2_24-.Ltmp12, $4  }
0x394: {  	s0 =	sadd.s32 s28, s0;
	[tilespmem:v60+s22+$0x0] =	vst.idx.msk $0xffff, v23  }
0x395: {  	s29 =	rddreg [dreg:$0x2];
	s0 =	sshrl.u32 s0, $0x3;
	[tilespmem:v27+s22+$0x0] =	vst.idx.msk $0xffff, v62  }
0x396: {  	s0 =	sadd.s32 s29, s0;
	[tilespmem:v19+s22+$0x0] =	vst.idx.msk $0xffff, v63  }
0x397: {  	[hbm4b:s0+s19] =	stream.strided.scatter [tilespmem:s22], [sflag:$0x2], $0x4000, s20, s19, $0x38;
	[tilespmem:$0x18600] =	vst v63  }
0x398: {  	s1 =	sadd.s32 $0x3, s31  }
0x399: {  	s0 =	sshrl.u32 s1, $0x3  }
0x39a: {  	s0 =	ssub.s32 s0, s6  }
0x39b: {  	s0 =	smul.u32 $0x60, s0;
	_ =	sdelay $0x1  }
0x39c: {  	s0 =	sshra.s32 s0, $0x2  }
0x39d: {  	v17 =	vld [tilespmem:s0+$0x0];
	_ =	sdelay $0x4  }
0x39e: {  	(v2sf) =	vpush v17, $0x0;
	_ =	sdelay $0x1  }
0x39f: {  	(v2sf) =	vpush v17, $0x2  }
0x3a0: {  	(v2sf) =	vpush v17, $0x3  }
0x3a1: {  	(v2sf) =	vpush v17, $0x4  }
0x3a2: {  	(v2sf) =	vpush v17, $0x5  }
0x3a3: {  	(v2sf) =	vpush v17, $0x6  }
0x3a4: {  	(v2sf) =	vpush v17, $0x7  }
0x3a5: {  	(v2sf) =	vpush v17, $0x8  }
0x3a6: {  	(v2sf) =	vpush v17, $0x9  }
0x3a7: {  	(v2sf) =	vpush v17, $0xA  }
0x3a8: {  	v18 =	vld [tilespmem:s0+$0x10];
	(v2sf) =	vpush v17, $0xB  }
0x3a9: {  	(v2sf) =	vpush v17, $0xC  }
0x3aa: {  	(v2sf) =	vpush v17, $0xD  }
0x3ab: {  	(v2sf) =	vpush v17, $0xE  }
0x3ac: {  	s0 =	spop (v2sf);
	(v2sf) =	vpush v17, $0xF  }
0x3ad: {  	(v2sf) =	vpush v18, $0x0;
	p0 =	slt.s32 s0, $0x1  }
0x3ae: {  	s2 =	spop (v2sf);
	(v2sf) =	vpush @!p0 v17, $0x1  }
0x3af: {  	s4 =	spop (v2sf)  }
0x3b0: {  	s9 =	spop (v2sf)  }
0x3b1: {  	s11 =	spop (v2sf)  }
0x3b2: {  	s25 =	spop (v2sf)  }
0x3b3: {  	s24 =	spop (v2sf)  }
0x3b4: {  	s14 =	spop (v2sf)  }
0x3b5: {  	s10 =	spop (v2sf)  }
0x3b6: {  	s23 =	spop (v2sf)  }
0x3b7: {  	s13 =	spop (v2sf)  }
0x3b8: {  	s12 =	spop (v2sf)  }
0x3b9: {  	s15 =	spop (v2sf)  }
0x3ba: {  	s8 =	spop (v2sf)  }
0x3bb: {  	s7 =	spop (v2sf)  }
0x3bc: {  	s3 =	spop (v2sf)  }
0x3bd: {  	s5 =	spop @!p0 (v2sf)  }
0x3be: {  	s1 =	sshll.u32 @!p0 s1, $0x7;
	s5 =	sshll.u32 @!p0 s5, $0x7  }
0x3bf: {  	s1 =	sand.u32 @!p0 $0x380, s1;
	s26 =	sand.u32 @!p0 $0xFFFFC00, s5;
	s5 =	rddreg [dreg:$0x0]  }
0x3c0: {  	s28 =	simm.s32 @!p0 $0x2000;
	s29 =	simm.s32 @!p0 $0x8600;
	s5 =	sadd.s32 @!p0 s5, s1  }
0x3c1: {  	p1 =	seq.s32 @!p0 s0, $0x1;
	s1 =	sadd.s32 @!p0 s26, s5;
	s26 =	simm.s32 @!p0 $0x400  }
0x3c2: {  	[tilespmem:s29], [sflag:$0x1] =	stream.strided.gather @!p0 [hbm4b:s1+s26], $0x800, s28, s26, $0x38;
	[tilespmem:$0x18600] =	vst v63  }
0x3c3: {  	p0 =	por p0, p1  }
0x3c4: {  	s1 =	sshll.u32 @!p0 s2, $0x7  }
0x3c5: {  	s2 =	simm.s32 @!p0 $0x400;
	s26 =	simm.s32 @!p0 $0x2000;
	s1 =	sand.u32 @!p0 $0xFFFFC00, s1  }
0x3c6: {  	s28 =	simm.s32 @!p0 $0x8E00;
	p1 =	slt.u32 @!p0 s0, $0x3;
	s1 =	sadd.s32 @!p0 s1, s5  }
0x3c7: {  	[tilespmem:s28], [sflag:$0x1] =	stream.strided.gather @!p0 [hbm4b:s1+s2], $0x800, s26, s2, $0x38;
	[tilespmem:$0x18600] =	vst v63  }
0x3c8: {  	p0 =	por p0, p1  }
0x3c9: {  	s1 =	sshll.u32 @!p0 s4, $0x7  }
0x3ca: {  	s2 =	simm.s32 @!p0 $0x400;
	s4 =	simm.s32 @!p0 $0x2000;
	s1 =	sand.u32 @!p0 $0xFFFFC00, s1  }
0x3cb: {  	s26 =	simm.s32 @!p0 $0x9600;
	p1 =	seq.s32 @!p0 s0, $0x3;
	s1 =	sadd.s32 @!p0 s1, s5  }
0x3cc: {  	[tilespmem:s26], [sflag:$0x1] =	stream.strided.gather @!p0 [hbm4b:s1+s2], $0x800, s4, s2, $0x38;
	[tilespmem:$0x18600] =	vst v63  }
0x3cd: {  	p0 =	por p0, p1  }
0x3ce: {  	s1 =	sshll.u32 @!p0 s9, $0x7  }
0x3cf: {  	s2 =	simm.s32 @!p0 $0x400;
	s4 =	simm.s32 @!p0 $0x2000;
	s1 =	sand.u32 @!p0 $0xFFFFC00, s1  }
0x3d0: {  	s9 =	simm.s32 @!p0 $0x9E00;
	p1 =	slt.u32 @!p0 s0, $0x5;
	s1 =	sadd.s32 @!p0 s1, s5  }
0x3d1: {  	[tilespmem:s9], [sflag:$0x1] =	stream.strided.gather @!p0 [hbm4b:s1+s2], $0x800, s4, s2, $0x38;
	[tilespmem:$0x18600] =	vst v63  }
0x3d2: {  	p0 =	por p0, p1  }
0x3d3: {  	s1 =	sshll.u32 @!p0 s11, $0x7  }
0x3d4: {  	s2 =	simm.s32 @!p0 $0x400;
	s4 =	simm.s32 @!p0 $0x2000;
	s1 =	sand.u32 @!p0 $0xFFFFC00, s1  }
0x3d5: {  	s9 =	simm.s32 @!p0 $0xA600;
	p1 =	seq.s32 @!p0 s0, $0x5;
	s1 =	sadd.s32 @!p0 s1, s5  }
0x3d6: {  	[tilespmem:s9], [sflag:$0x1] =	stream.strided.gather @!p0 [hbm4b:s1+s2], $0x800, s4, s2, $0x38;
	[tilespmem:$0x18600] =	vst v63  }
0x3d7: {  	p0 =	por p0, p1  }
0x3d8: {  	s1 =	sshll.u32 @!p0 s25, $0x7  }
0x3d9: {  	s2 =	simm.s32 @!p0 $0x400;
	s4 =	simm.s32 @!p0 $0x2000;
	s1 =	sand.u32 @!p0 $0xFFFFC00, s1  }
0x3da: {  	s9 =	simm.s32 @!p0 $0xAE00;
	p1 =	slt.u32 @!p0 s0, $0x7;
	s1 =	sadd.s32 @!p0 s1, s5  }
0x3db: {  	[tilespmem:s9], [sflag:$0x1] =	stream.strided.gather @!p0 [hbm4b:s1+s2], $0x800, s4, s2, $0x38;
	[tilespmem:$0x18600] =	vst v63  }
0x3dc: {  	p0 =	por p0, p1  }
0x3dd: {  	s1 =	sshll.u32 @!p0 s24, $0x7  }
0x3de: {  	s2 =	simm.s32 @!p0 $0x400;
	s4 =	simm.s32 @!p0 $0x2000;
	s1 =	sand.u32 @!p0 $0xFFFFC00, s1  }
0x3df: {  	s9 =	simm.s32 @!p0 $0xB600;
	p1 =	seq.s32 @!p0 s0, $0x7;
	s1 =	sadd.s32 @!p0 s1, s5  }
0x3e0: {  	[tilespmem:s9], [sflag:$0x1] =	stream.strided.gather @!p0 [hbm4b:s1+s2], $0x800, s4, s2, $0x38;
	[tilespmem:$0x18600] =	vst v63  }
0x3e1: {  	p0 =	por p0, p1  }
0x3e2: {  	s1 =	sshll.u32 @!p0 s14, $0x7  }
0x3e3: {  	s2 =	simm.s32 @!p0 $0x400;
	s4 =	simm.s32 @!p0 $0x2000;
	s1 =	sand.u32 @!p0 $0xFFFFC00, s1  }
0x3e4: {  	s9 =	simm.s32 @!p0 $0xBE00;
	p1 =	slt.u32 @!p0 s0, $0x9;
	s1 =	sadd.s32 @!p0 s1, s5  }
0x3e5: {  	[tilespmem:s9], [sflag:$0x1] =	stream.strided.gather @!p0 [hbm4b:s1+s2], $0x800, s4, s2, $0x38;
	[tilespmem:$0x18600] =	vst v63  }
0x3e6: {  	p0 =	por p0, p1  }
0x3e7: {  	s1 =	sshll.u32 @!p0 s10, $0x7  }
0x3e8: {  	s2 =	simm.s32 @!p0 $0x400;
	s4 =	simm.s32 @!p0 $0x2000;
	s1 =	sand.u32 @!p0 $0xFFFFC00, s1  }
0x3e9: {  	s9 =	simm.s32 @!p0 $0xC600;
	p1 =	seq.s32 @!p0 s0, $0x9;
	s1 =	sadd.s32 @!p0 s1, s5  }
0x3ea: {  	[tilespmem:s9], [sflag:$0x1] =	stream.strided.gather @!p0 [hbm4b:s1+s2], $0x800, s4, s2, $0x38;
	[tilespmem:$0x18600] =	vst v63  }
0x3eb: {  	p0 =	por p0, p1  }
0x3ec: {  	s1 =	sshll.u32 @!p0 s23, $0x7  }
0x3ed: {  	s2 =	simm.s32 @!p0 $0x400;
	s4 =	simm.s32 @!p0 $0x2000;
	s1 =	sand.u32 @!p0 $0xFFFFC00, s1  }
0x3ee: {  	s9 =	simm.s32 @!p0 $0xCE00;
	p1 =	slt.u32 @!p0 s0, $0xB;
	s1 =	sadd.s32 @!p0 s1, s5  }
0x3ef: {  	[tilespmem:s9], [sflag:$0x1] =	stream.strided.gather @!p0 [hbm4b:s1+s2], $0x800, s4, s2, $0x38;
	[tilespmem:$0x18600] =	vst v63  }
0x3f0: {  	p0 =	por p0, p1  }
0x3f1: {  	s1 =	sshll.u32 @!p0 s13, $0x7  }
0x3f2: {  	s2 =	simm.s32 @!p0 $0x400;
	s4 =	simm.s32 @!p0 $0x2000;
	s1 =	sand.u32 @!p0 $0xFFFFC00, s1  }
0x3f3: {  	s9 =	simm.s32 @!p0 $0xD600;
	p1 =	seq.s32 @!p0 s0, $0xB;
	s1 =	sadd.s32 @!p0 s1, s5  }
0x3f4: {  	[tilespmem:s9], [sflag:$0x1] =	stream.strided.gather @!p0 [hbm4b:s1+s2], $0x800, s4, s2, $0x38;
	[tilespmem:$0x18600] =	vst v63  }
0x3f5: {  	p0 =	por p0, p1  }
.Ltmp13:
0x3f6: {  	_ = 	snop;
	(pc) =	sbr.rel @p0 .LBB2_23-.Ltmp13, $1  }
0x3f7: {  	_ =	sdelay $0x3  }
0x3f8: {  	s1 =	sshll.u32 s12, $0x7  }
0x3f9: {  	s2 =	simm.s32 $0x2000;
	s1 =	sand.u32 $0xFFFFC00, s1  }
0x3fa: {  	s4 =	simm.s32 $0xDE00;
	p0 =	slt.u32 s0, $0xD;
	s1 =	sadd.s32 s1, s5  }
0x3fb: {  	[tilespmem:s4], [sflag:$0x1] =	stream.strided.gather [hbm4b:s1+s19], $0x800, s2, s19, $0x38;
	[tilespmem:$0x18600] =	vst v63  }
0x3fc: {  	s9 =	simm.s32 @!p0 $0xE600;
	p1 =	seq.s32 @!p0 s0, $0xD;
	s1 =	sshll.u32 @!p0 s15, $0x7  }
0x3fd: {  	p2 =	por p1, p0;
	s2 =	simm.s32 @!p0 $0x400;
	s1 =	sand.u32 @!p0 $0xFFFFC00, s1  }
0x3fe: {  	s4 =	simm.s32 @!p0 $0x2000;
	p3 =	slt.u32 @!p2 s0, $0xF;
	s1 =	sadd.s32 @!p0 s1, s5  }
0x3ff: {  	[tilespmem:s9], [sflag:$0x1] =	stream.strided.gather @!p0 [hbm4b:s1+s2], $0x800, s4, s2, $0x38;
	[tilespmem:$0x18600] =	vst v63  }
0x400: {  	p4 =	por @!p0 p3, p1;
	s1 =	sshll.u32 @!p2 s8, $0x7  }
0x401: {  	p4 =	por p4, p0;
	s2 =	simm.s32 @!p2 $0x400;
	s1 =	sand.u32 @!p2 $0xFFFFC00, s1  }
0x402: {  	s4 =	simm.s32 @!p2 $0x2000;
	s8 =	simm.s32 @!p2 $0xEE00;
	s1 =	sadd.s32 @!p2 s1, s5  }
0x403: {  	[tilespmem:s8], [sflag:$0x1] =	stream.strided.gather @!p2 [hbm4b:s1+s2], $0x800, s4, s2, $0x38;
	[tilespmem:$0x18600] =	vst v63  }
0x404: {  	s1 =	sshll.u32 @!p4 s7, $0x7  }
0x405: {  	s2 =	simm.s32 @!p4 $0x400;
	s1 =	sand.u32 @!p4 $0xFFFFC00, s1  }
0x406: {  	s4 =	simm.s32 @!p4 $0x2000;
	s7 =	simm.s32 @!p4 $0xF600;
	s1 =	sadd.s32 @!p4 s1, s5  }
0x407: {  	[tilespmem:s7], [sflag:$0x1] =	stream.strided.gather @!p4 [hbm4b:s1+s2], $0x800, s4, s2, $0x38;
	[tilespmem:$0x18600] =	vst v63  }
0x408: {  	p4 =	seq.s32 @!p4 s0, $0xF  }
0x409: {  	p2 =	por @!p2 p4, p3  }
0x40a: {  	p1 =	por @!p0 p2, p1  }
.Ltmp14:
0x40b: {  	p0 =	por p1, p0;
	(pc) =	sbr.rel .LBB2_23-.Ltmp14, $4  }
0x40c: {  	s0 =	sshll.u32 @!p0 s3, $0x7  }
0x40d: {  	s1 =	simm.s32 @!p0 $0x400;
	s0 =	sand.u32 @!p0 $0xFFFFC00, s0  }
0x40e: {  	s2 =	simm.s32 @!p0 $0x2000;
	s3 =	simm.s32 @!p0 $0xFE00;
	s0 =	sadd.s32 @!p0 s0, s5  }
0x40f: {  	[tilespmem:s3], [sflag:$0x1] =	stream.strided.gather @!p0 [hbm4b:s0+s1], $0x800, s2, s1, $0x38;
	[tilespmem:$0x18600] =	vst v63  }
.LBB2_24:
0x410: {  	s0 =	simm.s32 $0xC0  }
0x411: {  	v17 =	vld [tilespmem:s0+$0x0];
	_ =	sdelay $0x4  }
0x412: {  	(v2sf) =	vpush v17, $0x0;
	_ =	sdelay $0xe  }
0x413: {  	s0 =	spop (v2sf)  }
0x414: {  	p0 =	slt.s32 s0, $0x1  }
.Ltmp15:
0x415: {  	_ = 	snop;
	(pc) =	sbr.rel @p0 .LBB2_28-.Ltmp15, $2  }
0x416: {  	_ =	sdelay $0x2  }
0x417: {  	s4 =	simm.s32 $0x2  }
0x418: {  	p0 =	sne.s32 s0, $0x1  }
.Ltmp16:
0x419: {  	_ = 	snop;
	(pc) =	sbr.rel @!p0 .LBB2_27-.Ltmp16, $3  }
0x41a: {  	_ =	sdelay $0x1  }
0x41b: {  	_ =	swait.ge [sflag:s16], $0x800  }
0x41c: {  	s0 =	sadd.s32 $0xFFFFFFFF, s0;
	[sflag:s16] =	ssyncset.done $0x0  }
.LBB2_26:
0x41d: {  	p0 =	sne.s32 s0, $0x1;
	s0 =	sadd.s32 $0xFFFFFFFF, s0;
	[sflag:s16] =	ssyncadd.s32 $0xFFFFF800  }
.Ltmp17:
0x41e: {  	(pc) =	sbr.rel @p0 .LBB2_26-.Ltmp17, $3  }
0x41f: {  	_ =	sdelay $0x1  }
0x420: {  	_ =	swait.ge [sflag:s16], $0x800  }
0x421: {  	[sflag:s16] =	ssyncset.done $0x0  }
.LBB2_27:
0x422: {  	[sflag:s16] =	ssyncadd.s32 $0xFFFFF800  }
.LBB2_28:
0x423: {  	_ = 	snop  }
0x424: {  	_ =	swait.ge [sflag:s4], $0x4000  }
0x425: {  	s0 =	simm.s32 $0x0;
	[sflag:s4] =	ssyncset.done $0x0  }
0x426: {  	s1 =	sand.u32 $0x60, s0;
	[sflag:s4] =	ssyncadd.s32 $0xFFFFC000  }
0x427: {  	s2 =	sor.u32 $0x10, s1;
	v17 =	vld.idx.msk [tilespmem:v13+s1+$0x0 ss:$0x1], $0xffff  }
0x428: {  	v18 =	vld.idx.msk [tilespmem:v13+s2+$0x0 ss:$0x1], $0xffff;
	_ =	sdelay $0x2  }
0x429: {  	s7 =	sand.u32 $0x70, s0  }
0x42a: {  	v19 =	vor.u32 s7, v0;
	v25 =	vshll.u32 v17, $0x7  }
0x42b: {  	v27 =	vshll.u32 v18, $0x7;
	v17 =	vor.u32 v19, v25  }
0x42c: {  	v18 =	vor.u32 v19, v27;
	_ =	sdelay $0x2  }
0x42d: {  	v26 =	vor.u32 s1, v0;
	v19 =	vshll.u32 v19, $0x7  }
0x42e: {  	v21 =	vor.u32 s7, v1;
	v28 =	vor.u32 s2, v0;
	v20 =	vor.u32 v26, v19;
	v17 =	vld.idx.msk [tilespmem:v17+s17+$0x0], $0xffff  }
0x42f: {  	v22 =	vor.u32 v21, v25;
	v19 =	vor.u32 v28, v19;
	v18 =	vld.idx.msk [tilespmem:v18+s17+$0x0], $0xffff  }
0x430: {  	v23 =	vor.u32 v21, v27;
	_ =	sdelay $0x2  }
0x431: {  	v21 =	vshll.u32 v21, $0x7;
	[tilespmem:v20+s18+$0x0] =	vst.idx.msk $0xffff, v17  }
0x432: {  	v17 =	vor.u32 v26, v21;
	v20 =	vor.u32 s7, v2;
	[tilespmem:v19+s18+$0x0] =	vst.idx.msk $0xffff, v18;
	v22 =	vld.idx.msk [tilespmem:v22+s17+$0x0], $0xffff  }
0x433: {  	v18 =	vor.u32 v28, v21;
	v24 =	vor.u32 v20, v25;
	v19 =	vld.idx.msk [tilespmem:v23+s17+$0x0], $0xffff  }
0x434: {  	v21 =	vor.u32 v20, v27;
	_ =	sdelay $0x2  }
0x435: {  	v20 =	vshll.u32 v20, $0x7;
	[tilespmem:v17+s18+$0x0] =	vst.idx.msk $0xffff, v22  }
0x436: {  	v17 =	vor.u32 v26, v20;
	v22 =	vor.u32 s7, v3;
	[tilespmem:v18+s18+$0x0] =	vst.idx.msk $0xffff, v19;
	v23 =	vld.idx.msk [tilespmem:v24+s17+$0x0], $0xffff  }
0x437: {  	v18 =	vor.u32 v28, v20;
	v24 =	vor.u32 v22, v25;
	v19 =	vld.idx.msk [tilespmem:v21+s17+$0x0], $0xffff  }
0x438: {  	v20 =	vor.u32 v22, v27;
	_ =	sdelay $0x2  }
0x439: {  	v21 =	vshll.u32 v22, $0x7;
	[tilespmem:v17+s18+$0x0] =	vst.idx.msk $0xffff, v23  }
0x43a: {  	v22 =	vor.u32 s7, v4;
	v17 =	vor.u32 v26, v21;
	[tilespmem:v18+s18+$0x0] =	vst.idx.msk $0xffff, v19;
	v23 =	vld.idx.msk [tilespmem:v24+s17+$0x0], $0xffff  }
0x43b: {  	s25 =	simm.s32 $0x20;
	v18 =	vor.u32 v28, v21;
	v24 =	vor.u32 v22, v25;
	v19 =	vld.idx.msk [tilespmem:v20+s17+$0x0], $0xffff  }
0x43c: {  	s26 =	sand.u32 $0x60, s25;
	v20 =	vor.u32 v22, v27  }
0x43d: {  	s28 =	sor.u32 $0x10, s26  }
0x43e: {  	v29 =	vld.idx.msk [tilespmem:v13+s28+$0x0 ss:$0x1], $0xffff  }
0x43f: {  	v21 =	vshll.u32 v22, $0x7;
	[tilespmem:v17+s18+$0x0] =	vst.idx.msk $0xffff, v23;
	v17 =	vld.idx.msk [tilespmem:v13+s26+$0x0 ss:$0x1], $0xffff  }
0x440: {  	v22 =	vor.u32 v26, v21;
	v23 =	vor.u32 s7, v5;
	[tilespmem:v18+s18+$0x0] =	vst.idx.msk $0xffff, v19;
	v24 =	vld.idx.msk [tilespmem:v24+s17+$0x0], $0xffff  }
0x441: {  	v19 =	vor.u32 v28, v21;
	v30 =	vor.u32 v23, v25;
	v21 =	vld.idx.msk [tilespmem:v20+s17+$0x0], $0xffff  }
0x442: {  	s29 =	simm.s32 $0x4;
	v31 =	vor.u32 v23, v27  }
0x443: {  	s0 =	sand.u32 $0x70, s29  }
0x444: {  	v32 =	vor.u32 s0, v0;
	v20 =	vshll.u32 v29, $0x7;
	v18 =	vshll.u32 v17, $0x7  }
0x445: {  	v29 =	vor.u32 v32, v20;
	v17 =	vshll.u32 v23, $0x7;
	[tilespmem:v22+s18+$0x0] =	vst.idx.msk $0xffff, v24;
	v22 =	vor.u32 v32, v18  }
0x446: {  	v23 =	vor.u32 v26, v17;
	v24 =	vor.u32 s7, v6;
	[tilespmem:v19+s18+$0x0] =	vst.idx.msk $0xffff, v21;
	v30 =	vld.idx.msk [tilespmem:v30+s17+$0x0], $0xffff  }
0x447: {  	v21 =	vor.u32 v28, v17;
	v33 =	vor.u32 v24, v25;
	v31 =	vld.idx.msk [tilespmem:v31+s17+$0x0], $0xffff  }
0x448: {  	v34 =	vor.u32 v24, v27  }
0x449: {  	v36 =	vor.u32 s0, v1;
	v17 =	vor.u32 s26, v0;
	v32 =	vshll.u32 v32, $0x7  }
0x44a: {  	v37 =	vor.u32 v36, v18;
	v19 =	vor.u32 s28, v0;
	v35 =	vor.u32 v17, v32;
	v22 =	vld.idx.msk [tilespmem:v22+s17+$0x0], $0xffff  }
0x44b: {  	v24 =	vshll.u32 v24, $0x7;
	v32 =	vor.u32 v19, v32;
	v29 =	vld.idx.msk [tilespmem:v29+s17+$0x0], $0xffff;
	[tilespmem:v23+s18+$0x0] =	vst.idx.msk $0xffff, v30  }
0x44c: {  	v23 =	vor.u32 v26, v24;
	[tilespmem:v21+s18+$0x0] =	vst.idx.msk $0xffff, v31;
	v21 =	vor.u32 v36, v20;
	v33 =	vld.idx.msk [tilespmem:v33+s17+$0x0], $0xffff  }
0x44d: {  	v30 =	vor.u32 s7, v8;
	v24 =	vor.u32 v28, v24;
	v31 =	vld.idx.msk [tilespmem:v34+s17+$0x0], $0xffff  }
0x44e: {  	v61 =	vor.u32 v30, v27  }
0x44f: {  	v36 =	vshll.u32 v36, $0x7;
	v38 =	vor.u32 v30, v25;
	[tilespmem:v35+s18+$0x0] =	vst.idx.msk $0xffff, v22  }
0x450: {  	v62 =	vor.u32 s0, v2;
	v63 =	vor.u32 s7, v7;
	[tilespmem:v32+s18+$0x0] =	vst.idx.msk $0xffff, v29;
	v22 =	vor.u32 v17, v36;
	v37 =	vld.idx.msk [tilespmem:v37+s17+$0x0], $0xffff  }
0x451: {  	v40 =	vor.u32 v19, v36;
	v21 =	vld.idx.msk [tilespmem:v21+s17+$0x0], $0xffff;
	[tilespmem:v23+s18+$0x0] =	vst.idx.msk $0xffff, v33;
	v23 =	vor.u32 v62, v18  }
0x452: {  	v43 =	vor.u32 s0, v3;
	v30 =	vshll.u32 v30, $0x7;
	[tilespmem:v24+s18+$0x0] =	vst.idx.msk $0xffff, v31;
	v24 =	vor.u32 v62, v20  }
0x453: {  	v52 =	vor.u32 s7, v10;
	v39 =	vor.u32 v26, v30;
	v30 =	vor.u32 v28, v30;
	v31 =	vld.idx.msk [tilespmem:v61+s17+$0x0], $0xffff  }
0x454: {  	v59 =	vor.u32 s7, v11;
	v41 =	vshll.u32 v62, $0x7;
	v42 =	vor.u32 v63, v27;
	v38 =	vld.idx.msk [tilespmem:v38+s17+$0x0], $0xffff  }
0x455: {  	v49 =	vshll.u32 v43, $0x7;
	v53 =	vor.u32 v52, v27;
	v29 =	vor.u32 v63, v25;
	[tilespmem:v22+s18+$0x0] =	vst.idx.msk $0xffff, v37  }
0x456: {  	s5 =	simm.s32 $0x8;
	v44 =	vor.u32 v43, v18;
	v22 =	vor.u32 v17, v41;
	[tilespmem:v40+s18+$0x0] =	vst.idx.msk $0xffff, v21;
	v23 =	vld.idx.msk [tilespmem:v23+s17+$0x0], $0xffff  }
0x457: {  	s3 =	sand.u32 $0x70, s5;
	v46 =	vor.u32 v19, v41;
	v35 =	vor.u32 v19, v49;
	v33 =	vshll.u32 v63, $0x7;
	v24 =	vld.idx.msk [tilespmem:v24+s17+$0x0], $0xffff  }
0x458: {  	v60 =	vor.u32 s3, v0;
	v45 =	vor.u32 v26, v33;
	[tilespmem:v30+s18+$0x0] =	vst.idx.msk $0xffff, v31;
	v30 =	vor.u32 v43, v20  }
0x459: {  	s30 =	simm.s32 $0x40;
	v62 =	vor.u32 s0, v6;
	v21 =	vor.u32 s7, v9;
	[tilespmem:v39+s18+$0x0] =	vst.idx.msk $0xffff, v38;
	v31 =	vor.u32 v28, v33;
	v48 =	vld.idx.msk [tilespmem:v42+s17+$0x0], $0xffff  }
0x45a: {  	s1 =	sand.u32 $0x60, s30;
	v32 =	vor.u32 v62, v20;
	v40 =	vor.u32 s0, v5;
	v50 =	vor.u32 v21, v27;
	v29 =	vld.idx.msk [tilespmem:v29+s17+$0x0], $0xffff  }
0x45b: {  	v47 =	vor.u32 v21, v25;
	v55 =	vor.u32 v40, v20;
	v42 =	vld.idx.msk [tilespmem:v13+s1+$0x0 ss:$0x1], $0xffff;
	[tilespmem:v22+s18+$0x0] =	vst.idx.msk $0xffff, v23  }
0x45c: {  	v39 =	vshll.u32 v59, $0x7;
	v22 =	vor.u32 v17, v49;
	v23 =	vor.u32 s0, v4;
	[tilespmem:v46+s18+$0x0] =	vst.idx.msk $0xffff, v24;
	v37 =	vld.idx.msk [tilespmem:v44+s17+$0x0], $0xffff  }
0x45d: {  	s31 =	sor.u32 $0x10, s1;
	v43 =	vor.u32 v59, v27;
	v38 =	vor.u32 v26, v39;
	v51 =	vor.u32 v23, v18;
	v30 =	vld.idx.msk [tilespmem:v30+s17+$0x0], $0xffff  }
0x45e: {  	v21 =	vshll.u32 v21, $0x7;
	v24 =	vshll.u32 v23, $0x7;
	v23 =	vor.u32 v23, v20;
	v44 =	vld.idx.msk [tilespmem:v13+s31+$0x0 ss:$0x1], $0xffff;
	[tilespmem:v31+s18+$0x0] =	vst.idx.msk $0xffff, v48  }
0x45f: {  	[tilespmem:v45+s18+$0x0] =	vst.idx.msk $0xffff, v29;
	v29 =	vor.u32 v26, v21;
	v21 =	vor.u32 v28, v21;
	v33 =	vld.idx.msk [tilespmem:v50+s17+$0x0], $0xffff  }
0x460: {  	v39 =	vor.u32 v28, v39;
	v46 =	vor.u32 v59, v25;
	v31 =	vor.u32 v52, v25;
	v34 =	vld.idx.msk [tilespmem:v47+s17+$0x0], $0xffff  }
0x461: {  	v59 =	vshll.u32 v62, $0x7;
	v54 =	vor.u32 v17, v24;
	v24 =	vor.u32 v19, v24;
	[tilespmem:v22+s18+$0x0] =	vst.idx.msk $0xffff, v37  }
0x462: {  	v45 =	vor.u32 v40, v18;
	v48 =	vor.u32 v62, v18;
	[tilespmem:v35+s18+$0x0] =	vst.idx.msk $0xffff, v30;
	v58 =	vld.idx.msk [tilespmem:v51+s17+$0x0], $0xffff  }
0x463: {  	v62 =	vor.u32 v17, v59;
	v50 =	vor.u32 s3, v1;
	v22 =	vshll.u32 v52, $0x7;
	v35 =	vld.idx.msk [tilespmem:v23+s17+$0x0], $0xffff  }
0x464: {  	v41 =	vor.u32 v26, v22;
	v30 =	vor.u32 v28, v22;
	v23 =	vshll.u32 v42, $0x7;
	[tilespmem:v21+s18+$0x0] =	vst.idx.msk $0xffff, v33  }
0x465: {  	v22 =	vshll.u32 v44, $0x7;
	v51 =	vor.u32 s0, v8;
	[tilespmem:v29+s18+$0x0] =	vst.idx.msk $0xffff, v34;
	v56 =	vor.u32 v60, v23;
	v61 =	vld.idx.msk [tilespmem:v53+s17+$0x0], $0xffff  }
0x466: {  	v21 =	vshll.u32 v40, $0x7;
	v49 =	vor.u32 v60, v22;
	v52 =	vor.u32 v51, v18;
	v31 =	vld.idx.msk [tilespmem:v31+s17+$0x0], $0xffff  }
0x467: {  	v29 =	vor.u32 s7, v15;
	v34 =	vor.u32 v19, v59;
	v36 =	vor.u32 v17, v21;
	[tilespmem:v54+s18+$0x0] =	vst.idx.msk $0xffff, v58  }
0x468: {  	v33 =	vshll.u32 v60, $0x7;
	v57 =	vor.u32 v19, v21;
	v21 =	vor.u32 s1, v0;
	[tilespmem:v24+s18+$0x0] =	vst.idx.msk $0xffff, v35;
	v63 =	vld.idx.msk [tilespmem:v45+s17+$0x0], $0xffff  }
0x469: {  	v47 =	vor.u32 v29, v25;
	v53 =	vor.u32 s7, v14;
	v60 =	vor.u32 v21, v33;
	v37 =	vld.idx.msk [tilespmem:v55+s17+$0x0], $0xffff  }
0x46a: {  	v59 =	vor.u32 v53, v27;
	v58 =	vor.u32 s7, v12;
	v24 =	vor.u32 s31, v0;
	v45 =	vld.idx.msk [tilespmem:v56+s17+$0x0], $0xffff;
	[tilespmem:v30+s18+$0x0] =	vst.idx.msk $0xffff, v61  }
0x46b: {  	v54 =	vor.u32 v53, v25;
	[tilespmem:v41+s18+$0x0] =	vst.idx.msk $0xffff, v31;
	v61 =	vor.u32 v50, v23;
	v31 =	vld.idx.msk [tilespmem:v43+s17+$0x0], $0xffff  }
0x46c: {  	v33 =	vor.u32 v24, v33;
	v35 =	vshll.u32 v58, $0x7;
	v49 =	vld.idx.msk [tilespmem:v49+s17+$0x0], $0xffff;
	v30 =	vor.u32 v58, v27  }
0x46d: {  	v44 =	vor.u32 v26, v35;
	v46 =	vld.idx.msk [tilespmem:v46+s17+$0x0], $0xffff;
	[tilespmem:v36+s18+$0x0] =	vst.idx.msk $0xffff, v63;
	v63 =	vor.u32 v58, v25  }
0x46e: {  	[tilespmem:v57+s18+$0x0] =	vst.idx.msk $0xffff, v37;
	v57 =	vor.u32 v51, v20;
	v58 =	vor.u32 s3, v2;
	v42 =	vld.idx.msk [tilespmem:v48+s17+$0x0], $0xffff  }
0x46f: {  	v51 =	vshll.u32 v51, $0x7;
	[tilespmem:v60+s18+$0x0] =	vst.idx.msk $0xffff, v45;
	v48 =	vor.u32 v50, v22;
	v50 =	vshll.u32 v50, $0x7;
	v32 =	vld.idx.msk [tilespmem:v32+s17+$0x0], $0xffff  }
0x470: {  	v41 =	vld.idx.msk [tilespmem:v61+s17+$0x0], $0xffff;
	[tilespmem:v39+s18+$0x0] =	vst.idx.msk $0xffff, v31;
	v31 =	vor.u32 v28, v35;
	v35 =	vor.u32 v21, v50  }
0x471: {  	[tilespmem:v33+s18+$0x0] =	vst.idx.msk $0xffff, v49;
	v56 =	vor.u32 v17, v51;
	v61 =	vor.u32 v58, v23;
	v30 =	vld.idx.msk [tilespmem:v30+s17+$0x0], $0xffff  }
0x472: {  	[tilespmem:v38+s18+$0x0] =	vst.idx.msk $0xffff, v46;
	v38 =	vor.u32 v58, v22;
	v43 =	vor.u32 v24, v50  }
0x473: {  	v55 =	vor.u32 s0, v7;
	v36 =	vld.idx.msk [tilespmem:v63+s17+$0x0], $0xffff;
	v63 =	vor.u32 v19, v51;
	[tilespmem:v62+s18+$0x0] =	vst.idx.msk $0xffff, v42;
	v62 =	vshll.u32 v53, $0x7  }
0x474: {  	v42 =	vor.u32 v55, v18;
	[tilespmem:v34+s18+$0x0] =	vst.idx.msk $0xffff, v32;
	v60 =	vld.idx.msk [tilespmem:v52+s17+$0x0], $0xffff;
	v32 =	vor.u32 v26, v62  }
0x475: {  	v33 =	vor.u32 v28, v62;
	v37 =	vld.idx.msk [tilespmem:v57+s17+$0x0], $0xffff;
	v57 =	vor.u32 v55, v20;
	[tilespmem:v35+s18+$0x0] =	vst.idx.msk $0xffff, v41  }
0x476: {  	v48 =	vld.idx.msk [tilespmem:v48+s17+$0x0], $0xffff;
	[tilespmem:v31+s18+$0x0] =	vst.idx.msk $0xffff, v30;
	v30 =	vshll.u32 v58, $0x7;
	v31 =	vor.u32 s7, v16;
	v58 =	vor.u32 s3, v3  }
0x477: {  	v50 =	vld.idx.msk [tilespmem:v61+s17+$0x0], $0xffff;
	v40 =	vor.u32 v21, v30;
	v41 =	vor.u32 v58, v23;
	v30 =	vor.u32 v24, v30  }
0x478: {  	v34 =	vor.u32 v31, v27;
	v62 =	vshll.u32 v58, $0x7;
	[tilespmem:v44+s18+$0x0] =	vst.idx.msk $0xffff, v36;
	v36 =	vld.idx.msk [tilespmem:v59+s17+$0x0], $0xffff  }
0x479: {  	v59 =	vshll.u32 v55, $0x7;
	v44 =	vor.u32 v21, v62;
	[tilespmem:v56+s18+$0x0] =	vst.idx.msk $0xffff, v60;
	v60 =	vor.u32 v29, v27  }
0x47a: {  	v39 =	vor.u32 v24, v62;
	v35 =	vld.idx.msk [tilespmem:v54+s17+$0x0], $0xffff;
	v53 =	vor.u32 v17, v59;
	v54 =	vor.u32 v58, v22  }
0x47b: {  	v46 =	vor.u32 s0, v10;
	[tilespmem:v43+s18+$0x0] =	vst.idx.msk $0xffff, v48;
	v55 =	vor.u32 v19, v59;
	v27 =	vor.u32 s0, v9;
	v42 =	vld.idx.msk [tilespmem:v42+s17+$0x0], $0xffff  }
0x47c: {  	v43 =	vshll.u32 v31, $0x7;
	v29 =	vshll.u32 v29, $0x7;
	v38 =	vld.idx.msk [tilespmem:v38+s17+$0x0], $0xffff;
	[tilespmem:v63+s18+$0x0] =	vst.idx.msk $0xffff, v37;
	v61 =	vor.u32 v27, v18  }
0x47d: {  	v63 =	vshll.u32 v27, $0x7;
	v56 =	vld.idx.msk [tilespmem:v57+s17+$0x0], $0xffff;
	v49 =	vor.u32 v27, v20;
	v27 =	vor.u32 s3, v4;
	[tilespmem:v33+s18+$0x0] =	vst.idx.msk $0xffff, v36  }
0x47e: {  	s7 =	simm.s32 $0x60;
	v45 =	vor.u32 v28, v29;
	[tilespmem:v40+s18+$0x0] =	vst.idx.msk $0xffff, v50;
	v40 =	vor.u32 v27, v23;
	v52 =	vld.idx.msk [tilespmem:v60+s17+$0x0], $0xffff  }
0x47f: {  	s10 =	sand.u32 $0x60, s7;
	v37 =	vor.u32 v27, v22;
	v36 =	vor.u32 v26, v29;
	v50 =	vld.idx.msk [tilespmem:v41+s17+$0x0], $0xffff;
	[tilespmem:v32+s18+$0x0] =	vst.idx.msk $0xffff, v35  }
0x480: {  	v41 =	vshll.u32 v27, $0x7;
	v27 =	vor.u32 s10, v0;
	v33 =	vor.u32 v28, v43;
	v47 =	vld.idx.msk [tilespmem:v47+s17+$0x0], $0xffff;
	[tilespmem:v53+s18+$0x0] =	vst.idx.msk $0xffff, v42  }
0x481: {  	v32 =	vor.u32 v46, v18;
	[tilespmem:v30+s18+$0x0] =	vst.idx.msk $0xffff, v38;
	v42 =	vor.u32 v17, v63;
	v48 =	vld.idx.msk [tilespmem:v61+s17+$0x0], $0xffff  }
0x482: {  	s8 =	simm.s32 $0x6;
	s12 =	sor.u32 $0x10, s10;
	v35 =	vor.u32 v46, v20;
	v38 =	vor.u32 v19, v63;
	v51 =	vld.idx.msk [tilespmem:v54+s17+$0x0], $0xffff;
	[tilespmem:v55+s18+$0x0] =	vst.idx.msk $0xffff, v56  }
.LBB2_29:
0x483: {  	s8 =	sadd.s32 $0x2, s8;
	v29 =	vld.idx.msk [tilespmem:v49+s17+$0x0], $0xffff;
	v30 =	vor.u32 v31, v25;
	v31 =	vor.u32 v26, v43;
	[tilespmem:v45+s18+$0x0] =	vst.idx.msk $0xffff, v52  }
0x484: {  	v43 =	vor.u32 v21, v41;
	v45 =	vor.u32 s3, v5;
	v25 =	vmovc v18;
	v18 =	vmovc v23;
	v28 =	vmov v24;
	p0 =	slt.u32 s8, $0x3E;
	v34 =	vld.idx.msk [tilespmem:v34+s17+$0x0], $0xffff  }
0x485: {  	v23 =	vshll.u32 v46, $0x7;
	v26 =	vmov v17;
	v24 =	vld.idx.msk [tilespmem:v13+s12+$0x0 ss:$0x1], $0xffff;
	[tilespmem:v44+s18+$0x0] =	vst.idx.msk $0xffff, v50;
	v44 =	vor.u32 v45, v22  }
0x486: {  	s5 =	sadd.s32 $0x4, s5;
	v46 =	vor.u32 s0, v11;
	v17 =	vmov v21;
	v40 =	vld.idx.msk [tilespmem:v40+s17+$0x0], $0xffff;
	[tilespmem:v42+s18+$0x0] =	vst.idx.msk $0xffff, v48;
	v42 =	vor.u32 v26, v23  }
0x487: {  	v41 =	vor.u32 v28, v41;
	v49 =	vor.u32 v46, v20;
	v48 =	vld.idx.msk [tilespmem:v13+s10+$0x0 ss:$0x1], $0xffff;
	[tilespmem:v36+s18+$0x0] =	vst.idx.msk $0xffff, v47  }
0x488: {  	v36 =	vor.u32 v45, v18;
	[tilespmem:v39+s18+$0x0] =	vst.idx.msk $0xffff, v51;
	v39 =	vor.u32 v19, v23;
	v30 =	vld.idx.msk [tilespmem:v30+s17+$0x0], $0xffff  }
0x489: {  	v21 =	vmov v27;
	s13 =	sand.u32 $0x70, s5;
	v47 =	vor.u32 v46, v25;
	v37 =	vld.idx.msk [tilespmem:v37+s17+$0x0], $0xffff;
	[tilespmem:v38+s18+$0x0] =	vst.idx.msk $0xffff, v29  }
0x48a: {  	v45 =	vshll.u32 v45, $0x7;
	v38 =	vor.u32 s13, v0;
	v29 =	vor.u32 s0, v15;
	v35 =	vld.idx.msk [tilespmem:v35+s17+$0x0], $0xffff;
	[tilespmem:v33+s18+$0x0] =	vst.idx.msk $0xffff, v34  }
0x48b: {  	v33 =	vor.u32 v17, v45;
	v34 =	vor.u32 s3, v6;
	v27 =	vor.u32 v29, v25;
	v32 =	vld.idx.msk [tilespmem:v32+s17+$0x0], $0xffff  }
0x48c: {  	v46 =	vshll.u32 v46, $0x7;
	[tilespmem:v43+s18+$0x0] =	vst.idx.msk $0xffff, v40;
	v40 =	vor.u32 v34, v18;
	v43 =	vor.u32 v34, v22  }
0x48d: {  	v23 =	vshll.u32 v48, $0x7;
	v48 =	vor.u32 v26, v46;
	v36 =	vld.idx.msk [tilespmem:v36+s17+$0x0], $0xffff  }
0x48e: {  	v51 =	vshll.u32 v24, $0x7;
	v45 =	vor.u32 v28, v45;
	v50 =	vor.u32 v38, v23;
	[tilespmem:v31+s18+$0x0] =	vst.idx.msk $0xffff, v30  }
0x48f: {  	v30 =	vor.u32 v38, v51;
	v31 =	vor.u32 s0, v12;
	[tilespmem:v41+s18+$0x0] =	vst.idx.msk $0xffff, v37;
	v37 =	vor.u32 v19, v46  }
0x490: {  	v34 =	vshll.u32 v34, $0x7;
	v38 =	vshll.u32 v38, $0x7;
	v41 =	vld.idx.msk [tilespmem:v44+s17+$0x0], $0xffff;
	[tilespmem:v39+s18+$0x0] =	vst.idx.msk $0xffff, v35;
	v35 =	vor.u32 v31, v20  }
0x491: {  	v39 =	vor.u32 v21, v38;
	v44 =	vor.u32 s13, v1;
	[tilespmem:v42+s18+$0x0] =	vst.idx.msk $0xffff, v32;
	v32 =	vld.idx.msk [tilespmem:v49+s17+$0x0], $0xffff  }
0x492: {  	v46 =	vor.u32 v17, v34;
	v42 =	vor.u32 v44, v23;
	v49 =	vor.u32 s3, v8;
	v47 =	vld.idx.msk [tilespmem:v47+s17+$0x0], $0xffff  }
0x493: {  	v24 =	vor.u32 s12, v0;
	v50 =	vld.idx.msk [tilespmem:v50+s17+$0x0], $0xffff;
	[tilespmem:v33+s18+$0x0] =	vst.idx.msk $0xffff, v36;
	v33 =	vor.u32 v49, v18;
	v36 =	vor.u32 s0, v14  }
0x494: {  	v52 =	vor.u32 v31, v25;
	v38 =	vor.u32 v24, v38;
	v31 =	vshll.u32 v31, $0x7;
	v40 =	vld.idx.msk [tilespmem:v40+s17+$0x0], $0xffff  }
0x495: {  	v34 =	vor.u32 v28, v34;
	v53 =	vor.u32 v44, v51;
	v54 =	vor.u32 v36, v25  }
0x496: {  	v30 =	vld.idx.msk [tilespmem:v30+s17+$0x0], $0xffff;
	[tilespmem:v45+s18+$0x0] =	vst.idx.msk $0xffff, v41;
	v41 =	vor.u32 v49, v22;
	v45 =	vor.u32 v26, v31  }
0x497: {  	v55 =	vor.u32 s3, v7;
	v44 =	vshll.u32 v44, $0x7;
	v43 =	vld.idx.msk [tilespmem:v43+s17+$0x0], $0xffff;
	[tilespmem:v37+s18+$0x0] =	vst.idx.msk $0xffff, v32;
	v32 =	vor.u32 v19, v31  }
0x498: {  	v49 =	vshll.u32 v49, $0x7;
	v37 =	vor.u32 v21, v44;
	v31 =	vor.u32 s13, v2;
	[tilespmem:v48+s18+$0x0] =	vst.idx.msk $0xffff, v47;
	v35 =	vld.idx.msk [tilespmem:v35+s17+$0x0], $0xffff  }
0x499: {  	v47 =	vor.u32 v17, v49;
	[tilespmem:v39+s18+$0x0] =	vst.idx.msk $0xffff, v50;
	v39 =	vor.u32 v31, v51;
	v48 =	vld.idx.msk [tilespmem:v52+s17+$0x0], $0xffff  }
0x49a: {  	v42 =	vld.idx.msk [tilespmem:v42+s17+$0x0], $0xffff;
	[tilespmem:v46+s18+$0x0] =	vst.idx.msk $0xffff, v40;
	v40 =	vor.u32 v55, v18;
	v46 =	vor.u32 v36, v20  }
0x49b: {  	v44 =	vor.u32 v24, v44;
	v36 =	vshll.u32 v36, $0x7;
	v33 =	vld.idx.msk [tilespmem:v33+s17+$0x0], $0xffff  }
0x49c: {  	v50 =	vor.u32 v31, v23;
	[tilespmem:v38+s18+$0x0] =	vst.idx.msk $0xffff, v30;
	v30 =	vor.u32 v28, v49  }
0x49d: {  	v52 =	vor.u32 v26, v36;
	v36 =	vor.u32 v19, v36;
	v38 =	vld.idx.msk [tilespmem:v53+s17+$0x0], $0xffff;
	[tilespmem:v34+s18+$0x0] =	vst.idx.msk $0xffff, v43  }
0x49e: {  	v49 =	vor.u32 v55, v22;
	v34 =	vshll.u32 v31, $0x7;
	v31 =	vor.u32 s0, v16;
	s0 =	smov.u32 s3;
	s3 =	smov.u32 s13;
	v41 =	vld.idx.msk [tilespmem:v41+s17+$0x0], $0xffff;
	[tilespmem:v32+s18+$0x0] =	vst.idx.msk $0xffff, v35  }
0x49f: {  	v53 =	vshll.u32 v55, $0x7;
	v32 =	vor.u32 v21, v34;
	v35 =	vor.u32 s3, v3;
	[tilespmem:v45+s18+$0x0] =	vst.idx.msk $0xffff, v48;
	v46 =	vld.idx.msk [tilespmem:v46+s17+$0x0], $0xffff  }
0x4a0: {  	[tilespmem:v37+s18+$0x0] =	vst.idx.msk $0xffff, v42;
	v37 =	vor.u32 v35, v23;
	v42 =	vor.u32 v17, v53;
	v48 =	vld.idx.msk [tilespmem:v54+s17+$0x0], $0xffff  }
0x4a1: {  	v54 =	vor.u32 v35, v51;
	v50 =	vld.idx.msk [tilespmem:v50+s17+$0x0], $0xffff;
	[tilespmem:v47+s18+$0x0] =	vst.idx.msk $0xffff, v33;
	v33 =	vor.u32 v29, v20  }
0x4a2: {  	v43 =	vshll.u32 v31, $0x7;
	v47 =	vor.u32 v24, v34;
	v34 =	vor.u32 v31, v20;
	v20 =	vmovc v22;
	v55 =	vld.idx.msk [tilespmem:v40+s17+$0x0], $0xffff  }
0x4a3: {  	v53 =	vor.u32 v28, v53;
	v29 =	vshll.u32 v29, $0x7;
	v22 =	vmovc v51;
	[tilespmem:v44+s18+$0x0] =	vst.idx.msk $0xffff, v38;
	v38 =	vor.u32 s0, v9  }
0x4a4: {  	v45 =	vor.u32 v19, v29;
	v51 =	vld.idx.msk [tilespmem:v39+s17+$0x0], $0xffff;
	v56 =	vor.u32 v38, v18;
	[tilespmem:v30+s18+$0x0] =	vst.idx.msk $0xffff, v41  }
0x4a5: {  	v30 =	vshll.u32 v35, $0x7;
	v35 =	vshll.u32 v38, $0x7;
	v57 =	vld.idx.msk [tilespmem:v49+s17+$0x0], $0xffff;
	v49 =	vor.u32 v38, v20;
	[tilespmem:v36+s18+$0x0] =	vst.idx.msk $0xffff, v46  }
0x4a6: {  	v44 =	vor.u32 v21, v30;
	v38 =	vor.u32 s3, v4;
	[tilespmem:v52+s18+$0x0] =	vst.idx.msk $0xffff, v48;
	v52 =	vld.idx.msk [tilespmem:v33+s17+$0x0], $0xffff  }
.Ltmp18:
0x4a7: {  	v36 =	vor.u32 v26, v29;
	v40 =	vor.u32 v38, v23;
	v41 =	vshll.u32 v38, $0x7;
	[tilespmem:v32+s18+$0x0] =	vst.idx.msk $0xffff, v50;
	(pc) =	sbr.rel @p0 .LBB2_29-.Ltmp18, $4  }
0x4a8: {  	v46 =	vor.u32 s0, v10;
	v50 =	vld.idx.msk [tilespmem:v37+s17+$0x0], $0xffff;
	[tilespmem:v42+s18+$0x0] =	vst.idx.msk $0xffff, v55;
	v42 =	vor.u32 v17, v35  }
0x4a9: {  	s7 =	sadd.s32 $0x20, s7;
	v39 =	vor.u32 v24, v30;
	v32 =	vor.u32 v46, v18;
	v37 =	vor.u32 v38, v22;
	v48 =	vld.idx.msk [tilespmem:v56+s17+$0x0], $0xffff  }
0x4aa: {  	s10 =	sand.u32 $0x60, s7;
	v38 =	vor.u32 v28, v35;
	v35 =	vor.u32 v46, v20;
	[tilespmem:v47+s18+$0x0] =	vst.idx.msk $0xffff, v51;
	v47 =	vld.idx.msk [tilespmem:v27+s17+$0x0], $0xffff  }
0x4ab: {  	s12 =	sor.u32 $0x10, s10;
	v33 =	vor.u32 v19, v43;
	v19 =	vmov v28;
	v27 =	vor.u32 s10, v0;
	v51 =	vld.idx.msk [tilespmem:v54+s17+$0x0], $0xffff;
	[tilespmem:v53+s18+$0x0] =	vst.idx.msk $0xffff, v57  }
0x4ac: {  	_ =	sdelay $0x3  }
0x4ad: {  	v28 =	vld.idx.msk [tilespmem:v13+s12+$0x0 ss:$0x1], $0xffff  }
0x4ae: {  	v29 =	vld.idx.msk [tilespmem:v13+s10+$0x0 ss:$0x1], $0xffff;
	_ =	sdelay $0x1  }
0x4af: {  	s1 =	sadd.s32 $0x4, s5  }
0x4b0: {  	s5 =	sand.u32 $0x70, s1  }
0x4b1: {  	v53 =	vor.u32 s5, v0;
	v30 =	vshll.u32 v28, $0x7  }
0x4b2: {  	v29 =	vshll.u32 v29, $0x7;
	v54 =	vor.u32 v53, v30  }
0x4b3: {  	v55 =	vor.u32 v53, v29;
	_ =	sdelay $0x2  }
0x4b4: {  	v28 =	vor.u32 s12, v0;
	v53 =	vshll.u32 v53, $0x7  }
0x4b5: {  	v56 =	vor.u32 s5, v1;
	v57 =	vor.u32 v28, v53;
	v54 =	vld.idx.msk [tilespmem:v54+s17+$0x0], $0xffff  }
0x4b6: {  	v58 =	vor.u32 v56, v30;
	v53 =	vor.u32 v27, v53;
	v55 =	vld.idx.msk [tilespmem:v55+s17+$0x0], $0xffff  }
0x4b7: {  	v59 =	vor.u32 v56, v29;
	_ =	sdelay $0x2  }
0x4b8: {  	v56 =	vshll.u32 v56, $0x7;
	[tilespmem:v57+s18+$0x0] =	vst.idx.msk $0xffff, v54  }
0x4b9: {  	v54 =	vor.u32 s5, v2;
	[tilespmem:v53+s18+$0x0] =	vst.idx.msk $0xffff, v55;
	v53 =	vor.u32 v28, v56;
	v63 =	vld.idx.msk [tilespmem:v58+s17+$0x0], $0xffff  }
0x4ba: {  	v56 =	vor.u32 v27, v56;
	v60 =	vor.u32 v54, v30;
	v61 =	vld.idx.msk [tilespmem:v59+s17+$0x0], $0xffff  }
0x4bb: {  	v62 =	vor.u32 v54, v29;
	_ =	sdelay $0x2  }
0x4bc: {  	v54 =	vshll.u32 v54, $0x7;
	[tilespmem:v53+s18+$0x0] =	vst.idx.msk $0xffff, v63  }
0x4bd: {  	v55 =	vor.u32 v28, v54;
	v63 =	vor.u32 s5, v3;
	[tilespmem:v56+s18+$0x0] =	vst.idx.msk $0xffff, v61;
	v56 =	vld.idx.msk [tilespmem:v60+s17+$0x0], $0xffff  }
0x4be: {  	v54 =	vor.u32 v27, v54;
	v60 =	vld.idx.msk [tilespmem:v62+s17+$0x0], $0xffff;
	v61 =	vor.u32 v63, v30  }
0x4bf: {  	v62 =	vor.u32 v63, v29;
	_ =	sdelay $0x1  }
0x4c0: {  	[tilespmem:v45+s18+$0x0] =	vst.idx.msk $0xffff, v52;
	v25 =	vor.u32 v31, v25;
	v31 =	vor.u32 v26, v43  }
0x4c1: {  	v26 =	vld.idx.msk [tilespmem:v49+s17+$0x0], $0xffff;
	v43 =	vor.u32 v21, v41;
	v63 =	vshll.u32 v63, $0x7;
	[tilespmem:v55+s18+$0x0] =	vst.idx.msk $0xffff, v56  }
0x4c2: {  	v49 =	vor.u32 s5, v4;
	[tilespmem:v54+s18+$0x0] =	vst.idx.msk $0xffff, v60;
	v60 =	vor.u32 v28, v63;
	v61 =	vld.idx.msk [tilespmem:v61+s17+$0x0], $0xffff  }
0x4c3: {  	[tilespmem:v44+s18+$0x0] =	vst.idx.msk $0xffff, v50;
	v44 =	vor.u32 v27, v63;
	v54 =	vld.idx.msk [tilespmem:v62+s17+$0x0], $0xffff;
	v62 =	vor.u32 v49, v30  }
0x4c4: {  	v45 =	vor.u32 s3, v5;
	v46 =	vshll.u32 v46, $0x7;
	v34 =	vld.idx.msk [tilespmem:v34+s17+$0x0], $0xffff;
	[tilespmem:v42+s18+$0x0] =	vst.idx.msk $0xffff, v48;
	v63 =	vor.u32 v49, v29  }
0x4c5: {  	v40 =	vld.idx.msk [tilespmem:v40+s17+$0x0], $0xffff;
	v48 =	vor.u32 v17, v46;
	v46 =	vor.u32 v19, v46;
	[tilespmem:v39+s18+$0x0] =	vst.idx.msk $0xffff, v51  }
0x4c6: {  	[tilespmem:v36+s18+$0x0] =	vst.idx.msk $0xffff, v47;
	v37 =	vld.idx.msk [tilespmem:v37+s17+$0x0], $0xffff;
	v58 =	vor.u32 v45, v23;
	v56 =	vor.u32 v24, v41  }
0x4c7: {  	v47 =	vld.idx.msk [tilespmem:v25+s17+$0x0], $0xffff;
	v59 =	vshll.u32 v49, $0x7;
	v53 =	vor.u32 v45, v22;
	[tilespmem:v60+s18+$0x0] =	vst.idx.msk $0xffff, v61  }
0x4c8: {  	v49 =	vor.u32 s5, v5;
	[tilespmem:v44+s18+$0x0] =	vst.idx.msk $0xffff, v54;
	v44 =	vor.u32 v28, v59;
	v50 =	vld.idx.msk [tilespmem:v62+s17+$0x0], $0xffff  }
0x4c9: {  	v39 =	vor.u32 s0, v11;
	v25 =	vor.u32 v27, v59;
	v60 =	vor.u32 v49, v30;
	v42 =	vld.idx.msk [tilespmem:v63+s17+$0x0], $0xffff  }
0x4ca: {  	v51 =	vor.u32 v39, v20;
	[tilespmem:v43+s18+$0x0] =	vst.idx.msk $0xffff, v40;
	v61 =	vshll.u32 v45, $0x7;
	v62 =	vor.u32 v49, v29  }
0x4cb: {  	v57 =	vor.u32 s3, v6;
	v36 =	vld.idx.msk [tilespmem:v58+s17+$0x0], $0xffff;
	[tilespmem:v56+s18+$0x0] =	vst.idx.msk $0xffff, v37;
	v63 =	vor.u32 v21, v61  }
0x4cc: {  	[tilespmem:v38+s18+$0x0] =	vst.idx.msk $0xffff, v26;
	v41 =	vor.u32 v57, v23;
	v53 =	vld.idx.msk [tilespmem:v53+s17+$0x0], $0xffff;
	v58 =	vor.u32 v24, v61  }
0x4cd: {  	v35 =	vld.idx.msk [tilespmem:v35+s17+$0x0], $0xffff;
	v59 =	vor.u32 v57, v22;
	v49 =	vshll.u32 v49, $0x7;
	[tilespmem:v44+s18+$0x0] =	vst.idx.msk $0xffff, v50  }
0x4ce: {  	v44 =	vor.u32 s5, v6;
	[tilespmem:v25+s18+$0x0] =	vst.idx.msk $0xffff, v42;
	v42 =	vor.u32 v28, v49;
	v38 =	vld.idx.msk [tilespmem:v60+s17+$0x0], $0xffff  }
0x4cf: {  	[tilespmem:v33+s18+$0x0] =	vst.idx.msk $0xffff, v34;
	v60 =	vor.u32 v27, v49;
	v61 =	vor.u32 v44, v30;
	v40 =	vld.idx.msk [tilespmem:v62+s17+$0x0], $0xffff  }
0x4d0: {  	v32 =	vld.idx.msk [tilespmem:v32+s17+$0x0], $0xffff;
	v45 =	vshll.u32 v57, $0x7;
	[tilespmem:v63+s18+$0x0] =	vst.idx.msk $0xffff, v36;
	v62 =	vor.u32 v44, v29  }
0x4d1: {  	v57 =	vor.u32 s3, v8;
	v63 =	vor.u32 v21, v45;
	[tilespmem:v58+s18+$0x0] =	vst.idx.msk $0xffff, v53;
	v41 =	vld.idx.msk [tilespmem:v41+s17+$0x0], $0xffff  }
0x4d2: {  	[tilespmem:v46+s18+$0x0] =	vst.idx.msk $0xffff, v35;
	v58 =	vor.u32 v57, v23;
	v45 =	vor.u32 v24, v45;
	v52 =	vld.idx.msk [tilespmem:v59+s17+$0x0], $0xffff  }
0x4d3: {  	v46 =	vld.idx.msk [tilespmem:v51+s17+$0x0], $0xffff;
	v59 =	vor.u32 v57, v22;
	v44 =	vshll.u32 v44, $0x7;
	[tilespmem:v42+s18+$0x0] =	vst.idx.msk $0xffff, v38  }
0x4d4: {  	v38 =	vor.u32 s5, v8;
	[tilespmem:v60+s18+$0x0] =	vst.idx.msk $0xffff, v40;
	v60 =	vor.u32 v28, v44;
	v34 =	vld.idx.msk [tilespmem:v61+s17+$0x0], $0xffff  }
0x4d5: {  	[tilespmem:v48+s18+$0x0] =	vst.idx.msk $0xffff, v32;
	v61 =	vor.u32 v27, v44;
	v36 =	vld.idx.msk [tilespmem:v62+s17+$0x0], $0xffff;
	v40 =	vor.u32 v38, v30  }
0x4d6: {  	v37 =	vor.u32 v39, v18;
	[tilespmem:v63+s18+$0x0] =	vst.idx.msk $0xffff, v41;
	v62 =	vshll.u32 v57, $0x7;
	v63 =	vor.u32 v38, v29  }
0x4d7: {  	v55 =	vor.u32 s3, v7;
	v39 =	vshll.u32 v39, $0x7;
	[tilespmem:v45+s18+$0x0] =	vst.idx.msk $0xffff, v52;
	v57 =	vld.idx.msk [tilespmem:v58+s17+$0x0], $0xffff;
	v56 =	vor.u32 v21, v62  }
0x4d8: {  	v53 =	vor.u32 v17, v39;
	v58 =	vor.u32 v55, v23;
	v45 =	vld.idx.msk [tilespmem:v59+s17+$0x0], $0xffff;
	v42 =	vor.u32 v24, v62  }
0x4d9: {  	v39 =	vor.u32 v19, v39;
	v59 =	vor.u32 v55, v22;
	v38 =	vshll.u32 v38, $0x7;
	[tilespmem:v60+s18+$0x0] =	vst.idx.msk $0xffff, v34  }
0x4da: {  	v26 =	vor.u32 s0, v15;
	v60 =	vor.u32 s5, v7;
	[tilespmem:v61+s18+$0x0] =	vst.idx.msk $0xffff, v36;
	v61 =	vor.u32 v28, v38;
	v34 =	vld.idx.msk [tilespmem:v40+s17+$0x0], $0xffff  }
0x4db: {  	[tilespmem:v31+s18+$0x0] =	vst.idx.msk $0xffff, v47;
	v62 =	vor.u32 v27, v38;
	v36 =	vld.idx.msk [tilespmem:v63+s17+$0x0], $0xffff;
	v63 =	vor.u32 v60, v30  }
0x4dc: {  	v32 =	vor.u32 s5, v9;
	v51 =	vshll.u32 v55, $0x7;
	v37 =	vld.idx.msk [tilespmem:v37+s17+$0x0], $0xffff;
	[tilespmem:v56+s18+$0x0] =	vst.idx.msk $0xffff, v57;
	v52 =	vor.u32 v60, v29  }
0x4dd: {  	v54 =	vor.u32 s0, v12;
	v55 =	vor.u32 v21, v51;
	v56 =	vor.u32 s3, v9;
	[tilespmem:v42+s18+$0x0] =	vst.idx.msk $0xffff, v45;
	v35 =	vld.idx.msk [tilespmem:v58+s17+$0x0], $0xffff  }
0x4de: {  	[tilespmem:v39+s18+$0x0] =	vst.idx.msk $0xffff, v46;
	v40 =	vor.u32 v24, v51;
	v57 =	vor.u32 v56, v23;
	v58 =	vld.idx.msk [tilespmem:v59+s17+$0x0], $0xffff  }
0x4df: {  	v25 =	vor.u32 v26, v18;
	v33 =	vshll.u32 v60, $0x7;
	v59 =	vor.u32 v56, v22;
	[tilespmem:v61+s18+$0x0] =	vst.idx.msk $0xffff, v34  }
0x4e0: {  	v49 =	vor.u32 v54, v18;
	v60 =	vor.u32 v28, v33;
	[tilespmem:v62+s18+$0x0] =	vst.idx.msk $0xffff, v36;
	v61 =	vld.idx.msk [tilespmem:v63+s17+$0x0], $0xffff  }
0x4e1: {  	[tilespmem:v53+s18+$0x0] =	vst.idx.msk $0xffff, v37;
	v33 =	vor.u32 v27, v33;
	v62 =	vor.u32 v32, v30;
	v41 =	vld.idx.msk [tilespmem:v52+s17+$0x0], $0xffff  }
0x4e2: {  	v31 =	vor.u32 s0, v14;
	v42 =	vor.u32 v54, v20;
	[tilespmem:v55+s18+$0x0] =	vst.idx.msk $0xffff, v35;
	v63 =	vor.u32 v32, v29  }
0x4e3: {  	v51 =	vor.u32 v31, v18;
	v47 =	vshll.u32 v56, $0x7;
	[tilespmem:v40+s18+$0x0] =	vst.idx.msk $0xffff, v58;
	v45 =	vld.idx.msk [tilespmem:v57+s17+$0x0], $0xffff  }
0x4e4: {  	v56 =	vor.u32 v24, v47;
	v52 =	vor.u32 v21, v47;
	v55 =	vor.u32 s3, v10;
	v57 =	vld.idx.msk [tilespmem:v59+s17+$0x0], $0xffff  }
0x4e5: {  	v32 =	vshll.u32 v32, $0x7;
	v58 =	vor.u32 v55, v23;
	v59 =	vor.u32 v55, v22;
	[tilespmem:v60+s18+$0x0] =	vst.idx.msk $0xffff, v61  }
0x4e6: {  	v38 =	vshll.u32 v54, $0x7;
	[tilespmem:v33+s18+$0x0] =	vst.idx.msk $0xffff, v41;
	v60 =	vor.u32 s5, v10;
	v61 =	vor.u32 v28, v32;
	v36 =	vld.idx.msk [tilespmem:v62+s17+$0x0], $0xffff  }
0x4e7: {  	v44 =	vor.u32 v17, v38;
	v32 =	vor.u32 v27, v32;
	v35 =	vld.idx.msk [tilespmem:v63+s17+$0x0], $0xffff;
	v62 =	vor.u32 v60, v30  }
0x4e8: {  	v43 =	vld.idx.msk [tilespmem:v49+s17+$0x0], $0xffff;
	v38 =	vor.u32 v19, v38;
	v39 =	vshll.u32 v55, $0x7;
	v53 =	vor.u32 v60, v29  }
0x4e9: {  	v55 =	vor.u32 s3, v11;
	v40 =	vor.u32 v21, v39;
	v63 =	vld.idx.msk [tilespmem:v42+s17+$0x0], $0xffff;
	[tilespmem:v56+s18+$0x0] =	vst.idx.msk $0xffff, v57  }
0x4ea: {  	v39 =	vor.u32 v24, v39;
	[tilespmem:v52+s18+$0x0] =	vst.idx.msk $0xffff, v45;
	v56 =	vor.u32 v55, v22;
	v48 =	vld.idx.msk [tilespmem:v59+s17+$0x0], $0xffff  }
0x4eb: {  	v57 =	vor.u32 v55, v23;
	v33 =	vshll.u32 v60, $0x7;
	v47 =	vld.idx.msk [tilespmem:v58+s17+$0x0], $0xffff;
	[tilespmem:v61+s18+$0x0] =	vst.idx.msk $0xffff, v36  }
0x4ec: {  	v58 =	vor.u32 v28, v33;
	[tilespmem:v32+s18+$0x0] =	vst.idx.msk $0xffff, v35;
	v32 =	vor.u32 s5, v11;
	v59 =	vld.idx.msk [tilespmem:v62+s17+$0x0], $0xffff  }
0x4ed: {  	[tilespmem:v44+s18+$0x0] =	vst.idx.msk $0xffff, v43;
	v33 =	vor.u32 v27, v33;
	v60 =	vor.u32 v32, v30;
	v42 =	vld.idx.msk [tilespmem:v53+s17+$0x0], $0xffff  }
0x4ee: {  	v54 =	vor.u32 v31, v20;
	[tilespmem:v38+s18+$0x0] =	vst.idx.msk $0xffff, v63;
	v61 =	vshll.u32 v55, $0x7;
	v62 =	vor.u32 v32, v29  }
0x4ef: {  	v43 =	vor.u32 v26, v20;
	v63 =	vor.u32 s3, v12;
	v49 =	vor.u32 v21, v61;
	[tilespmem:v39+s18+$0x0] =	vst.idx.msk $0xffff, v48  }
0x4f0: {  	v38 =	vor.u32 v24, v61;
	v39 =	vor.u32 v63, v22;
	[tilespmem:v40+s18+$0x0] =	vst.idx.msk $0xffff, v47;
	v56 =	vld.idx.msk [tilespmem:v56+s17+$0x0], $0xffff  }
0x4f1: {  	v32 =	vshll.u32 v32, $0x7;
	v46 =	vld.idx.msk [tilespmem:v57+s17+$0x0], $0xffff;
	v57 =	vor.u32 v63, v23;
	[tilespmem:v58+s18+$0x0] =	vst.idx.msk $0xffff, v59  }
0x4f2: {  	v31 =	vshll.u32 v31, $0x7;
	v58 =	vor.u32 s5, v12;
	v59 =	vor.u32 v28, v32;
	[tilespmem:v33+s18+$0x0] =	vst.idx.msk $0xffff, v42;
	v60 =	vld.idx.msk [tilespmem:v60+s17+$0x0], $0xffff  }
0x4f3: {  	v44 =	vor.u32 s3, v14;
	v32 =	vor.u32 v27, v32;
	v61 =	vor.u32 v58, v30;
	v41 =	vld.idx.msk [tilespmem:v62+s17+$0x0], $0xffff  }
0x4f4: {  	v52 =	vor.u32 v44, v23;
	v36 =	vor.u32 v17, v31;
	v62 =	vor.u32 v58, v29  }
0x4f5: {  	v31 =	vor.u32 v19, v31;
	v45 =	vld.idx.msk [tilespmem:v54+s17+$0x0], $0xffff;
	v63 =	vshll.u32 v63, $0x7;
	[tilespmem:v38+s18+$0x0] =	vst.idx.msk $0xffff, v56  }
0x4f6: {  	v55 =	vor.u32 v21, v63;
	v56 =	vor.u32 v24, v63;
	[tilespmem:v49+s18+$0x0] =	vst.idx.msk $0xffff, v46;
	v39 =	vld.idx.msk [tilespmem:v39+s17+$0x0], $0xffff  }
0x4f7: {  	v35 =	vshll.u32 v58, $0x7;
	v46 =	vld.idx.msk [tilespmem:v57+s17+$0x0], $0xffff;
	v57 =	vor.u32 v44, v22;
	[tilespmem:v59+s18+$0x0] =	vst.idx.msk $0xffff, v60  }
0x4f8: {  	v34 =	vor.u32 s0, v16;
	v58 =	vor.u32 s5, v14;
	v59 =	vor.u32 v28, v35;
	[tilespmem:v32+s18+$0x0] =	vst.idx.msk $0xffff, v41;
	v60 =	vld.idx.msk [tilespmem:v61+s17+$0x0], $0xffff  }
0x4f9: {  	v20 =	vor.u32 v34, v20;
	v35 =	vor.u32 v27, v35;
	v61 =	vld.idx.msk [tilespmem:v62+s17+$0x0], $0xffff;
	v62 =	vor.u32 v58, v30  }
0x4fa: {  	v18 =	vor.u32 v34, v18;
	[tilespmem:v31+s18+$0x0] =	vst.idx.msk $0xffff, v45;
	v31 =	vor.u32 s3, v15;
	v63 =	vor.u32 v58, v29  }
0x4fb: {  	v42 =	vld.idx.msk [tilespmem:v51+s17+$0x0], $0xffff;
	v50 =	vor.u32 v31, v23;
	v44 =	vshll.u32 v44, $0x7;
	[tilespmem:v56+s18+$0x0] =	vst.idx.msk $0xffff, v39  }
0x4fc: {  	v33 =	vshll.u32 v58, $0x7;
	v51 =	vor.u32 v24, v44;
	[tilespmem:v55+s18+$0x0] =	vst.idx.msk $0xffff, v46;
	v53 =	vld.idx.msk [tilespmem:v57+s17+$0x0], $0xffff  }
0x4fd: {  	v39 =	vor.u32 v21, v44;
	v55 =	vor.u32 v31, v22;
	v54 =	vld.idx.msk [tilespmem:v52+s17+$0x0], $0xffff;
	[tilespmem:v59+s18+$0x0] =	vst.idx.msk $0xffff, v60  }
0x4fe: {  	v26 =	vshll.u32 v26, $0x7;
	v56 =	vor.u32 s5, v15;
	v57 =	vor.u32 v28, v33;
	[tilespmem:v35+s18+$0x0] =	vst.idx.msk $0xffff, v61;
	v58 =	vld.idx.msk [tilespmem:v62+s17+$0x0], $0xffff  }
0x4ff: {  	v49 =	vor.u32 v19, v26;
	v33 =	vor.u32 v27, v33;
	v60 =	vor.u32 v56, v30;
	v59 =	vld.idx.msk [tilespmem:v63+s17+$0x0], $0xffff  }
0x500: {  	v43 =	vld.idx.msk [tilespmem:v43+s17+$0x0], $0xffff;
	[tilespmem:v36+s18+$0x0] =	vst.idx.msk $0xffff, v42;
	v31 =	vshll.u32 v31, $0x7;
	v62 =	vor.u32 v56, v29  }
0x501: {  	v26 =	vor.u32 v17, v26;
	v25 =	vld.idx.msk [tilespmem:v25+s17+$0x0], $0xffff;
	v48 =	vor.u32 v24, v31;
	[tilespmem:v51+s18+$0x0] =	vst.idx.msk $0xffff, v53  }
0x502: {  	v31 =	vor.u32 v21, v31;
	v32 =	vshll.u32 v56, $0x7;
	v61 =	vor.u32 s3, v16;
	[tilespmem:v39+s18+$0x0] =	vst.idx.msk $0xffff, v54;
	v51 =	vld.idx.msk [tilespmem:v55+s17+$0x0], $0xffff  }
0x503: {  	v63 =	vor.u32 v61, v22;
	v53 =	vor.u32 v61, v23;
	v52 =	vld.idx.msk [tilespmem:v50+s17+$0x0], $0xffff;
	[tilespmem:v57+s18+$0x0] =	vst.idx.msk $0xffff, v58  }
0x504: {  	v34 =	vshll.u32 v34, $0x7;
	v54 =	vor.u32 s5, v16;
	v55 =	vor.u32 v28, v32;
	[tilespmem:v33+s18+$0x0] =	vst.idx.msk $0xffff, v59;
	v56 =	vld.idx.msk [tilespmem:v60+s17+$0x0], $0xffff  }
0x505: {  	[tilespmem:v49+s18+$0x0] =	vst.idx.msk $0xffff, v43;
	v30 =	vor.u32 v54, v30;
	v32 =	vor.u32 v27, v32;
	v36 =	vld.idx.msk [tilespmem:v62+s17+$0x0], $0xffff  }
0x506: {  	v19 =	vor.u32 v19, v34;
	v20 =	vld.idx.msk [tilespmem:v20+s17+$0x0], $0xffff;
	[tilespmem:v26+s18+$0x0] =	vst.idx.msk $0xffff, v25;
	v57 =	vor.u32 v54, v29  }
0x507: {  	v17 =	vor.u32 v17, v34;
	v18 =	vld.idx.msk [tilespmem:v18+s17+$0x0], $0xffff;
	v58 =	vshll.u32 v61, $0x7;
	[tilespmem:v48+s18+$0x0] =	vst.idx.msk $0xffff, v51  }
0x508: {  	v59 =	vor.u32 v24, v58;
	[tilespmem:v31+s18+$0x0] =	vst.idx.msk $0xffff, v52;
	v22 =	vld.idx.msk [tilespmem:v63+s17+$0x0], $0xffff  }
0x509: {  	v61 =	vshll.u32 v54, $0x7;
	v60 =	vor.u32 v21, v58;
	v23 =	vld.idx.msk [tilespmem:v53+s17+$0x0], $0xffff;
	[tilespmem:v55+s18+$0x0] =	vst.idx.msk $0xffff, v56  }
0x50a: {  	v28 =	vor.u32 v28, v61;
	[tilespmem:v32+s18+$0x0] =	vst.idx.msk $0xffff, v36;
	v62 =	vld.idx.msk [tilespmem:v30+s17+$0x0], $0xffff  }
0x50b: {  	[tilespmem:v19+s18+$0x0] =	vst.idx.msk $0xffff, v20;
	v19 =	vor.u32 v27, v61;
	v63 =	vld.idx.msk [tilespmem:v57+s17+$0x0], $0xffff  }
0x50c: {  	[tilespmem:v17+s18+$0x0] =	vst.idx.msk $0xffff, v18  }
0x50d: {  	[tilespmem:v59+s18+$0x0] =	vst.idx.msk $0xffff, v22  }
0x50e: {  	[tilespmem:v60+s18+$0x0] =	vst.idx.msk $0xffff, v23  }
0x50f: {  	[tilespmem:v28+s18+$0x0] =	vst.idx.msk $0xffff, v62  }
0x510: {  	[tilespmem:v19+s18+$0x0] =	vst.idx.msk $0xffff, v63  }
0x511: {  	s29 =	rddreg [dreg:$0xa]  }
0x512: {  	[hbm4b:s29+s19] =	stream.strided.scatter [tilespmem:s18], [sflag:$0x2], $0x4000, s20, s19, $0x38;
	[tilespmem:$0x18600] =	vst v63  }
0x513: {  	_ =	swait.ge [sflag:s4], $0x4000  }
0x514: {  	[sflag:s4] =	ssyncset.done $0x0  }
0x515: {  	[sflag:s4] =	ssyncadd.s32 $0xFFFFC000  }
0x516: {  	_ =	swait.ge [sflag:s4], $0x4000  }
0x517: {  	s30 =	rddreg [dreg:$0xc]  }
0x518: {  	s31 =	rddreg [dreg:$0xb];
	s1 =	sadd.s32 $0x1, s30  }
0x519: {  	p0 =	sne.s32 s1, s31  }
.Ltmp19:
0x51a: {  	_ = 	snop;
	(pc) =	sbr.rel @p0 .LBB2_1-.Ltmp19, $3  }
0x51b: {  	_ =	sdelay $0x1  }
0x51c: {  	[sflag:s4] =	ssyncset.done $0x0  }
0x51d: {  	[sflag:s4] =	ssyncadd.s32 $0xFFFFC000  }
0x51e: {  	_ =	sfence.sel $0x180000  }
0x51f: {  	[bflag:$0x0] =	sbarrier.arrive $0xFFFF  }
0x520: {  	_ =	strace $0x90000047  }
0x521: {  	s0 =	stileid.u32;
	[bflag:$0x2] =	sbarrier.arrive $0xFFFF  }
0x522: {  	p0 =	sne.s32 s0, $0x0;
	s0 =	rddreg [dreg:$0x3]  }
0x523: {  	s0 =	sadd.s32 @!p0 $0x100000, s0  }
0x524: {  	[sflag:s0] =	ssyncadd.tile.s32 @!p0 $0x1;
	_ =	shalt  }
.Lfunc_end2:
_tile_overlayer_lowered:
.L_overlay_start_2:
0x525: {  	(tag) =	ssettag $0x2  }
0x526: {  	s0 =	rddreg [dreg:$0x0];
	s2 =	stileid.u32  }
0x527: {  	s1 =	rddreg [dreg:$0x1];
	p0 =	sne.s32 s2, $0x0  }
0x528: {  	s3 =	rddreg [dreg:$0x2];
	[bflag:$0x3] =	sbarrier.arrive $0xFFFF;
	s2 =	simm.s32 @!p0 $0x1C03  }
0x529: {  	[timem:s3], [sflag:s2] =	dma.local @!p0 [hbm:s0], s1  }
0x52a: {  	s0 =	simm.s32 @!p0 $0x3  }
0x52b: {  	_ =	swait.ge @!p0 [sflag:s0], s1  }
0x52c: {  	s1 =	ssub.s32 @!p0 $0x0, s1;
	[sflag:s0] =	ssyncset.done @!p0 $0x0  }
0x52d: {  	[sflag:s0] =	ssyncadd.s32 @!p0 s1  }
0x52e: {  	[bflag:$0x3] =	sbarrier.arrive $0xFFFF  }
0x52f: {  	_ =	shalt  }

</sc_bundles>
